<compile_context>
chip_gen: v7x
topology: tpu7x:2x2x1
jax: 0.10.2.dev20260603
libtpu: 0.0.44.dev20260713+nightly
codegen_flags: <defaults>
</compile_context>

<pallas_src>
import functools

import jax
import jax.numpy as jnp
from jax import lax
from jax.experimental import pallas as pl
from jax.experimental.pallas import tpu as pltpu
from jax.experimental.pallas import tpu_sc as plsc

N = 10000
E = 320000
D = 128
C = 500
CP = 512
BLK = 1000
GRID = N // BLK

NC = 2
NS = 16
DH = D // NC
EPS = E // NS
B = 125
NBS = EPS // B
NBUF = 2
NRING = NBS // NBUF
RPT = N // NS
RB = 125
RZ = RPT // RB



def _tc_pq_body(x_ref, wmsg_ref, b_ref, pl_ref, ph_ref, ql_ref, qh_ref):
    xb = x_ref[...]
    w1 = wmsg_ref[0:D, :]
    w2 = wmsg_ref[D:2 * D, :]
    wp = w1 + 0.5 * w2
    wq = 0.5 * w2
    p = jnp.dot(xb, wp, preferred_element_type=jnp.float32) + b_ref[...]
    q = jnp.dot(xb, wq, preferred_element_type=jnp.float32)
    pl_ref[...] = p[:, 0:DH]
    ph_ref[...] = p[:, DH:D]
    ql_ref[...] = q[:, 0:DH]
    qh_ref[...] = q[:, DH:D]


_tc_pq = pl.pallas_call(
    _tc_pq_body,
    grid=(GRID,),
    in_specs=[
        pl.BlockSpec((BLK, D), lambda i: (i, 0)),
        pl.BlockSpec((2 * D, D), lambda i: (0, 0)),
        pl.BlockSpec((1, D), lambda i: (0, 0)),
    ],
    out_specs=[
        pl.BlockSpec((BLK, DH), lambda i: (i, 0)),
        pl.BlockSpec((BLK, DH), lambda i: (i, 0)),
        pl.BlockSpec((BLK, DH), lambda i: (i, 0)),
        pl.BlockSpec((BLK, DH), lambda i: (i, 0)),
    ],
    out_shape=[
        jax.ShapeDtypeStruct((N, DH), jnp.float32),
        jax.ShapeDtypeStruct((N, DH), jnp.float32),
        jax.ShapeDtypeStruct((N, DH), jnp.float32),
        jax.ShapeDtypeStruct((N, DH), jnp.float32),
    ],
)


def _tc_cl_body(x_ref, cid_ref, cl_ref, cnt_ref):
    i = pl.program_id(0)
    xb = x_ref[...]
    oh = (cid_ref[...] == lax.broadcasted_iota(jnp.int32, (BLK, CP), 1)).astype(jnp.float32)
    clb = lax.dot_general(oh, xb, (((0,), (0,)), ((), ())),
                          preferred_element_type=jnp.float32)
    cntb = lax.dot_general(oh, jnp.ones((BLK, D), jnp.float32), (((0,), (0,)), ((), ())),
                           preferred_element_type=jnp.float32)

    @pl.when(i == 0)
    def _():
        cl_ref[...] = jnp.zeros_like(cl_ref)
        cnt_ref[...] = jnp.zeros_like(cnt_ref)

    cl_ref[...] += clb
    cnt_ref[...] += cntb


_tc_cl = pl.pallas_call(
    _tc_cl_body,
    grid=(GRID,),
    in_specs=[
        pl.BlockSpec((BLK, D), lambda i: (i, 0)),
        pl.BlockSpec((BLK, 1), lambda i: (i, 0)),
    ],
    out_specs=[
        pl.BlockSpec((CP, D), lambda i: (0, 0)),
        pl.BlockSpec((CP, D), lambda i: (0, 0)),
    ],
    out_shape=[
        jax.ShapeDtypeStruct((CP, D), jnp.float32),
        jax.ShapeDtypeStruct((CP, D), jnp.float32),
    ],
)



_sc_mesh = plsc.VectorSubcoreMesh(core_axis_name="c", subcore_axis_name="s")


@functools.partial(
    pl.kernel,
    mesh=_sc_mesh,
    out_type=jax.ShapeDtypeStruct((N, D), jnp.float32),
    scratch_types=(
        [pltpu.VMEM((NBS, B), jnp.int32),
         pltpu.VMEM((NBS, B), jnp.int32)]
        + [pltpu.VMEM((B, DH), jnp.float32) for _ in range(2 * NBUF)]
        + [pltpu.VMEM((B, DH), jnp.float32) for _ in range(2)]
        + [pltpu.VMEM_SHARED((N, DH), jnp.float32)]
        + [pltpu.SemaphoreType.DMA for _ in range(2 * NBUF + 2)]
    ),
    compiler_params=pltpu.CompilerParams(use_tc_tiling_on_sc=False),
)
def _sc_edge(pl_hbm, ph_hbm, ql_hbm, qh_hbm, e_hbm, out_hbm,
             srcv, dstv,
             pb0, pb1, qb0, qb1, sb0, sb1, agg_sh,
             gp0, gp1, gq0, gq1, ss0, ss1):
    cid = lax.axis_index("c")
    sid = lax.axis_index("s")
    rb = sid * RPT
    pbs = (pb0, pb1)
    qbs = (qb0, qb1)
    sbs = (sb0, sb1)
    gps = (gp0, gp1)
    gqs = (gq0, gq1)
    sss = (ss0, ss1)

    pltpu.sync_copy(e_hbm.at[0, sid], srcv)
    pltpu.sync_copy(e_hbm.at[1, sid], dstv)

    def _zrow(r, carry):
        for l in range(DH // 16):
            s = pl.ds(l * 16, 16)
            sb0[r, s] = jnp.zeros((16,), jnp.float32)
            sb1[r, s] = jnp.zeros((16,), jnp.float32)
        return carry

    lax.fori_loop(0, B, _zrow, 0)
    for z in range(RZ):
        pltpu.sync_copy(sb0.at[pl.ds(0, RB)], agg_sh.at[pl.ds(rb + z * RB, RB)])
    plsc.subcore_barrier()

    def _run(p_hbm, q_hbm):
        for k in range(2):
            pltpu.async_copy(sbs[k], agg_sh.at[dstv.at[k]], sss[k], add=True)
        for b in range(NBUF):
            pltpu.async_copy(p_hbm.at[srcv.at[b]], pbs[b], gps[b])
            pltpu.async_copy(q_hbm.at[dstv.at[b]], qbs[b], gqs[b])

        def _ring(g, carry):
            base = g * NBUF
            for b in range(NBUF):
                j = base + b
                k = b & 1
                pltpu.make_async_copy(p_hbm.at[srcv.at[j]], pbs[b], gps[b]).wait()
                pltpu.make_async_copy(q_hbm.at[dstv.at[j]], qbs[b], gqs[b]).wait()
                pltpu.make_async_copy(sbs[k], agg_sh.at[dstv.at[j]], sss[k]).wait()

                def _crow(r2, c2):
                    for u in range(5):
                        r = r2 * 5 + u
                        for l in range(DH // 16):
                            s = pl.ds(l * 16, 16)
                            sbs[k][r, s] = jnp.maximum(pbs[b][r, s] + qbs[b][r, s], 0.0)
                    return c2

                lax.fori_loop(0, B // 5, _crow, 0)
                pltpu.async_copy(sbs[k], agg_sh.at[dstv.at[j]], sss[k], add=True)
                j4 = j + NBUF
                jn = lax.select(j4 < NBS, j4, j4 - NBS)
                pltpu.async_copy(p_hbm.at[srcv.at[jn]], pbs[b], gps[b])
                pltpu.async_copy(q_hbm.at[dstv.at[jn]], qbs[b], gqs[b])
            return carry

        lax.fori_loop(0, NRING, _ring, 0)

        for k in range(2):
            pltpu.make_async_copy(sbs[k], agg_sh.at[dstv.at[k]], sss[k]).wait()
        for b in range(NBUF):
            pltpu.make_async_copy(p_hbm.at[srcv.at[b]], pbs[b], gps[b]).wait()
            pltpu.make_async_copy(q_hbm.at[dstv.at[b]], qbs[b], gqs[b]).wait()

    @pl.when(cid == 0)
    def _():
        _run(pl_hbm, ql_hbm)

    @pl.when(cid == 1)
    def _():
        _run(ph_hbm, qh_hbm)

    plsc.subcore_barrier()

    for z in range(RZ):
        pltpu.sync_copy(agg_sh.at[pl.ds(rb + z * RB, RB)], sb0.at[pl.ds(0, RB)])
        pltpu.sync_copy(sb0.at[pl.ds(0, RB)],
                        out_hbm.at[pl.ds(rb + z * RB, RB), pl.ds(cid * DH, DH)])



def _tc_up_body(x_ref, cid_ref, cl_ref, cnt_ref, wup_ref, wu_ref, wc_ref, b_ref):
    xb = x_ref[...]
    up_attr = cl_ref[...] / jnp.maximum(cnt_ref[...], 1.0)
    msg_up = jnp.maximum(jnp.dot(up_attr, wup_ref[...], preferred_element_type=jnp.float32), 0.0)
    oh = (cid_ref[...] == lax.broadcasted_iota(jnp.int32, (BLK, CP), 1)).astype(jnp.float32)
    agg_up = jnp.dot(oh, msg_up, preferred_element_type=jnp.float32) + xb
    out_up = jnp.maximum(jnp.dot(agg_up, wu_ref[...], preferred_element_type=jnp.float32), 0.0)
    b_ref[...] = jnp.dot(out_up, wc_ref[D:2 * D, :], preferred_element_type=jnp.float32)


_tc_up = pl.pallas_call(
    _tc_up_body,
    grid=(GRID,),
    in_specs=[
        pl.BlockSpec((BLK, D), lambda i: (i, 0)),
        pl.BlockSpec((BLK, 1), lambda i: (i, 0)),
        pl.BlockSpec((CP, D), lambda i: (0, 0)),
        pl.BlockSpec((CP, D), lambda i: (0, 0)),
        pl.BlockSpec((D, D), lambda i: (0, 0)),
        pl.BlockSpec((D, D), lambda i: (0, 0)),
        pl.BlockSpec((2 * D, D), lambda i: (0, 0)),
    ],
    out_specs=pl.BlockSpec((BLK, D), lambda i: (i, 0)),
    out_shape=jax.ShapeDtypeStruct((N, D), jnp.float32),
)


def _tc_fin_body(x_ref, agg_ref, base_ref, wa_ref, wc_ref, o_ref):
    xb = x_ref[...]
    adj = agg_ref[...] + xb
    out_adj = jnp.maximum(jnp.dot(adj, wa_ref[...], preferred_element_type=jnp.float32), 0.0)
    o_ref[...] = (jnp.dot(out_adj, wc_ref[0:D, :], preferred_element_type=jnp.float32)
                  + base_ref[...])


_tc_fin = pl.pallas_call(
    _tc_fin_body,
    grid=(GRID,),
    in_specs=[
        pl.BlockSpec((BLK, D), lambda i: (i, 0)),
        pl.BlockSpec((BLK, D), lambda i: (i, 0)),
        pl.BlockSpec((BLK, D), lambda i: (i, 0)),
        pl.BlockSpec((D, D), lambda i: (0, 0)),
        pl.BlockSpec((2 * D, D), lambda i: (0, 0)),
    ],
    out_specs=pl.BlockSpec((BLK, D), lambda i: (i, 0)),
    out_shape=jax.ShapeDtypeStruct((N, D), jnp.float32),
)


def kernel(x, edge_index, cluster_ids, W_msg, b_msg, W_up, W_upd_adj, W_upd_up, W_comb):
    edge4 = edge_index.reshape(2, NS, NBS, B)
    cid2 = cluster_ids.reshape(N, 1)
    bm = b_msg.reshape(1, D)
    PL, PH, QL, QH = _tc_pq(x, W_msg, bm)
    agg = _sc_edge(PL, PH, QL, QH, edge4)
    cl, cnt = _tc_cl(x, cid2)
    base = _tc_up(x, cid2, cl, cnt, W_up, W_upd_up, W_comb)
    out = _tc_fin(x, agg, base, W_upd_adj, W_comb)
    return out

# --- scband reference (transcript-rebuilt; emitter-appended) ---
"""Pipeline reference for scband-ahgconv-89163521065156 (READ-ONLY COPY).

The authoritative reference and input builder live on the scoring server;
editing this copy changes nothing except your own understanding.
"""

import jax, jax.numpy as jnp
import numpy as np

N = 10000
E = 320000
D = 128
C = 500  # number of clusters for the hierarchical 'up' level (cluster_dims=1)


def setup_inputs(seed: int = 0) -> dict:
    key = jax.random.key(seed)
    ks = jax.random.split(key, 10)
    x = jax.random.normal(ks[0], (N, D), dtype=jnp.float32)
    edge_index = jax.random.randint(ks[1], (2, E), 0, N, dtype=jnp.int32)
    cluster_ids = jnp.sort(jax.random.randint(ks[2], (N,), 0, C, dtype=jnp.int32))
    s2 = 1.0 / np.sqrt(2 * D)
    s1 = 1.0 / np.sqrt(D)
    W_msg = jax.random.normal(ks[3], (2 * D, D), dtype=jnp.float32) * s2
    b_msg = jnp.zeros((D,), dtype=jnp.float32)
    W_up = jax.random.normal(ks[4], (D, D), dtype=jnp.float32) * s1
    W_upd_adj = jax.random.normal(ks[5], (D, D), dtype=jnp.float32) * s1
    W_upd_up = jax.random.normal(ks[6], (D, D), dtype=jnp.float32) * s1
    W_comb = jax.random.normal(ks[7], (2 * D, D), dtype=jnp.float32) * s2
    return {
        "x": x,
        "edge_index": edge_index,
        "cluster_ids": cluster_ids,
        "W_msg": W_msg,
        "b_msg": b_msg,
        "W_up": W_up,
        "W_upd_adj": W_upd_adj,
        "W_upd_up": W_upd_up,
        "W_comb": W_comb,
    }


def reference(x, edge_index, cluster_ids, W_msg, b_msg, W_up, W_upd_adj, W_upd_up, W_comb):
    # NConv-style node message passing from AHGConv.
    # i, j = (1, 0): messages flow src=edge_index[0] -> dst=edge_index[1].
    src = edge_index[0]
    dst = edge_index[1]
    x_j = jnp.take(x, src, axis=0)
    x_i = jnp.take(x, dst, axis=0)
    # e0 fallback (no edge_attr): mean of endpoint features (MPParam.e0)
    e0 = (x_j + x_i) * 0.5
    # msg_adj_nn((x_j, e)): Catter (cat along -1) then Linear + ReLU
    msg_adj = jax.nn.relu(jnp.concatenate([x_j, e0], axis=-1) @ W_msg + b_msg)
    # scatter-sum aggregation to destination nodes
    agg_adj = jax.ops.segment_sum(msg_adj, dst, num_segments=N)
    # hierarchical 'up' path: node->cluster incidence (nc) pooling (cluster_dims=1)
    cl_sum = jax.ops.segment_sum(x, cluster_ids, num_segments=C)
    cl_cnt = jax.ops.segment_sum(jnp.ones((N, 1), dtype=x.dtype), cluster_ids, num_segments=C)
    up_attr = cl_sum / jnp.maximum(cl_cnt, 1.0)
    msg_up = jax.nn.relu(up_attr @ W_up)
    # matmul(nc, msg_up)[x_idx] == gather cluster message back to nodes
    agg_up = jnp.take(msg_up, cluster_ids, axis=0)
    eps1 = 0.0
    eps2 = 0.0
    out_adj = jax.nn.relu((agg_adj + (1.0 + eps1) * x) @ W_upd_adj)
    out_up = jax.nn.relu((agg_up + (1.0 + eps2) * x) @ W_upd_up)
    # combine_nn on concatenated [out_adj, out_up]
    out = jnp.concatenate([out_adj, out_up], axis=-1) @ W_comb
    return out

if __name__ == "__main__":
    import jax
    _d = setup_inputs()
    print(jax.jit(kernel)(*tuple(_d.values())))

</pallas_src>

<mosaic_0001>
#map = affine_map<(d0, d1) -> (0, 0)>
#map1 = affine_map<(d0, d1) -> (0, 0, 0, 0)>
module attributes {stable_mosaic.version = 14 : i64} {
  func.func @_sc_edge(%arg0: i32, %arg1: i32, %arg2: memref<10000x64xf32, #tpu.memory_space<hbm>>, %arg3: memref<10000x64xf32, #tpu.memory_space<hbm>>, %arg4: memref<10000x64xf32, #tpu.memory_space<hbm>>, %arg5: memref<10000x64xf32, #tpu.memory_space<hbm>>, %arg6: memref<2x16x160x125xi32, #tpu.memory_space<hbm>>, %arg7: memref<10000x128xf32, #tpu.memory_space<hbm>>, %arg8: memref<160x125xi32, #tpu.memory_space<vmem>>, %arg9: memref<160x125xi32, #tpu.memory_space<vmem>>, %arg10: memref<125x64xf32, #tpu.memory_space<vmem>>, %arg11: memref<125x64xf32, #tpu.memory_space<vmem>>, %arg12: memref<125x64xf32, #tpu.memory_space<vmem>>, %arg13: memref<125x64xf32, #tpu.memory_space<vmem>>, %arg14: memref<125x64xf32, #tpu.memory_space<vmem>>, %arg15: memref<125x64xf32, #tpu.memory_space<vmem>>, %arg16: memref<10000x64xf32, #tpu.memory_space<vmem_shared>>, %arg17: memref<!tpu.dma_semaphore, #tpu.memory_space<semaphore_mem>>, %arg18: memref<!tpu.dma_semaphore, #tpu.memory_space<semaphore_mem>>, %arg19: memref<!tpu.dma_semaphore, #tpu.memory_space<semaphore_mem>>, %arg20: memref<!tpu.dma_semaphore, #tpu.memory_space<semaphore_mem>>, %arg21: memref<!tpu.dma_semaphore, #tpu.memory_space<semaphore_mem>>, %arg22: memref<!tpu.dma_semaphore, #tpu.memory_space<semaphore_mem>>) attributes {dimension_semantics = [#tpu.dimension_semantics<core_parallel>, #tpu.dimension_semantics<subcore_parallel>], iteration_bounds = array<i64: 2, 16>, scalar_prefetch = 0 : i64, scratch_operands = 15 : i64, tpu.core_type = #tpu.core_type<sc_vector_subcore>, window_params = [{transform_indices = #map}, {transform_indices = #map}, {transform_indices = #map}, {transform_indices = #map}, {transform_indices = #map1}, {transform_indices = #map}]} {
    %mul3A = arith.constant 625 : i32
    %mul3A_0 = arith.muli %arg1, %mul3A : i32
    %run_scoped3A = arith.constant 0 : i32
    "tpu.region"() ({
      %run_scoped3A_54 = tpu.sem_alloc : memref<!tpu.dma_semaphore, #tpu.memory_space<semaphore_mem>>
      %dma_start3A = arith.constant 0 : i32
      %dma_start3A_55 = arith.constant 0 : i32
      %dma_start3A_56 = tpu.memref_slice %arg6[%run_scoped3A, %arg1, %dma_start3A, %dma_start3A_55] : memref<2x16x160x125xi32, #tpu.memory_space<hbm>> -> memref<1x1x160x125xi32, #tpu.memory_space<hbm>>
      %dma_start3A_57 = tpu.memref_squeeze %dma_start3A_56 : memref<1x1x160x125xi32, #tpu.memory_space<hbm>> -> memref<160x125xi32, #tpu.memory_space<hbm>>
      %dma_start3A_58 = arith.constant 0 : i32
      %dma_start3A_59 = arith.constant 0 : i32
      %dma_start3A_60 = tpu.memref_slice %arg6[%run_scoped3A, %arg1, %dma_start3A_58, %dma_start3A_59] : memref<2x16x160x125xi32, #tpu.memory_space<hbm>> -> memref<1x1x160x125xi32, #tpu.memory_space<hbm>>
      %dma_start3A_61 = tpu.memref_squeeze %dma_start3A_60 : memref<1x1x160x125xi32, #tpu.memory_space<hbm>> -> memref<160x125xi32, #tpu.memory_space<hbm>>
      tpu.enqueue_dma source(%dma_start3A_61 : memref<160x125xi32, #tpu.memory_space<hbm>>) target(%arg8 : memref<160x125xi32, #tpu.memory_space<vmem>>) target_semaphore(%run_scoped3A_54 : memref<!tpu.dma_semaphore, #tpu.memory_space<semaphore_mem>>)
      %dma_wait3A = arith.constant 0 : i32
      %dma_wait3A_62 = arith.constant 0 : i32
      %dma_wait3A_63 = tpu.memref_slice %arg6[%run_scoped3A, %arg1, %dma_wait3A, %dma_wait3A_62] : memref<2x16x160x125xi32, #tpu.memory_space<hbm>> -> memref<1x1x160x125xi32, #tpu.memory_space<hbm>>
      %dma_wait3A_64 = tpu.memref_squeeze %dma_wait3A_63 : memref<1x1x160x125xi32, #tpu.memory_space<hbm>> -> memref<160x125xi32, #tpu.memory_space<hbm>>
      %dma_wait3A_65 = arith.constant 0 : i32
      %dma_wait3A_66 = arith.constant 0 : i32
      %dma_wait3A_67 = tpu.memref_slice %arg6[%run_scoped3A, %arg1, %dma_wait3A_65, %dma_wait3A_66] : memref<2x16x160x125xi32, #tpu.memory_space<hbm>> -> memref<1x1x160x125xi32, #tpu.memory_space<hbm>>
      %dma_wait3A_68 = tpu.memref_squeeze %dma_wait3A_67 : memref<1x1x160x125xi32, #tpu.memory_space<hbm>> -> memref<160x125xi32, #tpu.memory_space<hbm>>
      tpu.wait_dma2 semaphore(%run_scoped3A_54 : memref<!tpu.dma_semaphore, #tpu.memory_space<semaphore_mem>>) src(%dma_wait3A_68 : memref<160x125xi32, #tpu.memory_space<hbm>>) dst(%arg8 : memref<160x125xi32, #tpu.memory_space<vmem>>)
      tpu.yield
    }) : () -> ()
    %run_scoped3A_1 = arith.constant 1 : i32
    "tpu.region"() ({
      %run_scoped3A_54 = tpu.sem_alloc : memref<!tpu.dma_semaphore, #tpu.memory_space<semaphore_mem>>
      %dma_start3A = arith.constant 0 : i32
      %dma_start3A_55 = arith.constant 0 : i32
      %dma_start3A_56 = tpu.memref_slice %arg6[%run_scoped3A_1, %arg1, %dma_start3A, %dma_start3A_55] : memref<2x16x160x125xi32, #tpu.memory_space<hbm>> -> memref<1x1x160x125xi32, #tpu.memory_space<hbm>>
      %dma_start3A_57 = tpu.memref_squeeze %dma_start3A_56 : memref<1x1x160x125xi32, #tpu.memory_space<hbm>> -> memref<160x125xi32, #tpu.memory_space<hbm>>
      %dma_start3A_58 = arith.constant 0 : i32
      %dma_start3A_59 = arith.constant 0 : i32
      %dma_start3A_60 = tpu.memref_slice %arg6[%run_scoped3A_1, %arg1, %dma_start3A_58, %dma_start3A_59] : memref<2x16x160x125xi32, #tpu.memory_space<hbm>> -> memref<1x1x160x125xi32, #tpu.memory_space<hbm>>
      %dma_start3A_61 = tpu.memref_squeeze %dma_start3A_60 : memref<1x1x160x125xi32, #tpu.memory_space<hbm>> -> memref<160x125xi32, #tpu.memory_space<hbm>>
      tpu.enqueue_dma source(%dma_start3A_61 : memref<160x125xi32, #tpu.memory_space<hbm>>) target(%arg9 : memref<160x125xi32, #tpu.memory_space<vmem>>) target_semaphore(%run_scoped3A_54 : memref<!tpu.dma_semaphore, #tpu.memory_space<semaphore_mem>>)
      %dma_wait3A = arith.constant 0 : i32
      %dma_wait3A_62 = arith.constant 0 : i32
      %dma_wait3A_63 = tpu.memref_slice %arg6[%run_scoped3A_1, %arg1, %dma_wait3A, %dma_wait3A_62] : memref<2x16x160x125xi32, #tpu.memory_space<hbm>> -> memref<1x1x160x125xi32, #tpu.memory_space<hbm>>
      %dma_wait3A_64 = tpu.memref_squeeze %dma_wait3A_63 : memref<1x1x160x125xi32, #tpu.memory_space<hbm>> -> memref<160x125xi32, #tpu.memory_space<hbm>>
      %dma_wait3A_65 = arith.constant 0 : i32
      %dma_wait3A_66 = arith.constant 0 : i32
      %dma_wait3A_67 = tpu.memref_slice %arg6[%run_scoped3A_1, %arg1, %dma_wait3A_65, %dma_wait3A_66] : memref<2x16x160x125xi32, #tpu.memory_space<hbm>> -> memref<1x1x160x125xi32, #tpu.memory_space<hbm>>
      %dma_wait3A_68 = tpu.memref_squeeze %dma_wait3A_67 : memref<1x1x160x125xi32, #tpu.memory_space<hbm>> -> memref<160x125xi32, #tpu.memory_space<hbm>>
      tpu.wait_dma2 semaphore(%run_scoped3A_54 : memref<!tpu.dma_semaphore, #tpu.memory_space<semaphore_mem>>) src(%dma_wait3A_68 : memref<160x125xi32, #tpu.memory_space<hbm>>) dst(%arg9 : memref<160x125xi32, #tpu.memory_space<vmem>>)
      tpu.yield
    }) : () -> ()
    %scan3A = arith.constant 0 : i32
    %scan3A_2 = arith.constant 0 : i32
    %scan3A_3 = arith.constant 125 : i32
    %scan3A_4 = arith.addi %scan3A_2, %scan3A_3 : i32
    %scan3A_5 = arith.constant 1 : i32
    scf.for %scan3A_54 = %scan3A_2 to %scan3A_4 step %scan3A_5  : i32 {
      %broadcast_in_dim3A = arith.constant 0.000000e+00 : f32
      %broadcast_in_dim3A_55 = vector.broadcast %broadcast_in_dim3A : f32 to vector<16xf32>
      %swap3A = arith.index_cast %scan3A_54 : i32 to index
      %swap3A_56 = arith.constant 0 : index
      %swap3A_57 = tpu.vector_load %arg14[%swap3A, %swap3A_56] {strides = array<i32>} : memref<125x64xf32, #tpu.memory_space<vmem>>, vector<1x16xf32>,
      %swap3A_58 = vector.shape_cast %swap3A_57 : vector<1x16xf32> to vector<16xf32>
      %swap3A_59 = vector.shape_cast %broadcast_in_dim3A_55 : vector<16xf32> to vector<1x16xf32>
      tpu.vector_store %arg14[%swap3A, %swap3A_56], %swap3A_59 {strides = array<i32>} : memref<125x64xf32, #tpu.memory_space<vmem>>, vector<1x16xf32>,
      %broadcast_in_dim3A_60 = arith.constant 0.000000e+00 : f32
      %broadcast_in_dim3A_61 = vector.broadcast %broadcast_in_dim3A_60 : f32 to vector<16xf32>
      %swap3A_62 = arith.index_cast %scan3A_54 : i32 to index
      %swap3A_63 = arith.constant 0 : index
      %swap3A_64 = tpu.vector_load %arg15[%swap3A_62, %swap3A_63] {strides = array<i32>} : memref<125x64xf32, #tpu.memory_space<vmem>>, vector<1x16xf32>,
      %swap3A_65 = vector.shape_cast %swap3A_64 : vector<1x16xf32> to vector<16xf32>
      %swap3A_66 = vector.shape_cast %broadcast_in_dim3A_61 : vector<16xf32> to vector<1x16xf32>
      tpu.vector_store %arg15[%swap3A_62, %swap3A_63], %swap3A_66 {strides = array<i32>} : memref<125x64xf32, #tpu.memory_space<vmem>>, vector<1x16xf32>,
      %broadcast_in_dim3A_67 = arith.constant 0.000000e+00 : f32
      %broadcast_in_dim3A_68 = vector.broadcast %broadcast_in_dim3A_67 : f32 to vector<16xf32>
      %swap3A_69 = arith.index_cast %scan3A_54 : i32 to index
      %swap3A_70 = arith.constant 16 : index
      %swap3A_71 = tpu.vector_load %arg14[%swap3A_69, %swap3A_70] {strides = array<i32>} : memref<125x64xf32, #tpu.memory_space<vmem>>, vector<1x16xf32>,
      %swap3A_72 = vector.shape_cast %swap3A_71 : vector<1x16xf32> to vector<16xf32>
      %swap3A_73 = vector.shape_cast %broadcast_in_dim3A_68 : vector<16xf32> to vector<1x16xf32>
      tpu.vector_store %arg14[%swap3A_69, %swap3A_70], %swap3A_73 {strides = array<i32>} : memref<125x64xf32, #tpu.memory_space<vmem>>, vector<1x16xf32>,
      %broadcast_in_dim3A_74 = arith.constant 0.000000e+00 : f32
      %broadcast_in_dim3A_75 = vector.broadcast %broadcast_in_dim3A_74 : f32 to vector<16xf32>
      %swap3A_76 = arith.index_cast %scan3A_54 : i32 to index
      %swap3A_77 = arith.constant 16 : index
      %swap3A_78 = tpu.vector_load %arg15[%swap3A_76, %swap3A_77] {strides = array<i32>} : memref<125x64xf32, #tpu.memory_space<vmem>>, vector<1x16xf32>,
      %swap3A_79 = vector.shape_cast %swap3A_78 : vector<1x16xf32> to vector<16xf32>
      %swap3A_80 = vector.shape_cast %broadcast_in_dim3A_75 : vector<16xf32> to vector<1x16xf32>
      tpu.vector_store %arg15[%swap3A_76, %swap3A_77], %swap3A_80 {strides = array<i32>} : memref<125x64xf32, #tpu.memory_space<vmem>>, vector<1x16xf32>,
      %broadcast_in_dim3A_81 = arith.constant 0.000000e+00 : f32
      %broadcast_in_dim3A_82 = vector.broadcast %broadcast_in_dim3A_81 : f32 to vector<16xf32>
      %swap3A_83 = arith.index_cast %scan3A_54 : i32 to index
      %swap3A_84 = arith.constant 32 : index
      %swap3A_85 = tpu.vector_load %arg14[%swap3A_83, %swap3A_84] {strides = array<i32>} : memref<125x64xf32, #tpu.memory_space<vmem>>, vector<1x16xf32>,
      %swap3A_86 = vector.shape_cast %swap3A_85 : vector<1x16xf32> to vector<16xf32>
      %swap3A_87 = vector.shape_cast %broadcast_in_dim3A_82 : vector<16xf32> to vector<1x16xf32>
      tpu.vector_store %arg14[%swap3A_83, %swap3A_84], %swap3A_87 {strides = array<i32>} : memref<125x64xf32, #tpu.memory_space<vmem>>, vector<1x16xf32>,
      %broadcast_in_dim3A_88 = arith.constant 0.000000e+00 : f32
      %broadcast_in_dim3A_89 = vector.broadcast %broadcast_in_dim3A_88 : f32 to vector<16xf32>
      %swap3A_90 = arith.index_cast %scan3A_54 : i32 to index
      %swap3A_91 = arith.constant 32 : index
      %swap3A_92 = tpu.vector_load %arg15[%swap3A_90, %swap3A_91] {strides = array<i32>} : memref<125x64xf32, #tpu.memory_space<vmem>>, vector<1x16xf32>,
      %swap3A_93 = vector.shape_cast %swap3A_92 : vector<1x16xf32> to vector<16xf32>
      %swap3A_94 = vector.shape_cast %broadcast_in_dim3A_89 : vector<16xf32> to vector<1x16xf32>
      tpu.vector_store %arg15[%swap3A_90, %swap3A_91], %swap3A_94 {strides = array<i32>} : memref<125x64xf32, #tpu.memory_space<vmem>>, vector<1x16xf32>,
      %broadcast_in_dim3A_95 = arith.constant 0.000000e+00 : f32
      %broadcast_in_dim3A_96 = vector.broadcast %broadcast_in_dim3A_95 : f32 to vector<16xf32>
      %swap3A_97 = arith.index_cast %scan3A_54 : i32 to index
      %swap3A_98 = arith.constant 48 : index
      %swap3A_99 = tpu.vector_load %arg14[%swap3A_97, %swap3A_98] {strides = array<i32>} : memref<125x64xf32, #tpu.memory_space<vmem>>, vector<1x16xf32>,
      %swap3A_100 = vector.shape_cast %swap3A_99 : vector<1x16xf32> to vector<16xf32>
      %swap3A_101 = vector.shape_cast %broadcast_in_dim3A_96 : vector<16xf32> to vector<1x16xf32>
      tpu.vector_store %arg14[%swap3A_97, %swap3A_98], %swap3A_101 {strides = array<i32>} : memref<125x64xf32, #tpu.memory_space<vmem>>, vector<1x16xf32>,
      %broadcast_in_dim3A_102 = arith.constant 0.000000e+00 : f32
      %broadcast_in_dim3A_103 = vector.broadcast %broadcast_in_dim3A_102 : f32 to vector<16xf32>
      %swap3A_104 = arith.index_cast %scan3A_54 : i32 to index
      %swap3A_105 = arith.constant 48 : index
      %swap3A_106 = tpu.vector_load %arg15[%swap3A_104, %swap3A_105] {strides = array<i32>} : memref<125x64xf32, #tpu.memory_space<vmem>>, vector<1x16xf32>,
      %swap3A_107 = vector.shape_cast %swap3A_106 : vector<1x16xf32> to vector<16xf32>
      %swap3A_108 = vector.shape_cast %broadcast_in_dim3A_103 : vector<16xf32> to vector<1x16xf32>
      tpu.vector_store %arg15[%swap3A_104, %swap3A_105], %swap3A_108 {strides = array<i32>} : memref<125x64xf32, #tpu.memory_space<vmem>>, vector<1x16xf32>,
    }
    %scan3A_6 = arith.constant 125 : i32
    %add3A = arith.constant 0 : i32
    %add3A_7 = arith.addi %mul3A_0, %add3A : i32
    "tpu.region"() ({
      %run_scoped3A_54 = tpu.sem_alloc : memref<!tpu.dma_semaphore, #tpu.memory_space<semaphore_mem>>
      %dma_start3A = arith.constant 0 : i32
      %dma_start3A_55 = arith.constant 0 : i32
      %dma_start3A_56 = tpu.memref_slice %arg14[%dma_start3A, %dma_start3A_55] : memref<125x64xf32, #tpu.memory_space<vmem>> -> memref<125x64xf32, #tpu.memory_space<vmem>>
      %dma_start3A_57 = arith.constant 0 : i32
      %dma_start3A_58 = tpu.memref_slice %arg16[%add3A_7, %dma_start3A_57] : memref<10000x64xf32, #tpu.memory_space<vmem_shared>> -> memref<125x64xf32, #tpu.memory_space<vmem_shared>>
      %dma_start3A_59 = arith.constant 0 : i32
      %dma_start3A_60 = tpu.memref_slice %arg16[%add3A_7, %dma_start3A_59] : memref<10000x64xf32, #tpu.memory_space<vmem_shared>> -> memref<125x64xf32, #tpu.memory_space<vmem_shared>>
      %dma_start3A_61 = arith.constant 0 : i32
      %dma_start3A_62 = arith.constant 0 : i32
      %dma_start3A_63 = tpu.memref_slice %arg14[%dma_start3A_61, %dma_start3A_62] : memref<125x64xf32, #tpu.memory_space<vmem>> -> memref<125x64xf32, #tpu.memory_space<vmem>>
      tpu.enqueue_dma source(%dma_start3A_63 : memref<125x64xf32, #tpu.memory_space<vmem>>) target(%dma_start3A_60 : memref<125x64xf32, #tpu.memory_space<vmem_shared>>) target_semaphore(%run_scoped3A_54 : memref<!tpu.dma_semaphore, #tpu.memory_space<semaphore_mem>>)
      %dma_wait3A = arith.constant 0 : i32
      %dma_wait3A_64 = arith.constant 0 : i32
      %dma_wait3A_65 = tpu.memref_slice %arg14[%dma_wait3A, %dma_wait3A_64] : memref<125x64xf32, #tpu.memory_space<vmem>> -> memref<125x64xf32, #tpu.memory_space<vmem>>
      %dma_wait3A_66 = arith.constant 0 : i32
      %dma_wait3A_67 = tpu.memref_slice %arg16[%add3A_7, %dma_wait3A_66] : memref<10000x64xf32, #tpu.memory_space<vmem_shared>> -> memref<125x64xf32, #tpu.memory_space<vmem_shared>>
      %dma_wait3A_68 = arith.constant 0 : i32
      %dma_wait3A_69 = tpu.memref_slice %arg16[%add3A_7, %dma_wait3A_68] : memref<10000x64xf32, #tpu.memory_space<vmem_shared>> -> memref<125x64xf32, #tpu.memory_space<vmem_shared>>
      %dma_wait3A_70 = arith.constant 0 : i32
      %dma_wait3A_71 = arith.constant 0 : i32
      %dma_wait3A_72 = tpu.memref_slice %arg14[%dma_wait3A_70, %dma_wait3A_71] : memref<125x64xf32, #tpu.memory_space<vmem>> -> memref<125x64xf32, #tpu.memory_space<vmem>>
      tpu.wait_dma2 semaphore(%run_scoped3A_54 : memref<!tpu.dma_semaphore, #tpu.memory_space<semaphore_mem>>) src(%dma_wait3A_72 : memref<125x64xf32, #tpu.memory_space<vmem>>) dst(%dma_wait3A_69 : memref<125x64xf32, #tpu.memory_space<vmem_shared>>)
      tpu.yield
    }) : () -> ()
    %add3A_8 = arith.constant 125 : i32
    %add3A_9 = arith.addi %mul3A_0, %add3A_8 : i32
    "tpu.region"() ({
      %run_scoped3A_54 = tpu.sem_alloc : memref<!tpu.dma_semaphore, #tpu.memory_space<semaphore_mem>>
      %dma_start3A = arith.constant 0 : i32
      %dma_start3A_55 = arith.constant 0 : i32
      %dma_start3A_56 = tpu.memref_slice %arg14[%dma_start3A, %dma_start3A_55] : memref<125x64xf32, #tpu.memory_space<vmem>> -> memref<125x64xf32, #tpu.memory_space<vmem>>
      %dma_start3A_57 = arith.constant 0 : i32
      %dma_start3A_58 = tpu.memref_slice %arg16[%add3A_9, %dma_start3A_57] : memref<10000x64xf32, #tpu.memory_space<vmem_shared>> -> memref<125x64xf32, #tpu.memory_space<vmem_shared>>
      %dma_start3A_59 = arith.constant 0 : i32
      %dma_start3A_60 = tpu.memref_slice %arg16[%add3A_9, %dma_start3A_59] : memref<10000x64xf32, #tpu.memory_space<vmem_shared>> -> memref<125x64xf32, #tpu.memory_space<vmem_shared>>
      %dma_start3A_61 = arith.constant 0 : i32
      %dma_start3A_62 = arith.constant 0 : i32
      %dma_start3A_63 = tpu.memref_slice %arg14[%dma_start3A_61, %dma_start3A_62] : memref<125x64xf32, #tpu.memory_space<vmem>> -> memref<125x64xf32, #tpu.memory_space<vmem>>
      tpu.enqueue_dma source(%dma_start3A_63 : memref<125x64xf32, #tpu.memory_space<vmem>>) target(%dma_start3A_60 : memref<125x64xf32, #tpu.memory_space<vmem_shared>>) target_semaphore(%run_scoped3A_54 : memref<!tpu.dma_semaphore, #tpu.memory_space<semaphore_mem>>)
      %dma_wait3A = arith.constant 0 : i32
      %dma_wait3A_64 = arith.constant 0 : i32
      %dma_wait3A_65 = tpu.memref_slice %arg14[%dma_wait3A, %dma_wait3A_64] : memref<125x64xf32, #tpu.memory_space<vmem>> -> memref<125x64xf32, #tpu.memory_space<vmem>>
      %dma_wait3A_66 = arith.constant 0 : i32
      %dma_wait3A_67 = tpu.memref_slice %arg16[%add3A_9, %dma_wait3A_66] : memref<10000x64xf32, #tpu.memory_space<vmem_shared>> -> memref<125x64xf32, #tpu.memory_space<vmem_shared>>
      %dma_wait3A_68 = arith.constant 0 : i32
      %dma_wait3A_69 = tpu.memref_slice %arg16[%add3A_9, %dma_wait3A_68] : memref<10000x64xf32, #tpu.memory_space<vmem_shared>> -> memref<125x64xf32, #tpu.memory_space<vmem_shared>>
      %dma_wait3A_70 = arith.constant 0 : i32
      %dma_wait3A_71 = arith.constant 0 : i32
      %dma_wait3A_72 = tpu.memref_slice %arg14[%dma_wait3A_70, %dma_wait3A_71] : memref<125x64xf32, #tpu.memory_space<vmem>> -> memref<125x64xf32, #tpu.memory_space<vmem>>
      tpu.wait_dma2 semaphore(%run_scoped3A_54 : memref<!tpu.dma_semaphore, #tpu.memory_space<semaphore_mem>>) src(%dma_wait3A_72 : memref<125x64xf32, #tpu.memory_space<vmem>>) dst(%dma_wait3A_69 : memref<125x64xf32, #tpu.memory_space<vmem_shared>>)
      tpu.yield
    }) : () -> ()
    %add3A_10 = arith.constant 250 : i32
    %add3A_11 = arith.addi %mul3A_0, %add3A_10 : i32
    "tpu.region"() ({
      %run_scoped3A_54 = tpu.sem_alloc : memref<!tpu.dma_semaphore, #tpu.memory_space<semaphore_mem>>
      %dma_start3A = arith.constant 0 : i32
      %dma_start3A_55 = arith.constant 0 : i32
      %dma_start3A_56 = tpu.memref_slice %arg14[%dma_start3A, %dma_start3A_55] : memref<125x64xf32, #tpu.memory_space<vmem>> -> memref<125x64xf32, #tpu.memory_space<vmem>>
      %dma_start3A_57 = arith.constant 0 : i32
      %dma_start3A_58 = tpu.memref_slice %arg16[%add3A_11, %dma_start3A_57] : memref<10000x64xf32, #tpu.memory_space<vmem_shared>> -> memref<125x64xf32, #tpu.memory_space<vmem_shared>>
      %dma_start3A_59 = arith.constant 0 : i32
      %dma_start3A_60 = tpu.memref_slice %arg16[%add3A_11, %dma_start3A_59] : memref<10000x64xf32, #tpu.memory_space<vmem_shared>> -> memref<125x64xf32, #tpu.memory_space<vmem_shared>>
      %dma_start3A_61 = arith.constant 0 : i32
      %dma_start3A_62 = arith.constant 0 : i32
      %dma_start3A_63 = tpu.memref_slice %arg14[%dma_start3A_61, %dma_start3A_62] : memref<125x64xf32, #tpu.memory_space<vmem>> -> memref<125x64xf32, #tpu.memory_space<vmem>>
      tpu.enqueue_dma source(%dma_start3A_63 : memref<125x64xf32, #tpu.memory_space<vmem>>) target(%dma_start3A_60 : memref<125x64xf32, #tpu.memory_space<vmem_shared>>) target_semaphore(%run_scoped3A_54 : memref<!tpu.dma_semaphore, #tpu.memory_space<semaphore_mem>>)
      %dma_wait3A = arith.constant 0 : i32
      %dma_wait3A_64 = arith.constant 0 : i32
      %dma_wait3A_65 = tpu.memref_slice %arg14[%dma_wait3A, %dma_wait3A_64] : memref<125x64xf32, #tpu.memory_space<vmem>> -> memref<125x64xf32, #tpu.memory_space<vmem>>
      %dma_wait3A_66 = arith.constant 0 : i32
      %dma_wait3A_67 = tpu.memref_slice %arg16[%add3A_11, %dma_wait3A_66] : memref<10000x64xf32, #tpu.memory_space<vmem_shared>> -> memref<125x64xf32, #tpu.memory_space<vmem_shared>>
      %dma_wait3A_68 = arith.constant 0 : i32
      %dma_wait3A_69 = tpu.memref_slice %arg16[%add3A_11, %dma_wait3A_68] : memref<10000x64xf32, #tpu.memory_space<vmem_shared>> -> memref<125x64xf32, #tpu.memory_space<vmem_shared>>
      %dma_wait3A_70 = arith.constant 0 : i32
      %dma_wait3A_71 = arith.constant 0 : i32
      %dma_wait3A_72 = tpu.memref_slice %arg14[%dma_wait3A_70, %dma_wait3A_71] : memref<125x64xf32, #tpu.memory_space<vmem>> -> memref<125x64xf32, #tpu.memory_space<vmem>>
      tpu.wait_dma2 semaphore(%run_scoped3A_54 : memref<!tpu.dma_semaphore, #tpu.memory_space<semaphore_mem>>) src(%dma_wait3A_72 : memref<125x64xf32, #tpu.memory_space<vmem>>) dst(%dma_wait3A_69 : memref<125x64xf32, #tpu.memory_space<vmem_shared>>)
      tpu.yield
    }) : () -> ()
    %add3A_12 = arith.constant 375 : i32
    %add3A_13 = arith.addi %mul3A_0, %add3A_12 : i32
    "tpu.region"() ({
      %run_scoped3A_54 = tpu.sem_alloc : memref<!tpu.dma_semaphore, #tpu.memory_space<semaphore_mem>>
      %dma_start3A = arith.constant 0 : i32
      %dma_start3A_55 = arith.constant 0 : i32
      %dma_start3A_56 = tpu.memref_slice %arg14[%dma_start3A, %dma_start3A_55] : memref<125x64xf32, #tpu.memory_space<vmem>> -> memref<125x64xf32, #tpu.memory_space<vmem>>
      %dma_start3A_57 = arith.constant 0 : i32
      %dma_start3A_58 = tpu.memref_slice %arg16[%add3A_13, %dma_start3A_57] : memref<10000x64xf32, #tpu.memory_space<vmem_shared>> -> memref<125x64xf32, #tpu.memory_space<vmem_shared>>
      %dma_start3A_59 = arith.constant 0 : i32
      %dma_start3A_60 = tpu.memref_slice %arg16[%add3A_13, %dma_start3A_59] : memref<10000x64xf32, #tpu.memory_space<vmem_shared>> -> memref<125x64xf32, #tpu.memory_space<vmem_shared>>
      %dma_start3A_61 = arith.constant 0 : i32
      %dma_start3A_62 = arith.constant 0 : i32
      %dma_start3A_63 = tpu.memref_slice %arg14[%dma_start3A_61, %dma_start3A_62] : memref<125x64xf32, #tpu.memory_space<vmem>> -> memref<125x64xf32, #tpu.memory_space<vmem>>
      tpu.enqueue_dma source(%dma_start3A_63 : memref<125x64xf32, #tpu.memory_space<vmem>>) target(%dma_start3A_60 : memref<125x64xf32, #tpu.memory_space<vmem_shared>>) target_semaphore(%run_scoped3A_54 : memref<!tpu.dma_semaphore, #tpu.memory_space<semaphore_mem>>)
      %dma_wait3A = arith.constant 0 : i32
      %dma_wait3A_64 = arith.constant 0 : i32
      %dma_wait3A_65 = tpu.memref_slice %arg14[%dma_wait3A, %dma_wait3A_64] : memref<125x64xf32, #tpu.memory_space<vmem>> -> memref<125x64xf32, #tpu.memory_space<vmem>>
      %dma_wait3A_66 = arith.constant 0 : i32
      %dma_wait3A_67 = tpu.memref_slice %arg16[%add3A_13, %dma_wait3A_66] : memref<10000x64xf32, #tpu.memory_space<vmem_shared>> -> memref<125x64xf32, #tpu.memory_space<vmem_shared>>
      %dma_wait3A_68 = arith.constant 0 : i32
      %dma_wait3A_69 = tpu.memref_slice %arg16[%add3A_13, %dma_wait3A_68] : memref<10000x64xf32, #tpu.memory_space<vmem_shared>> -> memref<125x64xf32, #tpu.memory_space<vmem_shared>>
      %dma_wait3A_70 = arith.constant 0 : i32
      %dma_wait3A_71 = arith.constant 0 : i32
      %dma_wait3A_72 = tpu.memref_slice %arg14[%dma_wait3A_70, %dma_wait3A_71] : memref<125x64xf32, #tpu.memory_space<vmem>> -> memref<125x64xf32, #tpu.memory_space<vmem>>
      tpu.wait_dma2 semaphore(%run_scoped3A_54 : memref<!tpu.dma_semaphore, #tpu.memory_space<semaphore_mem>>) src(%dma_wait3A_72 : memref<125x64xf32, #tpu.memory_space<vmem>>) dst(%dma_wait3A_69 : memref<125x64xf32, #tpu.memory_space<vmem_shared>>)
      tpu.yield
    }) : () -> ()
    %add3A_14 = arith.constant 500 : i32
    %add3A_15 = arith.addi %mul3A_0, %add3A_14 : i32
    "tpu.region"() ({
      %run_scoped3A_54 = tpu.sem_alloc : memref<!tpu.dma_semaphore, #tpu.memory_space<semaphore_mem>>
      %dma_start3A = arith.constant 0 : i32
      %dma_start3A_55 = arith.constant 0 : i32
      %dma_start3A_56 = tpu.memref_slice %arg14[%dma_start3A, %dma_start3A_55] : memref<125x64xf32, #tpu.memory_space<vmem>> -> memref<125x64xf32, #tpu.memory_space<vmem>>
      %dma_start3A_57 = arith.constant 0 : i32
      %dma_start3A_58 = tpu.memref_slice %arg16[%add3A_15, %dma_start3A_57] : memref<10000x64xf32, #tpu.memory_space<vmem_shared>> -> memref<125x64xf32, #tpu.memory_space<vmem_shared>>
      %dma_start3A_59 = arith.constant 0 : i32
      %dma_start3A_60 = tpu.memref_slice %arg16[%add3A_15, %dma_start3A_59] : memref<10000x64xf32, #tpu.memory_space<vmem_shared>> -> memref<125x64xf32, #tpu.memory_space<vmem_shared>>
      %dma_start3A_61 = arith.constant 0 : i32
      %dma_start3A_62 = arith.constant 0 : i32
      %dma_start3A_63 = tpu.memref_slice %arg14[%dma_start3A_61, %dma_start3A_62] : memref<125x64xf32, #tpu.memory_space<vmem>> -> memref<125x64xf32, #tpu.memory_space<vmem>>
      tpu.enqueue_dma source(%dma_start3A_63 : memref<125x64xf32, #tpu.memory_space<vmem>>) target(%dma_start3A_60 : memref<125x64xf32, #tpu.memory_space<vmem_shared>>) target_semaphore(%run_scoped3A_54 : memref<!tpu.dma_semaphore, #tpu.memory_space<semaphore_mem>>)
      %dma_wait3A = arith.constant 0 : i32
      %dma_wait3A_64 = arith.constant 0 : i32
      %dma_wait3A_65 = tpu.memref_slice %arg14[%dma_wait3A, %dma_wait3A_64] : memref<125x64xf32, #tpu.memory_space<vmem>> -> memref<125x64xf32, #tpu.memory_space<vmem>>
      %dma_wait3A_66 = arith.constant 0 : i32
      %dma_wait3A_67 = tpu.memref_slice %arg16[%add3A_15, %dma_wait3A_66] : memref<10000x64xf32, #tpu.memory_space<vmem_shared>> -> memref<125x64xf32, #tpu.memory_space<vmem_shared>>
      %dma_wait3A_68 = arith.constant 0 : i32
      %dma_wait3A_69 = tpu.memref_slice %arg16[%add3A_15, %dma_wait3A_68] : memref<10000x64xf32, #tpu.memory_space<vmem_shared>> -> memref<125x64xf32, #tpu.memory_space<vmem_shared>>
      %dma_wait3A_70 = arith.constant 0 : i32
      %dma_wait3A_71 = arith.constant 0 : i32
      %dma_wait3A_72 = tpu.memref_slice %arg14[%dma_wait3A_70, %dma_wait3A_71] : memref<125x64xf32, #tpu.memory_space<vmem>> -> memref<125x64xf32, #tpu.memory_space<vmem>>
      tpu.wait_dma2 semaphore(%run_scoped3A_54 : memref<!tpu.dma_semaphore, #tpu.memory_space<semaphore_mem>>) src(%dma_wait3A_72 : memref<125x64xf32, #tpu.memory_space<vmem>>) dst(%dma_wait3A_69 : memref<125x64xf32, #tpu.memory_space<vmem_shared>>)
      tpu.yield
    }) : () -> ()
    %barrier3A = arith.constant 0 : index
    tpu.barrier barrier_id(%barrier3A)
    %eq3A = arith.constant 0 : i32
    %eq3A_16 = arith.cmpi eq, %arg0, %eq3A : i32
    %convert_element_type3A = arith.extui %eq3A_16 : i1 to i32
    %cond3A = arith.constant 0 : i32
    %cond3A_17 = arith.cmpi ne, %convert_element_type3A, %cond3A : i32
    scf.if %cond3A_17 {
      %dma_start3A = arith.constant 0 : i32
      %dma_start3A_54 = arith.constant 0 : i32
      %dma_start3A_55 = tpu.memref_slice %arg9[%dma_start3A, %dma_start3A_54] : memref<160x125xi32, #tpu.memory_space<vmem>> -> memref<1x125xi32, #tpu.memory_space<vmem>>
      %dma_start3A_56 = tpu.memref_squeeze %dma_start3A_55 : memref<1x125xi32, #tpu.memory_space<vmem>> -> memref<125xi32, #tpu.memory_space<vmem>>
      %dma_start3A_57 = arith.constant 0 : i32
      %dma_start3A_58 = arith.constant 0 : i32
      %dma_start3A_59 = tpu.memref_slice %arg16[%dma_start3A_57, %dma_start3A_58] : memref<10000x64xf32, #tpu.memory_space<vmem_shared>> -> memref<10000x64xf32, #tpu.memory_space<vmem_shared>>
      tpu.enqueue_indirect_dma source(%arg14 : memref<125x64xf32, #tpu.memory_space<vmem>>) target(%dma_start3A_59 : memref<10000x64xf32, #tpu.memory_space<vmem_shared>>) offsets(%dma_start3A_56 : memref<125xi32, #tpu.memory_space<vmem>>) semaphore(%arg21 : memref<!tpu.dma_semaphore, #tpu.memory_space<semaphore_mem>>) {add = true}
      %dma_start3A_60 = arith.constant 1 : i32
      %dma_start3A_61 = arith.constant 0 : i32
      %dma_start3A_62 = tpu.memref_slice %arg9[%dma_start3A_60, %dma_start3A_61] : memref<160x125xi32, #tpu.memory_space<vmem>> -> memref<1x125xi32, #tpu.memory_space<vmem>>
      %dma_start3A_63 = tpu.memref_squeeze %dma_start3A_62 : memref<1x125xi32, #tpu.memory_space<vmem>> -> memref<125xi32, #tpu.memory_space<vmem>>
      %dma_start3A_64 = arith.constant 0 : i32
      %dma_start3A_65 = arith.constant 0 : i32
      %dma_start3A_66 = tpu.memref_slice %arg16[%dma_start3A_64, %dma_start3A_65] : memref<10000x64xf32, #tpu.memory_space<vmem_shared>> -> memref<10000x64xf32, #tpu.memory_space<vmem_shared>>
      tpu.enqueue_indirect_dma source(%arg15 : memref<125x64xf32, #tpu.memory_space<vmem>>) target(%dma_start3A_66 : memref<10000x64xf32, #tpu.memory_space<vmem_shared>>) offsets(%dma_start3A_63 : memref<125xi32, #tpu.memory_space<vmem>>) semaphore(%arg22 : memref<!tpu.dma_semaphore, #tpu.memory_space<semaphore_mem>>) {add = true}
      %dma_start3A_67 = arith.constant 0 : i32
      %dma_start3A_68 = arith.constant 0 : i32
      %dma_start3A_69 = tpu.memref_slice %arg8[%dma_start3A_67, %dma_start3A_68] : memref<160x125xi32, #tpu.memory_space<vmem>> -> memref<1x125xi32, #tpu.memory_space<vmem>>
      %dma_start3A_70 = tpu.memref_squeeze %dma_start3A_69 : memref<1x125xi32, #tpu.memory_space<vmem>> -> memref<125xi32, #tpu.memory_space<vmem>>
      %dma_start3A_71 = arith.constant 0 : i32
      %dma_start3A_72 = arith.constant 0 : i32
      %dma_start3A_73 = tpu.memref_slice %arg2[%dma_start3A_71, %dma_start3A_72] : memref<10000x64xf32, #tpu.memory_space<hbm>> -> memref<10000x64xf32, #tpu.memory_space<hbm>>
      tpu.enqueue_indirect_dma source(%dma_start3A_73 : memref<10000x64xf32, #tpu.memory_space<hbm>>) target(%arg10 : memref<125x64xf32, #tpu.memory_space<vmem>>) offsets(%dma_start3A_70 : memref<125xi32, #tpu.memory_space<vmem>>) semaphore(%arg17 : memref<!tpu.dma_semaphore, #tpu.memory_space<semaphore_mem>>)
      %dma_start3A_74 = arith.constant 0 : i32
      %dma_start3A_75 = arith.constant 0 : i32
      %dma_start3A_76 = tpu.memref_slice %arg9[%dma_start3A_74, %dma_start3A_75] : memref<160x125xi32, #tpu.memory_space<vmem>> -> memref<1x125xi32, #tpu.memory_space<vmem>>
      %dma_start3A_77 = tpu.memref_squeeze %dma_start3A_76 : memref<1x125xi32, #tpu.memory_space<vmem>> -> memref<125xi32, #tpu.memory_space<vmem>>
      %dma_start3A_78 = arith.constant 0 : i32
      %dma_start3A_79 = arith.constant 0 : i32
      %dma_start3A_80 = tpu.memref_slice %arg4[%dma_start3A_78, %dma_start3A_79] : memref<10000x64xf32, #tpu.memory_space<hbm>> -> memref<10000x64xf32, #tpu.memory_space<hbm>>
      tpu.enqueue_indirect_dma source(%dma_start3A_80 : memref<10000x64xf32, #tpu.memory_space<hbm>>) target(%arg12 : memref<125x64xf32, #tpu.memory_space<vmem>>) offsets(%dma_start3A_77 : memref<125xi32, #tpu.memory_space<vmem>>) semaphore(%arg19 : memref<!tpu.dma_semaphore, #tpu.memory_space<semaphore_mem>>)
      %dma_start3A_81 = arith.constant 1 : i32
      %dma_start3A_82 = arith.constant 0 : i32
      %dma_start3A_83 = tpu.memref_slice %arg8[%dma_start3A_81, %dma_start3A_82] : memref<160x125xi32, #tpu.memory_space<vmem>> -> memref<1x125xi32, #tpu.memory_space<vmem>>
      %dma_start3A_84 = tpu.memref_squeeze %dma_start3A_83 : memref<1x125xi32, #tpu.memory_space<vmem>> -> memref<125xi32, #tpu.memory_space<vmem>>
      %dma_start3A_85 = arith.constant 0 : i32
      %dma_start3A_86 = arith.constant 0 : i32
      %dma_start3A_87 = tpu.memref_slice %arg2[%dma_start3A_85, %dma_start3A_86] : memref<10000x64xf32, #tpu.memory_space<hbm>> -> memref<10000x64xf32, #tpu.memory_space<hbm>>
      tpu.enqueue_indirect_dma source(%dma_start3A_87 : memref<10000x64xf32, #tpu.memory_space<hbm>>) target(%arg11 : memref<125x64xf32, #tpu.memory_space<vmem>>) offsets(%dma_start3A_84 : memref<125xi32, #tpu.memory_space<vmem>>) semaphore(%arg18 : memref<!tpu.dma_semaphore, #tpu.memory_space<semaphore_mem>>)
      %dma_start3A_88 = arith.constant 1 : i32
      %dma_start3A_89 = arith.constant 0 : i32
      %dma_start3A_90 = tpu.memref_slice %arg9[%dma_start3A_88, %dma_start3A_89] : memref<160x125xi32, #tpu.memory_space<vmem>> -> memref<1x125xi32, #tpu.memory_space<vmem>>
      %dma_start3A_91 = tpu.memref_squeeze %dma_start3A_90 : memref<1x125xi32, #tpu.memory_space<vmem>> -> memref<125xi32, #tpu.memory_space<vmem>>
      %dma_start3A_92 = arith.constant 0 : i32
      %dma_start3A_93 = arith.constant 0 : i32
      %dma_start3A_94 = tpu.memref_slice %arg4[%dma_start3A_92, %dma_start3A_93] : memref<10000x64xf32, #tpu.memory_space<hbm>> -> memref<10000x64xf32, #tpu.memory_space<hbm>>
      tpu.enqueue_indirect_dma source(%dma_start3A_94 : memref<10000x64xf32, #tpu.memory_space<hbm>>) target(%arg13 : memref<125x64xf32, #tpu.memory_space<vmem>>) offsets(%dma_start3A_91 : memref<125xi32, #tpu.memory_space<vmem>>) semaphore(%arg20 : memref<!tpu.dma_semaphore, #tpu.memory_space<semaphore_mem>>)
      %scan3A_95 = arith.constant 0 : i32
      %scan3A_96 = arith.constant 0 : i32
      %scan3A_97 = arith.constant 80 : i32
      %scan3A_98 = arith.addi %scan3A_96, %scan3A_97 : i32
      %scan3A_99 = arith.constant 1 : i32
      scf.for %scan3A_142 = %scan3A_96 to %scan3A_98 step %scan3A_99  : i32 {
        %mul3A_143 = arith.constant 2 : i32
        %mul3A_144 = arith.muli %scan3A_142, %mul3A_143 : i32
        %add3A_145 = arith.constant 0 : i32
        %add3A_146 = arith.addi %mul3A_144, %add3A_145 : i32
        %dma_wait3A_147 = arith.constant 0 : i32
        %dma_wait3A_148 = tpu.memref_slice %arg8[%add3A_146, %dma_wait3A_147] : memref<160x125xi32, #tpu.memory_space<vmem>> -> memref<1x125xi32, #tpu.memory_space<vmem>>
        %dma_wait3A_149 = tpu.memref_squeeze %dma_wait3A_148 : memref<1x125xi32, #tpu.memory_space<vmem>> -> memref<125xi32, #tpu.memory_space<vmem>>
        %dma_wait3A_150 = arith.constant 0 : i32
        %dma_wait3A_151 = arith.constant 0 : i32
        %dma_wait3A_152 = tpu.memref_slice %arg2[%dma_wait3A_150, %dma_wait3A_151] : memref<10000x64xf32, #tpu.memory_space<hbm>> -> memref<10000x64xf32, #tpu.memory_space<hbm>>
        tpu.wait_indirect_dma semaphore(%arg17 : memref<!tpu.dma_semaphore, #tpu.memory_space<semaphore_mem>>) src(%dma_wait3A_152 : memref<10000x64xf32, #tpu.memory_space<hbm>>) dst(%arg10 : memref<125x64xf32, #tpu.memory_space<vmem>>)
        %dma_wait3A_153 = arith.constant 0 : i32
        %dma_wait3A_154 = tpu.memref_slice %arg9[%add3A_146, %dma_wait3A_153] : memref<160x125xi32, #tpu.memory_space<vmem>> -> memref<1x125xi32, #tpu.memory_space<vmem>>
        %dma_wait3A_155 = tpu.memref_squeeze %dma_wait3A_154 : memref<1x125xi32, #tpu.memory_space<vmem>> -> memref<125xi32, #tpu.memory_space<vmem>>
        %dma_wait3A_156 = arith.constant 0 : i32
        %dma_wait3A_157 = arith.constant 0 : i32
        %dma_wait3A_158 = tpu.memref_slice %arg4[%dma_wait3A_156, %dma_wait3A_157] : memref<10000x64xf32, #tpu.memory_space<hbm>> -> memref<10000x64xf32, #tpu.memory_space<hbm>>
        tpu.wait_indirect_dma semaphore(%arg19 : memref<!tpu.dma_semaphore, #tpu.memory_space<semaphore_mem>>) src(%dma_wait3A_158 : memref<10000x64xf32, #tpu.memory_space<hbm>>) dst(%arg12 : memref<125x64xf32, #tpu.memory_space<vmem>>)
        %dma_wait3A_159 = arith.constant 0 : i32
        %dma_wait3A_160 = tpu.memref_slice %arg9[%add3A_146, %dma_wait3A_159] : memref<160x125xi32, #tpu.memory_space<vmem>> -> memref<1x125xi32, #tpu.memory_space<vmem>>
        %dma_wait3A_161 = tpu.memref_squeeze %dma_wait3A_160 : memref<1x125xi32, #tpu.memory_space<vmem>> -> memref<125xi32, #tpu.memory_space<vmem>>
        %dma_wait3A_162 = arith.constant 0 : i32
        %dma_wait3A_163 = arith.constant 0 : i32
        %dma_wait3A_164 = tpu.memref_slice %arg16[%dma_wait3A_162, %dma_wait3A_163] : memref<10000x64xf32, #tpu.memory_space<vmem_shared>> -> memref<10000x64xf32, #tpu.memory_space<vmem_shared>>
        tpu.wait_indirect_dma semaphore(%arg21 : memref<!tpu.dma_semaphore, #tpu.memory_space<semaphore_mem>>) src(%arg14 : memref<125x64xf32, #tpu.memory_space<vmem>>) dst(%dma_wait3A_164 : memref<10000x64xf32, #tpu.memory_space<vmem_shared>>)
        %scan3A_165 = arith.constant 0 : i32
        %scan3A_166 = arith.constant 0 : i32
        %scan3A_167 = arith.constant 25 : i32
        %scan3A_168 = arith.addi %scan3A_166, %scan3A_167 : i32
        %scan3A_169 = arith.constant 1 : i32
        scf.for %scan3A_244 = %scan3A_166 to %scan3A_168 step %scan3A_169  : i32 {
          %mul3A_245 = arith.constant 5 : i32
          %mul3A_246 = arith.muli %scan3A_244, %mul3A_245 : i32
          %add3A_247 = arith.constant 0 : i32
          %add3A_248 = arith.addi %mul3A_246, %add3A_247 : i32
          %get3A = arith.index_cast %add3A_248 : i32 to index
          %get3A_249 = arith.constant 0 : index
          %get3A_250 = tpu.vector_load %arg10[%get3A, %get3A_249] {strides = array<i32>} : memref<125x64xf32, #tpu.memory_space<vmem>>, vector<1x16xf32>,
          %get3A_251 = vector.shape_cast %get3A_250 : vector<1x16xf32> to vector<16xf32>
          %get3A_252 = arith.index_cast %add3A_248 : i32 to index
          %get3A_253 = arith.constant 0 : index
          %get3A_254 = tpu.vector_load %arg12[%get3A_252, %get3A_253] {strides = array<i32>} : memref<125x64xf32, #tpu.memory_space<vmem>>, vector<1x16xf32>,
          %get3A_255 = vector.shape_cast %get3A_254 : vector<1x16xf32> to vector<16xf32>
          %add3A_256 = arith.addf %get3A_251, %get3A_255 : vector<16xf32>
          %max3A = arith.constant 0.000000e+00 : f32
          %max3A_257 = vector.broadcast %max3A : f32 to vector<16xf32>
          %max3A_258 = arith.maximumf %add3A_256, %max3A_257 : vector<16xf32>
          %swap3A = arith.index_cast %add3A_248 : i32 to index
          %swap3A_259 = arith.constant 0 : index
          %swap3A_260 = tpu.vector_load %arg14[%swap3A, %swap3A_259] {strides = array<i32>} : memref<125x64xf32, #tpu.memory_space<vmem>>, vector<1x16xf32>,
          %swap3A_261 = vector.shape_cast %swap3A_260 : vector<1x16xf32> to vector<16xf32>
          %swap3A_262 = vector.shape_cast %max3A_258 : vector<16xf32> to vector<1x16xf32>
          tpu.vector_store %arg14[%swap3A, %swap3A_259], %swap3A_262 {strides = array<i32>} : memref<125x64xf32, #tpu.memory_space<vmem>>, vector<1x16xf32>,
          %get3A_263 = arith.index_cast %add3A_248 : i32 to index
          %get3A_264 = arith.constant 16 : index
          %get3A_265 = tpu.vector_load %arg10[%get3A_263, %get3A_264] {strides = array<i32>} : memref<125x64xf32, #tpu.memory_space<vmem>>, vector<1x16xf32>,
          %get3A_266 = vector.shape_cast %get3A_265 : vector<1x16xf32> to vector<16xf32>
          %get3A_267 = arith.index_cast %add3A_248 : i32 to index
          %get3A_268 = arith.constant 16 : index
          %get3A_269 = tpu.vector_load %arg12[%get3A_267, %get3A_268] {strides = array<i32>} : memref<125x64xf32, #tpu.memory_space<vmem>>, vector<1x16xf32>,
          %get3A_270 = vector.shape_cast %get3A_269 : vector<1x16xf32> to vector<16xf32>
          %add3A_271 = arith.addf %get3A_266, %get3A_270 : vector<16xf32>
          %max3A_272 = arith.constant 0.000000e+00 : f32
          %max3A_273 = vector.broadcast %max3A_272 : f32 to vector<16xf32>
          %max3A_274 = arith.maximumf %add3A_271, %max3A_273 : vector<16xf32>
          %swap3A_275 = arith.index_cast %add3A_248 : i32 to index
          %swap3A_276 = arith.constant 16 : index
          %swap3A_277 = tpu.vector_load %arg14[%swap3A_275, %swap3A_276] {strides = array<i32>} : memref<125x64xf32, #tpu.memory_space<vmem>>, vector<1x16xf32>,
          %swap3A_278 = vector.shape_cast %swap3A_277 : vector<1x16xf32> to vector<16xf32>
          %swap3A_279 = vector.shape_cast %max3A_274 : vector<16xf32> to vector<1x16xf32>
          tpu.vector_store %arg14[%swap3A_275, %swap3A_276], %swap3A_279 {strides = array<i32>} : memref<125x64xf32, #tpu.memory_space<vmem>>, vector<1x16xf32>,
          %get3A_280 = arith.index_cast %add3A_248 : i32 to index
          %get3A_281 = arith.constant 32 : index
          %get3A_282 = tpu.vector_load %arg10[%get3A_280, %get3A_281] {strides = array<i32>} : memref<125x64xf32, #tpu.memory_space<vmem>>, vector<1x16xf32>,
          %get3A_283 = vector.shape_cast %get3A_282 : vector<1x16xf32> to vector<16xf32>
          %get3A_284 = arith.index_cast %add3A_248 : i32 to index
          %get3A_285 = arith.constant 32 : index
          %get3A_286 = tpu.vector_load %arg12[%get3A_284, %get3A_285] {strides = array<i32>} : memref<125x64xf32, #tpu.memory_space<vmem>>, vector<1x16xf32>,
          %get3A_287 = vector.shape_cast %get3A_286 : vector<1x16xf32> to vector<16xf32>
          %add3A_288 = arith.addf %get3A_283, %get3A_287 : vector<16xf32>
          %max3A_289 = arith.constant 0.000000e+00 : f32
          %max3A_290 = vector.broadcast %max3A_289 : f32 to vector<16xf32>
          %max3A_291 = arith.maximumf %add3A_288, %max3A_290 : vector<16xf32>
          %swap3A_292 = arith.index_cast %add3A_248 : i32 to index
          %swap3A_293 = arith.constant 32 : index
          %swap3A_294 = tpu.vector_load %arg14[%swap3A_292, %swap3A_293] {strides = array<i32>} : memref<125x64xf32, #tpu.memory_space<vmem>>, vector<1x16xf32>,
          %swap3A_295 = vector.shape_cast %swap3A_294 : vector<1x16xf32> to vector<16xf32>
          %swap3A_296 = vector.shape_cast %max3A_291 : vector<16xf32> to vector<1x16xf32>
          tpu.vector_store %arg14[%swap3A_292, %swap3A_293], %swap3A_296 {strides = array<i32>} : memref<125x64xf32, #tpu.memory_space<vmem>>, vector<1x16xf32>,
          %get3A_297 = arith.index_cast %add3A_248 : i32 to index
          %get3A_298 = arith.constant 48 : index
          %get3A_299 = tpu.vector_load %arg10[%get3A_297, %get3A_298] {strides = array<i32>} : memref<125x64xf32, #tpu.memory_space<vmem>>, vector<1x16xf32>,
          %get3A_300 = vector.shape_cast %get3A_299 : vector<1x16xf32> to vector<16xf32>
          %get3A_301 = arith.index_cast %add3A_248 : i32 to index
          %get3A_302 = arith.constant 48 : index
          %get3A_303 = tpu.vector_load %arg12[%get3A_301, %get3A_302] {strides = array<i32>} : memref<125x64xf32, #tpu.memory_space<vmem>>, vector<1x16xf32>,
          %get3A_304 = vector.shape_cast %get3A_303 : vector<1x16xf32> to vector<16xf32>
          %add3A_305 = arith.addf %get3A_300, %get3A_304 : vector<16xf32>
          %max3A_306 = arith.constant 0.000000e+00 : f32
          %max3A_307 = vector.broadcast %max3A_306 : f32 to vector<16xf32>
          %max3A_308 = arith.maximumf %add3A_305, %max3A_307 : vector<16xf32>
          %swap3A_309 = arith.index_cast %add3A_248 : i32 to index
          %swap3A_310 = arith.constant 48 : index
          %swap3A_311 = tpu.vector_load %arg14[%swap3A_309, %swap3A_310] {strides = array<i32>} : memref<125x64xf32, #tpu.memory_space<vmem>>, vector<1x16xf32>,
          %swap3A_312 = vector.shape_cast %swap3A_311 : vector<1x16xf32> to vector<16xf32>
          %swap3A_313 = vector.shape_cast %max3A_308 : vector<16xf32> to vector<1x16xf32>
          tpu.vector_store %arg14[%swap3A_309, %swap3A_310], %swap3A_313 {strides = array<i32>} : memref<125x64xf32, #tpu.memory_space<vmem>>, vector<1x16xf32>,
          %mul3A_314 = arith.constant 5 : i32
          %mul3A_315 = arith.muli %scan3A_244, %mul3A_314 : i32
          %add3A_316 = arith.constant 1 : i32
          %add3A_317 = arith.addi %mul3A_315, %add3A_316 : i32
          %get3A_318 = arith.index_cast %add3A_317 : i32 to index
          %get3A_319 = arith.constant 0 : index
          %get3A_320 = tpu.vector_load %arg10[%get3A_318, %get3A_319] {strides = array<i32>} : memref<125x64xf32, #tpu.memory_space<vmem>>, vector<1x16xf32>,
          %get3A_321 = vector.shape_cast %get3A_320 : vector<1x16xf32> to vector<16xf32>
          %get3A_322 = arith.index_cast %add3A_317 : i32 to index
          %get3A_323 = arith.constant 0 : index
          %get3A_324 = tpu.vector_load %arg12[%get3A_322, %get3A_323] {strides = array<i32>} : memref<125x64xf32, #tpu.memory_space<vmem>>, vector<1x16xf32>,
          %get3A_325 = vector.shape_cast %get3A_324 : vector<1x16xf32> to vector<16xf32>
          %add3A_326 = arith.addf %get3A_321, %get3A_325 : vector<16xf32>
          %max3A_327 = arith.constant 0.000000e+00 : f32
          %max3A_328 = vector.broadcast %max3A_327 : f32 to vector<16xf32>
          %max3A_329 = arith.maximumf %add3A_326, %max3A_328 : vector<16xf32>
          %swap3A_330 = arith.index_cast %add3A_317 : i32 to index
          %swap3A_331 = arith.constant 0 : index
          %swap3A_332 = tpu.vector_load %arg14[%swap3A_330, %swap3A_331] {strides = array<i32>} : memref<125x64xf32, #tpu.memory_space<vmem>>, vector<1x16xf32>,
          %swap3A_333 = vector.shape_cast %swap3A_332 : vector<1x16xf32> to vector<16xf32>
          %swap3A_334 = vector.shape_cast %max3A_329 : vector<16xf32> to vector<1x16xf32>
          tpu.vector_store %arg14[%swap3A_330, %swap3A_331], %swap3A_334 {strides = array<i32>} : memref<125x64xf32, #tpu.memory_space<vmem>>, vector<1x16xf32>,
          %get3A_335 = arith.index_cast %add3A_317 : i32 to index
          %get3A_336 = arith.constant 16 : index
          %get3A_337 = tpu.vector_load %arg10[%get3A_335, %get3A_336] {strides = array<i32>} : memref<125x64xf32, #tpu.memory_space<vmem>>, vector<1x16xf32>,
          %get3A_338 = vector.shape_cast %get3A_337 : vector<1x16xf32> to vector<16xf32>
          %get3A_339 = arith.index_cast %add3A_317 : i32 to index
          %get3A_340 = arith.constant 16 : index
          %get3A_341 = tpu.vector_load %arg12[%get3A_339, %get3A_340] {strides = array<i32>} : memref<125x64xf32, #tpu.memory_space<vmem>>, vector<1x16xf32>,
          %get3A_342 = vector.shape_cast %get3A_341 : vector<1x16xf32> to vector<16xf32>
          %add3A_343 = arith.addf %get3A_338, %get3A_342 : vector<16xf32>
          %max3A_344 = arith.constant 0.000000e+00 : f32
          %max3A_345 = vector.broadcast %max3A_344 : f32 to vector<16xf32>
          %max3A_346 = arith.maximumf %add3A_343, %max3A_345 : vector<16xf32>
          %swap3A_347 = arith.index_cast %add3A_317 : i32 to index
          %swap3A_348 = arith.constant 16 : index
          %swap3A_349 = tpu.vector_load %arg14[%swap3A_347, %swap3A_348] {strides = array<i32>} : memref<125x64xf32, #tpu.memory_space<vmem>>, vector<1x16xf32>,
          %swap3A_350 = vector.shape_cast %swap3A_349 : vector<1x16xf32> to vector<16xf32>
          %swap3A_351 = vector.shape_cast %max3A_346 : vector<16xf32> to vector<1x16xf32>
          tpu.vector_store %arg14[%swap3A_347, %swap3A_348], %swap3A_351 {strides = array<i32>} : memref<125x64xf32, #tpu.memory_space<vmem>>, vector<1x16xf32>,
          %get3A_352 = arith.index_cast %add3A_317 : i32 to index
          %get3A_353 = arith.constant 32 : index
          %get3A_354 = tpu.vector_load %arg10[%get3A_352, %get3A_353] {strides = array<i32>} : memref<125x64xf32, #tpu.memory_space<vmem>>, vector<1x16xf32>,
          %get3A_355 = vector.shape_cast %get3A_354 : vector<1x16xf32> to vector<16xf32>
          %get3A_356 = arith.index_cast %add3A_317 : i32 to index
          %get3A_357 = arith.constant 32 : index
          %get3A_358 = tpu.vector_load %arg12[%get3A_356, %get3A_357] {strides = array<i32>} : memref<125x64xf32, #tpu.memory_space<vmem>>, vector<1x16xf32>,
          %get3A_359 = vector.shape_cast %get3A_358 : vector<1x16xf32> to vector<16xf32>
          %add3A_360 = arith.addf %get3A_355, %get3A_359 : vector<16xf32>
          %max3A_361 = arith.constant 0.000000e+00 : f32
          %max3A_362 = vector.broadcast %max3A_361 : f32 to vector<16xf32>
          %max3A_363 = arith.maximumf %add3A_360, %max3A_362 : vector<16xf32>
          %swap3A_364 = arith.index_cast %add3A_317 : i32 to index
          %swap3A_365 = arith.constant 32 : index
          %swap3A_366 = tpu.vector_load %arg14[%swap3A_364, %swap3A_365] {strides = array<i32>} : memref<125x64xf32, #tpu.memory_space<vmem>>, vector<1x16xf32>,
          %swap3A_367 = vector.shape_cast %swap3A_366 : vector<1x16xf32> to vector<16xf32>
          %swap3A_368 = vector.shape_cast %max3A_363 : vector<16xf32> to vector<1x16xf32>
          tpu.vector_store %arg14[%swap3A_364, %swap3A_365], %swap3A_368 {strides = array<i32>} : memref<125x64xf32, #tpu.memory_space<vmem>>, vector<1x16xf32>,
          %get3A_369 = arith.index_cast %add3A_317 : i32 to index
          %get3A_370 = arith.constant 48 : index
          %get3A_371 = tpu.vector_load %arg10[%get3A_369, %get3A_370] {strides = array<i32>} : memref<125x64xf32, #tpu.memory_space<vmem>>, vector<1x16xf32>,
          %get3A_372 = vector.shape_cast %get3A_371 : vector<1x16xf32> to vector<16xf32>
          %get3A_373 = arith.index_cast %add3A_317 : i32 to index
          %get3A_374 = arith.constant 48 : index
          %get3A_375 = tpu.vector_load %arg12[%get3A_373, %get3A_374] {strides = array<i32>} : memref<125x64xf32, #tpu.memory_space<vmem>>, vector<1x16xf32>,
          %get3A_376 = vector.shape_cast %get3A_375 : vector<1x16xf32> to vector<16xf32>
          %add3A_377 = arith.addf %get3A_372, %get3A_376 : vector<16xf32>
          %max3A_378 = arith.constant 0.000000e+00 : f32
          %max3A_379 = vector.broadcast %max3A_378 : f32 to vector<16xf32>
          %max3A_380 = arith.maximumf %add3A_377, %max3A_379 : vector<16xf32>
          %swap3A_381 = arith.index_cast %add3A_317 : i32 to index
          %swap3A_382 = arith.constant 48 : index
          %swap3A_383 = tpu.vector_load %arg14[%swap3A_381, %swap3A_382] {strides = array<i32>} : memref<125x64xf32, #tpu.memory_space<vmem>>, vector<1x16xf32>,
          %swap3A_384 = vector.shape_cast %swap3A_383 : vector<1x16xf32> to vector<16xf32>
          %swap3A_385 = vector.shape_cast %max3A_380 : vector<16xf32> to vector<1x16xf32>
          tpu.vector_store %arg14[%swap3A_381, %swap3A_382], %swap3A_385 {strides = array<i32>} : memref<125x64xf32, #tpu.memory_space<vmem>>, vector<1x16xf32>,
          %mul3A_386 = arith.constant 5 : i32
          %mul3A_387 = arith.muli %scan3A_244, %mul3A_386 : i32
          %add3A_388 = arith.constant 2 : i32
          %add3A_389 = arith.addi %mul3A_387, %add3A_388 : i32
          %get3A_390 = arith.index_cast %add3A_389 : i32 to index
          %get3A_391 = arith.constant 0 : index
          %get3A_392 = tpu.vector_load %arg10[%get3A_390, %get3A_391] {strides = array<i32>} : memref<125x64xf32, #tpu.memory_space<vmem>>, vector<1x16xf32>,
          %get3A_393 = vector.shape_cast %get3A_392 : vector<1x16xf32> to vector<16xf32>
          %get3A_394 = arith.index_cast %add3A_389 : i32 to index
          %get3A_395 = arith.constant 0 : index
          %get3A_396 = tpu.vector_load %arg12[%get3A_394, %get3A_395] {strides = array<i32>} : memref<125x64xf32, #tpu.memory_space<vmem>>, vector<1x16xf32>,
          %get3A_397 = vector.shape_cast %get3A_396 : vector<1x16xf32> to vector<16xf32>
          %add3A_398 = arith.addf %get3A_393, %get3A_397 : vector<16xf32>
          %max3A_399 = arith.constant 0.000000e+00 : f32
          %max3A_400 = vector.broadcast %max3A_399 : f32 to vector<16xf32>
          %max3A_401 = arith.maximumf %add3A_398, %max3A_400 : vector<16xf32>
          %swap3A_402 = arith.index_cast %add3A_389 : i32 to index
          %swap3A_403 = arith.constant 0 : index
          %swap3A_404 = tpu.vector_load %arg14[%swap3A_402, %swap3A_403] {strides = array<i32>} : memref<125x64xf32, #tpu.memory_space<vmem>>, vector<1x16xf32>,
          %swap3A_405 = vector.shape_cast %swap3A_404 : vector<1x16xf32> to vector<16xf32>
          %swap3A_406 = vector.shape_cast %max3A_401 : vector<16xf32> to vector<1x16xf32>
          tpu.vector_store %arg14[%swap3A_402, %swap3A_403], %swap3A_406 {strides = array<i32>} : memref<125x64xf32, #tpu.memory_space<vmem>>, vector<1x16xf32>,
          %get3A_407 = arith.index_cast %add3A_389 : i32 to index
          %get3A_408 = arith.constant 16 : index
          %get3A_409 = tpu.vector_load %arg10[%get3A_407, %get3A_408] {strides = array<i32>} : memref<125x64xf32, #tpu.memory_space<vmem>>, vector<1x16xf32>,
          %get3A_410 = vector.shape_cast %get3A_409 : vector<1x16xf32> to vector<16xf32>
          %get3A_411 = arith.index_cast %add3A_389 : i32 to index
          %get3A_412 = arith.constant 16 : index
          %get3A_413 = tpu.vector_load %arg12[%get3A_411, %get3A_412] {strides = array<i32>} : memref<125x64xf32, #tpu.memory_space<vmem>>, vector<1x16xf32>,
          %get3A_414 = vector.shape_cast %get3A_413 : vector<1x16xf32> to vector<16xf32>
          %add3A_415 = arith.addf %get3A_410, %get3A_414 : vector<16xf32>
          %max3A_416 = arith.constant 0.000000e+00 : f32
          %max3A_417 = vector.broadcast %max3A_416 : f32 to vector<16xf32>
          %max3A_418 = arith.maximumf %add3A_415, %max3A_417 : vector<16xf32>
          %swap3A_419 = arith.index_cast %add3A_389 : i32 to index
          %swap3A_420 = arith.constant 16 : index
          %swap3A_421 = tpu.vector_load %arg14[%swap3A_419, %swap3A_420] {strides = array<i32>} : memref<125x64xf32, #tpu.memory_space<vmem>>, vector<1x16xf32>,
          %swap3A_422 = vector.shape_cast %swap3A_421 : vector<1x16xf32> to vector<16xf32>
          %swap3A_423 = vector.shape_cast %max3A_418 : vector<16xf32> to vector<1x16xf32>
          tpu.vector_store %arg14[%swap3A_419, %swap3A_420], %swap3A_423 {strides = array<i32>} : memref<125x64xf32, #tpu.memory_space<vmem>>, vector<1x16xf32>,
          %get3A_424 = arith.index_cast %add3A_389 : i32 to index
          %get3A_425 = arith.constant 32 : index
          %get3A_426 = tpu.vector_load %arg10[%get3A_424, %get3A_425] {strides = array<i32>} : memref<125x64xf32, #tpu.memory_space<vmem>>, vector<1x16xf32>,
          %get3A_427 = vector.shape_cast %get3A_426 : vector<1x16xf32> to vector<16xf32>
          %get3A_428 = arith.index_cast %add3A_389 : i32 to index
          %get3A_429 = arith.constant 32 : index
          %get3A_430 = tpu.vector_load %arg12[%get3A_428, %get3A_429] {strides = array<i32>} : memref<125x64xf32, #tpu.memory_space<vmem>>, vector<1x16xf32>,
          %get3A_431 = vector.shape_cast %get3A_430 : vector<1x16xf32> to vector<16xf32>
          %add3A_432 = arith.addf %get3A_427, %get3A_431 : vector<16xf32>
          %max3A_433 = arith.constant 0.000000e+00 : f32
          %max3A_434 = vector.broadcast %max3A_433 : f32 to vector<16xf32>
          %max3A_435 = arith.maximumf %add3A_432, %max3A_434 : vector<16xf32>
          %swap3A_436 = arith.index_cast %add3A_389 : i32 to index
          %swap3A_437 = arith.constant 32 : index
          %swap3A_438 = tpu.vector_load %arg14[%swap3A_436, %swap3A_437] {strides = array<i32>} : memref<125x64xf32, #tpu.memory_space<vmem>>, vector<1x16xf32>,
          %swap3A_439 = vector.shape_cast %swap3A_438 : vector<1x16xf32> to vector<16xf32>
          %swap3A_440 = vector.shape_cast %max3A_435 : vector<16xf32> to vector<1x16xf32>
          tpu.vector_store %arg14[%swap3A_436, %swap3A_437], %swap3A_440 {strides = array<i32>} : memref<125x64xf32, #tpu.memory_space<vmem>>, vector<1x16xf32>,
          %get3A_441 = arith.index_cast %add3A_389 : i32 to index
          %get3A_442 = arith.constant 48 : index
          %get3A_443 = tpu.vector_load %arg10[%get3A_441, %get3A_442] {strides = array<i32>} : memref<125x64xf32, #tpu.memory_space<vmem>>, vector<1x16xf32>,
          %get3A_444 = vector.shape_cast %get3A_443 : vector<1x16xf32> to vector<16xf32>
          %get3A_445 = arith.index_cast %add3A_389 : i32 to index
          %get3A_446 = arith.constant 48 : index
          %get3A_447 = tpu.vector_load %arg12[%get3A_445, %get3A_446] {strides = array<i32>} : memref<125x64xf32, #tpu.memory_space<vmem>>, vector<1x16xf32>,
          %get3A_448 = vector.shape_cast %get3A_447 : vector<1x16xf32> to vector<16xf32>
          %add3A_449 = arith.addf %get3A_444, %get3A_448 : vector<16xf32>
          %max3A_450 = arith.constant 0.000000e+00 : f32
          %max3A_451 = vector.broadcast %max3A_450 : f32 to vector<16xf32>
          %max3A_452 = arith.maximumf %add3A_449, %max3A_451 : vector<16xf32>
          %swap3A_453 = arith.index_cast %add3A_389 : i32 to index
          %swap3A_454 = arith.constant 48 : index
          %swap3A_455 = tpu.vector_load %arg14[%swap3A_453, %swap3A_454] {strides = array<i32>} : memref<125x64xf32, #tpu.memory_space<vmem>>, vector<1x16xf32>,
          %swap3A_456 = vector.shape_cast %swap3A_455 : vector<1x16xf32> to vector<16xf32>
          %swap3A_457 = vector.shape_cast %max3A_452 : vector<16xf32> to vector<1x16xf32>
          tpu.vector_store %arg14[%swap3A_453, %swap3A_454], %swap3A_457 {strides = array<i32>} : memref<125x64xf32, #tpu.memory_space<vmem>>, vector<1x16xf32>,
          %mul3A_458 = arith.constant 5 : i32
          %mul3A_459 = arith.muli %scan3A_244, %mul3A_458 : i32
          %add3A_460 = arith.constant 3 : i32
          %add3A_461 = arith.addi %mul3A_459, %add3A_460 : i32
          %get3A_462 = arith.index_cast %add3A_461 : i32 to index
          %get3A_463 = arith.constant 0 : index
          %get3A_464 = tpu.vector_load %arg10[%get3A_462, %get3A_463] {strides = array<i32>} : memref<125x64xf32, #tpu.memory_space<vmem>>, vector<1x16xf32>,
          %get3A_465 = vector.shape_cast %get3A_464 : vector<1x16xf32> to vector<16xf32>
          %get3A_466 = arith.index_cast %add3A_461 : i32 to index
          %get3A_467 = arith.constant 0 : index
          %get3A_468 = tpu.vector_load %arg12[%get3A_466, %get3A_467] {strides = array<i32>} : memref<125x64xf32, #tpu.memory_space<vmem>>, vector<1x16xf32>,
          %get3A_469 = vector.shape_cast %get3A_468 : vector<1x16xf32> to vector<16xf32>
          %add3A_470 = arith.addf %get3A_465, %get3A_469 : vector<16xf32>
          %max3A_471 = arith.constant 0.000000e+00 : f32
          %max3A_472 = vector.broadcast %max3A_471 : f32 to vector<16xf32>
          %max3A_473 = arith.maximumf %add3A_470, %max3A_472 : vector<16xf32>
          %swap3A_474 = arith.index_cast %add3A_461 : i32 to index
          %swap3A_475 = arith.constant 0 : index
          %swap3A_476 = tpu.vector_load %arg14[%swap3A_474, %swap3A_475] {strides = array<i32>} : memref<125x64xf32, #tpu.memory_space<vmem>>, vector<1x16xf32>,
          %swap3A_477 = vector.shape_cast %swap3A_476 : vector<1x16xf32> to vector<16xf32>
          %swap3A_478 = vector.shape_cast %max3A_473 : vector<16xf32> to vector<1x16xf32>
          tpu.vector_store %arg14[%swap3A_474, %swap3A_475], %swap3A_478 {strides = array<i32>} : memref<125x64xf32, #tpu.memory_space<vmem>>, vector<1x16xf32>,
          %get3A_479 = arith.index_cast %add3A_461 : i32 to index
          %get3A_480 = arith.constant 16 : index
          %get3A_481 = tpu.vector_load %arg10[%get3A_479, %get3A_480] {strides = array<i32>} : memref<125x64xf32, #tpu.memory_space<vmem>>, vector<1x16xf32>,
          %get3A_482 = vector.shape_cast %get3A_481 : vector<1x16xf32> to vector<16xf32>
          %get3A_483 = arith.index_cast %add3A_461 : i32 to index
          %get3A_484 = arith.constant 16 : index
          %get3A_485 = tpu.vector_load %arg12[%get3A_483, %get3A_484] {strides = array<i32>} : memref<125x64xf32, #tpu.memory_space<vmem>>, vector<1x16xf32>,
          %get3A_486 = vector.shape_cast %get3A_485 : vector<1x16xf32> to vector<16xf32>
          %add3A_487 = arith.addf %get3A_482, %get3A_486 : vector<16xf32>
          %max3A_488 = arith.constant 0.000000e+00 : f32
          %max3A_489 = vector.broadcast %max3A_488 : f32 to vector<16xf32>
          %max3A_490 = arith.maximumf %add3A_487, %max3A_489 : vector<16xf32>
          %swap3A_491 = arith.index_cast %add3A_461 : i32 to index
          %swap3A_492 = arith.constant 16 : index
          %swap3A_493 = tpu.vector_load %arg14[%swap3A_491, %swap3A_492] {strides = array<i32>} : memref<125x64xf32, #tpu.memory_space<vmem>>, vector<1x16xf32>,
          %swap3A_494 = vector.shape_cast %swap3A_493 : vector<1x16xf32> to vector<16xf32>
          %swap3A_495 = vector.shape_cast %max3A_490 : vector<16xf32> to vector<1x16xf32>
          tpu.vector_store %arg14[%swap3A_491, %swap3A_492], %swap3A_495 {strides = array<i32>} : memref<125x64xf32, #tpu.memory_space<vmem>>, vector<1x16xf32>,
          %get3A_496 = arith.index_cast %add3A_461 : i32 to index
          %get3A_497 = arith.constant 32 : index
          %get3A_498 = tpu.vector_load %arg10[%get3A_496, %get3A_497] {strides = array<i32>} : memref<125x64xf32, #tpu.memory_space<vmem>>, vector<1x16xf32>,
          %get3A_499 = vector.shape_cast %get3A_498 : vector<1x16xf32> to vector<16xf32>
          %get3A_500 = arith.index_cast %add3A_461 : i32 to index
          %get3A_501 = arith.constant 32 : index
          %get3A_502 = tpu.vector_load %arg12[%get3A_500, %get3A_501] {strides = array<i32>} : memref<125x64xf32, #tpu.memory_space<vmem>>, vector<1x16xf32>,
          %get3A_503 = vector.shape_cast %get3A_502 : vector<1x16xf32> to vector<16xf32>
          %add3A_504 = arith.addf %get3A_499, %get3A_503 : vector<16xf32>
          %max3A_505 = arith.constant 0.000000e+00 : f32
          %max3A_506 = vector.broadcast %max3A_505 : f32 to vector<16xf32>
          %max3A_507 = arith.maximumf %add3A_504, %max3A_506 : vector<16xf32>
          %swap3A_508 = arith.index_cast %add3A_461 : i32 to index
          %swap3A_509 = arith.constant 32 : index
          %swap3A_510 = tpu.vector_load %arg14[%swap3A_508, %swap3A_509] {strides = array<i32>} : memref<125x64xf32, #tpu.memory_space<vmem>>, vector<1x16xf32>,
          %swap3A_511 = vector.shape_cast %swap3A_510 : vector<1x16xf32> to vector<16xf32>
          %swap3A_512 = vector.shape_cast %max3A_507 : vector<16xf32> to vector<1x16xf32>
          tpu.vector_store %arg14[%swap3A_508, %swap3A_509], %swap3A_512 {strides = array<i32>} : memref<125x64xf32, #tpu.memory_space<vmem>>, vector<1x16xf32>,
          %get3A_513 = arith.index_cast %add3A_461 : i32 to index
          %get3A_514 = arith.constant 48 : index
          %get3A_515 = tpu.vector_load %arg10[%get3A_513, %get3A_514] {strides = array<i32>} : memref<125x64xf32, #tpu.memory_space<vmem>>, vector<1x16xf32>,
          %get3A_516 = vector.shape_cast %get3A_515 : vector<1x16xf32> to vector<16xf32>
          %get3A_517 = arith.index_cast %add3A_461 : i32 to index
          %get3A_518 = arith.constant 48 : index
          %get3A_519 = tpu.vector_load %arg12[%get3A_517, %get3A_518] {strides = array<i32>} : memref<125x64xf32, #tpu.memory_space<vmem>>, vector<1x16xf32>,
          %get3A_520 = vector.shape_cast %get3A_519 : vector<1x16xf32> to vector<16xf32>
          %add3A_521 = arith.addf %get3A_516, %get3A_520 : vector<16xf32>
          %max3A_522 = arith.constant 0.000000e+00 : f32
          %max3A_523 = vector.broadcast %max3A_522 : f32 to vector<16xf32>
          %max3A_524 = arith.maximumf %add3A_521, %max3A_523 : vector<16xf32>
          %swap3A_525 = arith.index_cast %add3A_461 : i32 to index
          %swap3A_526 = arith.constant 48 : index
          %swap3A_527 = tpu.vector_load %arg14[%swap3A_525, %swap3A_526] {strides = array<i32>} : memref<125x64xf32, #tpu.memory_space<vmem>>, vector<1x16xf32>,
          %swap3A_528 = vector.shape_cast %swap3A_527 : vector<1x16xf32> to vector<16xf32>
          %swap3A_529 = vector.shape_cast %max3A_524 : vector<16xf32> to vector<1x16xf32>
          tpu.vector_store %arg14[%swap3A_525, %swap3A_526], %swap3A_529 {strides = array<i32>} : memref<125x64xf32, #tpu.memory_space<vmem>>, vector<1x16xf32>,
          %mul3A_530 = arith.constant 5 : i32
          %mul3A_531 = arith.muli %scan3A_244, %mul3A_530 : i32
          %add3A_532 = arith.constant 4 : i32
          %add3A_533 = arith.addi %mul3A_531, %add3A_532 : i32
          %get3A_534 = arith.index_cast %add3A_533 : i32 to index
          %get3A_535 = arith.constant 0 : index
          %get3A_536 = tpu.vector_load %arg10[%get3A_534, %get3A_535] {strides = array<i32>} : memref<125x64xf32, #tpu.memory_space<vmem>>, vector<1x16xf32>,
          %get3A_537 = vector.shape_cast %get3A_536 : vector<1x16xf32> to vector<16xf32>
          %get3A_538 = arith.index_cast %add3A_533 : i32 to index
          %get3A_539 = arith.constant 0 : index
          %get3A_540 = tpu.vector_load %arg12[%get3A_538, %get3A_539] {strides = array<i32>} : memref<125x64xf32, #tpu.memory_space<vmem>>, vector<1x16xf32>,
          %get3A_541 = vector.shape_cast %get3A_540 : vector<1x16xf32> to vector<16xf32>
          %add3A_542 = arith.addf %get3A_537, %get3A_541 : vector<16xf32>
          %max3A_543 = arith.constant 0.000000e+00 : f32
          %max3A_544 = vector.broadcast %max3A_543 : f32 to vector<16xf32>
          %max3A_545 = arith.maximumf %add3A_542, %max3A_544 : vector<16xf32>
          %swap3A_546 = arith.index_cast %add3A_533 : i32 to index
          %swap3A_547 = arith.constant 0 : index
          %swap3A_548 = tpu.vector_load %arg14[%swap3A_546, %swap3A_547] {strides = array<i32>} : memref<125x64xf32, #tpu.memory_space<vmem>>, vector<1x16xf32>,
          %swap3A_549 = vector.shape_cast %swap3A_548 : vector<1x16xf32> to vector<16xf32>
          %swap3A_550 = vector.shape_cast %max3A_545 : vector<16xf32> to vector<1x16xf32>
          tpu.vector_store %arg14[%swap3A_546, %swap3A_547], %swap3A_550 {strides = array<i32>} : memref<125x64xf32, #tpu.memory_space<vmem>>, vector<1x16xf32>,
          %get3A_551 = arith.index_cast %add3A_533 : i32 to index
          %get3A_552 = arith.constant 16 : index
          %get3A_553 = tpu.vector_load %arg10[%get3A_551, %get3A_552] {strides = array<i32>} : memref<125x64xf32, #tpu.memory_space<vmem>>, vector<1x16xf32>,
          %get3A_554 = vector.shape_cast %get3A_553 : vector<1x16xf32> to vector<16xf32>
          %get3A_555 = arith.index_cast %add3A_533 : i32 to index
          %get3A_556 = arith.constant 16 : index
          %get3A_557 = tpu.vector_load %arg12[%get3A_555, %get3A_556] {strides = array<i32>} : memref<125x64xf32, #tpu.memory_space<vmem>>, vector<1x16xf32>,
          %get3A_558 = vector.shape_cast %get3A_557 : vector<1x16xf32> to vector<16xf32>
          %add3A_559 = arith.addf %get3A_554, %get3A_558 : vector<16xf32>
          %max3A_560 = arith.constant 0.000000e+00 : f32
          %max3A_561 = vector.broadcast %max3A_560 : f32 to vector<16xf32>
          %max3A_562 = arith.maximumf %add3A_559, %max3A_561 : vector<16xf32>
          %swap3A_563 = arith.index_cast %add3A_533 : i32 to index
          %swap3A_564 = arith.constant 16 : index
          %swap3A_565 = tpu.vector_load %arg14[%swap3A_563, %swap3A_564] {strides = array<i32>} : memref<125x64xf32, #tpu.memory_space<vmem>>, vector<1x16xf32>,
          %swap3A_566 = vector.shape_cast %swap3A_565 : vector<1x16xf32> to vector<16xf32>
          %swap3A_567 = vector.shape_cast %max3A_562 : vector<16xf32> to vector<1x16xf32>
          tpu.vector_store %arg14[%swap3A_563, %swap3A_564], %swap3A_567 {strides = array<i32>} : memref<125x64xf32, #tpu.memory_space<vmem>>, vector<1x16xf32>,
          %get3A_568 = arith.index_cast %add3A_533 : i32 to index
          %get3A_569 = arith.constant 32 : index
          %get3A_570 = tpu.vector_load %arg10[%get3A_568, %get3A_569] {strides = array<i32>} : memref<125x64xf32, #tpu.memory_space<vmem>>, vector<1x16xf32>,
          %get3A_571 = vector.shape_cast %get3A_570 : vector<1x16xf32> to vector<16xf32>
          %get3A_572 = arith.index_cast %add3A_533 : i32 to index
          %get3A_573 = arith.constant 32 : index
          %get3A_574 = tpu.vector_load %arg12[%get3A_572, %get3A_573] {strides = array<i32>} : memref<125x64xf32, #tpu.memory_space<vmem>>, vector<1x16xf32>,
          %get3A_575 = vector.shape_cast %get3A_574 : vector<1x16xf32> to vector<16xf32>
          %add3A_576 = arith.addf %get3A_571, %get3A_575 : vector<16xf32>
          %max3A_577 = arith.constant 0.000000e+00 : f32
          %max3A_578 = vector.broadcast %max3A_577 : f32 to vector<16xf32>
          %max3A_579 = arith.maximumf %add3A_576, %max3A_578 : vector<16xf32>
          %swap3A_580 = arith.index_cast %add3A_533 : i32 to index
          %swap3A_581 = arith.constant 32 : index
          %swap3A_582 = tpu.vector_load %arg14[%swap3A_580, %swap3A_581] {strides = array<i32>} : memref<125x64xf32, #tpu.memory_space<vmem>>, vector<1x16xf32>,
          %swap3A_583 = vector.shape_cast %swap3A_582 : vector<1x16xf32> to vector<16xf32>
          %swap3A_584 = vector.shape_cast %max3A_579 : vector<16xf32> to vector<1x16xf32>
          tpu.vector_store %arg14[%swap3A_580, %swap3A_581], %swap3A_584 {strides = array<i32>} : memref<125x64xf32, #tpu.memory_space<vmem>>, vector<1x16xf32>,
          %get3A_585 = arith.index_cast %add3A_533 : i32 to index
          %get3A_586 = arith.constant 48 : index
          %get3A_587 = tpu.vector_load %arg10[%get3A_585, %get3A_586] {strides = array<i32>} : memref<125x64xf32, #tpu.memory_space<vmem>>, vector<1x16xf32>,
          %get3A_588 = vector.shape_cast %get3A_587 : vector<1x16xf32> to vector<16xf32>
          %get3A_589 = arith.index_cast %add3A_533 : i32 to index
          %get3A_590 = arith.constant 48 : index
          %get3A_591 = tpu.vector_load %arg12[%get3A_589, %get3A_590] {strides = array<i32>} : memref<125x64xf32, #tpu.memory_space<vmem>>, vector<1x16xf32>,
          %get3A_592 = vector.shape_cast %get3A_591 : vector<1x16xf32> to vector<16xf32>
          %add3A_593 = arith.addf %get3A_588, %get3A_592 : vector<16xf32>
          %max3A_594 = arith.constant 0.000000e+00 : f32
          %max3A_595 = vector.broadcast %max3A_594 : f32 to vector<16xf32>
          %max3A_596 = arith.maximumf %add3A_593, %max3A_595 : vector<16xf32>
          %swap3A_597 = arith.index_cast %add3A_533 : i32 to index
          %swap3A_598 = arith.constant 48 : index
          %swap3A_599 = tpu.vector_load %arg14[%swap3A_597, %swap3A_598] {strides = array<i32>} : memref<125x64xf32, #tpu.memory_space<vmem>>, vector<1x16xf32>,
          %swap3A_600 = vector.shape_cast %swap3A_599 : vector<1x16xf32> to vector<16xf32>
          %swap3A_601 = vector.shape_cast %max3A_596 : vector<16xf32> to vector<1x16xf32>
          tpu.vector_store %arg14[%swap3A_597, %swap3A_598], %swap3A_601 {strides = array<i32>} : memref<125x64xf32, #tpu.memory_space<vmem>>, vector<1x16xf32>,
        }
        %scan3A_170 = arith.constant 25 : i32
        %dma_start3A_171 = arith.constant 0 : i32
        %dma_start3A_172 = tpu.memref_slice %arg9[%add3A_146, %dma_start3A_171] : memref<160x125xi32, #tpu.memory_space<vmem>> -> memref<1x125xi32, #tpu.memory_space<vmem>>
        %dma_start3A_173 = tpu.memref_squeeze %dma_start3A_172 : memref<1x125xi32, #tpu.memory_space<vmem>> -> memref<125xi32, #tpu.memory_space<vmem>>
        %dma_start3A_174 = arith.constant 0 : i32
        %dma_start3A_175 = arith.constant 0 : i32
        %dma_start3A_176 = tpu.memref_slice %arg16[%dma_start3A_174, %dma_start3A_175] : memref<10000x64xf32, #tpu.memory_space<vmem_shared>> -> memref<10000x64xf32, #tpu.memory_space<vmem_shared>>
        tpu.enqueue_indirect_dma source(%arg14 : memref<125x64xf32, #tpu.memory_space<vmem>>) target(%dma_start3A_176 : memref<10000x64xf32, #tpu.memory_space<vmem_shared>>) offsets(%dma_start3A_173 : memref<125xi32, #tpu.memory_space<vmem>>) semaphore(%arg21 : memref<!tpu.dma_semaphore, #tpu.memory_space<semaphore_mem>>) {add = true}
        %add3A_177 = arith.constant 2 : i32
        %add3A_178 = arith.addi %add3A_146, %add3A_177 : i32
        %lt3A = arith.constant 160 : i32
        %lt3A_179 = arith.cmpi slt, %add3A_178, %lt3A : i32
        %sub3A = arith.constant 160 : i32
        %sub3A_180 = arith.subi %add3A_178, %sub3A : i32
        %select_n3A = arith.select %lt3A_179, %add3A_178, %sub3A_180 : i32
        %dma_start3A_181 = arith.constant 0 : i32
        %dma_start3A_182 = tpu.memref_slice %arg8[%select_n3A, %dma_start3A_181] : memref<160x125xi32, #tpu.memory_space<vmem>> -> memref<1x125xi32, #tpu.memory_space<vmem>>
        %dma_start3A_183 = tpu.memref_squeeze %dma_start3A_182 : memref<1x125xi32, #tpu.memory_space<vmem>> -> memref<125xi32, #tpu.memory_space<vmem>>
        %dma_start3A_184 = arith.constant 0 : i32
        %dma_start3A_185 = arith.constant 0 : i32
        %dma_start3A_186 = tpu.memref_slice %arg2[%dma_start3A_184, %dma_start3A_185] : memref<10000x64xf32, #tpu.memory_space<hbm>> -> memref<10000x64xf32, #tpu.memory_space<hbm>>
        tpu.enqueue_indirect_dma source(%dma_start3A_186 : memref<10000x64xf32, #tpu.memory_space<hbm>>) target(%arg10 : memref<125x64xf32, #tpu.memory_space<vmem>>) offsets(%dma_start3A_183 : memref<125xi32, #tpu.memory_space<vmem>>) semaphore(%arg17 : memref<!tpu.dma_semaphore, #tpu.memory_space<semaphore_mem>>)
        %dma_start3A_187 = arith.constant 0 : i32
        %dma_start3A_188 = tpu.memref_slice %arg9[%select_n3A, %dma_start3A_187] : memref<160x125xi32, #tpu.memory_space<vmem>> -> memref<1x125xi32, #tpu.memory_space<vmem>>
        %dma_start3A_189 = tpu.memref_squeeze %dma_start3A_188 : memref<1x125xi32, #tpu.memory_space<vmem>> -> memref<125xi32, #tpu.memory_space<vmem>>
        %dma_start3A_190 = arith.constant 0 : i32
        %dma_start3A_191 = arith.constant 0 : i32
        %dma_start3A_192 = tpu.memref_slice %arg4[%dma_start3A_190, %dma_start3A_191] : memref<10000x64xf32, #tpu.memory_space<hbm>> -> memref<10000x64xf32, #tpu.memory_space<hbm>>
        tpu.enqueue_indirect_dma source(%dma_start3A_192 : memref<10000x64xf32, #tpu.memory_space<hbm>>) target(%arg12 : memref<125x64xf32, #tpu.memory_space<vmem>>) offsets(%dma_start3A_189 : memref<125xi32, #tpu.memory_space<vmem>>) semaphore(%arg19 : memref<!tpu.dma_semaphore, #tpu.memory_space<semaphore_mem>>)
        %add3A_193 = arith.constant 1 : i32
        %add3A_194 = arith.addi %mul3A_144, %add3A_193 : i32
        %dma_wait3A_195 = arith.constant 0 : i32
        %dma_wait3A_196 = tpu.memref_slice %arg8[%add3A_194, %dma_wait3A_195] : memref<160x125xi32, #tpu.memory_space<vmem>> -> memref<1x125xi32, #tpu.memory_space<vmem>>
        %dma_wait3A_197 = tpu.memref_squeeze %dma_wait3A_196 : memref<1x125xi32, #tpu.memory_space<vmem>> -> memref<125xi32, #tpu.memory_space<vmem>>
        %dma_wait3A_198 = arith.constant 0 : i32
        %dma_wait3A_199 = arith.constant 0 : i32
        %dma_wait3A_200 = tpu.memref_slice %arg2[%dma_wait3A_198, %dma_wait3A_199] : memref<10000x64xf32, #tpu.memory_space<hbm>> -> memref<10000x64xf32, #tpu.memory_space<hbm>>
        tpu.wait_indirect_dma semaphore(%arg18 : memref<!tpu.dma_semaphore, #tpu.memory_space<semaphore_mem>>) src(%dma_wait3A_200 : memref<10000x64xf32, #tpu.memory_space<hbm>>) dst(%arg11 : memref<125x64xf32, #tpu.memory_space<vmem>>)
        %dma_wait3A_201 = arith.constant 0 : i32
        %dma_wait3A_202 = tpu.memref_slice %arg9[%add3A_194, %dma_wait3A_201] : memref<160x125xi32, #tpu.memory_space<vmem>> -> memref<1x125xi32, #tpu.memory_space<vmem>>
        %dma_wait3A_203 = tpu.memref_squeeze %dma_wait3A_202 : memref<1x125xi32, #tpu.memory_space<vmem>> -> memref<125xi32, #tpu.memory_space<vmem>>
        %dma_wait3A_204 = arith.constant 0 : i32
        %dma_wait3A_205 = arith.constant 0 : i32
        %dma_wait3A_206 = tpu.memref_slice %arg4[%dma_wait3A_204, %dma_wait3A_205] : memref<10000x64xf32, #tpu.memory_space<hbm>> -> memref<10000x64xf32, #tpu.memory_space<hbm>>
        tpu.wait_indirect_dma semaphore(%arg20 : memref<!tpu.dma_semaphore, #tpu.memory_space<semaphore_mem>>) src(%dma_wait3A_206 : memref<10000x64xf32, #tpu.memory_space<hbm>>) dst(%arg13 : memref<125x64xf32, #tpu.memory_space<vmem>>)
        %dma_wait3A_207 = arith.constant 0 : i32
        %dma_wait3A_208 = tpu.memref_slice %arg9[%add3A_194, %dma_wait3A_207] : memref<160x125xi32, #tpu.memory_space<vmem>> -> memref<1x125xi32, #tpu.memory_space<vmem>>
        %dma_wait3A_209 = tpu.memref_squeeze %dma_wait3A_208 : memref<1x125xi32, #tpu.memory_space<vmem>> -> memref<125xi32, #tpu.memory_space<vmem>>
        %dma_wait3A_210 = arith.constant 0 : i32
        %dma_wait3A_211 = arith.constant 0 : i32
        %dma_wait3A_212 = tpu.memref_slice %arg16[%dma_wait3A_210, %dma_wait3A_211] : memref<10000x64xf32, #tpu.memory_space<vmem_shared>> -> memref<10000x64xf32, #tpu.memory_space<vmem_shared>>
        tpu.wait_indirect_dma semaphore(%arg22 : memref<!tpu.dma_semaphore, #tpu.memory_space<semaphore_mem>>) src(%arg15 : memref<125x64xf32, #tpu.memory_space<vmem>>) dst(%dma_wait3A_212 : memref<10000x64xf32, #tpu.memory_space<vmem_shared>>)
        %scan3A_213 = arith.constant 0 : i32
        %scan3A_214 = arith.constant 0 : i32
        %scan3A_215 = arith.constant 25 : i32
        %scan3A_216 = arith.addi %scan3A_214, %scan3A_215 : i32
        %scan3A_217 = arith.constant 1 : i32
        scf.for %scan3A_244 = %scan3A_214 to %scan3A_216 step %scan3A_217  : i32 {
          %mul3A_245 = arith.constant 5 : i32
          %mul3A_246 = arith.muli %scan3A_244, %mul3A_245 : i32
          %add3A_247 = arith.constant 0 : i32
          %add3A_248 = arith.addi %mul3A_246, %add3A_247 : i32
          %get3A = arith.index_cast %add3A_248 : i32 to index
          %get3A_249 = arith.constant 0 : index
          %get3A_250 = tpu.vector_load %arg11[%get3A, %get3A_249] {strides = array<i32>} : memref<125x64xf32, #tpu.memory_space<vmem>>, vector<1x16xf32>,
          %get3A_251 = vector.shape_cast %get3A_250 : vector<1x16xf32> to vector<16xf32>
          %get3A_252 = arith.index_cast %add3A_248 : i32 to index
          %get3A_253 = arith.constant 0 : index
          %get3A_254 = tpu.vector_load %arg13[%get3A_252, %get3A_253] {strides = array<i32>} : memref<125x64xf32, #tpu.memory_space<vmem>>, vector<1x16xf32>,
          %get3A_255 = vector.shape_cast %get3A_254 : vector<1x16xf32> to vector<16xf32>
          %add3A_256 = arith.addf %get3A_251, %get3A_255 : vector<16xf32>
          %max3A = arith.constant 0.000000e+00 : f32
          %max3A_257 = vector.broadcast %max3A : f32 to vector<16xf32>
          %max3A_258 = arith.maximumf %add3A_256, %max3A_257 : vector<16xf32>
          %swap3A = arith.index_cast %add3A_248 : i32 to index
          %swap3A_259 = arith.constant 0 : index
          %swap3A_260 = tpu.vector_load %arg15[%swap3A, %swap3A_259] {strides = array<i32>} : memref<125x64xf32, #tpu.memory_space<vmem>>, vector<1x16xf32>,
          %swap3A_261 = vector.shape_cast %swap3A_260 : vector<1x16xf32> to vector<16xf32>
          %swap3A_262 = vector.shape_cast %max3A_258 : vector<16xf32> to vector<1x16xf32>
          tpu.vector_store %arg15[%swap3A, %swap3A_259], %swap3A_262 {strides = array<i32>} : memref<125x64xf32, #tpu.memory_space<vmem>>, vector<1x16xf32>,
          %get3A_263 = arith.index_cast %add3A_248 : i32 to index
          %get3A_264 = arith.constant 16 : index
          %get3A_265 = tpu.vector_load %arg11[%get3A_263, %get3A_264] {strides = array<i32>} : memref<125x64xf32, #tpu.memory_space<vmem>>, vector<1x16xf32>,
          %get3A_266 = vector.shape_cast %get3A_265 : vector<1x16xf32> to vector<16xf32>
          %get3A_267 = arith.index_cast %add3A_248 : i32 to index
          %get3A_268 = arith.constant 16 : index
          %get3A_269 = tpu.vector_load %arg13[%get3A_267, %get3A_268] {strides = array<i32>} : memref<125x64xf32, #tpu.memory_space<vmem>>, vector<1x16xf32>,
          %get3A_270 = vector.shape_cast %get3A_269 : vector<1x16xf32> to vector<16xf32>
          %add3A_271 = arith.addf %get3A_266, %get3A_270 : vector<16xf32>
          %max3A_272 = arith.constant 0.000000e+00 : f32
          %max3A_273 = vector.broadcast %max3A_272 : f32 to vector<16xf32>
          %max3A_274 = arith.maximumf %add3A_271, %max3A_273 : vector<16xf32>
          %swap3A_275 = arith.index_cast %add3A_248 : i32 to index
          %swap3A_276 = arith.constant 16 : index
          %swap3A_277 = tpu.vector_load %arg15[%swap3A_275, %swap3A_276] {strides = array<i32>} : memref<125x64xf32, #tpu.memory_space<vmem>>, vector<1x16xf32>,
          %swap3A_278 = vector.shape_cast %swap3A_277 : vector<1x16xf32> to vector<16xf32>
          %swap3A_279 = vector.shape_cast %max3A_274 : vector<16xf32> to vector<1x16xf32>
          tpu.vector_store %arg15[%swap3A_275, %swap3A_276], %swap3A_279 {strides = array<i32>} : memref<125x64xf32, #tpu.memory_space<vmem>>, vector<1x16xf32>,
          %get3A_280 = arith.index_cast %add3A_248 : i32 to index
          %get3A_281 = arith.constant 32 : index
          %get3A_282 = tpu.vector_load %arg11[%get3A_280, %get3A_281] {strides = array<i32>} : memref<125x64xf32, #tpu.memory_space<vmem>>, vector<1x16xf32>,
          %get3A_283 = vector.shape_cast %get3A_282 : vector<1x16xf32> to vector<16xf32>
          %get3A_284 = arith.index_cast %add3A_248 : i32 to index
          %get3A_285 = arith.constant 32 : index
          %get3A_286 = tpu.vector_load %arg13[%get3A_284, %get3A_285] {strides = array<i32>} : memref<125x64xf32, #tpu.memory_space<vmem>>, vector<1x16xf32>,
          %get3A_287 = vector.shape_cast %get3A_286 : vector<1x16xf32> to vector<16xf32>
          %add3A_288 = arith.addf %get3A_283, %get3A_287 : vector<16xf32>
          %max3A_289 = arith.constant 0.000000e+00 : f32
          %max3A_290 = vector.broadcast %max3A_289 : f32 to vector<16xf32>
          %max3A_291 = arith.maximumf %add3A_288, %max3A_290 : vector<16xf32>
          %swap3A_292 = arith.index_cast %add3A_248 : i32 to index
          %swap3A_293 = arith.constant 32 : index
          %swap3A_294 = tpu.vector_load %arg15[%swap3A_292, %swap3A_293] {strides = array<i32>} : memref<125x64xf32, #tpu.memory_space<vmem>>, vector<1x16xf32>,
          %swap3A_295 = vector.shape_cast %swap3A_294 : vector<1x16xf32> to vector<16xf32>
          %swap3A_296 = vector.shape_cast %max3A_291 : vector<16xf32> to vector<1x16xf32>
          tpu.vector_store %arg15[%swap3A_292, %swap3A_293], %swap3A_296 {strides = array<i32>} : memref<125x64xf32, #tpu.memory_space<vmem>>, vector<1x16xf32>,
          %get3A_297 = arith.index_cast %add3A_248 : i32 to index
          %get3A_298 = arith.constant 48 : index
          %get3A_299 = tpu.vector_load %arg11[%get3A_297, %get3A_298] {strides = array<i32>} : memref<125x64xf32, #tpu.memory_space<vmem>>, vector<1x16xf32>,
          %get3A_300 = vector.shape_cast %get3A_299 : vector<1x16xf32> to vector<16xf32>
          %get3A_301 = arith.index_cast %add3A_248 : i32 to index
          %get3A_302 = arith.constant 48 : index
          %get3A_303 = tpu.vector_load %arg13[%get3A_301, %get3A_302] {strides = array<i32>} : memref<125x64xf32, #tpu.memory_space<vmem>>, vector<1x16xf32>,
          %get3A_304 = vector.shape_cast %get3A_303 : vector<1x16xf32> to vector<16xf32>
          %add3A_305 = arith.addf %get3A_300, %get3A_304 : vector<16xf32>
          %max3A_306 = arith.constant 0.000000e+00 : f32
          %max3A_307 = vector.broadcast %max3A_306 : f32 to vector<16xf32>
          %max3A_308 = arith.maximumf %add3A_305, %max3A_307 : vector<16xf32>
          %swap3A_309 = arith.index_cast %add3A_248 : i32 to index
          %swap3A_310 = arith.constant 48 : index
          %swap3A_311 = tpu.vector_load %arg15[%swap3A_309, %swap3A_310] {strides = array<i32>} : memref<125x64xf32, #tpu.memory_space<vmem>>, vector<1x16xf32>,
          %swap3A_312 = vector.shape_cast %swap3A_311 : vector<1x16xf32> to vector<16xf32>
          %swap3A_313 = vector.shape_cast %max3A_308 : vector<16xf32> to vector<1x16xf32>
          tpu.vector_store %arg15[%swap3A_309, %swap3A_310], %swap3A_313 {strides = array<i32>} : memref<125x64xf32, #tpu.memory_space<vmem>>, vector<1x16xf32>,
          %mul3A_314 = arith.constant 5 : i32
          %mul3A_315 = arith.muli %scan3A_244, %mul3A_314 : i32
          %add3A_316 = arith.constant 1 : i32
          %add3A_317 = arith.addi %mul3A_315, %add3A_316 : i32
          %get3A_318 = arith.index_cast %add3A_317 : i32 to index
          %get3A_319 = arith.constant 0 : index
          %get3A_320 = tpu.vector_load %arg11[%get3A_318, %get3A_319] {strides = array<i32>} : memref<125x64xf32, #tpu.memory_space<vmem>>, vector<1x16xf32>,
          %get3A_321 = vector.shape_cast %get3A_320 : vector<1x16xf32> to vector<16xf32>
          %get3A_322 = arith.index_cast %add3A_317 : i32 to index
          %get3A_323 = arith.constant 0 : index
          %get3A_324 = tpu.vector_load %arg13[%get3A_322, %get3A_323] {strides = array<i32>} : memref<125x64xf32, #tpu.memory_space<vmem>>, vector<1x16xf32>,
          %get3A_325 = vector.shape_cast %get3A_324 : vector<1x16xf32> to vector<16xf32>
          %add3A_326 = arith.addf %get3A_321, %get3A_325 : vector<16xf32>
          %max3A_327 = arith.constant 0.000000e+00 : f32
          %max3A_328 = vector.broadcast %max3A_327 : f32 to vector<16xf32>
          %max3A_329 = arith.maximumf %add3A_326, %max3A_328 : vector<16xf32>
          %swap3A_330 = arith.index_cast %add3A_317 : i32 to index
          %swap3A_331 = arith.constant 0 : index
          %swap3A_332 = tpu.vector_load %arg15[%swap3A_330, %swap3A_331] {strides = array<i32>} : memref<125x64xf32, #tpu.memory_space<vmem>>, vector<1x16xf32>,
          %swap3A_333 = vector.shape_cast %swap3A_332 : vector<1x16xf32> to vector<16xf32>
          %swap3A_334 = vector.shape_cast %max3A_329 : vector<16xf32> to vector<1x16xf32>
          tpu.vector_store %arg15[%swap3A_330, %swap3A_331], %swap3A_334 {strides = array<i32>} : memref<125x64xf32, #tpu.memory_space<vmem>>, vector<1x16xf32>,
          %get3A_335 = arith.index_cast %add3A_317 : i32 to index
          %get3A_336 = arith.constant 16 : index
          %get3A_337 = tpu.vector_load %arg11[%get3A_335, %get3A_336] {strides = array<i32>} : memref<125x64xf32, #tpu.memory_space<vmem>>, vector<1x16xf32>,
          %get3A_338 = vector.shape_cast %get3A_337 : vector<1x16xf32> to vector<16xf32>
          %get3A_339 = arith.index_cast %add3A_317 : i32 to index
          %get3A_340 = arith.constant 16 : index
          %get3A_341 = tpu.vector_load %arg13[%get3A_339, %get3A_340] {strides = array<i32>} : memref<125x64xf32, #tpu.memory_space<vmem>>, vector<1x16xf32>,
          %get3A_342 = vector.shape_cast %get3A_341 : vector<1x16xf32> to vector<16xf32>
          %add3A_343 = arith.addf %get3A_338, %get3A_342 : vector<16xf32>
          %max3A_344 = arith.constant 0.000000e+00 : f32
          %max3A_345 = vector.broadcast %max3A_344 : f32 to vector<16xf32>
          %max3A_346 = arith.maximumf %add3A_343, %max3A_345 : vector<16xf32>
          %swap3A_347 = arith.index_cast %add3A_317 : i32 to index
          %swap3A_348 = arith.constant 16 : index
          %swap3A_349 = tpu.vector_load %arg15[%swap3A_347, %swap3A_348] {strides = array<i32>} : memref<125x64xf32, #tpu.memory_space<vmem>>, vector<1x16xf32>,
          %swap3A_350 = vector.shape_cast %swap3A_349 : vector<1x16xf32> to vector<16xf32>
          %swap3A_351 = vector.shape_cast %max3A_346 : vector<16xf32> to vector<1x16xf32>
          tpu.vector_store %arg15[%swap3A_347, %swap3A_348], %swap3A_351 {strides = array<i32>} : memref<125x64xf32, #tpu.memory_space<vmem>>, vector<1x16xf32>,
          %get3A_352 = arith.index_cast %add3A_317 : i32 to index
          %get3A_353 = arith.constant 32 : index
          %get3A_354 = tpu.vector_load %arg11[%get3A_352, %get3A_353] {strides = array<i32>} : memref<125x64xf32, #tpu.memory_space<vmem>>, vector<1x16xf32>,
          %get3A_355 = vector.shape_cast %get3A_354 : vector<1x16xf32> to vector<16xf32>
          %get3A_356 = arith.index_cast %add3A_317 : i32 to index
          %get3A_357 = arith.constant 32 : index
          %get3A_358 = tpu.vector_load %arg13[%get3A_356, %get3A_357] {strides = array<i32>} : memref<125x64xf32, #tpu.memory_space<vmem>>, vector<1x16xf32>,
          %get3A_359 = vector.shape_cast %get3A_358 : vector<1x16xf32> to vector<16xf32>
          %add3A_360 = arith.addf %get3A_355, %get3A_359 : vector<16xf32>
          %max3A_361 = arith.constant 0.000000e+00 : f32
          %max3A_362 = vector.broadcast %max3A_361 : f32 to vector<16xf32>
          %max3A_363 = arith.maximumf %add3A_360, %max3A_362 : vector<16xf32>
          %swap3A_364 = arith.index_cast %add3A_317 : i32 to index
          %swap3A_365 = arith.constant 32 : index
          %swap3A_366 = tpu.vector_load %arg15[%swap3A_364, %swap3A_365] {strides = array<i32>} : memref<125x64xf32, #tpu.memory_space<vmem>>, vector<1x16xf32>,
          %swap3A_367 = vector.shape_cast %swap3A_366 : vector<1x16xf32> to vector<16xf32>
          %swap3A_368 = vector.shape_cast %max3A_363 : vector<16xf32> to vector<1x16xf32>
          tpu.vector_store %arg15[%swap3A_364, %swap3A_365], %swap3A_368 {strides = array<i32>} : memref<125x64xf32, #tpu.memory_space<vmem>>, vector<1x16xf32>,
          %get3A_369 = arith.index_cast %add3A_317 : i32 to index
          %get3A_370 = arith.constant 48 : index
          %get3A_371 = tpu.vector_load %arg11[%get3A_369, %get3A_370] {strides = array<i32>} : memref<125x64xf32, #tpu.memory_space<vmem>>, vector<1x16xf32>,
          %get3A_372 = vector.shape_cast %get3A_371 : vector<1x16xf32> to vector<16xf32>
          %get3A_373 = arith.index_cast %add3A_317 : i32 to index
          %get3A_374 = arith.constant 48 : index
          %get3A_375 = tpu.vector_load %arg13[%get3A_373, %get3A_374] {strides = array<i32>} : memref<125x64xf32, #tpu.memory_space<vmem>>, vector<1x16xf32>,
          %get3A_376 = vector.shape_cast %get3A_375 : vector<1x16xf32> to vector<16xf32>
          %add3A_377 = arith.addf %get3A_372, %get3A_376 : vector<16xf32>
          %max3A_378 = arith.constant 0.000000e+00 : f32
          %max3A_379 = vector.broadcast %max3A_378 : f32 to vector<16xf32>
          %max3A_380 = arith.maximumf %add3A_377, %max3A_379 : vector<16xf32>
          %swap3A_381 = arith.index_cast %add3A_317 : i32 to index
          %swap3A_382 = arith.constant 48 : index
          %swap3A_383 = tpu.vector_load %arg15[%swap3A_381, %swap3A_382] {strides = array<i32>} : memref<125x64xf32, #tpu.memory_space<vmem>>, vector<1x16xf32>,
          %swap3A_384 = vector.shape_cast %swap3A_383 : vector<1x16xf32> to vector<16xf32>
          %swap3A_385 = vector.shape_cast %max3A_380 : vector<16xf32> to vector<1x16xf32>
          tpu.vector_store %arg15[%swap3A_381, %swap3A_382], %swap3A_385 {strides = array<i32>} : memref<125x64xf32, #tpu.memory_space<vmem>>, vector<1x16xf32>,
          %mul3A_386 = arith.constant 5 : i32
          %mul3A_387 = arith.muli %scan3A_244, %mul3A_386 : i32
          %add3A_388 = arith.constant 2 : i32
          %add3A_389 = arith.addi %mul3A_387, %add3A_388 : i32
          %get3A_390 = arith.index_cast %add3A_389 : i32 to index
          %get3A_391 = arith.constant 0 : index
          %get3A_392 = tpu.vector_load %arg11[%get3A_390, %get3A_391] {strides = array<i32>} : memref<125x64xf32, #tpu.memory_space<vmem>>, vector<1x16xf32>,
          %get3A_393 = vector.shape_cast %get3A_392 : vector<1x16xf32> to vector<16xf32>
          %get3A_394 = arith.index_cast %add3A_389 : i32 to index
          %get3A_395 = arith.constant 0 : index
          %get3A_396 = tpu.vector_load %arg13[%get3A_394, %get3A_395] {strides = array<i32>} : memref<125x64xf32, #tpu.memory_space<vmem>>, vector<1x16xf32>,
          %get3A_397 = vector.shape_cast %get3A_396 : vector<1x16xf32> to vector<16xf32>
          %add3A_398 = arith.addf %get3A_393, %get3A_397 : vector<16xf32>
          %max3A_399 = arith.constant 0.000000e+00 : f32
          %max3A_400 = vector.broadcast %max3A_399 : f32 to vector<16xf32>
          %max3A_401 = arith.maximumf %add3A_398, %max3A_400 : vector<16xf32>
          %swap3A_402 = arith.index_cast %add3A_389 : i32 to index
          %swap3A_403 = arith.constant 0 : index
          %swap3A_404 = tpu.vector_load %arg15[%swap3A_402, %swap3A_403] {strides = array<i32>} : memref<125x64xf32, #tpu.memory_space<vmem>>, vector<1x16xf32>,
          %swap3A_405 = vector.shape_cast %swap3A_404 : vector<1x16xf32> to vector<16xf32>
          %swap3A_406 = vector.shape_cast %max3A_401 : vector<16xf32> to vector<1x16xf32>
          tpu.vector_store %arg15[%swap3A_402, %swap3A_403], %swap3A_406 {strides = array<i32>} : memref<125x64xf32, #tpu.memory_space<vmem>>, vector<1x16xf32>,
          %get3A_407 = arith.index_cast %add3A_389 : i32 to index
          %get3A_408 = arith.constant 16 : index
          %get3A_409 = tpu.vector_load %arg11[%get3A_407, %get3A_408] {strides = array<i32>} : memref<125x64xf32, #tpu.memory_space<vmem>>, vector<1x16xf32>,
          %get3A_410 = vector.shape_cast %get3A_409 : vector<1x16xf32> to vector<16xf32>
          %get3A_411 = arith.index_cast %add3A_389 : i32 to index
          %get3A_412 = arith.constant 16 : index
          %get3A_413 = tpu.vector_load %arg13[%get3A_411, %get3A_412] {strides = array<i32>} : memref<125x64xf32, #tpu.memory_space<vmem>>, vector<1x16xf32>,
          %get3A_414 = vector.shape_cast %get3A_413 : vector<1x16xf32> to vector<16xf32>
          %add3A_415 = arith.addf %get3A_410, %get3A_414 : vector<16xf32>
          %max3A_416 = arith.constant 0.000000e+00 : f32
          %max3A_417 = vector.broadcast %max3A_416 : f32 to vector<16xf32>
          %max3A_418 = arith.maximumf %add3A_415, %max3A_417 : vector<16xf32>
          %swap3A_419 = arith.index_cast %add3A_389 : i32 to index
          %swap3A_420 = arith.constant 16 : index
          %swap3A_421 = tpu.vector_load %arg15[%swap3A_419, %swap3A_420] {strides = array<i32>} : memref<125x64xf32, #tpu.memory_space<vmem>>, vector<1x16xf32>,
          %swap3A_422 = vector.shape_cast %swap3A_421 : vector<1x16xf32> to vector<16xf32>
          %swap3A_423 = vector.shape_cast %max3A_418 : vector<16xf32> to vector<1x16xf32>
          tpu.vector_store %arg15[%swap3A_419, %swap3A_420], %swap3A_423 {strides = array<i32>} : memref<125x64xf32, #tpu.memory_space<vmem>>, vector<1x16xf32>,
          %get3A_424 = arith.index_cast %add3A_389 : i32 to index
          %get3A_425 = arith.constant 32 : index
          %get3A_426 = tpu.vector_load %arg11[%get3A_424, %get3A_425] {strides = array<i32>} : memref<125x64xf32, #tpu.memory_space<vmem>>, vector<1x16xf32>,
          %get3A_427 = vector.shape_cast %get3A_426 : vector<1x16xf32> to vector<16xf32>
          %get3A_428 = arith.index_cast %add3A_389 : i32 to index
          %get3A_429 = arith.constant 32 : index
          %get3A_430 = tpu.vector_load %arg13[%get3A_428, %get3A_429] {strides = array<i32>} : memref<125x64xf32, #tpu.memory_space<vmem>>, vector<1x16xf32>,
          %get3A_431 = vector.shape_cast %get3A_430 : vector<1x16xf32> to vector<16xf32>
          %add3A_432 = arith.addf %get3A_427, %get3A_431 : vector<16xf32>
          %max3A_433 = arith.constant 0.000000e+00 : f32
          %max3A_434 = vector.broadcast %max3A_433 : f32 to vector<16xf32>
          %max3A_435 = arith.maximumf %add3A_432, %max3A_434 : vector<16xf32>
          %swap3A_436 = arith.index_cast %add3A_389 : i32 to index
          %swap3A_437 = arith.constant 32 : index
          %swap3A_438 = tpu.vector_load %arg15[%swap3A_436, %swap3A_437] {strides = array<i32>} : memref<125x64xf32, #tpu.memory_space<vmem>>, vector<1x16xf32>,
          %swap3A_439 = vector.shape_cast %swap3A_438 : vector<1x16xf32> to vector<16xf32>
          %swap3A_440 = vector.shape_cast %max3A_435 : vector<16xf32> to vector<1x16xf32>
          tpu.vector_store %arg15[%swap3A_436, %swap3A_437], %swap3A_440 {strides = array<i32>} : memref<125x64xf32, #tpu.memory_space<vmem>>, vector<1x16xf32>,
          %get3A_441 = arith.index_cast %add3A_389 : i32 to index
          %get3A_442 = arith.constant 48 : index
          %get3A_443 = tpu.vector_load %arg11[%get3A_441, %get3A_442] {strides = array<i32>} : memref<125x64xf32, #tpu.memory_space<vmem>>, vector<1x16xf32>,
          %get3A_444 = vector.shape_cast %get3A_443 : vector<1x16xf32> to vector<16xf32>
          %get3A_445 = arith.index_cast %add3A_389 : i32 to index
          %get3A_446 = arith.constant 48 : index
          %get3A_447 = tpu.vector_load %arg13[%get3A_445, %get3A_446] {strides = array<i32>} : memref<125x64xf32, #tpu.memory_space<vmem>>, vector<1x16xf32>,
          %get3A_448 = vector.shape_cast %get3A_447 : vector<1x16xf32> to vector<16xf32>
          %add3A_449 = arith.addf %get3A_444, %get3A_448 : vector<16xf32>
          %max3A_450 = arith.constant 0.000000e+00 : f32
          %max3A_451 = vector.broadcast %max3A_450 : f32 to vector<16xf32>
          %max3A_452 = arith.maximumf %add3A_449, %max3A_451 : vector<16xf32>
          %swap3A_453 = arith.index_cast %add3A_389 : i32 to index
          %swap3A_454 = arith.constant 48 : index
          %swap3A_455 = tpu.vector_load %arg15[%swap3A_453, %swap3A_454] {strides = array<i32>} : memref<125x64xf32, #tpu.memory_space<vmem>>, vector<1x16xf32>,
          %swap3A_456 = vector.shape_cast %swap3A_455 : vector<1x16xf32> to vector<16xf32>
          %swap3A_457 = vector.shape_cast %max3A_452 : vector<16xf32> to vector<1x16xf32>
          tpu.vector_store %arg15[%swap3A_453, %swap3A_454], %swap3A_457 {strides = array<i32>} : memref<125x64xf32, #tpu.memory_space<vmem>>, vector<1x16xf32>,
          %mul3A_458 = arith.constant 5 : i32
          %mul3A_459 = arith.muli %scan3A_244, %mul3A_458 : i32
          %add3A_460 = arith.constant 3 : i32
          %add3A_461 = arith.addi %mul3A_459, %add3A_460 : i32
          %get3A_462 = arith.index_cast %add3A_461 : i32 to index
          %get3A_463 = arith.constant 0 : index
          %get3A_464 = tpu.vector_load %arg11[%get3A_462, %get3A_463] {strides = array<i32>} : memref<125x64xf32, #tpu.memory_space<vmem>>, vector<1x16xf32>,
          %get3A_465 = vector.shape_cast %get3A_464 : vector<1x16xf32> to vector<16xf32>
          %get3A_466 = arith.index_cast %add3A_461 : i32 to index
          %get3A_467 = arith.constant 0 : index
          %get3A_468 = tpu.vector_load %arg13[%get3A_466, %get3A_467] {strides = array<i32>} : memref<125x64xf32, #tpu.memory_space<vmem>>, vector<1x16xf32>,
          %get3A_469 = vector.shape_cast %get3A_468 : vector<1x16xf32> to vector<16xf32>
          %add3A_470 = arith.addf %get3A_465, %get3A_469 : vector<16xf32>
          %max3A_471 = arith.constant 0.000000e+00 : f32
          %max3A_472 = vector.broadcast %max3A_471 : f32 to vector<16xf32>
          %max3A_473 = arith.maximumf %add3A_470, %max3A_472 : vector<16xf32>
          %swap3A_474 = arith.index_cast %add3A_461 : i32 to index
          %swap3A_475 = arith.constant 0 : index
          %swap3A_476 = tpu.vector_load %arg15[%swap3A_474, %swap3A_475] {strides = array<i32>} : memref<125x64xf32, #tpu.memory_space<vmem>>, vector<1x16xf32>,
          %swap3A_477 = vector.shape_cast %swap3A_476 : vector<1x16xf32> to vector<16xf32>
          %swap3A_478 = vector.shape_cast %max3A_473 : vector<16xf32> to vector<1x16xf32>
          tpu.vector_store %arg15[%swap3A_474, %swap3A_475], %swap3A_478 {strides = array<i32>} : memref<125x64xf32, #tpu.memory_space<vmem>>, vector<1x16xf32>,
          %get3A_479 = arith.index_cast %add3A_461 : i32 to index
          %get3A_480 = arith.constant 16 : index
          %get3A_481 = tpu.vector_load %arg11[%get3A_479, %get3A_480] {strides = array<i32>} : memref<125x64xf32, #tpu.memory_space<vmem>>, vector<1x16xf32>,
          %get3A_482 = vector.shape_cast %get3A_481 : vector<1x16xf32> to vector<16xf32>
          %get3A_483 = arith.index_cast %add3A_461 : i32 to index
          %get3A_484 = arith.constant 16 : index
          %get3A_485 = tpu.vector_load %arg13[%get3A_483, %get3A_484] {strides = array<i32>} : memref<125x64xf32, #tpu.memory_space<vmem>>, vector<1x16xf32>,
          %get3A_486 = vector.shape_cast %get3A_485 : vector<1x16xf32> to vector<16xf32>
          %add3A_487 = arith.addf %get3A_482, %get3A_486 : vector<16xf32>
          %max3A_488 = arith.constant 0.000000e+00 : f32
          %max3A_489 = vector.broadcast %max3A_488 : f32 to vector<16xf32>
          %max3A_490 = arith.maximumf %add3A_487, %max3A_489 : vector<16xf32>
          %swap3A_491 = arith.index_cast %add3A_461 : i32 to index
          %swap3A_492 = arith.constant 16 : index
          %swap3A_493 = tpu.vector_load %arg15[%swap3A_491, %swap3A_492] {strides = array<i32>} : memref<125x64xf32, #tpu.memory_space<vmem>>, vector<1x16xf32>,
          %swap3A_494 = vector.shape_cast %swap3A_493 : vector<1x16xf32> to vector<16xf32>
          %swap3A_495 = vector.shape_cast %max3A_490 : vector<16xf32> to vector<1x16xf32>
          tpu.vector_store %arg15[%swap3A_491, %swap3A_492], %swap3A_495 {strides = array<i32>} : memref<125x64xf32, #tpu.memory_space<vmem>>, vector<1x16xf32>,
          %get3A_496 = arith.index_cast %add3A_461 : i32 to index
          %get3A_497 = arith.constant 32 : index
          %get3A_498 = tpu.vector_load %arg11[%get3A_496, %get3A_497] {strides = array<i32>} : memref<125x64xf32, #tpu.memory_space<vmem>>, vector<1x16xf32>,
          %get3A_499 = vector.shape_cast %get3A_498 : vector<1x16xf32> to vector<16xf32>
          %get3A_500 = arith.index_cast %add3A_461 : i32 to index
          %get3A_501 = arith.constant 32 : index
          %get3A_502 = tpu.vector_load %arg13[%get3A_500, %get3A_501] {strides = array<i32>} : memref<125x64xf32, #tpu.memory_space<vmem>>, vector<1x16xf32>,
          %get3A_503 = vector.shape_cast %get3A_502 : vector<1x16xf32> to vector<16xf32>
          %add3A_504 = arith.addf %get3A_499, %get3A_503 : vector<16xf32>
          %max3A_505 = arith.constant 0.000000e+00 : f32
          %max3A_506 = vector.broadcast %max3A_505 : f32 to vector<16xf32>
          %max3A_507 = arith.maximumf %add3A_504, %max3A_506 : vector<16xf32>
          %swap3A_508 = arith.index_cast %add3A_461 : i32 to index
          %swap3A_509 = arith.constant 32 : index
          %swap3A_510 = tpu.vector_load %arg15[%swap3A_508, %swap3A_509] {strides = array<i32>} : memref<125x64xf32, #tpu.memory_space<vmem>>, vector<1x16xf32>,
          %swap3A_511 = vector.shape_cast %swap3A_510 : vector<1x16xf32> to vector<16xf32>
          %swap3A_512 = vector.shape_cast %max3A_507 : vector<16xf32> to vector<1x16xf32>
          tpu.vector_store %arg15[%swap3A_508, %swap3A_509], %swap3A_512 {strides = array<i32>} : memref<125x64xf32, #tpu.memory_space<vmem>>, vector<1x16xf32>,
          %get3A_513 = arith.index_cast %add3A_461 : i32 to index
          %get3A_514 = arith.constant 48 : index
          %get3A_515 = tpu.vector_load %arg11[%get3A_513, %get3A_514] {strides = array<i32>} : memref<125x64xf32, #tpu.memory_space<vmem>>, vector<1x16xf32>,
          %get3A_516 = vector.shape_cast %get3A_515 : vector<1x16xf32> to vector<16xf32>
          %get3A_517 = arith.index_cast %add3A_461 : i32 to index
          %get3A_518 = arith.constant 48 : index
          %get3A_519 = tpu.vector_load %arg13[%get3A_517, %get3A_518] {strides = array<i32>} : memref<125x64xf32, #tpu.memory_space<vmem>>, vector<1x16xf32>,
          %get3A_520 = vector.shape_cast %get3A_519 : vector<1x16xf32> to vector<16xf32>
          %add3A_521 = arith.addf %get3A_516, %get3A_520 : vector<16xf32>
          %max3A_522 = arith.constant 0.000000e+00 : f32
          %max3A_523 = vector.broadcast %max3A_522 : f32 to vector<16xf32>
          %max3A_524 = arith.maximumf %add3A_521, %max3A_523 : vector<16xf32>
          %swap3A_525 = arith.index_cast %add3A_461 : i32 to index
          %swap3A_526 = arith.constant 48 : index
          %swap3A_527 = tpu.vector_load %arg15[%swap3A_525, %swap3A_526] {strides = array<i32>} : memref<125x64xf32, #tpu.memory_space<vmem>>, vector<1x16xf32>,
          %swap3A_528 = vector.shape_cast %swap3A_527 : vector<1x16xf32> to vector<16xf32>
          %swap3A_529 = vector.shape_cast %max3A_524 : vector<16xf32> to vector<1x16xf32>
          tpu.vector_store %arg15[%swap3A_525, %swap3A_526], %swap3A_529 {strides = array<i32>} : memref<125x64xf32, #tpu.memory_space<vmem>>, vector<1x16xf32>,
          %mul3A_530 = arith.constant 5 : i32
          %mul3A_531 = arith.muli %scan3A_244, %mul3A_530 : i32
          %add3A_532 = arith.constant 4 : i32
          %add3A_533 = arith.addi %mul3A_531, %add3A_532 : i32
          %get3A_534 = arith.index_cast %add3A_533 : i32 to index
          %get3A_535 = arith.constant 0 : index
          %get3A_536 = tpu.vector_load %arg11[%get3A_534, %get3A_535] {strides = array<i32>} : memref<125x64xf32, #tpu.memory_space<vmem>>, vector<1x16xf32>,
          %get3A_537 = vector.shape_cast %get3A_536 : vector<1x16xf32> to vector<16xf32>
          %get3A_538 = arith.index_cast %add3A_533 : i32 to index
          %get3A_539 = arith.constant 0 : index
          %get3A_540 = tpu.vector_load %arg13[%get3A_538, %get3A_539] {strides = array<i32>} : memref<125x64xf32, #tpu.memory_space<vmem>>, vector<1x16xf32>,
          %get3A_541 = vector.shape_cast %get3A_540 : vector<1x16xf32> to vector<16xf32>
          %add3A_542 = arith.addf %get3A_537, %get3A_541 : vector<16xf32>
          %max3A_543 = arith.constant 0.000000e+00 : f32
          %max3A_544 = vector.broadcast %max3A_543 : f32 to vector<16xf32>
          %max3A_545 = arith.maximumf %add3A_542, %max3A_544 : vector<16xf32>
          %swap3A_546 = arith.index_cast %add3A_533 : i32 to index
          %swap3A_547 = arith.constant 0 : index
          %swap3A_548 = tpu.vector_load %arg15[%swap3A_546, %swap3A_547] {strides = array<i32>} : memref<125x64xf32, #tpu.memory_space<vmem>>, vector<1x16xf32>,
          %swap3A_549 = vector.shape_cast %swap3A_548 : vector<1x16xf32> to vector<16xf32>
          %swap3A_550 = vector.shape_cast %max3A_545 : vector<16xf32> to vector<1x16xf32>
          tpu.vector_store %arg15[%swap3A_546, %swap3A_547], %swap3A_550 {strides = array<i32>} : memref<125x64xf32, #tpu.memory_space<vmem>>, vector<1x16xf32>,
          %get3A_551 = arith.index_cast %add3A_533 : i32 to index
          %get3A_552 = arith.constant 16 : index
          %get3A_553 = tpu.vector_load %arg11[%get3A_551, %get3A_552] {strides = array<i32>} : memref<125x64xf32, #tpu.memory_space<vmem>>, vector<1x16xf32>,
          %get3A_554 = vector.shape_cast %get3A_553 : vector<1x16xf32> to vector<16xf32>
          %get3A_555 = arith.index_cast %add3A_533 : i32 to index
          %get3A_556 = arith.constant 16 : index
          %get3A_557 = tpu.vector_load %arg13[%get3A_555, %get3A_556] {strides = array<i32>} : memref<125x64xf32, #tpu.memory_space<vmem>>, vector<1x16xf32>,
          %get3A_558 = vector.shape_cast %get3A_557 : vector<1x16xf32> to vector<16xf32>
          %add3A_559 = arith.addf %get3A_554, %get3A_558 : vector<16xf32>
          %max3A_560 = arith.constant 0.000000e+00 : f32
          %max3A_561 = vector.broadcast %max3A_560 : f32 to vector<16xf32>
          %max3A_562 = arith.maximumf %add3A_559, %max3A_561 : vector<16xf32>
          %swap3A_563 = arith.index_cast %add3A_533 : i32 to index
          %swap3A_564 = arith.constant 16 : index
          %swap3A_565 = tpu.vector_load %arg15[%swap3A_563, %swap3A_564] {strides = array<i32>} : memref<125x64xf32, #tpu.memory_space<vmem>>, vector<1x16xf32>,
          %swap3A_566 = vector.shape_cast %swap3A_565 : vector<1x16xf32> to vector<16xf32>
          %swap3A_567 = vector.shape_cast %max3A_562 : vector<16xf32> to vector<1x16xf32>
          tpu.vector_store %arg15[%swap3A_563, %swap3A_564], %swap3A_567 {strides = array<i32>} : memref<125x64xf32, #tpu.memory_space<vmem>>, vector<1x16xf32>,
          %get3A_568 = arith.index_cast %add3A_533 : i32 to index
          %get3A_569 = arith.constant 32 : index
          %get3A_570 = tpu.vector_load %arg11[%get3A_568, %get3A_569] {strides = array<i32>} : memref<125x64xf32, #tpu.memory_space<vmem>>, vector<1x16xf32>,
          %get3A_571 = vector.shape_cast %get3A_570 : vector<1x16xf32> to vector<16xf32>
          %get3A_572 = arith.index_cast %add3A_533 : i32 to index
          %get3A_573 = arith.constant 32 : index
          %get3A_574 = tpu.vector_load %arg13[%get3A_572, %get3A_573] {strides = array<i32>} : memref<125x64xf32, #tpu.memory_space<vmem>>, vector<1x16xf32>,
          %get3A_575 = vector.shape_cast %get3A_574 : vector<1x16xf32> to vector<16xf32>
          %add3A_576 = arith.addf %get3A_571, %get3A_575 : vector<16xf32>
          %max3A_577 = arith.constant 0.000000e+00 : f32
          %max3A_578 = vector.broadcast %max3A_577 : f32 to vector<16xf32>
          %max3A_579 = arith.maximumf %add3A_576, %max3A_578 : vector<16xf32>
          %swap3A_580 = arith.index_cast %add3A_533 : i32 to index
          %swap3A_581 = arith.constant 32 : index
          %swap3A_582 = tpu.vector_load %arg15[%swap3A_580, %swap3A_581] {strides = array<i32>} : memref<125x64xf32, #tpu.memory_space<vmem>>, vector<1x16xf32>,
          %swap3A_583 = vector.shape_cast %swap3A_582 : vector<1x16xf32> to vector<16xf32>
          %swap3A_584 = vector.shape_cast %max3A_579 : vector<16xf32> to vector<1x16xf32>
          tpu.vector_store %arg15[%swap3A_580, %swap3A_581], %swap3A_584 {strides = array<i32>} : memref<125x64xf32, #tpu.memory_space<vmem>>, vector<1x16xf32>,
          %get3A_585 = arith.index_cast %add3A_533 : i32 to index
          %get3A_586 = arith.constant 48 : index
          %get3A_587 = tpu.vector_load %arg11[%get3A_585, %get3A_586] {strides = array<i32>} : memref<125x64xf32, #tpu.memory_space<vmem>>, vector<1x16xf32>,
          %get3A_588 = vector.shape_cast %get3A_587 : vector<1x16xf32> to vector<16xf32>
          %get3A_589 = arith.index_cast %add3A_533 : i32 to index
          %get3A_590 = arith.constant 48 : index
          %get3A_591 = tpu.vector_load %arg13[%get3A_589, %get3A_590] {strides = array<i32>} : memref<125x64xf32, #tpu.memory_space<vmem>>, vector<1x16xf32>,
          %get3A_592 = vector.shape_cast %get3A_591 : vector<1x16xf32> to vector<16xf32>
          %add3A_593 = arith.addf %get3A_588, %get3A_592 : vector<16xf32>
          %max3A_594 = arith.constant 0.000000e+00 : f32
          %max3A_595 = vector.broadcast %max3A_594 : f32 to vector<16xf32>
          %max3A_596 = arith.maximumf %add3A_593, %max3A_595 : vector<16xf32>
          %swap3A_597 = arith.index_cast %add3A_533 : i32 to index
          %swap3A_598 = arith.constant 48 : index
          %swap3A_599 = tpu.vector_load %arg15[%swap3A_597, %swap3A_598] {strides = array<i32>} : memref<125x64xf32, #tpu.memory_space<vmem>>, vector<1x16xf32>,
          %swap3A_600 = vector.shape_cast %swap3A_599 : vector<1x16xf32> to vector<16xf32>
          %swap3A_601 = vector.shape_cast %max3A_596 : vector<16xf32> to vector<1x16xf32>
          tpu.vector_store %arg15[%swap3A_597, %swap3A_598], %swap3A_601 {strides = array<i32>} : memref<125x64xf32, #tpu.memory_space<vmem>>, vector<1x16xf32>,
        }
        %scan3A_218 = arith.constant 25 : i32
        %dma_start3A_219 = arith.constant 0 : i32
        %dma_start3A_220 = tpu.memref_slice %arg9[%add3A_194, %dma_start3A_219] : memref<160x125xi32, #tpu.memory_space<vmem>> -> memref<1x125xi32, #tpu.memory_space<vmem>>
        %dma_start3A_221 = tpu.memref_squeeze %dma_start3A_220 : memref<1x125xi32, #tpu.memory_space<vmem>> -> memref<125xi32, #tpu.memory_space<vmem>>
        %dma_start3A_222 = arith.constant 0 : i32
        %dma_start3A_223 = arith.constant 0 : i32
        %dma_start3A_224 = tpu.memref_slice %arg16[%dma_start3A_222, %dma_start3A_223] : memref<10000x64xf32, #tpu.memory_space<vmem_shared>> -> memref<10000x64xf32, #tpu.memory_space<vmem_shared>>
        tpu.enqueue_indirect_dma source(%arg15 : memref<125x64xf32, #tpu.memory_space<vmem>>) target(%dma_start3A_224 : memref<10000x64xf32, #tpu.memory_space<vmem_shared>>) offsets(%dma_start3A_221 : memref<125xi32, #tpu.memory_space<vmem>>) semaphore(%arg22 : memref<!tpu.dma_semaphore, #tpu.memory_space<semaphore_mem>>) {add = true}
        %add3A_225 = arith.constant 2 : i32
        %add3A_226 = arith.addi %add3A_194, %add3A_225 : i32
        %lt3A_227 = arith.constant 160 : i32
        %lt3A_228 = arith.cmpi slt, %add3A_226, %lt3A_227 : i32
        %sub3A_229 = arith.constant 160 : i32
        %sub3A_230 = arith.subi %add3A_226, %sub3A_229 : i32
        %select_n3A_231 = arith.select %lt3A_228, %add3A_226, %sub3A_230 : i32
        %dma_start3A_232 = arith.constant 0 : i32
        %dma_start3A_233 = tpu.memref_slice %arg8[%select_n3A_231, %dma_start3A_232] : memref<160x125xi32, #tpu.memory_space<vmem>> -> memref<1x125xi32, #tpu.memory_space<vmem>>
        %dma_start3A_234 = tpu.memref_squeeze %dma_start3A_233 : memref<1x125xi32, #tpu.memory_space<vmem>> -> memref<125xi32, #tpu.memory_space<vmem>>
        %dma_start3A_235 = arith.constant 0 : i32
        %dma_start3A_236 = arith.constant 0 : i32
        %dma_start3A_237 = tpu.memref_slice %arg2[%dma_start3A_235, %dma_start3A_236] : memref<10000x64xf32, #tpu.memory_space<hbm>> -> memref<10000x64xf32, #tpu.memory_space<hbm>>
        tpu.enqueue_indirect_dma source(%dma_start3A_237 : memref<10000x64xf32, #tpu.memory_space<hbm>>) target(%arg11 : memref<125x64xf32, #tpu.memory_space<vmem>>) offsets(%dma_start3A_234 : memref<125xi32, #tpu.memory_space<vmem>>) semaphore(%arg18 : memref<!tpu.dma_semaphore, #tpu.memory_space<semaphore_mem>>)
        %dma_start3A_238 = arith.constant 0 : i32
        %dma_start3A_239 = tpu.memref_slice %arg9[%select_n3A_231, %dma_start3A_238] : memref<160x125xi32, #tpu.memory_space<vmem>> -> memref<1x125xi32, #tpu.memory_space<vmem>>
        %dma_start3A_240 = tpu.memref_squeeze %dma_start3A_239 : memref<1x125xi32, #tpu.memory_space<vmem>> -> memref<125xi32, #tpu.memory_space<vmem>>
        %dma_start3A_241 = arith.constant 0 : i32
        %dma_start3A_242 = arith.constant 0 : i32
        %dma_start3A_243 = tpu.memref_slice %arg4[%dma_start3A_241, %dma_start3A_242] : memref<10000x64xf32, #tpu.memory_space<hbm>> -> memref<10000x64xf32, #tpu.memory_space<hbm>>
        tpu.enqueue_indirect_dma source(%dma_start3A_243 : memref<10000x64xf32, #tpu.memory_space<hbm>>) target(%arg13 : memref<125x64xf32, #tpu.memory_space<vmem>>) offsets(%dma_start3A_240 : memref<125xi32, #tpu.memory_space<vmem>>) semaphore(%arg20 : memref<!tpu.dma_semaphore, #tpu.memory_space<semaphore_mem>>)
      }
      %scan3A_100 = arith.constant 80 : i32
      %dma_wait3A = arith.constant 0 : i32
      %dma_wait3A_101 = arith.constant 0 : i32
      %dma_wait3A_102 = tpu.memref_slice %arg9[%dma_wait3A, %dma_wait3A_101] : memref<160x125xi32, #tpu.memory_space<vmem>> -> memref<1x125xi32, #tpu.memory_space<vmem>>
      %dma_wait3A_103 = tpu.memref_squeeze %dma_wait3A_102 : memref<1x125xi32, #tpu.memory_space<vmem>> -> memref<125xi32, #tpu.memory_space<vmem>>
      %dma_wait3A_104 = arith.constant 0 : i32
      %dma_wait3A_105 = arith.constant 0 : i32
      %dma_wait3A_106 = tpu.memref_slice %arg16[%dma_wait3A_104, %dma_wait3A_105] : memref<10000x64xf32, #tpu.memory_space<vmem_shared>> -> memref<10000x64xf32, #tpu.memory_space<vmem_shared>>
      tpu.wait_indirect_dma semaphore(%arg21 : memref<!tpu.dma_semaphore, #tpu.memory_space<semaphore_mem>>) src(%arg14 : memref<125x64xf32, #tpu.memory_space<vmem>>) dst(%dma_wait3A_106 : memref<10000x64xf32, #tpu.memory_space<vmem_shared>>)
      %dma_wait3A_107 = arith.constant 1 : i32
      %dma_wait3A_108 = arith.constant 0 : i32
      %dma_wait3A_109 = tpu.memref_slice %arg9[%dma_wait3A_107, %dma_wait3A_108] : memref<160x125xi32, #tpu.memory_space<vmem>> -> memref<1x125xi32, #tpu.memory_space<vmem>>
      %dma_wait3A_110 = tpu.memref_squeeze %dma_wait3A_109 : memref<1x125xi32, #tpu.memory_space<vmem>> -> memref<125xi32, #tpu.memory_space<vmem>>
      %dma_wait3A_111 = arith.constant 0 : i32
      %dma_wait3A_112 = arith.constant 0 : i32
      %dma_wait3A_113 = tpu.memref_slice %arg16[%dma_wait3A_111, %dma_wait3A_112] : memref<10000x64xf32, #tpu.memory_space<vmem_shared>> -> memref<10000x64xf32, #tpu.memory_space<vmem_shared>>
      tpu.wait_indirect_dma semaphore(%arg22 : memref<!tpu.dma_semaphore, #tpu.memory_space<semaphore_mem>>) src(%arg15 : memref<125x64xf32, #tpu.memory_space<vmem>>) dst(%dma_wait3A_113 : memref<10000x64xf32, #tpu.memory_space<vmem_shared>>)
      %dma_wait3A_114 = arith.constant 0 : i32
      %dma_wait3A_115 = arith.constant 0 : i32
      %dma_wait3A_116 = tpu.memref_slice %arg8[%dma_wait3A_114, %dma_wait3A_115] : memref<160x125xi32, #tpu.memory_space<vmem>> -> memref<1x125xi32, #tpu.memory_space<vmem>>
      %dma_wait3A_117 = tpu.memref_squeeze %dma_wait3A_116 : memref<1x125xi32, #tpu.memory_space<vmem>> -> memref<125xi32, #tpu.memory_space<vmem>>
      %dma_wait3A_118 = arith.constant 0 : i32
      %dma_wait3A_119 = arith.constant 0 : i32
      %dma_wait3A_120 = tpu.memref_slice %arg2[%dma_wait3A_118, %dma_wait3A_119] : memref<10000x64xf32, #tpu.memory_space<hbm>> -> memref<10000x64xf32, #tpu.memory_space<hbm>>
      tpu.wait_indirect_dma semaphore(%arg17 : memref<!tpu.dma_semaphore, #tpu.memory_space<semaphore_mem>>) src(%dma_wait3A_120 : memref<10000x64xf32, #tpu.memory_space<hbm>>) dst(%arg10 : memref<125x64xf32, #tpu.memory_space<vmem>>)
      %dma_wait3A_121 = arith.constant 0 : i32
      %dma_wait3A_122 = arith.constant 0 : i32
      %dma_wait3A_123 = tpu.memref_slice %arg9[%dma_wait3A_121, %dma_wait3A_122] : memref<160x125xi32, #tpu.memory_space<vmem>> -> memref<1x125xi32, #tpu.memory_space<vmem>>
      %dma_wait3A_124 = tpu.memref_squeeze %dma_wait3A_123 : memref<1x125xi32, #tpu.memory_space<vmem>> -> memref<125xi32, #tpu.memory_space<vmem>>
      %dma_wait3A_125 = arith.constant 0 : i32
      %dma_wait3A_126 = arith.constant 0 : i32
      %dma_wait3A_127 = tpu.memref_slice %arg4[%dma_wait3A_125, %dma_wait3A_126] : memref<10000x64xf32, #tpu.memory_space<hbm>> -> memref<10000x64xf32, #tpu.memory_space<hbm>>
      tpu.wait_indirect_dma semaphore(%arg19 : memref<!tpu.dma_semaphore, #tpu.memory_space<semaphore_mem>>) src(%dma_wait3A_127 : memref<10000x64xf32, #tpu.memory_space<hbm>>) dst(%arg12 : memref<125x64xf32, #tpu.memory_space<vmem>>)
      %dma_wait3A_128 = arith.constant 1 : i32
      %dma_wait3A_129 = arith.constant 0 : i32
      %dma_wait3A_130 = tpu.memref_slice %arg8[%dma_wait3A_128, %dma_wait3A_129] : memref<160x125xi32, #tpu.memory_space<vmem>> -> memref<1x125xi32, #tpu.memory_space<vmem>>
      %dma_wait3A_131 = tpu.memref_squeeze %dma_wait3A_130 : memref<1x125xi32, #tpu.memory_space<vmem>> -> memref<125xi32, #tpu.memory_space<vmem>>
      %dma_wait3A_132 = arith.constant 0 : i32
      %dma_wait3A_133 = arith.constant 0 : i32
      %dma_wait3A_134 = tpu.memref_slice %arg2[%dma_wait3A_132, %dma_wait3A_133] : memref<10000x64xf32, #tpu.memory_space<hbm>> -> memref<10000x64xf32, #tpu.memory_space<hbm>>
      tpu.wait_indirect_dma semaphore(%arg18 : memref<!tpu.dma_semaphore, #tpu.memory_space<semaphore_mem>>) src(%dma_wait3A_134 : memref<10000x64xf32, #tpu.memory_space<hbm>>) dst(%arg11 : memref<125x64xf32, #tpu.memory_space<vmem>>)
      %dma_wait3A_135 = arith.constant 1 : i32
      %dma_wait3A_136 = arith.constant 0 : i32
      %dma_wait3A_137 = tpu.memref_slice %arg9[%dma_wait3A_135, %dma_wait3A_136] : memref<160x125xi32, #tpu.memory_space<vmem>> -> memref<1x125xi32, #tpu.memory_space<vmem>>
      %dma_wait3A_138 = tpu.memref_squeeze %dma_wait3A_137 : memref<1x125xi32, #tpu.memory_space<vmem>> -> memref<125xi32, #tpu.memory_space<vmem>>
      %dma_wait3A_139 = arith.constant 0 : i32
      %dma_wait3A_140 = arith.constant 0 : i32
      %dma_wait3A_141 = tpu.memref_slice %arg4[%dma_wait3A_139, %dma_wait3A_140] : memref<10000x64xf32, #tpu.memory_space<hbm>> -> memref<10000x64xf32, #tpu.memory_space<hbm>>
      tpu.wait_indirect_dma semaphore(%arg20 : memref<!tpu.dma_semaphore, #tpu.memory_space<semaphore_mem>>) src(%dma_wait3A_141 : memref<10000x64xf32, #tpu.memory_space<hbm>>) dst(%arg13 : memref<125x64xf32, #tpu.memory_space<vmem>>)
    } else {
    }
    %eq3A_18 = arith.constant 1 : i32
    %eq3A_19 = arith.cmpi eq, %arg0, %eq3A_18 : i32
    %convert_element_type3A_20 = arith.extui %eq3A_19 : i1 to i32
    %cond3A_21 = arith.constant 0 : i32
    %cond3A_22 = arith.cmpi ne, %convert_element_type3A_20, %cond3A_21 : i32
    scf.if %cond3A_22 {
      %dma_start3A = arith.constant 0 : i32
      %dma_start3A_54 = arith.constant 0 : i32
      %dma_start3A_55 = tpu.memref_slice %arg9[%dma_start3A, %dma_start3A_54] : memref<160x125xi32, #tpu.memory_space<vmem>> -> memref<1x125xi32, #tpu.memory_space<vmem>>
      %dma_start3A_56 = tpu.memref_squeeze %dma_start3A_55 : memref<1x125xi32, #tpu.memory_space<vmem>> -> memref<125xi32, #tpu.memory_space<vmem>>
      %dma_start3A_57 = arith.constant 0 : i32
      %dma_start3A_58 = arith.constant 0 : i32
      %dma_start3A_59 = tpu.memref_slice %arg16[%dma_start3A_57, %dma_start3A_58] : memref<10000x64xf32, #tpu.memory_space<vmem_shared>> -> memref<10000x64xf32, #tpu.memory_space<vmem_shared>>
      tpu.enqueue_indirect_dma source(%arg14 : memref<125x64xf32, #tpu.memory_space<vmem>>) target(%dma_start3A_59 : memref<10000x64xf32, #tpu.memory_space<vmem_shared>>) offsets(%dma_start3A_56 : memref<125xi32, #tpu.memory_space<vmem>>) semaphore(%arg21 : memref<!tpu.dma_semaphore, #tpu.memory_space<semaphore_mem>>) {add = true}
      %dma_start3A_60 = arith.constant 1 : i32
      %dma_start3A_61 = arith.constant 0 : i32
      %dma_start3A_62 = tpu.memref_slice %arg9[%dma_start3A_60, %dma_start3A_61] : memref<160x125xi32, #tpu.memory_space<vmem>> -> memref<1x125xi32, #tpu.memory_space<vmem>>
      %dma_start3A_63 = tpu.memref_squeeze %dma_start3A_62 : memref<1x125xi32, #tpu.memory_space<vmem>> -> memref<125xi32, #tpu.memory_space<vmem>>
      %dma_start3A_64 = arith.constant 0 : i32
      %dma_start3A_65 = arith.constant 0 : i32
      %dma_start3A_66 = tpu.memref_slice %arg16[%dma_start3A_64, %dma_start3A_65] : memref<10000x64xf32, #tpu.memory_space<vmem_shared>> -> memref<10000x64xf32, #tpu.memory_space<vmem_shared>>
      tpu.enqueue_indirect_dma source(%arg15 : memref<125x64xf32, #tpu.memory_space<vmem>>) target(%dma_start3A_66 : memref<10000x64xf32, #tpu.memory_space<vmem_shared>>) offsets(%dma_start3A_63 : memref<125xi32, #tpu.memory_space<vmem>>) semaphore(%arg22 : memref<!tpu.dma_semaphore, #tpu.memory_space<semaphore_mem>>) {add = true}
      %dma_start3A_67 = arith.constant 0 : i32
      %dma_start3A_68 = arith.constant 0 : i32
      %dma_start3A_69 = tpu.memref_slice %arg8[%dma_start3A_67, %dma_start3A_68] : memref<160x125xi32, #tpu.memory_space<vmem>> -> memref<1x125xi32, #tpu.memory_space<vmem>>
      %dma_start3A_70 = tpu.memref_squeeze %dma_start3A_69 : memref<1x125xi32, #tpu.memory_space<vmem>> -> memref<125xi32, #tpu.memory_space<vmem>>
      %dma_start3A_71 = arith.constant 0 : i32
      %dma_start3A_72 = arith.constant 0 : i32
      %dma_start3A_73 = tpu.memref_slice %arg3[%dma_start3A_71, %dma_start3A_72] : memref<10000x64xf32, #tpu.memory_space<hbm>> -> memref<10000x64xf32, #tpu.memory_space<hbm>>
      tpu.enqueue_indirect_dma source(%dma_start3A_73 : memref<10000x64xf32, #tpu.memory_space<hbm>>) target(%arg10 : memref<125x64xf32, #tpu.memory_space<vmem>>) offsets(%dma_start3A_70 : memref<125xi32, #tpu.memory_space<vmem>>) semaphore(%arg17 : memref<!tpu.dma_semaphore, #tpu.memory_space<semaphore_mem>>)
      %dma_start3A_74 = arith.constant 0 : i32
      %dma_start3A_75 = arith.constant 0 : i32
      %dma_start3A_76 = tpu.memref_slice %arg9[%dma_start3A_74, %dma_start3A_75] : memref<160x125xi32, #tpu.memory_space<vmem>> -> memref<1x125xi32, #tpu.memory_space<vmem>>
      %dma_start3A_77 = tpu.memref_squeeze %dma_start3A_76 : memref<1x125xi32, #tpu.memory_space<vmem>> -> memref<125xi32, #tpu.memory_space<vmem>>
      %dma_start3A_78 = arith.constant 0 : i32
      %dma_start3A_79 = arith.constant 0 : i32
      %dma_start3A_80 = tpu.memref_slice %arg5[%dma_start3A_78, %dma_start3A_79] : memref<10000x64xf32, #tpu.memory_space<hbm>> -> memref<10000x64xf32, #tpu.memory_space<hbm>>
      tpu.enqueue_indirect_dma source(%dma_start3A_80 : memref<10000x64xf32, #tpu.memory_space<hbm>>) target(%arg12 : memref<125x64xf32, #tpu.memory_space<vmem>>) offsets(%dma_start3A_77 : memref<125xi32, #tpu.memory_space<vmem>>) semaphore(%arg19 : memref<!tpu.dma_semaphore, #tpu.memory_space<semaphore_mem>>)
      %dma_start3A_81 = arith.constant 1 : i32
      %dma_start3A_82 = arith.constant 0 : i32
      %dma_start3A_83 = tpu.memref_slice %arg8[%dma_start3A_81, %dma_start3A_82] : memref<160x125xi32, #tpu.memory_space<vmem>> -> memref<1x125xi32, #tpu.memory_space<vmem>>
      %dma_start3A_84 = tpu.memref_squeeze %dma_start3A_83 : memref<1x125xi32, #tpu.memory_space<vmem>> -> memref<125xi32, #tpu.memory_space<vmem>>
      %dma_start3A_85 = arith.constant 0 : i32
      %dma_start3A_86 = arith.constant 0 : i32
      %dma_start3A_87 = tpu.memref_slice %arg3[%dma_start3A_85, %dma_start3A_86] : memref<10000x64xf32, #tpu.memory_space<hbm>> -> memref<10000x64xf32, #tpu.memory_space<hbm>>
      tpu.enqueue_indirect_dma source(%dma_start3A_87 : memref<10000x64xf32, #tpu.memory_space<hbm>>) target(%arg11 : memref<125x64xf32, #tpu.memory_space<vmem>>) offsets(%dma_start3A_84 : memref<125xi32, #tpu.memory_space<vmem>>) semaphore(%arg18 : memref<!tpu.dma_semaphore, #tpu.memory_space<semaphore_mem>>)
      %dma_start3A_88 = arith.constant 1 : i32
      %dma_start3A_89 = arith.constant 0 : i32
      %dma_start3A_90 = tpu.memref_slice %arg9[%dma_start3A_88, %dma_start3A_89] : memref<160x125xi32, #tpu.memory_space<vmem>> -> memref<1x125xi32, #tpu.memory_space<vmem>>
      %dma_start3A_91 = tpu.memref_squeeze %dma_start3A_90 : memref<1x125xi32, #tpu.memory_space<vmem>> -> memref<125xi32, #tpu.memory_space<vmem>>
      %dma_start3A_92 = arith.constant 0 : i32
      %dma_start3A_93 = arith.constant 0 : i32
      %dma_start3A_94 = tpu.memref_slice %arg5[%dma_start3A_92, %dma_start3A_93] : memref<10000x64xf32, #tpu.memory_space<hbm>> -> memref<10000x64xf32, #tpu.memory_space<hbm>>
      tpu.enqueue_indirect_dma source(%dma_start3A_94 : memref<10000x64xf32, #tpu.memory_space<hbm>>) target(%arg13 : memref<125x64xf32, #tpu.memory_space<vmem>>) offsets(%dma_start3A_91 : memref<125xi32, #tpu.memory_space<vmem>>) semaphore(%arg20 : memref<!tpu.dma_semaphore, #tpu.memory_space<semaphore_mem>>)
      %scan3A_95 = arith.constant 0 : i32
      %scan3A_96 = arith.constant 0 : i32
      %scan3A_97 = arith.constant 80 : i32
      %scan3A_98 = arith.addi %scan3A_96, %scan3A_97 : i32
      %scan3A_99 = arith.constant 1 : i32
      scf.for %scan3A_142 = %scan3A_96 to %scan3A_98 step %scan3A_99  : i32 {
        %mul3A_143 = arith.constant 2 : i32
        %mul3A_144 = arith.muli %scan3A_142, %mul3A_143 : i32
        %add3A_145 = arith.constant 0 : i32
        %add3A_146 = arith.addi %mul3A_144, %add3A_145 : i32
        %dma_wait3A_147 = arith.constant 0 : i32
        %dma_wait3A_148 = tpu.memref_slice %arg8[%add3A_146, %dma_wait3A_147] : memref<160x125xi32, #tpu.memory_space<vmem>> -> memref<1x125xi32, #tpu.memory_space<vmem>>
        %dma_wait3A_149 = tpu.memref_squeeze %dma_wait3A_148 : memref<1x125xi32, #tpu.memory_space<vmem>> -> memref<125xi32, #tpu.memory_space<vmem>>
        %dma_wait3A_150 = arith.constant 0 : i32
        %dma_wait3A_151 = arith.constant 0 : i32
        %dma_wait3A_152 = tpu.memref_slice %arg3[%dma_wait3A_150, %dma_wait3A_151] : memref<10000x64xf32, #tpu.memory_space<hbm>> -> memref<10000x64xf32, #tpu.memory_space<hbm>>
        tpu.wait_indirect_dma semaphore(%arg17 : memref<!tpu.dma_semaphore, #tpu.memory_space<semaphore_mem>>) src(%dma_wait3A_152 : memref<10000x64xf32, #tpu.memory_space<hbm>>) dst(%arg10 : memref<125x64xf32, #tpu.memory_space<vmem>>)
        %dma_wait3A_153 = arith.constant 0 : i32
        %dma_wait3A_154 = tpu.memref_slice %arg9[%add3A_146, %dma_wait3A_153] : memref<160x125xi32, #tpu.memory_space<vmem>> -> memref<1x125xi32, #tpu.memory_space<vmem>>
        %dma_wait3A_155 = tpu.memref_squeeze %dma_wait3A_154 : memref<1x125xi32, #tpu.memory_space<vmem>> -> memref<125xi32, #tpu.memory_space<vmem>>
        %dma_wait3A_156 = arith.constant 0 : i32
        %dma_wait3A_157 = arith.constant 0 : i32
        %dma_wait3A_158 = tpu.memref_slice %arg5[%dma_wait3A_156, %dma_wait3A_157] : memref<10000x64xf32, #tpu.memory_space<hbm>> -> memref<10000x64xf32, #tpu.memory_space<hbm>>
        tpu.wait_indirect_dma semaphore(%arg19 : memref<!tpu.dma_semaphore, #tpu.memory_space<semaphore_mem>>) src(%dma_wait3A_158 : memref<10000x64xf32, #tpu.memory_space<hbm>>) dst(%arg12 : memref<125x64xf32, #tpu.memory_space<vmem>>)
        %dma_wait3A_159 = arith.constant 0 : i32
        %dma_wait3A_160 = tpu.memref_slice %arg9[%add3A_146, %dma_wait3A_159] : memref<160x125xi32, #tpu.memory_space<vmem>> -> memref<1x125xi32, #tpu.memory_space<vmem>>
        %dma_wait3A_161 = tpu.memref_squeeze %dma_wait3A_160 : memref<1x125xi32, #tpu.memory_space<vmem>> -> memref<125xi32, #tpu.memory_space<vmem>>
        %dma_wait3A_162 = arith.constant 0 : i32
        %dma_wait3A_163 = arith.constant 0 : i32
        %dma_wait3A_164 = tpu.memref_slice %arg16[%dma_wait3A_162, %dma_wait3A_163] : memref<10000x64xf32, #tpu.memory_space<vmem_shared>> -> memref<10000x64xf32, #tpu.memory_space<vmem_shared>>
        tpu.wait_indirect_dma semaphore(%arg21 : memref<!tpu.dma_semaphore, #tpu.memory_space<semaphore_mem>>) src(%arg14 : memref<125x64xf32, #tpu.memory_space<vmem>>) dst(%dma_wait3A_164 : memref<10000x64xf32, #tpu.memory_space<vmem_shared>>)
        %scan3A_165 = arith.constant 0 : i32
        %scan3A_166 = arith.constant 0 : i32
        %scan3A_167 = arith.constant 25 : i32
        %scan3A_168 = arith.addi %scan3A_166, %scan3A_167 : i32
        %scan3A_169 = arith.constant 1 : i32
        scf.for %scan3A_244 = %scan3A_166 to %scan3A_168 step %scan3A_169  : i32 {
          %mul3A_245 = arith.constant 5 : i32
          %mul3A_246 = arith.muli %scan3A_244, %mul3A_245 : i32
          %add3A_247 = arith.constant 0 : i32
          %add3A_248 = arith.addi %mul3A_246, %add3A_247 : i32
          %get3A = arith.index_cast %add3A_248 : i32 to index
          %get3A_249 = arith.constant 0 : index
          %get3A_250 = tpu.vector_load %arg10[%get3A, %get3A_249] {strides = array<i32>} : memref<125x64xf32, #tpu.memory_space<vmem>>, vector<1x16xf32>,
          %get3A_251 = vector.shape_cast %get3A_250 : vector<1x16xf32> to vector<16xf32>
          %get3A_252 = arith.index_cast %add3A_248 : i32 to index
          %get3A_253 = arith.constant 0 : index
          %get3A_254 = tpu.vector_load %arg12[%get3A_252, %get3A_253] {strides = array<i32>} : memref<125x64xf32, #tpu.memory_space<vmem>>, vector<1x16xf32>,
          %get3A_255 = vector.shape_cast %get3A_254 : vector<1x16xf32> to vector<16xf32>
          %add3A_256 = arith.addf %get3A_251, %get3A_255 : vector<16xf32>
          %max3A = arith.constant 0.000000e+00 : f32
          %max3A_257 = vector.broadcast %max3A : f32 to vector<16xf32>
          %max3A_258 = arith.maximumf %add3A_256, %max3A_257 : vector<16xf32>
          %swap3A = arith.index_cast %add3A_248 : i32 to index
          %swap3A_259 = arith.constant 0 : index
          %swap3A_260 = tpu.vector_load %arg14[%swap3A, %swap3A_259] {strides = array<i32>} : memref<125x64xf32, #tpu.memory_space<vmem>>, vector<1x16xf32>,
          %swap3A_261 = vector.shape_cast %swap3A_260 : vector<1x16xf32> to vector<16xf32>
          %swap3A_262 = vector.shape_cast %max3A_258 : vector<16xf32> to vector<1x16xf32>
          tpu.vector_store %arg14[%swap3A, %swap3A_259], %swap3A_262 {strides = array<i32>} : memref<125x64xf32, #tpu.memory_space<vmem>>, vector<1x16xf32>,
          %get3A_263 = arith.index_cast %add3A_248 : i32 to index
          %get3A_264 = arith.constant 16 : index
          %get3A_265 = tpu.vector_load %arg10[%get3A_263, %get3A_264] {strides = array<i32>} : memref<125x64xf32, #tpu.memory_space<vmem>>, vector<1x16xf32>,
          %get3A_266 = vector.shape_cast %get3A_265 : vector<1x16xf32> to vector<16xf32>
          %get3A_267 = arith.index_cast %add3A_248 : i32 to index
          %get3A_268 = arith.constant 16 : index
          %get3A_269 = tpu.vector_load %arg12[%get3A_267, %get3A_268] {strides = array<i32>} : memref<125x64xf32, #tpu.memory_space<vmem>>, vector<1x16xf32>,
          %get3A_270 = vector.shape_cast %get3A_269 : vector<1x16xf32> to vector<16xf32>
          %add3A_271 = arith.addf %get3A_266, %get3A_270 : vector<16xf32>
          %max3A_272 = arith.constant 0.000000e+00 : f32
          %max3A_273 = vector.broadcast %max3A_272 : f32 to vector<16xf32>
          %max3A_274 = arith.maximumf %add3A_271, %max3A_273 : vector<16xf32>
          %swap3A_275 = arith.index_cast %add3A_248 : i32 to index
          %swap3A_276 = arith.constant 16 : index
          %swap3A_277 = tpu.vector_load %arg14[%swap3A_275, %swap3A_276] {strides = array<i32>} : memref<125x64xf32, #tpu.memory_space<vmem>>, vector<1x16xf32>,
          %swap3A_278 = vector.shape_cast %swap3A_277 : vector<1x16xf32> to vector<16xf32>
          %swap3A_279 = vector.shape_cast %max3A_274 : vector<16xf32> to vector<1x16xf32>
          tpu.vector_store %arg14[%swap3A_275, %swap3A_276], %swap3A_279 {strides = array<i32>} : memref<125x64xf32, #tpu.memory_space<vmem>>, vector<1x16xf32>,
          %get3A_280 = arith.index_cast %add3A_248 : i32 to index
          %get3A_281 = arith.constant 32 : index
          %get3A_282 = tpu.vector_load %arg10[%get3A_280, %get3A_281] {strides = array<i32>} : memref<125x64xf32, #tpu.memory_space<vmem>>, vector<1x16xf32>,
          %get3A_283 = vector.shape_cast %get3A_282 : vector<1x16xf32> to vector<16xf32>
          %get3A_284 = arith.index_cast %add3A_248 : i32 to index
          %get3A_285 = arith.constant 32 : index
          %get3A_286 = tpu.vector_load %arg12[%get3A_284, %get3A_285] {strides = array<i32>} : memref<125x64xf32, #tpu.memory_space<vmem>>, vector<1x16xf32>,
          %get3A_287 = vector.shape_cast %get3A_286 : vector<1x16xf32> to vector<16xf32>
          %add3A_288 = arith.addf %get3A_283, %get3A_287 : vector<16xf32>
          %max3A_289 = arith.constant 0.000000e+00 : f32
          %max3A_290 = vector.broadcast %max3A_289 : f32 to vector<16xf32>
          %max3A_291 = arith.maximumf %add3A_288, %max3A_290 : vector<16xf32>
          %swap3A_292 = arith.index_cast %add3A_248 : i32 to index
          %swap3A_293 = arith.constant 32 : index
          %swap3A_294 = tpu.vector_load %arg14[%swap3A_292, %swap3A_293] {strides = array<i32>} : memref<125x64xf32, #tpu.memory_space<vmem>>, vector<1x16xf32>,
          %swap3A_295 = vector.shape_cast %swap3A_294 : vector<1x16xf32> to vector<16xf32>
          %swap3A_296 = vector.shape_cast %max3A_291 : vector<16xf32> to vector<1x16xf32>
          tpu.vector_store %arg14[%swap3A_292, %swap3A_293], %swap3A_296 {strides = array<i32>} : memref<125x64xf32, #tpu.memory_space<vmem>>, vector<1x16xf32>,
          %get3A_297 = arith.index_cast %add3A_248 : i32 to index
          %get3A_298 = arith.constant 48 : index
          %get3A_299 = tpu.vector_load %arg10[%get3A_297, %get3A_298] {strides = array<i32>} : memref<125x64xf32, #tpu.memory_space<vmem>>, vector<1x16xf32>,
          %get3A_300 = vector.shape_cast %get3A_299 : vector<1x16xf32> to vector<16xf32>
          %get3A_301 = arith.index_cast %add3A_248 : i32 to index
          %get3A_302 = arith.constant 48 : index
          %get3A_303 = tpu.vector_load %arg12[%get3A_301, %get3A_302] {strides = array<i32>} : memref<125x64xf32, #tpu.memory_space<vmem>>, vector<1x16xf32>,
          %get3A_304 = vector.shape_cast %get3A_303 : vector<1x16xf32> to vector<16xf32>
          %add3A_305 = arith.addf %get3A_300, %get3A_304 : vector<16xf32>
          %max3A_306 = arith.constant 0.000000e+00 : f32
          %max3A_307 = vector.broadcast %max3A_306 : f32 to vector<16xf32>
          %max3A_308 = arith.maximumf %add3A_305, %max3A_307 : vector<16xf32>
          %swap3A_309 = arith.index_cast %add3A_248 : i32 to index
          %swap3A_310 = arith.constant 48 : index
          %swap3A_311 = tpu.vector_load %arg14[%swap3A_309, %swap3A_310] {strides = array<i32>} : memref<125x64xf32, #tpu.memory_space<vmem>>, vector<1x16xf32>,
          %swap3A_312 = vector.shape_cast %swap3A_311 : vector<1x16xf32> to vector<16xf32>
          %swap3A_313 = vector.shape_cast %max3A_308 : vector<16xf32> to vector<1x16xf32>
          tpu.vector_store %arg14[%swap3A_309, %swap3A_310], %swap3A_313 {strides = array<i32>} : memref<125x64xf32, #tpu.memory_space<vmem>>, vector<1x16xf32>,
          %mul3A_314 = arith.constant 5 : i32
          %mul3A_315 = arith.muli %scan3A_244, %mul3A_314 : i32
          %add3A_316 = arith.constant 1 : i32
          %add3A_317 = arith.addi %mul3A_315, %add3A_316 : i32
          %get3A_318 = arith.index_cast %add3A_317 : i32 to index
          %get3A_319 = arith.constant 0 : index
          %get3A_320 = tpu.vector_load %arg10[%get3A_318, %get3A_319] {strides = array<i32>} : memref<125x64xf32, #tpu.memory_space<vmem>>, vector<1x16xf32>,
          %get3A_321 = vector.shape_cast %get3A_320 : vector<1x16xf32> to vector<16xf32>
          %get3A_322 = arith.index_cast %add3A_317 : i32 to index
          %get3A_323 = arith.constant 0 : index
          %get3A_324 = tpu.vector_load %arg12[%get3A_322, %get3A_323] {strides = array<i32>} : memref<125x64xf32, #tpu.memory_space<vmem>>, vector<1x16xf32>,
          %get3A_325 = vector.shape_cast %get3A_324 : vector<1x16xf32> to vector<16xf32>
          %add3A_326 = arith.addf %get3A_321, %get3A_325 : vector<16xf32>
          %max3A_327 = arith.constant 0.000000e+00 : f32
          %max3A_328 = vector.broadcast %max3A_327 : f32 to vector<16xf32>
          %max3A_329 = arith.maximumf %add3A_326, %max3A_328 : vector<16xf32>
          %swap3A_330 = arith.index_cast %add3A_317 : i32 to index
          %swap3A_331 = arith.constant 0 : index
          %swap3A_332 = tpu.vector_load %arg14[%swap3A_330, %swap3A_331] {strides = array<i32>} : memref<125x64xf32, #tpu.memory_space<vmem>>, vector<1x16xf32>,
          %swap3A_333 = vector.shape_cast %swap3A_332 : vector<1x16xf32> to vector<16xf32>
          %swap3A_334 = vector.shape_cast %max3A_329 : vector<16xf32> to vector<1x16xf32>
          tpu.vector_store %arg14[%swap3A_330, %swap3A_331], %swap3A_334 {strides = array<i32>} : memref<125x64xf32, #tpu.memory_space<vmem>>, vector<1x16xf32>,
          %get3A_335 = arith.index_cast %add3A_317 : i32 to index
          %get3A_336 = arith.constant 16 : index
          %get3A_337 = tpu.vector_load %arg10[%get3A_335, %get3A_336] {strides = array<i32>} : memref<125x64xf32, #tpu.memory_space<vmem>>, vector<1x16xf32>,
          %get3A_338 = vector.shape_cast %get3A_337 : vector<1x16xf32> to vector<16xf32>
          %get3A_339 = arith.index_cast %add3A_317 : i32 to index
          %get3A_340 = arith.constant 16 : index
          %get3A_341 = tpu.vector_load %arg12[%get3A_339, %get3A_340] {strides = array<i32>} : memref<125x64xf32, #tpu.memory_space<vmem>>, vector<1x16xf32>,
          %get3A_342 = vector.shape_cast %get3A_341 : vector<1x16xf32> to vector<16xf32>
          %add3A_343 = arith.addf %get3A_338, %get3A_342 : vector<16xf32>
          %max3A_344 = arith.constant 0.000000e+00 : f32
          %max3A_345 = vector.broadcast %max3A_344 : f32 to vector<16xf32>
          %max3A_346 = arith.maximumf %add3A_343, %max3A_345 : vector<16xf32>
          %swap3A_347 = arith.index_cast %add3A_317 : i32 to index
          %swap3A_348 = arith.constant 16 : index
          %swap3A_349 = tpu.vector_load %arg14[%swap3A_347, %swap3A_348] {strides = array<i32>} : memref<125x64xf32, #tpu.memory_space<vmem>>, vector<1x16xf32>,
          %swap3A_350 = vector.shape_cast %swap3A_349 : vector<1x16xf32> to vector<16xf32>
          %swap3A_351 = vector.shape_cast %max3A_346 : vector<16xf32> to vector<1x16xf32>
          tpu.vector_store %arg14[%swap3A_347, %swap3A_348], %swap3A_351 {strides = array<i32>} : memref<125x64xf32, #tpu.memory_space<vmem>>, vector<1x16xf32>,
          %get3A_352 = arith.index_cast %add3A_317 : i32 to index
          %get3A_353 = arith.constant 32 : index
          %get3A_354 = tpu.vector_load %arg10[%get3A_352, %get3A_353] {strides = array<i32>} : memref<125x64xf32, #tpu.memory_space<vmem>>, vector<1x16xf32>,
          %get3A_355 = vector.shape_cast %get3A_354 : vector<1x16xf32> to vector<16xf32>
          %get3A_356 = arith.index_cast %add3A_317 : i32 to index
          %get3A_357 = arith.constant 32 : index
          %get3A_358 = tpu.vector_load %arg12[%get3A_356, %get3A_357] {strides = array<i32>} : memref<125x64xf32, #tpu.memory_space<vmem>>, vector<1x16xf32>,
          %get3A_359 = vector.shape_cast %get3A_358 : vector<1x16xf32> to vector<16xf32>
          %add3A_360 = arith.addf %get3A_355, %get3A_359 : vector<16xf32>
          %max3A_361 = arith.constant 0.000000e+00 : f32
          %max3A_362 = vector.broadcast %max3A_361 : f32 to vector<16xf32>
          %max3A_363 = arith.maximumf %add3A_360, %max3A_362 : vector<16xf32>
          %swap3A_364 = arith.index_cast %add3A_317 : i32 to index
          %swap3A_365 = arith.constant 32 : index
          %swap3A_366 = tpu.vector_load %arg14[%swap3A_364, %swap3A_365] {strides = array<i32>} : memref<125x64xf32, #tpu.memory_space<vmem>>, vector<1x16xf32>,
          %swap3A_367 = vector.shape_cast %swap3A_366 : vector<1x16xf32> to vector<16xf32>
          %swap3A_368 = vector.shape_cast %max3A_363 : vector<16xf32> to vector<1x16xf32>
          tpu.vector_store %arg14[%swap3A_364, %swap3A_365], %swap3A_368 {strides = array<i32>} : memref<125x64xf32, #tpu.memory_space<vmem>>, vector<1x16xf32>,
          %get3A_369 = arith.index_cast %add3A_317 : i32 to index
          %get3A_370 = arith.constant 48 : index
          %get3A_371 = tpu.vector_load %arg10[%get3A_369, %get3A_370] {strides = array<i32>} : memref<125x64xf32, #tpu.memory_space<vmem>>, vector<1x16xf32>,
          %get3A_372 = vector.shape_cast %get3A_371 : vector<1x16xf32> to vector<16xf32>
          %get3A_373 = arith.index_cast %add3A_317 : i32 to index
          %get3A_374 = arith.constant 48 : index
          %get3A_375 = tpu.vector_load %arg12[%get3A_373, %get3A_374] {strides = array<i32>} : memref<125x64xf32, #tpu.memory_space<vmem>>, vector<1x16xf32>,
          %get3A_376 = vector.shape_cast %get3A_375 : vector<1x16xf32> to vector<16xf32>
          %add3A_377 = arith.addf %get3A_372, %get3A_376 : vector<16xf32>
          %max3A_378 = arith.constant 0.000000e+00 : f32
          %max3A_379 = vector.broadcast %max3A_378 : f32 to vector<16xf32>
          %max3A_380 = arith.maximumf %add3A_377, %max3A_379 : vector<16xf32>
          %swap3A_381 = arith.index_cast %add3A_317 : i32 to index
          %swap3A_382 = arith.constant 48 : index
          %swap3A_383 = tpu.vector_load %arg14[%swap3A_381, %swap3A_382] {strides = array<i32>} : memref<125x64xf32, #tpu.memory_space<vmem>>, vector<1x16xf32>,
          %swap3A_384 = vector.shape_cast %swap3A_383 : vector<1x16xf32> to vector<16xf32>
          %swap3A_385 = vector.shape_cast %max3A_380 : vector<16xf32> to vector<1x16xf32>
          tpu.vector_store %arg14[%swap3A_381, %swap3A_382], %swap3A_385 {strides = array<i32>} : memref<125x64xf32, #tpu.memory_space<vmem>>, vector<1x16xf32>,
          %mul3A_386 = arith.constant 5 : i32
          %mul3A_387 = arith.muli %scan3A_244, %mul3A_386 : i32
          %add3A_388 = arith.constant 2 : i32
          %add3A_389 = arith.addi %mul3A_387, %add3A_388 : i32
          %get3A_390 = arith.index_cast %add3A_389 : i32 to index
          %get3A_391 = arith.constant 0 : index
          %get3A_392 = tpu.vector_load %arg10[%get3A_390, %get3A_391] {strides = array<i32>} : memref<125x64xf32, #tpu.memory_space<vmem>>, vector<1x16xf32>,
          %get3A_393 = vector.shape_cast %get3A_392 : vector<1x16xf32> to vector<16xf32>
          %get3A_394 = arith.index_cast %add3A_389 : i32 to index
          %get3A_395 = arith.constant 0 : index
          %get3A_396 = tpu.vector_load %arg12[%get3A_394, %get3A_395] {strides = array<i32>} : memref<125x64xf32, #tpu.memory_space<vmem>>, vector<1x16xf32>,
          %get3A_397 = vector.shape_cast %get3A_396 : vector<1x16xf32> to vector<16xf32>
          %add3A_398 = arith.addf %get3A_393, %get3A_397 : vector<16xf32>
          %max3A_399 = arith.constant 0.000000e+00 : f32
          %max3A_400 = vector.broadcast %max3A_399 : f32 to vector<16xf32>
          %max3A_401 = arith.maximumf %add3A_398, %max3A_400 : vector<16xf32>
          %swap3A_402 = arith.index_cast %add3A_389 : i32 to index
          %swap3A_403 = arith.constant 0 : index
          %swap3A_404 = tpu.vector_load %arg14[%swap3A_402, %swap3A_403] {strides = array<i32>} : memref<125x64xf32, #tpu.memory_space<vmem>>, vector<1x16xf32>,
          %swap3A_405 = vector.shape_cast %swap3A_404 : vector<1x16xf32> to vector<16xf32>
          %swap3A_406 = vector.shape_cast %max3A_401 : vector<16xf32> to vector<1x16xf32>
          tpu.vector_store %arg14[%swap3A_402, %swap3A_403], %swap3A_406 {strides = array<i32>} : memref<125x64xf32, #tpu.memory_space<vmem>>, vector<1x16xf32>,
          %get3A_407 = arith.index_cast %add3A_389 : i32 to index
          %get3A_408 = arith.constant 16 : index
          %get3A_409 = tpu.vector_load %arg10[%get3A_407, %get3A_408] {strides = array<i32>} : memref<125x64xf32, #tpu.memory_space<vmem>>, vector<1x16xf32>,
          %get3A_410 = vector.shape_cast %get3A_409 : vector<1x16xf32> to vector<16xf32>
          %get3A_411 = arith.index_cast %add3A_389 : i32 to index
          %get3A_412 = arith.constant 16 : index
          %get3A_413 = tpu.vector_load %arg12[%get3A_411, %get3A_412] {strides = array<i32>} : memref<125x64xf32, #tpu.memory_space<vmem>>, vector<1x16xf32>,
          %get3A_414 = vector.shape_cast %get3A_413 : vector<1x16xf32> to vector<16xf32>
          %add3A_415 = arith.addf %get3A_410, %get3A_414 : vector<16xf32>
          %max3A_416 = arith.constant 0.000000e+00 : f32
          %max3A_417 = vector.broadcast %max3A_416 : f32 to vector<16xf32>
          %max3A_418 = arith.maximumf %add3A_415, %max3A_417 : vector<16xf32>
          %swap3A_419 = arith.index_cast %add3A_389 : i32 to index
          %swap3A_420 = arith.constant 16 : index
          %swap3A_421 = tpu.vector_load %arg14[%swap3A_419, %swap3A_420] {strides = array<i32>} : memref<125x64xf32, #tpu.memory_space<vmem>>, vector<1x16xf32>,
          %swap3A_422 = vector.shape_cast %swap3A_421 : vector<1x16xf32> to vector<16xf32>
          %swap3A_423 = vector.shape_cast %max3A_418 : vector<16xf32> to vector<1x16xf32>
          tpu.vector_store %arg14[%swap3A_419, %swap3A_420], %swap3A_423 {strides = array<i32>} : memref<125x64xf32, #tpu.memory_space<vmem>>, vector<1x16xf32>,
          %get3A_424 = arith.index_cast %add3A_389 : i32 to index
          %get3A_425 = arith.constant 32 : index
          %get3A_426 = tpu.vector_load %arg10[%get3A_424, %get3A_425] {strides = array<i32>} : memref<125x64xf32, #tpu.memory_space<vmem>>, vector<1x16xf32>,
          %get3A_427 = vector.shape_cast %get3A_426 : vector<1x16xf32> to vector<16xf32>
          %get3A_428 = arith.index_cast %add3A_389 : i32 to index
          %get3A_429 = arith.constant 32 : index
          %get3A_430 = tpu.vector_load %arg12[%get3A_428, %get3A_429] {strides = array<i32>} : memref<125x64xf32, #tpu.memory_space<vmem>>, vector<1x16xf32>,
          %get3A_431 = vector.shape_cast %get3A_430 : vector<1x16xf32> to vector<16xf32>
          %add3A_432 = arith.addf %get3A_427, %get3A_431 : vector<16xf32>
          %max3A_433 = arith.constant 0.000000e+00 : f32
          %max3A_434 = vector.broadcast %max3A_433 : f32 to vector<16xf32>
          %max3A_435 = arith.maximumf %add3A_432, %max3A_434 : vector<16xf32>
          %swap3A_436 = arith.index_cast %add3A_389 : i32 to index
          %swap3A_437 = arith.constant 32 : index
          %swap3A_438 = tpu.vector_load %arg14[%swap3A_436, %swap3A_437] {strides = array<i32>} : memref<125x64xf32, #tpu.memory_space<vmem>>, vector<1x16xf32>,
          %swap3A_439 = vector.shape_cast %swap3A_438 : vector<1x16xf32> to vector<16xf32>
          %swap3A_440 = vector.shape_cast %max3A_435 : vector<16xf32> to vector<1x16xf32>
          tpu.vector_store %arg14[%swap3A_436, %swap3A_437], %swap3A_440 {strides = array<i32>} : memref<125x64xf32, #tpu.memory_space<vmem>>, vector<1x16xf32>,
          %get3A_441 = arith.index_cast %add3A_389 : i32 to index
          %get3A_442 = arith.constant 48 : index
          %get3A_443 = tpu.vector_load %arg10[%get3A_441, %get3A_442] {strides = array<i32>} : memref<125x64xf32, #tpu.memory_space<vmem>>, vector<1x16xf32>,
          %get3A_444 = vector.shape_cast %get3A_443 : vector<1x16xf32> to vector<16xf32>
          %get3A_445 = arith.index_cast %add3A_389 : i32 to index
          %get3A_446 = arith.constant 48 : index
          %get3A_447 = tpu.vector_load %arg12[%get3A_445, %get3A_446] {strides = array<i32>} : memref<125x64xf32, #tpu.memory_space<vmem>>, vector<1x16xf32>,
          %get3A_448 = vector.shape_cast %get3A_447 : vector<1x16xf32> to vector<16xf32>
          %add3A_449 = arith.addf %get3A_444, %get3A_448 : vector<16xf32>
          %max3A_450 = arith.constant 0.000000e+00 : f32
          %max3A_451 = vector.broadcast %max3A_450 : f32 to vector<16xf32>
          %max3A_452 = arith.maximumf %add3A_449, %max3A_451 : vector<16xf32>
          %swap3A_453 = arith.index_cast %add3A_389 : i32 to index
          %swap3A_454 = arith.constant 48 : index
          %swap3A_455 = tpu.vector_load %arg14[%swap3A_453, %swap3A_454] {strides = array<i32>} : memref<125x64xf32, #tpu.memory_space<vmem>>, vector<1x16xf32>,
          %swap3A_456 = vector.shape_cast %swap3A_455 : vector<1x16xf32> to vector<16xf32>
          %swap3A_457 = vector.shape_cast %max3A_452 : vector<16xf32> to vector<1x16xf32>
          tpu.vector_store %arg14[%swap3A_453, %swap3A_454], %swap3A_457 {strides = array<i32>} : memref<125x64xf32, #tpu.memory_space<vmem>>, vector<1x16xf32>,
          %mul3A_458 = arith.constant 5 : i32
          %mul3A_459 = arith.muli %scan3A_244, %mul3A_458 : i32
          %add3A_460 = arith.constant 3 : i32
          %add3A_461 = arith.addi %mul3A_459, %add3A_460 : i32
          %get3A_462 = arith.index_cast %add3A_461 : i32 to index
          %get3A_463 = arith.constant 0 : index
          %get3A_464 = tpu.vector_load %arg10[%get3A_462, %get3A_463] {strides = array<i32>} : memref<125x64xf32, #tpu.memory_space<vmem>>, vector<1x16xf32>,
          %get3A_465 = vector.shape_cast %get3A_464 : vector<1x16xf32> to vector<16xf32>
          %get3A_466 = arith.index_cast %add3A_461 : i32 to index
          %get3A_467 = arith.constant 0 : index
          %get3A_468 = tpu.vector_load %arg12[%get3A_466, %get3A_467] {strides = array<i32>} : memref<125x64xf32, #tpu.memory_space<vmem>>, vector<1x16xf32>,
          %get3A_469 = vector.shape_cast %get3A_468 : vector<1x16xf32> to vector<16xf32>
          %add3A_470 = arith.addf %get3A_465, %get3A_469 : vector<16xf32>
          %max3A_471 = arith.constant 0.000000e+00 : f32
          %max3A_472 = vector.broadcast %max3A_471 : f32 to vector<16xf32>
          %max3A_473 = arith.maximumf %add3A_470, %max3A_472 : vector<16xf32>
          %swap3A_474 = arith.index_cast %add3A_461 : i32 to index
          %swap3A_475 = arith.constant 0 : index
          %swap3A_476 = tpu.vector_load %arg14[%swap3A_474, %swap3A_475] {strides = array<i32>} : memref<125x64xf32, #tpu.memory_space<vmem>>, vector<1x16xf32>,
          %swap3A_477 = vector.shape_cast %swap3A_476 : vector<1x16xf32> to vector<16xf32>
          %swap3A_478 = vector.shape_cast %max3A_473 : vector<16xf32> to vector<1x16xf32>
          tpu.vector_store %arg14[%swap3A_474, %swap3A_475], %swap3A_478 {strides = array<i32>} : memref<125x64xf32, #tpu.memory_space<vmem>>, vector<1x16xf32>,
          %get3A_479 = arith.index_cast %add3A_461 : i32 to index
          %get3A_480 = arith.constant 16 : index
          %get3A_481 = tpu.vector_load %arg10[%get3A_479, %get3A_480] {strides = array<i32>} : memref<125x64xf32, #tpu.memory_space<vmem>>, vector<1x16xf32>,
          %get3A_482 = vector.shape_cast %get3A_481 : vector<1x16xf32> to vector<16xf32>
          %get3A_483 = arith.index_cast %add3A_461 : i32 to index
          %get3A_484 = arith.constant 16 : index
          %get3A_485 = tpu.vector_load %arg12[%get3A_483, %get3A_484] {strides = array<i32>} : memref<125x64xf32, #tpu.memory_space<vmem>>, vector<1x16xf32>,
          %get3A_486 = vector.shape_cast %get3A_485 : vector<1x16xf32> to vector<16xf32>
          %add3A_487 = arith.addf %get3A_482, %get3A_486 : vector<16xf32>
          %max3A_488 = arith.constant 0.000000e+00 : f32
          %max3A_489 = vector.broadcast %max3A_488 : f32 to vector<16xf32>
          %max3A_490 = arith.maximumf %add3A_487, %max3A_489 : vector<16xf32>
          %swap3A_491 = arith.index_cast %add3A_461 : i32 to index
          %swap3A_492 = arith.constant 16 : index
          %swap3A_493 = tpu.vector_load %arg14[%swap3A_491, %swap3A_492] {strides = array<i32>} : memref<125x64xf32, #tpu.memory_space<vmem>>, vector<1x16xf32>,
          %swap3A_494 = vector.shape_cast %swap3A_493 : vector<1x16xf32> to vector<16xf32>
          %swap3A_495 = vector.shape_cast %max3A_490 : vector<16xf32> to vector<1x16xf32>
          tpu.vector_store %arg14[%swap3A_491, %swap3A_492], %swap3A_495 {strides = array<i32>} : memref<125x64xf32, #tpu.memory_space<vmem>>, vector<1x16xf32>,
          %get3A_496 = arith.index_cast %add3A_461 : i32 to index
          %get3A_497 = arith.constant 32 : index
          %get3A_498 = tpu.vector_load %arg10[%get3A_496, %get3A_497] {strides = array<i32>} : memref<125x64xf32, #tpu.memory_space<vmem>>, vector<1x16xf32>,
          %get3A_499 = vector.shape_cast %get3A_498 : vector<1x16xf32> to vector<16xf32>
          %get3A_500 = arith.index_cast %add3A_461 : i32 to index
          %get3A_501 = arith.constant 32 : index
          %get3A_502 = tpu.vector_load %arg12[%get3A_500, %get3A_501] {strides = array<i32>} : memref<125x64xf32, #tpu.memory_space<vmem>>, vector<1x16xf32>,
          %get3A_503 = vector.shape_cast %get3A_502 : vector<1x16xf32> to vector<16xf32>
          %add3A_504 = arith.addf %get3A_499, %get3A_503 : vector<16xf32>
          %max3A_505 = arith.constant 0.000000e+00 : f32
          %max3A_506 = vector.broadcast %max3A_505 : f32 to vector<16xf32>
          %max3A_507 = arith.maximumf %add3A_504, %max3A_506 : vector<16xf32>
          %swap3A_508 = arith.index_cast %add3A_461 : i32 to index
          %swap3A_509 = arith.constant 32 : index
          %swap3A_510 = tpu.vector_load %arg14[%swap3A_508, %swap3A_509] {strides = array<i32>} : memref<125x64xf32, #tpu.memory_space<vmem>>, vector<1x16xf32>,
          %swap3A_511 = vector.shape_cast %swap3A_510 : vector<1x16xf32> to vector<16xf32>
          %swap3A_512 = vector.shape_cast %max3A_507 : vector<16xf32> to vector<1x16xf32>
          tpu.vector_store %arg14[%swap3A_508, %swap3A_509], %swap3A_512 {strides = array<i32>} : memref<125x64xf32, #tpu.memory_space<vmem>>, vector<1x16xf32>,
          %get3A_513 = arith.index_cast %add3A_461 : i32 to index
          %get3A_514 = arith.constant 48 : index
          %get3A_515 = tpu.vector_load %arg10[%get3A_513, %get3A_514] {strides = array<i32>} : memref<125x64xf32, #tpu.memory_space<vmem>>, vector<1x16xf32>,
          %get3A_516 = vector.shape_cast %get3A_515 : vector<1x16xf32> to vector<16xf32>
          %get3A_517 = arith.index_cast %add3A_461 : i32 to index
          %get3A_518 = arith.constant 48 : index
          %get3A_519 = tpu.vector_load %arg12[%get3A_517, %get3A_518] {strides = array<i32>} : memref<125x64xf32, #tpu.memory_space<vmem>>, vector<1x16xf32>,
          %get3A_520 = vector.shape_cast %get3A_519 : vector<1x16xf32> to vector<16xf32>
          %add3A_521 = arith.addf %get3A_516, %get3A_520 : vector<16xf32>
          %max3A_522 = arith.constant 0.000000e+00 : f32
          %max3A_523 = vector.broadcast %max3A_522 : f32 to vector<16xf32>
          %max3A_524 = arith.maximumf %add3A_521, %max3A_523 : vector<16xf32>
          %swap3A_525 = arith.index_cast %add3A_461 : i32 to index
          %swap3A_526 = arith.constant 48 : index
          %swap3A_527 = tpu.vector_load %arg14[%swap3A_525, %swap3A_526] {strides = array<i32>} : memref<125x64xf32, #tpu.memory_space<vmem>>, vector<1x16xf32>,
          %swap3A_528 = vector.shape_cast %swap3A_527 : vector<1x16xf32> to vector<16xf32>
          %swap3A_529 = vector.shape_cast %max3A_524 : vector<16xf32> to vector<1x16xf32>
          tpu.vector_store %arg14[%swap3A_525, %swap3A_526], %swap3A_529 {strides = array<i32>} : memref<125x64xf32, #tpu.memory_space<vmem>>, vector<1x16xf32>,
          %mul3A_530 = arith.constant 5 : i32
          %mul3A_531 = arith.muli %scan3A_244, %mul3A_530 : i32
          %add3A_532 = arith.constant 4 : i32
          %add3A_533 = arith.addi %mul3A_531, %add3A_532 : i32
          %get3A_534 = arith.index_cast %add3A_533 : i32 to index
          %get3A_535 = arith.constant 0 : index
          %get3A_536 = tpu.vector_load %arg10[%get3A_534, %get3A_535] {strides = array<i32>} : memref<125x64xf32, #tpu.memory_space<vmem>>, vector<1x16xf32>,
          %get3A_537 = vector.shape_cast %get3A_536 : vector<1x16xf32> to vector<16xf32>
          %get3A_538 = arith.index_cast %add3A_533 : i32 to index
          %get3A_539 = arith.constant 0 : index
          %get3A_540 = tpu.vector_load %arg12[%get3A_538, %get3A_539] {strides = array<i32>} : memref<125x64xf32, #tpu.memory_space<vmem>>, vector<1x16xf32>,
          %get3A_541 = vector.shape_cast %get3A_540 : vector<1x16xf32> to vector<16xf32>
          %add3A_542 = arith.addf %get3A_537, %get3A_541 : vector<16xf32>
          %max3A_543 = arith.constant 0.000000e+00 : f32
          %max3A_544 = vector.broadcast %max3A_543 : f32 to vector<16xf32>
          %max3A_545 = arith.maximumf %add3A_542, %max3A_544 : vector<16xf32>
          %swap3A_546 = arith.index_cast %add3A_533 : i32 to index
          %swap3A_547 = arith.constant 0 : index
          %swap3A_548 = tpu.vector_load %arg14[%swap3A_546, %swap3A_547] {strides = array<i32>} : memref<125x64xf32, #tpu.memory_space<vmem>>, vector<1x16xf32>,
          %swap3A_549 = vector.shape_cast %swap3A_548 : vector<1x16xf32> to vector<16xf32>
          %swap3A_550 = vector.shape_cast %max3A_545 : vector<16xf32> to vector<1x16xf32>
          tpu.vector_store %arg14[%swap3A_546, %swap3A_547], %swap3A_550 {strides = array<i32>} : memref<125x64xf32, #tpu.memory_space<vmem>>, vector<1x16xf32>,
          %get3A_551 = arith.index_cast %add3A_533 : i32 to index
          %get3A_552 = arith.constant 16 : index
          %get3A_553 = tpu.vector_load %arg10[%get3A_551, %get3A_552] {strides = array<i32>} : memref<125x64xf32, #tpu.memory_space<vmem>>, vector<1x16xf32>,
          %get3A_554 = vector.shape_cast %get3A_553 : vector<1x16xf32> to vector<16xf32>
          %get3A_555 = arith.index_cast %add3A_533 : i32 to index
          %get3A_556 = arith.constant 16 : index
          %get3A_557 = tpu.vector_load %arg12[%get3A_555, %get3A_556] {strides = array<i32>} : memref<125x64xf32, #tpu.memory_space<vmem>>, vector<1x16xf32>,
          %get3A_558 = vector.shape_cast %get3A_557 : vector<1x16xf32> to vector<16xf32>
          %add3A_559 = arith.addf %get3A_554, %get3A_558 : vector<16xf32>
          %max3A_560 = arith.constant 0.000000e+00 : f32
          %max3A_561 = vector.broadcast %max3A_560 : f32 to vector<16xf32>
          %max3A_562 = arith.maximumf %add3A_559, %max3A_561 : vector<16xf32>
          %swap3A_563 = arith.index_cast %add3A_533 : i32 to index
          %swap3A_564 = arith.constant 16 : index
          %swap3A_565 = tpu.vector_load %arg14[%swap3A_563, %swap3A_564] {strides = array<i32>} : memref<125x64xf32, #tpu.memory_space<vmem>>, vector<1x16xf32>,
          %swap3A_566 = vector.shape_cast %swap3A_565 : vector<1x16xf32> to vector<16xf32>
          %swap3A_567 = vector.shape_cast %max3A_562 : vector<16xf32> to vector<1x16xf32>
          tpu.vector_store %arg14[%swap3A_563, %swap3A_564], %swap3A_567 {strides = array<i32>} : memref<125x64xf32, #tpu.memory_space<vmem>>, vector<1x16xf32>,
          %get3A_568 = arith.index_cast %add3A_533 : i32 to index
          %get3A_569 = arith.constant 32 : index
          %get3A_570 = tpu.vector_load %arg10[%get3A_568, %get3A_569] {strides = array<i32>} : memref<125x64xf32, #tpu.memory_space<vmem>>, vector<1x16xf32>,
          %get3A_571 = vector.shape_cast %get3A_570 : vector<1x16xf32> to vector<16xf32>
          %get3A_572 = arith.index_cast %add3A_533 : i32 to index
          %get3A_573 = arith.constant 32 : index
          %get3A_574 = tpu.vector_load %arg12[%get3A_572, %get3A_573] {strides = array<i32>} : memref<125x64xf32, #tpu.memory_space<vmem>>, vector<1x16xf32>,
          %get3A_575 = vector.shape_cast %get3A_574 : vector<1x16xf32> to vector<16xf32>
          %add3A_576 = arith.addf %get3A_571, %get3A_575 : vector<16xf32>
          %max3A_577 = arith.constant 0.000000e+00 : f32
          %max3A_578 = vector.broadcast %max3A_577 : f32 to vector<16xf32>
          %max3A_579 = arith.maximumf %add3A_576, %max3A_578 : vector<16xf32>
          %swap3A_580 = arith.index_cast %add3A_533 : i32 to index
          %swap3A_581 = arith.constant 32 : index
          %swap3A_582 = tpu.vector_load %arg14[%swap3A_580, %swap3A_581] {strides = array<i32>} : memref<125x64xf32, #tpu.memory_space<vmem>>, vector<1x16xf32>,
          %swap3A_583 = vector.shape_cast %swap3A_582 : vector<1x16xf32> to vector<16xf32>
          %swap3A_584 = vector.shape_cast %max3A_579 : vector<16xf32> to vector<1x16xf32>
          tpu.vector_store %arg14[%swap3A_580, %swap3A_581], %swap3A_584 {strides = array<i32>} : memref<125x64xf32, #tpu.memory_space<vmem>>, vector<1x16xf32>,
          %get3A_585 = arith.index_cast %add3A_533 : i32 to index
          %get3A_586 = arith.constant 48 : index
          %get3A_587 = tpu.vector_load %arg10[%get3A_585, %get3A_586] {strides = array<i32>} : memref<125x64xf32, #tpu.memory_space<vmem>>, vector<1x16xf32>,
          %get3A_588 = vector.shape_cast %get3A_587 : vector<1x16xf32> to vector<16xf32>
          %get3A_589 = arith.index_cast %add3A_533 : i32 to index
          %get3A_590 = arith.constant 48 : index
          %get3A_591 = tpu.vector_load %arg12[%get3A_589, %get3A_590] {strides = array<i32>} : memref<125x64xf32, #tpu.memory_space<vmem>>, vector<1x16xf32>,
          %get3A_592 = vector.shape_cast %get3A_591 : vector<1x16xf32> to vector<16xf32>
          %add3A_593 = arith.addf %get3A_588, %get3A_592 : vector<16xf32>
          %max3A_594 = arith.constant 0.000000e+00 : f32
          %max3A_595 = vector.broadcast %max3A_594 : f32 to vector<16xf32>
          %max3A_596 = arith.maximumf %add3A_593, %max3A_595 : vector<16xf32>
          %swap3A_597 = arith.index_cast %add3A_533 : i32 to index
          %swap3A_598 = arith.constant 48 : index
          %swap3A_599 = tpu.vector_load %arg14[%swap3A_597, %swap3A_598] {strides = array<i32>} : memref<125x64xf32, #tpu.memory_space<vmem>>, vector<1x16xf32>,
          %swap3A_600 = vector.shape_cast %swap3A_599 : vector<1x16xf32> to vector<16xf32>
          %swap3A_601 = vector.shape_cast %max3A_596 : vector<16xf32> to vector<1x16xf32>
          tpu.vector_store %arg14[%swap3A_597, %swap3A_598], %swap3A_601 {strides = array<i32>} : memref<125x64xf32, #tpu.memory_space<vmem>>, vector<1x16xf32>,
        }
        %scan3A_170 = arith.constant 25 : i32
        %dma_start3A_171 = arith.constant 0 : i32
        %dma_start3A_172 = tpu.memref_slice %arg9[%add3A_146, %dma_start3A_171] : memref<160x125xi32, #tpu.memory_space<vmem>> -> memref<1x125xi32, #tpu.memory_space<vmem>>
        %dma_start3A_173 = tpu.memref_squeeze %dma_start3A_172 : memref<1x125xi32, #tpu.memory_space<vmem>> -> memref<125xi32, #tpu.memory_space<vmem>>
        %dma_start3A_174 = arith.constant 0 : i32
        %dma_start3A_175 = arith.constant 0 : i32
        %dma_start3A_176 = tpu.memref_slice %arg16[%dma_start3A_174, %dma_start3A_175] : memref<10000x64xf32, #tpu.memory_space<vmem_shared>> -> memref<10000x64xf32, #tpu.memory_space<vmem_shared>>
        tpu.enqueue_indirect_dma source(%arg14 : memref<125x64xf32, #tpu.memory_space<vmem>>) target(%dma_start3A_176 : memref<10000x64xf32, #tpu.memory_space<vmem_shared>>) offsets(%dma_start3A_173 : memref<125xi32, #tpu.memory_space<vmem>>) semaphore(%arg21 : memref<!tpu.dma_semaphore, #tpu.memory_space<semaphore_mem>>) {add = true}
        %add3A_177 = arith.constant 2 : i32
        %add3A_178 = arith.addi %add3A_146, %add3A_177 : i32
        %lt3A = arith.constant 160 : i32
        %lt3A_179 = arith.cmpi slt, %add3A_178, %lt3A : i32
        %sub3A = arith.constant 160 : i32
        %sub3A_180 = arith.subi %add3A_178, %sub3A : i32
        %select_n3A = arith.select %lt3A_179, %add3A_178, %sub3A_180 : i32
        %dma_start3A_181 = arith.constant 0 : i32
        %dma_start3A_182 = tpu.memref_slice %arg8[%select_n3A, %dma_start3A_181] : memref<160x125xi32, #tpu.memory_space<vmem>> -> memref<1x125xi32, #tpu.memory_space<vmem>>
        %dma_start3A_183 = tpu.memref_squeeze %dma_start3A_182 : memref<1x125xi32, #tpu.memory_space<vmem>> -> memref<125xi32, #tpu.memory_space<vmem>>
        %dma_start3A_184 = arith.constant 0 : i32
        %dma_start3A_185 = arith.constant 0 : i32
        %dma_start3A_186 = tpu.memref_slice %arg3[%dma_start3A_184, %dma_start3A_185] : memref<10000x64xf32, #tpu.memory_space<hbm>> -> memref<10000x64xf32, #tpu.memory_space<hbm>>
        tpu.enqueue_indirect_dma source(%dma_start3A_186 : memref<10000x64xf32, #tpu.memory_space<hbm>>) target(%arg10 : memref<125x64xf32, #tpu.memory_space<vmem>>) offsets(%dma_start3A_183 : memref<125xi32, #tpu.memory_space<vmem>>) semaphore(%arg17 : memref<!tpu.dma_semaphore, #tpu.memory_space<semaphore_mem>>)
        %dma_start3A_187 = arith.constant 0 : i32
        %dma_start3A_188 = tpu.memref_slice %arg9[%select_n3A, %dma_start3A_187] : memref<160x125xi32, #tpu.memory_space<vmem>> -> memref<1x125xi32, #tpu.memory_space<vmem>>
        %dma_start3A_189 = tpu.memref_squeeze %dma_start3A_188 : memref<1x125xi32, #tpu.memory_space<vmem>> -> memref<125xi32, #tpu.memory_space<vmem>>
        %dma_start3A_190 = arith.constant 0 : i32
        %dma_start3A_191 = arith.constant 0 : i32
        %dma_start3A_192 = tpu.memref_slice %arg5[%dma_start3A_190, %dma_start3A_191] : memref<10000x64xf32, #tpu.memory_space<hbm>> -> memref<10000x64xf32, #tpu.memory_space<hbm>>
        tpu.enqueue_indirect_dma source(%dma_start3A_192 : memref<10000x64xf32, #tpu.memory_space<hbm>>) target(%arg12 : memref<125x64xf32, #tpu.memory_space<vmem>>) offsets(%dma_start3A_189 : memref<125xi32, #tpu.memory_space<vmem>>) semaphore(%arg19 : memref<!tpu.dma_semaphore, #tpu.memory_space<semaphore_mem>>)
        %add3A_193 = arith.constant 1 : i32
        %add3A_194 = arith.addi %mul3A_144, %add3A_193 : i32
        %dma_wait3A_195 = arith.constant 0 : i32
        %dma_wait3A_196 = tpu.memref_slice %arg8[%add3A_194, %dma_wait3A_195] : memref<160x125xi32, #tpu.memory_space<vmem>> -> memref<1x125xi32, #tpu.memory_space<vmem>>
        %dma_wait3A_197 = tpu.memref_squeeze %dma_wait3A_196 : memref<1x125xi32, #tpu.memory_space<vmem>> -> memref<125xi32, #tpu.memory_space<vmem>>
        %dma_wait3A_198 = arith.constant 0 : i32
        %dma_wait3A_199 = arith.constant 0 : i32
        %dma_wait3A_200 = tpu.memref_slice %arg3[%dma_wait3A_198, %dma_wait3A_199] : memref<10000x64xf32, #tpu.memory_space<hbm>> -> memref<10000x64xf32, #tpu.memory_space<hbm>>
        tpu.wait_indirect_dma semaphore(%arg18 : memref<!tpu.dma_semaphore, #tpu.memory_space<semaphore_mem>>) src(%dma_wait3A_200 : memref<10000x64xf32, #tpu.memory_space<hbm>>) dst(%arg11 : memref<125x64xf32, #tpu.memory_space<vmem>>)
        %dma_wait3A_201 = arith.constant 0 : i32
        %dma_wait3A_202 = tpu.memref_slice %arg9[%add3A_194, %dma_wait3A_201] : memref<160x125xi32, #tpu.memory_space<vmem>> -> memref<1x125xi32, #tpu.memory_space<vmem>>
        %dma_wait3A_203 = tpu.memref_squeeze %dma_wait3A_202 : memref<1x125xi32, #tpu.memory_space<vmem>> -> memref<125xi32, #tpu.memory_space<vmem>>
        %dma_wait3A_204 = arith.constant 0 : i32
        %dma_wait3A_205 = arith.constant 0 : i32
        %dma_wait3A_206 = tpu.memref_slice %arg5[%dma_wait3A_204, %dma_wait3A_205] : memref<10000x64xf32, #tpu.memory_space<hbm>> -> memref<10000x64xf32, #tpu.memory_space<hbm>>
        tpu.wait_indirect_dma semaphore(%arg20 : memref<!tpu.dma_semaphore, #tpu.memory_space<semaphore_mem>>) src(%dma_wait3A_206 : memref<10000x64xf32, #tpu.memory_space<hbm>>) dst(%arg13 : memref<125x64xf32, #tpu.memory_space<vmem>>)
        %dma_wait3A_207 = arith.constant 0 : i32
        %dma_wait3A_208 = tpu.memref_slice %arg9[%add3A_194, %dma_wait3A_207] : memref<160x125xi32, #tpu.memory_space<vmem>> -> memref<1x125xi32, #tpu.memory_space<vmem>>
        %dma_wait3A_209 = tpu.memref_squeeze %dma_wait3A_208 : memref<1x125xi32, #tpu.memory_space<vmem>> -> memref<125xi32, #tpu.memory_space<vmem>>
        %dma_wait3A_210 = arith.constant 0 : i32
        %dma_wait3A_211 = arith.constant 0 : i32
        %dma_wait3A_212 = tpu.memref_slice %arg16[%dma_wait3A_210, %dma_wait3A_211] : memref<10000x64xf32, #tpu.memory_space<vmem_shared>> -> memref<10000x64xf32, #tpu.memory_space<vmem_shared>>
        tpu.wait_indirect_dma semaphore(%arg22 : memref<!tpu.dma_semaphore, #tpu.memory_space<semaphore_mem>>) src(%arg15 : memref<125x64xf32, #tpu.memory_space<vmem>>) dst(%dma_wait3A_212 : memref<10000x64xf32, #tpu.memory_space<vmem_shared>>)
        %scan3A_213 = arith.constant 0 : i32
        %scan3A_214 = arith.constant 0 : i32
        %scan3A_215 = arith.constant 25 : i32
        %scan3A_216 = arith.addi %scan3A_214, %scan3A_215 : i32
        %scan3A_217 = arith.constant 1 : i32
        scf.for %scan3A_244 = %scan3A_214 to %scan3A_216 step %scan3A_217  : i32 {
          %mul3A_245 = arith.constant 5 : i32
          %mul3A_246 = arith.muli %scan3A_244, %mul3A_245 : i32
          %add3A_247 = arith.constant 0 : i32
          %add3A_248 = arith.addi %mul3A_246, %add3A_247 : i32
          %get3A = arith.index_cast %add3A_248 : i32 to index
          %get3A_249 = arith.constant 0 : index
          %get3A_250 = tpu.vector_load %arg11[%get3A, %get3A_249] {strides = array<i32>} : memref<125x64xf32, #tpu.memory_space<vmem>>, vector<1x16xf32>,
          %get3A_251 = vector.shape_cast %get3A_250 : vector<1x16xf32> to vector<16xf32>
          %get3A_252 = arith.index_cast %add3A_248 : i32 to index
          %get3A_253 = arith.constant 0 : index
          %get3A_254 = tpu.vector_load %arg13[%get3A_252, %get3A_253] {strides = array<i32>} : memref<125x64xf32, #tpu.memory_space<vmem>>, vector<1x16xf32>,
          %get3A_255 = vector.shape_cast %get3A_254 : vector<1x16xf32> to vector<16xf32>
          %add3A_256 = arith.addf %get3A_251, %get3A_255 : vector<16xf32>
          %max3A = arith.constant 0.000000e+00 : f32
          %max3A_257 = vector.broadcast %max3A : f32 to vector<16xf32>
          %max3A_258 = arith.maximumf %add3A_256, %max3A_257 : vector<16xf32>
          %swap3A = arith.index_cast %add3A_248 : i32 to index
          %swap3A_259 = arith.constant 0 : index
          %swap3A_260 = tpu.vector_load %arg15[%swap3A, %swap3A_259] {strides = array<i32>} : memref<125x64xf32, #tpu.memory_space<vmem>>, vector<1x16xf32>,
          %swap3A_261 = vector.shape_cast %swap3A_260 : vector<1x16xf32> to vector<16xf32>
          %swap3A_262 = vector.shape_cast %max3A_258 : vector<16xf32> to vector<1x16xf32>
          tpu.vector_store %arg15[%swap3A, %swap3A_259], %swap3A_262 {strides = array<i32>} : memref<125x64xf32, #tpu.memory_space<vmem>>, vector<1x16xf32>,
          %get3A_263 = arith.index_cast %add3A_248 : i32 to index
          %get3A_264 = arith.constant 16 : index
          %get3A_265 = tpu.vector_load %arg11[%get3A_263, %get3A_264] {strides = array<i32>} : memref<125x64xf32, #tpu.memory_space<vmem>>, vector<1x16xf32>,
          %get3A_266 = vector.shape_cast %get3A_265 : vector<1x16xf32> to vector<16xf32>
          %get3A_267 = arith.index_cast %add3A_248 : i32 to index
          %get3A_268 = arith.constant 16 : index
          %get3A_269 = tpu.vector_load %arg13[%get3A_267, %get3A_268] {strides = array<i32>} : memref<125x64xf32, #tpu.memory_space<vmem>>, vector<1x16xf32>,
          %get3A_270 = vector.shape_cast %get3A_269 : vector<1x16xf32> to vector<16xf32>
          %add3A_271 = arith.addf %get3A_266, %get3A_270 : vector<16xf32>
          %max3A_272 = arith.constant 0.000000e+00 : f32
          %max3A_273 = vector.broadcast %max3A_272 : f32 to vector<16xf32>
          %max3A_274 = arith.maximumf %add3A_271, %max3A_273 : vector<16xf32>
          %swap3A_275 = arith.index_cast %add3A_248 : i32 to index
          %swap3A_276 = arith.constant 16 : index
          %swap3A_277 = tpu.vector_load %arg15[%swap3A_275, %swap3A_276] {strides = array<i32>} : memref<125x64xf32, #tpu.memory_space<vmem>>, vector<1x16xf32>,
          %swap3A_278 = vector.shape_cast %swap3A_277 : vector<1x16xf32> to vector<16xf32>
          %swap3A_279 = vector.shape_cast %max3A_274 : vector<16xf32> to vector<1x16xf32>
          tpu.vector_store %arg15[%swap3A_275, %swap3A_276], %swap3A_279 {strides = array<i32>} : memref<125x64xf32, #tpu.memory_space<vmem>>, vector<1x16xf32>,
          %get3A_280 = arith.index_cast %add3A_248 : i32 to index
          %get3A_281 = arith.constant 32 : index
          %get3A_282 = tpu.vector_load %arg11[%get3A_280, %get3A_281] {strides = array<i32>} : memref<125x64xf32, #tpu.memory_space<vmem>>, vector<1x16xf32>,
          %get3A_283 = vector.shape_cast %get3A_282 : vector<1x16xf32> to vector<16xf32>
          %get3A_284 = arith.index_cast %add3A_248 : i32 to index
          %get3A_285 = arith.constant 32 : index
          %get3A_286 = tpu.vector_load %arg13[%get3A_284, %get3A_285] {strides = array<i32>} : memref<125x64xf32, #tpu.memory_space<vmem>>, vector<1x16xf32>,
          %get3A_287 = vector.shape_cast %get3A_286 : vector<1x16xf32> to vector<16xf32>
          %add3A_288 = arith.addf %get3A_283, %get3A_287 : vector<16xf32>
          %max3A_289 = arith.constant 0.000000e+00 : f32
          %max3A_290 = vector.broadcast %max3A_289 : f32 to vector<16xf32>
          %max3A_291 = arith.maximumf %add3A_288, %max3A_290 : vector<16xf32>
          %swap3A_292 = arith.index_cast %add3A_248 : i32 to index
          %swap3A_293 = arith.constant 32 : index
          %swap3A_294 = tpu.vector_load %arg15[%swap3A_292, %swap3A_293] {strides = array<i32>} : memref<125x64xf32, #tpu.memory_space<vmem>>, vector<1x16xf32>,
          %swap3A_295 = vector.shape_cast %swap3A_294 : vector<1x16xf32> to vector<16xf32>
          %swap3A_296 = vector.shape_cast %max3A_291 : vector<16xf32> to vector<1x16xf32>
          tpu.vector_store %arg15[%swap3A_292, %swap3A_293], %swap3A_296 {strides = array<i32>} : memref<125x64xf32, #tpu.memory_space<vmem>>, vector<1x16xf32>,
          %get3A_297 = arith.index_cast %add3A_248 : i32 to index
          %get3A_298 = arith.constant 48 : index
          %get3A_299 = tpu.vector_load %arg11[%get3A_297, %get3A_298] {strides = array<i32>} : memref<125x64xf32, #tpu.memory_space<vmem>>, vector<1x16xf32>,
          %get3A_300 = vector.shape_cast %get3A_299 : vector<1x16xf32> to vector<16xf32>
          %get3A_301 = arith.index_cast %add3A_248 : i32 to index
          %get3A_302 = arith.constant 48 : index
          %get3A_303 = tpu.vector_load %arg13[%get3A_301, %get3A_302] {strides = array<i32>} : memref<125x64xf32, #tpu.memory_space<vmem>>, vector<1x16xf32>,
          %get3A_304 = vector.shape_cast %get3A_303 : vector<1x16xf32> to vector<16xf32>
          %add3A_305 = arith.addf %get3A_300, %get3A_304 : vector<16xf32>
          %max3A_306 = arith.constant 0.000000e+00 : f32
          %max3A_307 = vector.broadcast %max3A_306 : f32 to vector<16xf32>
          %max3A_308 = arith.maximumf %add3A_305, %max3A_307 : vector<16xf32>
          %swap3A_309 = arith.index_cast %add3A_248 : i32 to index
          %swap3A_310 = arith.constant 48 : index
          %swap3A_311 = tpu.vector_load %arg15[%swap3A_309, %swap3A_310] {strides = array<i32>} : memref<125x64xf32, #tpu.memory_space<vmem>>, vector<1x16xf32>,
          %swap3A_312 = vector.shape_cast %swap3A_311 : vector<1x16xf32> to vector<16xf32>
          %swap3A_313 = vector.shape_cast %max3A_308 : vector<16xf32> to vector<1x16xf32>
          tpu.vector_store %arg15[%swap3A_309, %swap3A_310], %swap3A_313 {strides = array<i32>} : memref<125x64xf32, #tpu.memory_space<vmem>>, vector<1x16xf32>,
          %mul3A_314 = arith.constant 5 : i32
          %mul3A_315 = arith.muli %scan3A_244, %mul3A_314 : i32
          %add3A_316 = arith.constant 1 : i32
          %add3A_317 = arith.addi %mul3A_315, %add3A_316 : i32
          %get3A_318 = arith.index_cast %add3A_317 : i32 to index
          %get3A_319 = arith.constant 0 : index
          %get3A_320 = tpu.vector_load %arg11[%get3A_318, %get3A_319] {strides = array<i32>} : memref<125x64xf32, #tpu.memory_space<vmem>>, vector<1x16xf32>,
          %get3A_321 = vector.shape_cast %get3A_320 : vector<1x16xf32> to vector<16xf32>
          %get3A_322 = arith.index_cast %add3A_317 : i32 to index
          %get3A_323 = arith.constant 0 : index
          %get3A_324 = tpu.vector_load %arg13[%get3A_322, %get3A_323] {strides = array<i32>} : memref<125x64xf32, #tpu.memory_space<vmem>>, vector<1x16xf32>,
          %get3A_325 = vector.shape_cast %get3A_324 : vector<1x16xf32> to vector<16xf32>
          %add3A_326 = arith.addf %get3A_321, %get3A_325 : vector<16xf32>
          %max3A_327 = arith.constant 0.000000e+00 : f32
          %max3A_328 = vector.broadcast %max3A_327 : f32 to vector<16xf32>
          %max3A_329 = arith.maximumf %add3A_326, %max3A_328 : vector<16xf32>
          %swap3A_330 = arith.index_cast %add3A_317 : i32 to index
          %swap3A_331 = arith.constant 0 : index
          %swap3A_332 = tpu.vector_load %arg15[%swap3A_330, %swap3A_331] {strides = array<i32>} : memref<125x64xf32, #tpu.memory_space<vmem>>, vector<1x16xf32>,
          %swap3A_333 = vector.shape_cast %swap3A_332 : vector<1x16xf32> to vector<16xf32>
          %swap3A_334 = vector.shape_cast %max3A_329 : vector<16xf32> to vector<1x16xf32>
          tpu.vector_store %arg15[%swap3A_330, %swap3A_331], %swap3A_334 {strides = array<i32>} : memref<125x64xf32, #tpu.memory_space<vmem>>, vector<1x16xf32>,
          %get3A_335 = arith.index_cast %add3A_317 : i32 to index
          %get3A_336 = arith.constant 16 : index
          %get3A_337 = tpu.vector_load %arg11[%get3A_335, %get3A_336] {strides = array<i32>} : memref<125x64xf32, #tpu.memory_space<vmem>>, vector<1x16xf32>,
          %get3A_338 = vector.shape_cast %get3A_337 : vector<1x16xf32> to vector<16xf32>
          %get3A_339 = arith.index_cast %add3A_317 : i32 to index
          %get3A_340 = arith.constant 16 : index
          %get3A_341 = tpu.vector_load %arg13[%get3A_339, %get3A_340] {strides = array<i32>} : memref<125x64xf32, #tpu.memory_space<vmem>>, vector<1x16xf32>,
          %get3A_342 = vector.shape_cast %get3A_341 : vector<1x16xf32> to vector<16xf32>
          %add3A_343 = arith.addf %get3A_338, %get3A_342 : vector<16xf32>
          %max3A_344 = arith.constant 0.000000e+00 : f32
          %max3A_345 = vector.broadcast %max3A_344 : f32 to vector<16xf32>
          %max3A_346 = arith.maximumf %add3A_343, %max3A_345 : vector<16xf32>
          %swap3A_347 = arith.index_cast %add3A_317 : i32 to index
          %swap3A_348 = arith.constant 16 : index
          %swap3A_349 = tpu.vector_load %arg15[%swap3A_347, %swap3A_348] {strides = array<i32>} : memref<125x64xf32, #tpu.memory_space<vmem>>, vector<1x16xf32>,
          %swap3A_350 = vector.shape_cast %swap3A_349 : vector<1x16xf32> to vector<16xf32>
          %swap3A_351 = vector.shape_cast %max3A_346 : vector<16xf32> to vector<1x16xf32>
          tpu.vector_store %arg15[%swap3A_347, %swap3A_348], %swap3A_351 {strides = array<i32>} : memref<125x64xf32, #tpu.memory_space<vmem>>, vector<1x16xf32>,
          %get3A_352 = arith.index_cast %add3A_317 : i32 to index
          %get3A_353 = arith.constant 32 : index
          %get3A_354 = tpu.vector_load %arg11[%get3A_352, %get3A_353] {strides = array<i32>} : memref<125x64xf32, #tpu.memory_space<vmem>>, vector<1x16xf32>,
          %get3A_355 = vector.shape_cast %get3A_354 : vector<1x16xf32> to vector<16xf32>
          %get3A_356 = arith.index_cast %add3A_317 : i32 to index
          %get3A_357 = arith.constant 32 : index
          %get3A_358 = tpu.vector_load %arg13[%get3A_356, %get3A_357] {strides = array<i32>} : memref<125x64xf32, #tpu.memory_space<vmem>>, vector<1x16xf32>,
          %get3A_359 = vector.shape_cast %get3A_358 : vector<1x16xf32> to vector<16xf32>
          %add3A_360 = arith.addf %get3A_355, %get3A_359 : vector<16xf32>
          %max3A_361 = arith.constant 0.000000e+00 : f32
          %max3A_362 = vector.broadcast %max3A_361 : f32 to vector<16xf32>
          %max3A_363 = arith.maximumf %add3A_360, %max3A_362 : vector<16xf32>
          %swap3A_364 = arith.index_cast %add3A_317 : i32 to index
          %swap3A_365 = arith.constant 32 : index
          %swap3A_366 = tpu.vector_load %arg15[%swap3A_364, %swap3A_365] {strides = array<i32>} : memref<125x64xf32, #tpu.memory_space<vmem>>, vector<1x16xf32>,
          %swap3A_367 = vector.shape_cast %swap3A_366 : vector<1x16xf32> to vector<16xf32>
          %swap3A_368 = vector.shape_cast %max3A_363 : vector<16xf32> to vector<1x16xf32>
          tpu.vector_store %arg15[%swap3A_364, %swap3A_365], %swap3A_368 {strides = array<i32>} : memref<125x64xf32, #tpu.memory_space<vmem>>, vector<1x16xf32>,
          %get3A_369 = arith.index_cast %add3A_317 : i32 to index
          %get3A_370 = arith.constant 48 : index
          %get3A_371 = tpu.vector_load %arg11[%get3A_369, %get3A_370] {strides = array<i32>} : memref<125x64xf32, #tpu.memory_space<vmem>>, vector<1x16xf32>,
          %get3A_372 = vector.shape_cast %get3A_371 : vector<1x16xf32> to vector<16xf32>
          %get3A_373 = arith.index_cast %add3A_317 : i32 to index
          %get3A_374 = arith.constant 48 : index
          %get3A_375 = tpu.vector_load %arg13[%get3A_373, %get3A_374] {strides = array<i32>} : memref<125x64xf32, #tpu.memory_space<vmem>>, vector<1x16xf32>,
          %get3A_376 = vector.shape_cast %get3A_375 : vector<1x16xf32> to vector<16xf32>
          %add3A_377 = arith.addf %get3A_372, %get3A_376 : vector<16xf32>
          %max3A_378 = arith.constant 0.000000e+00 : f32
          %max3A_379 = vector.broadcast %max3A_378 : f32 to vector<16xf32>
          %max3A_380 = arith.maximumf %add3A_377, %max3A_379 : vector<16xf32>
          %swap3A_381 = arith.index_cast %add3A_317 : i32 to index
          %swap3A_382 = arith.constant 48 : index
          %swap3A_383 = tpu.vector_load %arg15[%swap3A_381, %swap3A_382] {strides = array<i32>} : memref<125x64xf32, #tpu.memory_space<vmem>>, vector<1x16xf32>,
          %swap3A_384 = vector.shape_cast %swap3A_383 : vector<1x16xf32> to vector<16xf32>
          %swap3A_385 = vector.shape_cast %max3A_380 : vector<16xf32> to vector<1x16xf32>
          tpu.vector_store %arg15[%swap3A_381, %swap3A_382], %swap3A_385 {strides = array<i32>} : memref<125x64xf32, #tpu.memory_space<vmem>>, vector<1x16xf32>,
          %mul3A_386 = arith.constant 5 : i32
          %mul3A_387 = arith.muli %scan3A_244, %mul3A_386 : i32
          %add3A_388 = arith.constant 2 : i32
          %add3A_389 = arith.addi %mul3A_387, %add3A_388 : i32
          %get3A_390 = arith.index_cast %add3A_389 : i32 to index
          %get3A_391 = arith.constant 0 : index
          %get3A_392 = tpu.vector_load %arg11[%get3A_390, %get3A_391] {strides = array<i32>} : memref<125x64xf32, #tpu.memory_space<vmem>>, vector<1x16xf32>,
          %get3A_393 = vector.shape_cast %get3A_392 : vector<1x16xf32> to vector<16xf32>
          %get3A_394 = arith.index_cast %add3A_389 : i32 to index
          %get3A_395 = arith.constant 0 : index
          %get3A_396 = tpu.vector_load %arg13[%get3A_394, %get3A_395] {strides = array<i32>} : memref<125x64xf32, #tpu.memory_space<vmem>>, vector<1x16xf32>,
          %get3A_397 = vector.shape_cast %get3A_396 : vector<1x16xf32> to vector<16xf32>
          %add3A_398 = arith.addf %get3A_393, %get3A_397 : vector<16xf32>
          %max3A_399 = arith.constant 0.000000e+00 : f32
          %max3A_400 = vector.broadcast %max3A_399 : f32 to vector<16xf32>
          %max3A_401 = arith.maximumf %add3A_398, %max3A_400 : vector<16xf32>
          %swap3A_402 = arith.index_cast %add3A_389 : i32 to index
          %swap3A_403 = arith.constant 0 : index
          %swap3A_404 = tpu.vector_load %arg15[%swap3A_402, %swap3A_403] {strides = array<i32>} : memref<125x64xf32, #tpu.memory_space<vmem>>, vector<1x16xf32>,
          %swap3A_405 = vector.shape_cast %swap3A_404 : vector<1x16xf32> to vector<16xf32>
          %swap3A_406 = vector.shape_cast %max3A_401 : vector<16xf32> to vector<1x16xf32>
          tpu.vector_store %arg15[%swap3A_402, %swap3A_403], %swap3A_406 {strides = array<i32>} : memref<125x64xf32, #tpu.memory_space<vmem>>, vector<1x16xf32>,
          %get3A_407 = arith.index_cast %add3A_389 : i32 to index
          %get3A_408 = arith.constant 16 : index
          %get3A_409 = tpu.vector_load %arg11[%get3A_407, %get3A_408] {strides = array<i32>} : memref<125x64xf32, #tpu.memory_space<vmem>>, vector<1x16xf32>,
          %get3A_410 = vector.shape_cast %get3A_409 : vector<1x16xf32> to vector<16xf32>
          %get3A_411 = arith.index_cast %add3A_389 : i32 to index
          %get3A_412 = arith.constant 16 : index
          %get3A_413 = tpu.vector_load %arg13[%get3A_411, %get3A_412] {strides = array<i32>} : memref<125x64xf32, #tpu.memory_space<vmem>>, vector<1x16xf32>,
          %get3A_414 = vector.shape_cast %get3A_413 : vector<1x16xf32> to vector<16xf32>
          %add3A_415 = arith.addf %get3A_410, %get3A_414 : vector<16xf32>
          %max3A_416 = arith.constant 0.000000e+00 : f32
          %max3A_417 = vector.broadcast %max3A_416 : f32 to vector<16xf32>
          %max3A_418 = arith.maximumf %add3A_415, %max3A_417 : vector<16xf32>
          %swap3A_419 = arith.index_cast %add3A_389 : i32 to index
          %swap3A_420 = arith.constant 16 : index
          %swap3A_421 = tpu.vector_load %arg15[%swap3A_419, %swap3A_420] {strides = array<i32>} : memref<125x64xf32, #tpu.memory_space<vmem>>, vector<1x16xf32>,
          %swap3A_422 = vector.shape_cast %swap3A_421 : vector<1x16xf32> to vector<16xf32>
          %swap3A_423 = vector.shape_cast %max3A_418 : vector<16xf32> to vector<1x16xf32>
          tpu.vector_store %arg15[%swap3A_419, %swap3A_420], %swap3A_423 {strides = array<i32>} : memref<125x64xf32, #tpu.memory_space<vmem>>, vector<1x16xf32>,
          %get3A_424 = arith.index_cast %add3A_389 : i32 to index
          %get3A_425 = arith.constant 32 : index
          %get3A_426 = tpu.vector_load %arg11[%get3A_424, %get3A_425] {strides = array<i32>} : memref<125x64xf32, #tpu.memory_space<vmem>>, vector<1x16xf32>,
          %get3A_427 = vector.shape_cast %get3A_426 : vector<1x16xf32> to vector<16xf32>
          %get3A_428 = arith.index_cast %add3A_389 : i32 to index
          %get3A_429 = arith.constant 32 : index
          %get3A_430 = tpu.vector_load %arg13[%get3A_428, %get3A_429] {strides = array<i32>} : memref<125x64xf32, #tpu.memory_space<vmem>>, vector<1x16xf32>,
          %get3A_431 = vector.shape_cast %get3A_430 : vector<1x16xf32> to vector<16xf32>
          %add3A_432 = arith.addf %get3A_427, %get3A_431 : vector<16xf32>
          %max3A_433 = arith.constant 0.000000e+00 : f32
          %max3A_434 = vector.broadcast %max3A_433 : f32 to vector<16xf32>
          %max3A_435 = arith.maximumf %add3A_432, %max3A_434 : vector<16xf32>
          %swap3A_436 = arith.index_cast %add3A_389 : i32 to index
          %swap3A_437 = arith.constant 32 : index
          %swap3A_438 = tpu.vector_load %arg15[%swap3A_436, %swap3A_437] {strides = array<i32>} : memref<125x64xf32, #tpu.memory_space<vmem>>, vector<1x16xf32>,
          %swap3A_439 = vector.shape_cast %swap3A_438 : vector<1x16xf32> to vector<16xf32>
          %swap3A_440 = vector.shape_cast %max3A_435 : vector<16xf32> to vector<1x16xf32>
          tpu.vector_store %arg15[%swap3A_436, %swap3A_437], %swap3A_440 {strides = array<i32>} : memref<125x64xf32, #tpu.memory_space<vmem>>, vector<1x16xf32>,
          %get3A_441 = arith.index_cast %add3A_389 : i32 to index
          %get3A_442 = arith.constant 48 : index
          %get3A_443 = tpu.vector_load %arg11[%get3A_441, %get3A_442] {strides = array<i32>} : memref<125x64xf32, #tpu.memory_space<vmem>>, vector<1x16xf32>,
          %get3A_444 = vector.shape_cast %get3A_443 : vector<1x16xf32> to vector<16xf32>
          %get3A_445 = arith.index_cast %add3A_389 : i32 to index
          %get3A_446 = arith.constant 48 : index
          %get3A_447 = tpu.vector_load %arg13[%get3A_445, %get3A_446] {strides = array<i32>} : memref<125x64xf32, #tpu.memory_space<vmem>>, vector<1x16xf32>,
          %get3A_448 = vector.shape_cast %get3A_447 : vector<1x16xf32> to vector<16xf32>
          %add3A_449 = arith.addf %get3A_444, %get3A_448 : vector<16xf32>
          %max3A_450 = arith.constant 0.000000e+00 : f32
          %max3A_451 = vector.broadcast %max3A_450 : f32 to vector<16xf32>
          %max3A_452 = arith.maximumf %add3A_449, %max3A_451 : vector<16xf32>
          %swap3A_453 = arith.index_cast %add3A_389 : i32 to index
          %swap3A_454 = arith.constant 48 : index
          %swap3A_455 = tpu.vector_load %arg15[%swap3A_453, %swap3A_454] {strides = array<i32>} : memref<125x64xf32, #tpu.memory_space<vmem>>, vector<1x16xf32>,
          %swap3A_456 = vector.shape_cast %swap3A_455 : vector<1x16xf32> to vector<16xf32>
          %swap3A_457 = vector.shape_cast %max3A_452 : vector<16xf32> to vector<1x16xf32>
          tpu.vector_store %arg15[%swap3A_453, %swap3A_454], %swap3A_457 {strides = array<i32>} : memref<125x64xf32, #tpu.memory_space<vmem>>, vector<1x16xf32>,
          %mul3A_458 = arith.constant 5 : i32
          %mul3A_459 = arith.muli %scan3A_244, %mul3A_458 : i32
          %add3A_460 = arith.constant 3 : i32
          %add3A_461 = arith.addi %mul3A_459, %add3A_460 : i32
          %get3A_462 = arith.index_cast %add3A_461 : i32 to index
          %get3A_463 = arith.constant 0 : index
          %get3A_464 = tpu.vector_load %arg11[%get3A_462, %get3A_463] {strides = array<i32>} : memref<125x64xf32, #tpu.memory_space<vmem>>, vector<1x16xf32>,
          %get3A_465 = vector.shape_cast %get3A_464 : vector<1x16xf32> to vector<16xf32>
          %get3A_466 = arith.index_cast %add3A_461 : i32 to index
          %get3A_467 = arith.constant 0 : index
          %get3A_468 = tpu.vector_load %arg13[%get3A_466, %get3A_467] {strides = array<i32>} : memref<125x64xf32, #tpu.memory_space<vmem>>, vector<1x16xf32>,
          %get3A_469 = vector.shape_cast %get3A_468 : vector<1x16xf32> to vector<16xf32>
          %add3A_470 = arith.addf %get3A_465, %get3A_469 : vector<16xf32>
          %max3A_471 = arith.constant 0.000000e+00 : f32
          %max3A_472 = vector.broadcast %max3A_471 : f32 to vector<16xf32>
          %max3A_473 = arith.maximumf %add3A_470, %max3A_472 : vector<16xf32>
          %swap3A_474 = arith.index_cast %add3A_461 : i32 to index
          %swap3A_475 = arith.constant 0 : index
          %swap3A_476 = tpu.vector_load %arg15[%swap3A_474, %swap3A_475] {strides = array<i32>} : memref<125x64xf32, #tpu.memory_space<vmem>>, vector<1x16xf32>,
          %swap3A_477 = vector.shape_cast %swap3A_476 : vector<1x16xf32> to vector<16xf32>
          %swap3A_478 = vector.shape_cast %max3A_473 : vector<16xf32> to vector<1x16xf32>
          tpu.vector_store %arg15[%swap3A_474, %swap3A_475], %swap3A_478 {strides = array<i32>} : memref<125x64xf32, #tpu.memory_space<vmem>>, vector<1x16xf32>,
          %get3A_479 = arith.index_cast %add3A_461 : i32 to index
          %get3A_480 = arith.constant 16 : index
          %get3A_481 = tpu.vector_load %arg11[%get3A_479, %get3A_480] {strides = array<i32>} : memref<125x64xf32, #tpu.memory_space<vmem>>, vector<1x16xf32>,
          %get3A_482 = vector.shape_cast %get3A_481 : vector<1x16xf32> to vector<16xf32>
          %get3A_483 = arith.index_cast %add3A_461 : i32 to index
          %get3A_484 = arith.constant 16 : index
          %get3A_485 = tpu.vector_load %arg13[%get3A_483, %get3A_484] {strides = array<i32>} : memref<125x64xf32, #tpu.memory_space<vmem>>, vector<1x16xf32>,
          %get3A_486 = vector.shape_cast %get3A_485 : vector<1x16xf32> to vector<16xf32>
          %add3A_487 = arith.addf %get3A_482, %get3A_486 : vector<16xf32>
          %max3A_488 = arith.constant 0.000000e+00 : f32
          %max3A_489 = vector.broadcast %max3A_488 : f32 to vector<16xf32>
          %max3A_490 = arith.maximumf %add3A_487, %max3A_489 : vector<16xf32>
          %swap3A_491 = arith.index_cast %add3A_461 : i32 to index
          %swap3A_492 = arith.constant 16 : index
          %swap3A_493 = tpu.vector_load %arg15[%swap3A_491, %swap3A_492] {strides = array<i32>} : memref<125x64xf32, #tpu.memory_space<vmem>>, vector<1x16xf32>,
          %swap3A_494 = vector.shape_cast %swap3A_493 : vector<1x16xf32> to vector<16xf32>
          %swap3A_495 = vector.shape_cast %max3A_490 : vector<16xf32> to vector<1x16xf32>
          tpu.vector_store %arg15[%swap3A_491, %swap3A_492], %swap3A_495 {strides = array<i32>} : memref<125x64xf32, #tpu.memory_space<vmem>>, vector<1x16xf32>,
          %get3A_496 = arith.index_cast %add3A_461 : i32 to index
          %get3A_497 = arith.constant 32 : index
          %get3A_498 = tpu.vector_load %arg11[%get3A_496, %get3A_497] {strides = array<i32>} : memref<125x64xf32, #tpu.memory_space<vmem>>, vector<1x16xf32>,
          %get3A_499 = vector.shape_cast %get3A_498 : vector<1x16xf32> to vector<16xf32>
          %get3A_500 = arith.index_cast %add3A_461 : i32 to index
          %get3A_501 = arith.constant 32 : index
          %get3A_502 = tpu.vector_load %arg13[%get3A_500, %get3A_501] {strides = array<i32>} : memref<125x64xf32, #tpu.memory_space<vmem>>, vector<1x16xf32>,
          %get3A_503 = vector.shape_cast %get3A_502 : vector<1x16xf32> to vector<16xf32>
          %add3A_504 = arith.addf %get3A_499, %get3A_503 : vector<16xf32>
          %max3A_505 = arith.constant 0.000000e+00 : f32
          %max3A_506 = vector.broadcast %max3A_505 : f32 to vector<16xf32>
          %max3A_507 = arith.maximumf %add3A_504, %max3A_506 : vector<16xf32>
          %swap3A_508 = arith.index_cast %add3A_461 : i32 to index
          %swap3A_509 = arith.constant 32 : index
          %swap3A_510 = tpu.vector_load %arg15[%swap3A_508, %swap3A_509] {strides = array<i32>} : memref<125x64xf32, #tpu.memory_space<vmem>>, vector<1x16xf32>,
          %swap3A_511 = vector.shape_cast %swap3A_510 : vector<1x16xf32> to vector<16xf32>
          %swap3A_512 = vector.shape_cast %max3A_507 : vector<16xf32> to vector<1x16xf32>
          tpu.vector_store %arg15[%swap3A_508, %swap3A_509], %swap3A_512 {strides = array<i32>} : memref<125x64xf32, #tpu.memory_space<vmem>>, vector<1x16xf32>,
          %get3A_513 = arith.index_cast %add3A_461 : i32 to index
          %get3A_514 = arith.constant 48 : index
          %get3A_515 = tpu.vector_load %arg11[%get3A_513, %get3A_514] {strides = array<i32>} : memref<125x64xf32, #tpu.memory_space<vmem>>, vector<1x16xf32>,
          %get3A_516 = vector.shape_cast %get3A_515 : vector<1x16xf32> to vector<16xf32>
          %get3A_517 = arith.index_cast %add3A_461 : i32 to index
          %get3A_518 = arith.constant 48 : index
          %get3A_519 = tpu.vector_load %arg13[%get3A_517, %get3A_518] {strides = array<i32>} : memref<125x64xf32, #tpu.memory_space<vmem>>, vector<1x16xf32>,
          %get3A_520 = vector.shape_cast %get3A_519 : vector<1x16xf32> to vector<16xf32>
          %add3A_521 = arith.addf %get3A_516, %get3A_520 : vector<16xf32>
          %max3A_522 = arith.constant 0.000000e+00 : f32
          %max3A_523 = vector.broadcast %max3A_522 : f32 to vector<16xf32>
          %max3A_524 = arith.maximumf %add3A_521, %max3A_523 : vector<16xf32>
          %swap3A_525 = arith.index_cast %add3A_461 : i32 to index
          %swap3A_526 = arith.constant 48 : index
          %swap3A_527 = tpu.vector_load %arg15[%swap3A_525, %swap3A_526] {strides = array<i32>} : memref<125x64xf32, #tpu.memory_space<vmem>>, vector<1x16xf32>,
          %swap3A_528 = vector.shape_cast %swap3A_527 : vector<1x16xf32> to vector<16xf32>
          %swap3A_529 = vector.shape_cast %max3A_524 : vector<16xf32> to vector<1x16xf32>
          tpu.vector_store %arg15[%swap3A_525, %swap3A_526], %swap3A_529 {strides = array<i32>} : memref<125x64xf32, #tpu.memory_space<vmem>>, vector<1x16xf32>,
          %mul3A_530 = arith.constant 5 : i32
          %mul3A_531 = arith.muli %scan3A_244, %mul3A_530 : i32
          %add3A_532 = arith.constant 4 : i32
          %add3A_533 = arith.addi %mul3A_531, %add3A_532 : i32
          %get3A_534 = arith.index_cast %add3A_533 : i32 to index
          %get3A_535 = arith.constant 0 : index
          %get3A_536 = tpu.vector_load %arg11[%get3A_534, %get3A_535] {strides = array<i32>} : memref<125x64xf32, #tpu.memory_space<vmem>>, vector<1x16xf32>,
          %get3A_537 = vector.shape_cast %get3A_536 : vector<1x16xf32> to vector<16xf32>
          %get3A_538 = arith.index_cast %add3A_533 : i32 to index
          %get3A_539 = arith.constant 0 : index
          %get3A_540 = tpu.vector_load %arg13[%get3A_538, %get3A_539] {strides = array<i32>} : memref<125x64xf32, #tpu.memory_space<vmem>>, vector<1x16xf32>,
          %get3A_541 = vector.shape_cast %get3A_540 : vector<1x16xf32> to vector<16xf32>
          %add3A_542 = arith.addf %get3A_537, %get3A_541 : vector<16xf32>
          %max3A_543 = arith.constant 0.000000e+00 : f32
          %max3A_544 = vector.broadcast %max3A_543 : f32 to vector<16xf32>
          %max3A_545 = arith.maximumf %add3A_542, %max3A_544 : vector<16xf32>
          %swap3A_546 = arith.index_cast %add3A_533 : i32 to index
          %swap3A_547 = arith.constant 0 : index
          %swap3A_548 = tpu.vector_load %arg15[%swap3A_546, %swap3A_547] {strides = array<i32>} : memref<125x64xf32, #tpu.memory_space<vmem>>, vector<1x16xf32>,
          %swap3A_549 = vector.shape_cast %swap3A_548 : vector<1x16xf32> to vector<16xf32>
          %swap3A_550 = vector.shape_cast %max3A_545 : vector<16xf32> to vector<1x16xf32>
          tpu.vector_store %arg15[%swap3A_546, %swap3A_547], %swap3A_550 {strides = array<i32>} : memref<125x64xf32, #tpu.memory_space<vmem>>, vector<1x16xf32>,
          %get3A_551 = arith.index_cast %add3A_533 : i32 to index
          %get3A_552 = arith.constant 16 : index
          %get3A_553 = tpu.vector_load %arg11[%get3A_551, %get3A_552] {strides = array<i32>} : memref<125x64xf32, #tpu.memory_space<vmem>>, vector<1x16xf32>,
          %get3A_554 = vector.shape_cast %get3A_553 : vector<1x16xf32> to vector<16xf32>
          %get3A_555 = arith.index_cast %add3A_533 : i32 to index
          %get3A_556 = arith.constant 16 : index
          %get3A_557 = tpu.vector_load %arg13[%get3A_555, %get3A_556] {strides = array<i32>} : memref<125x64xf32, #tpu.memory_space<vmem>>, vector<1x16xf32>,
          %get3A_558 = vector.shape_cast %get3A_557 : vector<1x16xf32> to vector<16xf32>
          %add3A_559 = arith.addf %get3A_554, %get3A_558 : vector<16xf32>
          %max3A_560 = arith.constant 0.000000e+00 : f32
          %max3A_561 = vector.broadcast %max3A_560 : f32 to vector<16xf32>
          %max3A_562 = arith.maximumf %add3A_559, %max3A_561 : vector<16xf32>
          %swap3A_563 = arith.index_cast %add3A_533 : i32 to index
          %swap3A_564 = arith.constant 16 : index
          %swap3A_565 = tpu.vector_load %arg15[%swap3A_563, %swap3A_564] {strides = array<i32>} : memref<125x64xf32, #tpu.memory_space<vmem>>, vector<1x16xf32>,
          %swap3A_566 = vector.shape_cast %swap3A_565 : vector<1x16xf32> to vector<16xf32>
          %swap3A_567 = vector.shape_cast %max3A_562 : vector<16xf32> to vector<1x16xf32>
          tpu.vector_store %arg15[%swap3A_563, %swap3A_564], %swap3A_567 {strides = array<i32>} : memref<125x64xf32, #tpu.memory_space<vmem>>, vector<1x16xf32>,
          %get3A_568 = arith.index_cast %add3A_533 : i32 to index
          %get3A_569 = arith.constant 32 : index
          %get3A_570 = tpu.vector_load %arg11[%get3A_568, %get3A_569] {strides = array<i32>} : memref<125x64xf32, #tpu.memory_space<vmem>>, vector<1x16xf32>,
          %get3A_571 = vector.shape_cast %get3A_570 : vector<1x16xf32> to vector<16xf32>
          %get3A_572 = arith.index_cast %add3A_533 : i32 to index
          %get3A_573 = arith.constant 32 : index
          %get3A_574 = tpu.vector_load %arg13[%get3A_572, %get3A_573] {strides = array<i32>} : memref<125x64xf32, #tpu.memory_space<vmem>>, vector<1x16xf32>,
          %get3A_575 = vector.shape_cast %get3A_574 : vector<1x16xf32> to vector<16xf32>
          %add3A_576 = arith.addf %get3A_571, %get3A_575 : vector<16xf32>
          %max3A_577 = arith.constant 0.000000e+00 : f32
          %max3A_578 = vector.broadcast %max3A_577 : f32 to vector<16xf32>
          %max3A_579 = arith.maximumf %add3A_576, %max3A_578 : vector<16xf32>
          %swap3A_580 = arith.index_cast %add3A_533 : i32 to index
          %swap3A_581 = arith.constant 32 : index
          %swap3A_582 = tpu.vector_load %arg15[%swap3A_580, %swap3A_581] {strides = array<i32>} : memref<125x64xf32, #tpu.memory_space<vmem>>, vector<1x16xf32>,
          %swap3A_583 = vector.shape_cast %swap3A_582 : vector<1x16xf32> to vector<16xf32>
          %swap3A_584 = vector.shape_cast %max3A_579 : vector<16xf32> to vector<1x16xf32>
          tpu.vector_store %arg15[%swap3A_580, %swap3A_581], %swap3A_584 {strides = array<i32>} : memref<125x64xf32, #tpu.memory_space<vmem>>, vector<1x16xf32>,
          %get3A_585 = arith.index_cast %add3A_533 : i32 to index
          %get3A_586 = arith.constant 48 : index
          %get3A_587 = tpu.vector_load %arg11[%get3A_585, %get3A_586] {strides = array<i32>} : memref<125x64xf32, #tpu.memory_space<vmem>>, vector<1x16xf32>,
          %get3A_588 = vector.shape_cast %get3A_587 : vector<1x16xf32> to vector<16xf32>
          %get3A_589 = arith.index_cast %add3A_533 : i32 to index
          %get3A_590 = arith.constant 48 : index
          %get3A_591 = tpu.vector_load %arg13[%get3A_589, %get3A_590] {strides = array<i32>} : memref<125x64xf32, #tpu.memory_space<vmem>>, vector<1x16xf32>,
          %get3A_592 = vector.shape_cast %get3A_591 : vector<1x16xf32> to vector<16xf32>
          %add3A_593 = arith.addf %get3A_588, %get3A_592 : vector<16xf32>
          %max3A_594 = arith.constant 0.000000e+00 : f32
          %max3A_595 = vector.broadcast %max3A_594 : f32 to vector<16xf32>
          %max3A_596 = arith.maximumf %add3A_593, %max3A_595 : vector<16xf32>
          %swap3A_597 = arith.index_cast %add3A_533 : i32 to index
          %swap3A_598 = arith.constant 48 : index
          %swap3A_599 = tpu.vector_load %arg15[%swap3A_597, %swap3A_598] {strides = array<i32>} : memref<125x64xf32, #tpu.memory_space<vmem>>, vector<1x16xf32>,
          %swap3A_600 = vector.shape_cast %swap3A_599 : vector<1x16xf32> to vector<16xf32>
          %swap3A_601 = vector.shape_cast %max3A_596 : vector<16xf32> to vector<1x16xf32>
          tpu.vector_store %arg15[%swap3A_597, %swap3A_598], %swap3A_601 {strides = array<i32>} : memref<125x64xf32, #tpu.memory_space<vmem>>, vector<1x16xf32>,
        }
        %scan3A_218 = arith.constant 25 : i32
        %dma_start3A_219 = arith.constant 0 : i32
        %dma_start3A_220 = tpu.memref_slice %arg9[%add3A_194, %dma_start3A_219] : memref<160x125xi32, #tpu.memory_space<vmem>> -> memref<1x125xi32, #tpu.memory_space<vmem>>
        %dma_start3A_221 = tpu.memref_squeeze %dma_start3A_220 : memref<1x125xi32, #tpu.memory_space<vmem>> -> memref<125xi32, #tpu.memory_space<vmem>>
        %dma_start3A_222 = arith.constant 0 : i32
        %dma_start3A_223 = arith.constant 0 : i32
        %dma_start3A_224 = tpu.memref_slice %arg16[%dma_start3A_222, %dma_start3A_223] : memref<10000x64xf32, #tpu.memory_space<vmem_shared>> -> memref<10000x64xf32, #tpu.memory_space<vmem_shared>>
        tpu.enqueue_indirect_dma source(%arg15 : memref<125x64xf32, #tpu.memory_space<vmem>>) target(%dma_start3A_224 : memref<10000x64xf32, #tpu.memory_space<vmem_shared>>) offsets(%dma_start3A_221 : memref<125xi32, #tpu.memory_space<vmem>>) semaphore(%arg22 : memref<!tpu.dma_semaphore, #tpu.memory_space<semaphore_mem>>) {add = true}
        %add3A_225 = arith.constant 2 : i32
        %add3A_226 = arith.addi %add3A_194, %add3A_225 : i32
        %lt3A_227 = arith.constant 160 : i32
        %lt3A_228 = arith.cmpi slt, %add3A_226, %lt3A_227 : i32
        %sub3A_229 = arith.constant 160 : i32
        %sub3A_230 = arith.subi %add3A_226, %sub3A_229 : i32
        %select_n3A_231 = arith.select %lt3A_228, %add3A_226, %sub3A_230 : i32
        %dma_start3A_232 = arith.constant 0 : i32
        %dma_start3A_233 = tpu.memref_slice %arg8[%select_n3A_231, %dma_start3A_232] : memref<160x125xi32, #tpu.memory_space<vmem>> -> memref<1x125xi32, #tpu.memory_space<vmem>>
        %dma_start3A_234 = tpu.memref_squeeze %dma_start3A_233 : memref<1x125xi32, #tpu.memory_space<vmem>> -> memref<125xi32, #tpu.memory_space<vmem>>
        %dma_start3A_235 = arith.constant 0 : i32
        %dma_start3A_236 = arith.constant 0 : i32
        %dma_start3A_237 = tpu.memref_slice %arg3[%dma_start3A_235, %dma_start3A_236] : memref<10000x64xf32, #tpu.memory_space<hbm>> -> memref<10000x64xf32, #tpu.memory_space<hbm>>
        tpu.enqueue_indirect_dma source(%dma_start3A_237 : memref<10000x64xf32, #tpu.memory_space<hbm>>) target(%arg11 : memref<125x64xf32, #tpu.memory_space<vmem>>) offsets(%dma_start3A_234 : memref<125xi32, #tpu.memory_space<vmem>>) semaphore(%arg18 : memref<!tpu.dma_semaphore, #tpu.memory_space<semaphore_mem>>)
        %dma_start3A_238 = arith.constant 0 : i32
        %dma_start3A_239 = tpu.memref_slice %arg9[%select_n3A_231, %dma_start3A_238] : memref<160x125xi32, #tpu.memory_space<vmem>> -> memref<1x125xi32, #tpu.memory_space<vmem>>
        %dma_start3A_240 = tpu.memref_squeeze %dma_start3A_239 : memref<1x125xi32, #tpu.memory_space<vmem>> -> memref<125xi32, #tpu.memory_space<vmem>>
        %dma_start3A_241 = arith.constant 0 : i32
        %dma_start3A_242 = arith.constant 0 : i32
        %dma_start3A_243 = tpu.memref_slice %arg5[%dma_start3A_241, %dma_start3A_242] : memref<10000x64xf32, #tpu.memory_space<hbm>> -> memref<10000x64xf32, #tpu.memory_space<hbm>>
        tpu.enqueue_indirect_dma source(%dma_start3A_243 : memref<10000x64xf32, #tpu.memory_space<hbm>>) target(%arg13 : memref<125x64xf32, #tpu.memory_space<vmem>>) offsets(%dma_start3A_240 : memref<125xi32, #tpu.memory_space<vmem>>) semaphore(%arg20 : memref<!tpu.dma_semaphore, #tpu.memory_space<semaphore_mem>>)
      }
      %scan3A_100 = arith.constant 80 : i32
      %dma_wait3A = arith.constant 0 : i32
      %dma_wait3A_101 = arith.constant 0 : i32
      %dma_wait3A_102 = tpu.memref_slice %arg9[%dma_wait3A, %dma_wait3A_101] : memref<160x125xi32, #tpu.memory_space<vmem>> -> memref<1x125xi32, #tpu.memory_space<vmem>>
      %dma_wait3A_103 = tpu.memref_squeeze %dma_wait3A_102 : memref<1x125xi32, #tpu.memory_space<vmem>> -> memref<125xi32, #tpu.memory_space<vmem>>
      %dma_wait3A_104 = arith.constant 0 : i32
      %dma_wait3A_105 = arith.constant 0 : i32
      %dma_wait3A_106 = tpu.memref_slice %arg16[%dma_wait3A_104, %dma_wait3A_105] : memref<10000x64xf32, #tpu.memory_space<vmem_shared>> -> memref<10000x64xf32, #tpu.memory_space<vmem_shared>>
      tpu.wait_indirect_dma semaphore(%arg21 : memref<!tpu.dma_semaphore, #tpu.memory_space<semaphore_mem>>) src(%arg14 : memref<125x64xf32, #tpu.memory_space<vmem>>) dst(%dma_wait3A_106 : memref<10000x64xf32, #tpu.memory_space<vmem_shared>>)
      %dma_wait3A_107 = arith.constant 1 : i32
      %dma_wait3A_108 = arith.constant 0 : i32
      %dma_wait3A_109 = tpu.memref_slice %arg9[%dma_wait3A_107, %dma_wait3A_108] : memref<160x125xi32, #tpu.memory_space<vmem>> -> memref<1x125xi32, #tpu.memory_space<vmem>>
      %dma_wait3A_110 = tpu.memref_squeeze %dma_wait3A_109 : memref<1x125xi32, #tpu.memory_space<vmem>> -> memref<125xi32, #tpu.memory_space<vmem>>
      %dma_wait3A_111 = arith.constant 0 : i32
      %dma_wait3A_112 = arith.constant 0 : i32
      %dma_wait3A_113 = tpu.memref_slice %arg16[%dma_wait3A_111, %dma_wait3A_112] : memref<10000x64xf32, #tpu.memory_space<vmem_shared>> -> memref<10000x64xf32, #tpu.memory_space<vmem_shared>>
      tpu.wait_indirect_dma semaphore(%arg22 : memref<!tpu.dma_semaphore, #tpu.memory_space<semaphore_mem>>) src(%arg15 : memref<125x64xf32, #tpu.memory_space<vmem>>) dst(%dma_wait3A_113 : memref<10000x64xf32, #tpu.memory_space<vmem_shared>>)
      %dma_wait3A_114 = arith.constant 0 : i32
      %dma_wait3A_115 = arith.constant 0 : i32
      %dma_wait3A_116 = tpu.memref_slice %arg8[%dma_wait3A_114, %dma_wait3A_115] : memref<160x125xi32, #tpu.memory_space<vmem>> -> memref<1x125xi32, #tpu.memory_space<vmem>>
      %dma_wait3A_117 = tpu.memref_squeeze %dma_wait3A_116 : memref<1x125xi32, #tpu.memory_space<vmem>> -> memref<125xi32, #tpu.memory_space<vmem>>
      %dma_wait3A_118 = arith.constant 0 : i32
      %dma_wait3A_119 = arith.constant 0 : i32
      %dma_wait3A_120 = tpu.memref_slice %arg3[%dma_wait3A_118, %dma_wait3A_119] : memref<10000x64xf32, #tpu.memory_space<hbm>> -> memref<10000x64xf32, #tpu.memory_space<hbm>>
      tpu.wait_indirect_dma semaphore(%arg17 : memref<!tpu.dma_semaphore, #tpu.memory_space<semaphore_mem>>) src(%dma_wait3A_120 : memref<10000x64xf32, #tpu.memory_space<hbm>>) dst(%arg10 : memref<125x64xf32, #tpu.memory_space<vmem>>)
      %dma_wait3A_121 = arith.constant 0 : i32
      %dma_wait3A_122 = arith.constant 0 : i32
      %dma_wait3A_123 = tpu.memref_slice %arg9[%dma_wait3A_121, %dma_wait3A_122] : memref<160x125xi32, #tpu.memory_space<vmem>> -> memref<1x125xi32, #tpu.memory_space<vmem>>
      %dma_wait3A_124 = tpu.memref_squeeze %dma_wait3A_123 : memref<1x125xi32, #tpu.memory_space<vmem>> -> memref<125xi32, #tpu.memory_space<vmem>>
      %dma_wait3A_125 = arith.constant 0 : i32
      %dma_wait3A_126 = arith.constant 0 : i32
      %dma_wait3A_127 = tpu.memref_slice %arg5[%dma_wait3A_125, %dma_wait3A_126] : memref<10000x64xf32, #tpu.memory_space<hbm>> -> memref<10000x64xf32, #tpu.memory_space<hbm>>
      tpu.wait_indirect_dma semaphore(%arg19 : memref<!tpu.dma_semaphore, #tpu.memory_space<semaphore_mem>>) src(%dma_wait3A_127 : memref<10000x64xf32, #tpu.memory_space<hbm>>) dst(%arg12 : memref<125x64xf32, #tpu.memory_space<vmem>>)
      %dma_wait3A_128 = arith.constant 1 : i32
      %dma_wait3A_129 = arith.constant 0 : i32
      %dma_wait3A_130 = tpu.memref_slice %arg8[%dma_wait3A_128, %dma_wait3A_129] : memref<160x125xi32, #tpu.memory_space<vmem>> -> memref<1x125xi32, #tpu.memory_space<vmem>>
      %dma_wait3A_131 = tpu.memref_squeeze %dma_wait3A_130 : memref<1x125xi32, #tpu.memory_space<vmem>> -> memref<125xi32, #tpu.memory_space<vmem>>
      %dma_wait3A_132 = arith.constant 0 : i32
      %dma_wait3A_133 = arith.constant 0 : i32
      %dma_wait3A_134 = tpu.memref_slice %arg3[%dma_wait3A_132, %dma_wait3A_133] : memref<10000x64xf32, #tpu.memory_space<hbm>> -> memref<10000x64xf32, #tpu.memory_space<hbm>>
      tpu.wait_indirect_dma semaphore(%arg18 : memref<!tpu.dma_semaphore, #tpu.memory_space<semaphore_mem>>) src(%dma_wait3A_134 : memref<10000x64xf32, #tpu.memory_space<hbm>>) dst(%arg11 : memref<125x64xf32, #tpu.memory_space<vmem>>)
      %dma_wait3A_135 = arith.constant 1 : i32
      %dma_wait3A_136 = arith.constant 0 : i32
      %dma_wait3A_137 = tpu.memref_slice %arg9[%dma_wait3A_135, %dma_wait3A_136] : memref<160x125xi32, #tpu.memory_space<vmem>> -> memref<1x125xi32, #tpu.memory_space<vmem>>
      %dma_wait3A_138 = tpu.memref_squeeze %dma_wait3A_137 : memref<1x125xi32, #tpu.memory_space<vmem>> -> memref<125xi32, #tpu.memory_space<vmem>>
      %dma_wait3A_139 = arith.constant 0 : i32
      %dma_wait3A_140 = arith.constant 0 : i32
      %dma_wait3A_141 = tpu.memref_slice %arg5[%dma_wait3A_139, %dma_wait3A_140] : memref<10000x64xf32, #tpu.memory_space<hbm>> -> memref<10000x64xf32, #tpu.memory_space<hbm>>
      tpu.wait_indirect_dma semaphore(%arg20 : memref<!tpu.dma_semaphore, #tpu.memory_space<semaphore_mem>>) src(%dma_wait3A_141 : memref<10000x64xf32, #tpu.memory_space<hbm>>) dst(%arg13 : memref<125x64xf32, #tpu.memory_space<vmem>>)
    } else {
    }
    %barrier3A_23 = arith.constant 0 : index
    tpu.barrier barrier_id(%barrier3A_23)
    %add3A_24 = arith.constant 0 : i32
    %add3A_25 = arith.addi %mul3A_0, %add3A_24 : i32
    "tpu.region"() ({
      %run_scoped3A_54 = tpu.sem_alloc : memref<!tpu.dma_semaphore, #tpu.memory_space<semaphore_mem>>
      %dma_start3A = arith.constant 0 : i32
      %dma_start3A_55 = arith.constant 0 : i32
      %dma_start3A_56 = tpu.memref_slice %arg14[%dma_start3A, %dma_start3A_55] : memref<125x64xf32, #tpu.memory_space<vmem>> -> memref<125x64xf32, #tpu.memory_space<vmem>>
      %dma_start3A_57 = arith.constant 0 : i32
      %dma_start3A_58 = tpu.memref_slice %arg16[%add3A_25, %dma_start3A_57] : memref<10000x64xf32, #tpu.memory_space<vmem_shared>> -> memref<125x64xf32, #tpu.memory_space<vmem_shared>>
      %dma_start3A_59 = arith.constant 0 : i32
      %dma_start3A_60 = arith.constant 0 : i32
      %dma_start3A_61 = tpu.memref_slice %arg14[%dma_start3A_59, %dma_start3A_60] : memref<125x64xf32, #tpu.memory_space<vmem>> -> memref<125x64xf32, #tpu.memory_space<vmem>>
      %dma_start3A_62 = arith.constant 0 : i32
      %dma_start3A_63 = tpu.memref_slice %arg16[%add3A_25, %dma_start3A_62] : memref<10000x64xf32, #tpu.memory_space<vmem_shared>> -> memref<125x64xf32, #tpu.memory_space<vmem_shared>>
      tpu.enqueue_dma source(%dma_start3A_63 : memref<125x64xf32, #tpu.memory_space<vmem_shared>>) target(%dma_start3A_61 : memref<125x64xf32, #tpu.memory_space<vmem>>) target_semaphore(%run_scoped3A_54 : memref<!tpu.dma_semaphore, #tpu.memory_space<semaphore_mem>>)
      %dma_wait3A = arith.constant 0 : i32
      %dma_wait3A_64 = arith.constant 0 : i32
      %dma_wait3A_65 = tpu.memref_slice %arg14[%dma_wait3A, %dma_wait3A_64] : memref<125x64xf32, #tpu.memory_space<vmem>> -> memref<125x64xf32, #tpu.memory_space<vmem>>
      %dma_wait3A_66 = arith.constant 0 : i32
      %dma_wait3A_67 = tpu.memref_slice %arg16[%add3A_25, %dma_wait3A_66] : memref<10000x64xf32, #tpu.memory_space<vmem_shared>> -> memref<125x64xf32, #tpu.memory_space<vmem_shared>>
      %dma_wait3A_68 = arith.constant 0 : i32
      %dma_wait3A_69 = arith.constant 0 : i32
      %dma_wait3A_70 = tpu.memref_slice %arg14[%dma_wait3A_68, %dma_wait3A_69] : memref<125x64xf32, #tpu.memory_space<vmem>> -> memref<125x64xf32, #tpu.memory_space<vmem>>
      %dma_wait3A_71 = arith.constant 0 : i32
      %dma_wait3A_72 = tpu.memref_slice %arg16[%add3A_25, %dma_wait3A_71] : memref<10000x64xf32, #tpu.memory_space<vmem_shared>> -> memref<125x64xf32, #tpu.memory_space<vmem_shared>>
      tpu.wait_dma2 semaphore(%run_scoped3A_54 : memref<!tpu.dma_semaphore, #tpu.memory_space<semaphore_mem>>) src(%dma_wait3A_72 : memref<125x64xf32, #tpu.memory_space<vmem_shared>>) dst(%dma_wait3A_70 : memref<125x64xf32, #tpu.memory_space<vmem>>)
      tpu.yield
    }) : () -> ()
    %add3A_26 = arith.constant 0 : i32
    %add3A_27 = arith.addi %mul3A_0, %add3A_26 : i32
    %mul3A_28 = arith.constant 64 : i32
    %mul3A_29 = arith.muli %arg0, %mul3A_28 : i32
    "tpu.region"() ({
      %run_scoped3A_54 = tpu.sem_alloc : memref<!tpu.dma_semaphore, #tpu.memory_space<semaphore_mem>>
      %dma_start3A = arith.constant 0 : i32
      %dma_start3A_55 = arith.constant 0 : i32
      %dma_start3A_56 = tpu.memref_slice %arg14[%dma_start3A, %dma_start3A_55] : memref<125x64xf32, #tpu.memory_space<vmem>> -> memref<125x64xf32, #tpu.memory_space<vmem>>
      %dma_start3A_57 = tpu.memref_slice %arg7[%add3A_27, %mul3A_29] : memref<10000x128xf32, #tpu.memory_space<hbm>> -> memref<125x64xf32, #tpu.memory_space<hbm>>
      %dma_start3A_58 = tpu.memref_slice %arg7[%add3A_27, %mul3A_29] : memref<10000x128xf32, #tpu.memory_space<hbm>> -> memref<125x64xf32, #tpu.memory_space<hbm>>
      %dma_start3A_59 = arith.constant 0 : i32
      %dma_start3A_60 = arith.constant 0 : i32
      %dma_start3A_61 = tpu.memref_slice %arg14[%dma_start3A_59, %dma_start3A_60] : memref<125x64xf32, #tpu.memory_space<vmem>> -> memref<125x64xf32, #tpu.memory_space<vmem>>
      tpu.enqueue_dma source(%dma_start3A_61 : memref<125x64xf32, #tpu.memory_space<vmem>>) target(%dma_start3A_58 : memref<125x64xf32, #tpu.memory_space<hbm>>) target_semaphore(%run_scoped3A_54 : memref<!tpu.dma_semaphore, #tpu.memory_space<semaphore_mem>>)
      %dma_wait3A = arith.constant 0 : i32
      %dma_wait3A_62 = arith.constant 0 : i32
      %dma_wait3A_63 = tpu.memref_slice %arg14[%dma_wait3A, %dma_wait3A_62] : memref<125x64xf32, #tpu.memory_space<vmem>> -> memref<125x64xf32, #tpu.memory_space<vmem>>
      %dma_wait3A_64 = tpu.memref_slice %arg7[%add3A_27, %mul3A_29] : memref<10000x128xf32, #tpu.memory_space<hbm>> -> memref<125x64xf32, #tpu.memory_space<hbm>>
      %dma_wait3A_65 = tpu.memref_slice %arg7[%add3A_27, %mul3A_29] : memref<10000x128xf32, #tpu.memory_space<hbm>> -> memref<125x64xf32, #tpu.memory_space<hbm>>
      %dma_wait3A_66 = arith.constant 0 : i32
      %dma_wait3A_67 = arith.constant 0 : i32
      %dma_wait3A_68 = tpu.memref_slice %arg14[%dma_wait3A_66, %dma_wait3A_67] : memref<125x64xf32, #tpu.memory_space<vmem>> -> memref<125x64xf32, #tpu.memory_space<vmem>>
      tpu.wait_dma2 semaphore(%run_scoped3A_54 : memref<!tpu.dma_semaphore, #tpu.memory_space<semaphore_mem>>) src(%dma_wait3A_68 : memref<125x64xf32, #tpu.memory_space<vmem>>) dst(%dma_wait3A_65 : memref<125x64xf32, #tpu.memory_space<hbm>>)
      tpu.yield
    }) : () -> ()
    %add3A_30 = arith.constant 125 : i32
    %add3A_31 = arith.addi %mul3A_0, %add3A_30 : i32
    "tpu.region"() ({
      %run_scoped3A_54 = tpu.sem_alloc : memref<!tpu.dma_semaphore, #tpu.memory_space<semaphore_mem>>
      %dma_start3A = arith.constant 0 : i32
      %dma_start3A_55 = arith.constant 0 : i32
      %dma_start3A_56 = tpu.memref_slice %arg14[%dma_start3A, %dma_start3A_55] : memref<125x64xf32, #tpu.memory_space<vmem>> -> memref<125x64xf32, #tpu.memory_space<vmem>>
      %dma_start3A_57 = arith.constant 0 : i32
      %dma_start3A_58 = tpu.memref_slice %arg16[%add3A_31, %dma_start3A_57] : memref<10000x64xf32, #tpu.memory_space<vmem_shared>> -> memref<125x64xf32, #tpu.memory_space<vmem_shared>>
      %dma_start3A_59 = arith.constant 0 : i32
      %dma_start3A_60 = arith.constant 0 : i32
      %dma_start3A_61 = tpu.memref_slice %arg14[%dma_start3A_59, %dma_start3A_60] : memref<125x64xf32, #tpu.memory_space<vmem>> -> memref<125x64xf32, #tpu.memory_space<vmem>>
      %dma_start3A_62 = arith.constant 0 : i32
      %dma_start3A_63 = tpu.memref_slice %arg16[%add3A_31, %dma_start3A_62] : memref<10000x64xf32, #tpu.memory_space<vmem_shared>> -> memref<125x64xf32, #tpu.memory_space<vmem_shared>>
      tpu.enqueue_dma source(%dma_start3A_63 : memref<125x64xf32, #tpu.memory_space<vmem_shared>>) target(%dma_start3A_61 : memref<125x64xf32, #tpu.memory_space<vmem>>) target_semaphore(%run_scoped3A_54 : memref<!tpu.dma_semaphore, #tpu.memory_space<semaphore_mem>>)
      %dma_wait3A = arith.constant 0 : i32
      %dma_wait3A_64 = arith.constant 0 : i32
      %dma_wait3A_65 = tpu.memref_slice %arg14[%dma_wait3A, %dma_wait3A_64] : memref<125x64xf32, #tpu.memory_space<vmem>> -> memref<125x64xf32, #tpu.memory_space<vmem>>
      %dma_wait3A_66 = arith.constant 0 : i32
      %dma_wait3A_67 = tpu.memref_slice %arg16[%add3A_31, %dma_wait3A_66] : memref<10000x64xf32, #tpu.memory_space<vmem_shared>> -> memref<125x64xf32, #tpu.memory_space<vmem_shared>>
      %dma_wait3A_68 = arith.constant 0 : i32
      %dma_wait3A_69 = arith.constant 0 : i32
      %dma_wait3A_70 = tpu.memref_slice %arg14[%dma_wait3A_68, %dma_wait3A_69] : memref<125x64xf32, #tpu.memory_space<vmem>> -> memref<125x64xf32, #tpu.memory_space<vmem>>
      %dma_wait3A_71 = arith.constant 0 : i32
      %dma_wait3A_72 = tpu.memref_slice %arg16[%add3A_31, %dma_wait3A_71] : memref<10000x64xf32, #tpu.memory_space<vmem_shared>> -> memref<125x64xf32, #tpu.memory_space<vmem_shared>>
      tpu.wait_dma2 semaphore(%run_scoped3A_54 : memref<!tpu.dma_semaphore, #tpu.memory_space<semaphore_mem>>) src(%dma_wait3A_72 : memref<125x64xf32, #tpu.memory_space<vmem_shared>>) dst(%dma_wait3A_70 : memref<125x64xf32, #tpu.memory_space<vmem>>)
      tpu.yield
    }) : () -> ()
    %add3A_32 = arith.constant 125 : i32
    %add3A_33 = arith.addi %mul3A_0, %add3A_32 : i32
    %mul3A_34 = arith.constant 64 : i32
    %mul3A_35 = arith.muli %arg0, %mul3A_34 : i32
    "tpu.region"() ({
      %run_scoped3A_54 = tpu.sem_alloc : memref<!tpu.dma_semaphore, #tpu.memory_space<semaphore_mem>>
      %dma_start3A = arith.constant 0 : i32
      %dma_start3A_55 = arith.constant 0 : i32
      %dma_start3A_56 = tpu.memref_slice %arg14[%dma_start3A, %dma_start3A_55] : memref<125x64xf32, #tpu.memory_space<vmem>> -> memref<125x64xf32, #tpu.memory_space<vmem>>
      %dma_start3A_57 = tpu.memref_slice %arg7[%add3A_33, %mul3A_35] : memref<10000x128xf32, #tpu.memory_space<hbm>> -> memref<125x64xf32, #tpu.memory_space<hbm>>
      %dma_start3A_58 = tpu.memref_slice %arg7[%add3A_33, %mul3A_35] : memref<10000x128xf32, #tpu.memory_space<hbm>> -> memref<125x64xf32, #tpu.memory_space<hbm>>
      %dma_start3A_59 = arith.constant 0 : i32
      %dma_start3A_60 = arith.constant 0 : i32
      %dma_start3A_61 = tpu.memref_slice %arg14[%dma_start3A_59, %dma_start3A_60] : memref<125x64xf32, #tpu.memory_space<vmem>> -> memref<125x64xf32, #tpu.memory_space<vmem>>
      tpu.enqueue_dma source(%dma_start3A_61 : memref<125x64xf32, #tpu.memory_space<vmem>>) target(%dma_start3A_58 : memref<125x64xf32, #tpu.memory_space<hbm>>) target_semaphore(%run_scoped3A_54 : memref<!tpu.dma_semaphore, #tpu.memory_space<semaphore_mem>>)
      %dma_wait3A = arith.constant 0 : i32
      %dma_wait3A_62 = arith.constant 0 : i32
      %dma_wait3A_63 = tpu.memref_slice %arg14[%dma_wait3A, %dma_wait3A_62] : memref<125x64xf32, #tpu.memory_space<vmem>> -> memref<125x64xf32, #tpu.memory_space<vmem>>
      %dma_wait3A_64 = tpu.memref_slice %arg7[%add3A_33, %mul3A_35] : memref<10000x128xf32, #tpu.memory_space<hbm>> -> memref<125x64xf32, #tpu.memory_space<hbm>>
      %dma_wait3A_65 = tpu.memref_slice %arg7[%add3A_33, %mul3A_35] : memref<10000x128xf32, #tpu.memory_space<hbm>> -> memref<125x64xf32, #tpu.memory_space<hbm>>
      %dma_wait3A_66 = arith.constant 0 : i32
      %dma_wait3A_67 = arith.constant 0 : i32
      %dma_wait3A_68 = tpu.memref_slice %arg14[%dma_wait3A_66, %dma_wait3A_67] : memref<125x64xf32, #tpu.memory_space<vmem>> -> memref<125x64xf32, #tpu.memory_space<vmem>>
      tpu.wait_dma2 semaphore(%run_scoped3A_54 : memref<!tpu.dma_semaphore, #tpu.memory_space<semaphore_mem>>) src(%dma_wait3A_68 : memref<125x64xf32, #tpu.memory_space<vmem>>) dst(%dma_wait3A_65 : memref<125x64xf32, #tpu.memory_space<hbm>>)
      tpu.yield
    }) : () -> ()
    %add3A_36 = arith.constant 250 : i32
    %add3A_37 = arith.addi %mul3A_0, %add3A_36 : i32
    "tpu.region"() ({
      %run_scoped3A_54 = tpu.sem_alloc : memref<!tpu.dma_semaphore, #tpu.memory_space<semaphore_mem>>
      %dma_start3A = arith.constant 0 : i32
      %dma_start3A_55 = arith.constant 0 : i32
      %dma_start3A_56 = tpu.memref_slice %arg14[%dma_start3A, %dma_start3A_55] : memref<125x64xf32, #tpu.memory_space<vmem>> -> memref<125x64xf32, #tpu.memory_space<vmem>>
      %dma_start3A_57 = arith.constant 0 : i32
      %dma_start3A_58 = tpu.memref_slice %arg16[%add3A_37, %dma_start3A_57] : memref<10000x64xf32, #tpu.memory_space<vmem_shared>> -> memref<125x64xf32, #tpu.memory_space<vmem_shared>>
      %dma_start3A_59 = arith.constant 0 : i32
      %dma_start3A_60 = arith.constant 0 : i32
      %dma_start3A_61 = tpu.memref_slice %arg14[%dma_start3A_59, %dma_start3A_60] : memref<125x64xf32, #tpu.memory_space<vmem>> -> memref<125x64xf32, #tpu.memory_space<vmem>>
      %dma_start3A_62 = arith.constant 0 : i32
      %dma_start3A_63 = tpu.memref_slice %arg16[%add3A_37, %dma_start3A_62] : memref<10000x64xf32, #tpu.memory_space<vmem_shared>> -> memref<125x64xf32, #tpu.memory_space<vmem_shared>>
      tpu.enqueue_dma source(%dma_start3A_63 : memref<125x64xf32, #tpu.memory_space<vmem_shared>>) target(%dma_start3A_61 : memref<125x64xf32, #tpu.memory_space<vmem>>) target_semaphore(%run_scoped3A_54 : memref<!tpu.dma_semaphore, #tpu.memory_space<semaphore_mem>>)
      %dma_wait3A = arith.constant 0 : i32
      %dma_wait3A_64 = arith.constant 0 : i32
      %dma_wait3A_65 = tpu.memref_slice %arg14[%dma_wait3A, %dma_wait3A_64] : memref<125x64xf32, #tpu.memory_space<vmem>> -> memref<125x64xf32, #tpu.memory_space<vmem>>
      %dma_wait3A_66 = arith.constant 0 : i32
      %dma_wait3A_67 = tpu.memref_slice %arg16[%add3A_37, %dma_wait3A_66] : memref<10000x64xf32, #tpu.memory_space<vmem_shared>> -> memref<125x64xf32, #tpu.memory_space<vmem_shared>>
      %dma_wait3A_68 = arith.constant 0 : i32
      %dma_wait3A_69 = arith.constant 0 : i32
      %dma_wait3A_70 = tpu.memref_slice %arg14[%dma_wait3A_68, %dma_wait3A_69] : memref<125x64xf32, #tpu.memory_space<vmem>> -> memref<125x64xf32, #tpu.memory_space<vmem>>
      %dma_wait3A_71 = arith.constant 0 : i32
      %dma_wait3A_72 = tpu.memref_slice %arg16[%add3A_37, %dma_wait3A_71] : memref<10000x64xf32, #tpu.memory_space<vmem_shared>> -> memref<125x64xf32, #tpu.memory_space<vmem_shared>>
      tpu.wait_dma2 semaphore(%run_scoped3A_54 : memref<!tpu.dma_semaphore, #tpu.memory_space<semaphore_mem>>) src(%dma_wait3A_72 : memref<125x64xf32, #tpu.memory_space<vmem_shared>>) dst(%dma_wait3A_70 : memref<125x64xf32, #tpu.memory_space<vmem>>)
      tpu.yield
    }) : () -> ()
    %add3A_38 = arith.constant 250 : i32
    %add3A_39 = arith.addi %mul3A_0, %add3A_38 : i32
    %mul3A_40 = arith.constant 64 : i32
    %mul3A_41 = arith.muli %arg0, %mul3A_40 : i32
    "tpu.region"() ({
      %run_scoped3A_54 = tpu.sem_alloc : memref<!tpu.dma_semaphore, #tpu.memory_space<semaphore_mem>>
      %dma_start3A = arith.constant 0 : i32
      %dma_start3A_55 = arith.constant 0 : i32
      %dma_start3A_56 = tpu.memref_slice %arg14[%dma_start3A, %dma_start3A_55] : memref<125x64xf32, #tpu.memory_space<vmem>> -> memref<125x64xf32, #tpu.memory_space<vmem>>
      %dma_start3A_57 = tpu.memref_slice %arg7[%add3A_39, %mul3A_41] : memref<10000x128xf32, #tpu.memory_space<hbm>> -> memref<125x64xf32, #tpu.memory_space<hbm>>
      %dma_start3A_58 = tpu.memref_slice %arg7[%add3A_39, %mul3A_41] : memref<10000x128xf32, #tpu.memory_space<hbm>> -> memref<125x64xf32, #tpu.memory_space<hbm>>
      %dma_start3A_59 = arith.constant 0 : i32
      %dma_start3A_60 = arith.constant 0 : i32
      %dma_start3A_61 = tpu.memref_slice %arg14[%dma_start3A_59, %dma_start3A_60] : memref<125x64xf32, #tpu.memory_space<vmem>> -> memref<125x64xf32, #tpu.memory_space<vmem>>
      tpu.enqueue_dma source(%dma_start3A_61 : memref<125x64xf32, #tpu.memory_space<vmem>>) target(%dma_start3A_58 : memref<125x64xf32, #tpu.memory_space<hbm>>) target_semaphore(%run_scoped3A_54 : memref<!tpu.dma_semaphore, #tpu.memory_space<semaphore_mem>>)
      %dma_wait3A = arith.constant 0 : i32
      %dma_wait3A_62 = arith.constant 0 : i32
      %dma_wait3A_63 = tpu.memref_slice %arg14[%dma_wait3A, %dma_wait3A_62] : memref<125x64xf32, #tpu.memory_space<vmem>> -> memref<125x64xf32, #tpu.memory_space<vmem>>
      %dma_wait3A_64 = tpu.memref_slice %arg7[%add3A_39, %mul3A_41] : memref<10000x128xf32, #tpu.memory_space<hbm>> -> memref<125x64xf32, #tpu.memory_space<hbm>>
      %dma_wait3A_65 = tpu.memref_slice %arg7[%add3A_39, %mul3A_41] : memref<10000x128xf32, #tpu.memory_space<hbm>> -> memref<125x64xf32, #tpu.memory_space<hbm>>
      %dma_wait3A_66 = arith.constant 0 : i32
      %dma_wait3A_67 = arith.constant 0 : i32
      %dma_wait3A_68 = tpu.memref_slice %arg14[%dma_wait3A_66, %dma_wait3A_67] : memref<125x64xf32, #tpu.memory_space<vmem>> -> memref<125x64xf32, #tpu.memory_space<vmem>>
      tpu.wait_dma2 semaphore(%run_scoped3A_54 : memref<!tpu.dma_semaphore, #tpu.memory_space<semaphore_mem>>) src(%dma_wait3A_68 : memref<125x64xf32, #tpu.memory_space<vmem>>) dst(%dma_wait3A_65 : memref<125x64xf32, #tpu.memory_space<hbm>>)
      tpu.yield
    }) : () -> ()
    %add3A_42 = arith.constant 375 : i32
    %add3A_43 = arith.addi %mul3A_0, %add3A_42 : i32
    "tpu.region"() ({
      %run_scoped3A_54 = tpu.sem_alloc : memref<!tpu.dma_semaphore, #tpu.memory_space<semaphore_mem>>
      %dma_start3A = arith.constant 0 : i32
      %dma_start3A_55 = arith.constant 0 : i32
      %dma_start3A_56 = tpu.memref_slice %arg14[%dma_start3A, %dma_start3A_55] : memref<125x64xf32, #tpu.memory_space<vmem>> -> memref<125x64xf32, #tpu.memory_space<vmem>>
      %dma_start3A_57 = arith.constant 0 : i32
      %dma_start3A_58 = tpu.memref_slice %arg16[%add3A_43, %dma_start3A_57] : memref<10000x64xf32, #tpu.memory_space<vmem_shared>> -> memref<125x64xf32, #tpu.memory_space<vmem_shared>>
      %dma_start3A_59 = arith.constant 0 : i32
      %dma_start3A_60 = arith.constant 0 : i32
      %dma_start3A_61 = tpu.memref_slice %arg14[%dma_start3A_59, %dma_start3A_60] : memref<125x64xf32, #tpu.memory_space<vmem>> -> memref<125x64xf32, #tpu.memory_space<vmem>>
      %dma_start3A_62 = arith.constant 0 : i32
      %dma_start3A_63 = tpu.memref_slice %arg16[%add3A_43, %dma_start3A_62] : memref<10000x64xf32, #tpu.memory_space<vmem_shared>> -> memref<125x64xf32, #tpu.memory_space<vmem_shared>>
      tpu.enqueue_dma source(%dma_start3A_63 : memref<125x64xf32, #tpu.memory_space<vmem_shared>>) target(%dma_start3A_61 : memref<125x64xf32, #tpu.memory_space<vmem>>) target_semaphore(%run_scoped3A_54 : memref<!tpu.dma_semaphore, #tpu.memory_space<semaphore_mem>>)
      %dma_wait3A = arith.constant 0 : i32
      %dma_wait3A_64 = arith.constant 0 : i32
      %dma_wait3A_65 = tpu.memref_slice %arg14[%dma_wait3A, %dma_wait3A_64] : memref<125x64xf32, #tpu.memory_space<vmem>> -> memref<125x64xf32, #tpu.memory_space<vmem>>
      %dma_wait3A_66 = arith.constant 0 : i32
      %dma_wait3A_67 = tpu.memref_slice %arg16[%add3A_43, %dma_wait3A_66] : memref<10000x64xf32, #tpu.memory_space<vmem_shared>> -> memref<125x64xf32, #tpu.memory_space<vmem_shared>>
      %dma_wait3A_68 = arith.constant 0 : i32
      %dma_wait3A_69 = arith.constant 0 : i32
      %dma_wait3A_70 = tpu.memref_slice %arg14[%dma_wait3A_68, %dma_wait3A_69] : memref<125x64xf32, #tpu.memory_space<vmem>> -> memref<125x64xf32, #tpu.memory_space<vmem>>
      %dma_wait3A_71 = arith.constant 0 : i32
      %dma_wait3A_72 = tpu.memref_slice %arg16[%add3A_43, %dma_wait3A_71] : memref<10000x64xf32, #tpu.memory_space<vmem_shared>> -> memref<125x64xf32, #tpu.memory_space<vmem_shared>>
      tpu.wait_dma2 semaphore(%run_scoped3A_54 : memref<!tpu.dma_semaphore, #tpu.memory_space<semaphore_mem>>) src(%dma_wait3A_72 : memref<125x64xf32, #tpu.memory_space<vmem_shared>>) dst(%dma_wait3A_70 : memref<125x64xf32, #tpu.memory_space<vmem>>)
      tpu.yield
    }) : () -> ()
    %add3A_44 = arith.constant 375 : i32
    %add3A_45 = arith.addi %mul3A_0, %add3A_44 : i32
    %mul3A_46 = arith.constant 64 : i32
    %mul3A_47 = arith.muli %arg0, %mul3A_46 : i32
    "tpu.region"() ({
      %run_scoped3A_54 = tpu.sem_alloc : memref<!tpu.dma_semaphore, #tpu.memory_space<semaphore_mem>>
      %dma_start3A = arith.constant 0 : i32
      %dma_start3A_55 = arith.constant 0 : i32
      %dma_start3A_56 = tpu.memref_slice %arg14[%dma_start3A, %dma_start3A_55] : memref<125x64xf32, #tpu.memory_space<vmem>> -> memref<125x64xf32, #tpu.memory_space<vmem>>
      %dma_start3A_57 = tpu.memref_slice %arg7[%add3A_45, %mul3A_47] : memref<10000x128xf32, #tpu.memory_space<hbm>> -> memref<125x64xf32, #tpu.memory_space<hbm>>
      %dma_start3A_58 = tpu.memref_slice %arg7[%add3A_45, %mul3A_47] : memref<10000x128xf32, #tpu.memory_space<hbm>> -> memref<125x64xf32, #tpu.memory_space<hbm>>
      %dma_start3A_59 = arith.constant 0 : i32
      %dma_start3A_60 = arith.constant 0 : i32
      %dma_start3A_61 = tpu.memref_slice %arg14[%dma_start3A_59, %dma_start3A_60] : memref<125x64xf32, #tpu.memory_space<vmem>> -> memref<125x64xf32, #tpu.memory_space<vmem>>
      tpu.enqueue_dma source(%dma_start3A_61 : memref<125x64xf32, #tpu.memory_space<vmem>>) target(%dma_start3A_58 : memref<125x64xf32, #tpu.memory_space<hbm>>) target_semaphore(%run_scoped3A_54 : memref<!tpu.dma_semaphore, #tpu.memory_space<semaphore_mem>>)
      %dma_wait3A = arith.constant 0 : i32
      %dma_wait3A_62 = arith.constant 0 : i32
      %dma_wait3A_63 = tpu.memref_slice %arg14[%dma_wait3A, %dma_wait3A_62] : memref<125x64xf32, #tpu.memory_space<vmem>> -> memref<125x64xf32, #tpu.memory_space<vmem>>
      %dma_wait3A_64 = tpu.memref_slice %arg7[%add3A_45, %mul3A_47] : memref<10000x128xf32, #tpu.memory_space<hbm>> -> memref<125x64xf32, #tpu.memory_space<hbm>>
      %dma_wait3A_65 = tpu.memref_slice %arg7[%add3A_45, %mul3A_47] : memref<10000x128xf32, #tpu.memory_space<hbm>> -> memref<125x64xf32, #tpu.memory_space<hbm>>
      %dma_wait3A_66 = arith.constant 0 : i32
      %dma_wait3A_67 = arith.constant 0 : i32
      %dma_wait3A_68 = tpu.memref_slice %arg14[%dma_wait3A_66, %dma_wait3A_67] : memref<125x64xf32, #tpu.memory_space<vmem>> -> memref<125x64xf32, #tpu.memory_space<vmem>>
      tpu.wait_dma2 semaphore(%run_scoped3A_54 : memref<!tpu.dma_semaphore, #tpu.memory_space<semaphore_mem>>) src(%dma_wait3A_68 : memref<125x64xf32, #tpu.memory_space<vmem>>) dst(%dma_wait3A_65 : memref<125x64xf32, #tpu.memory_space<hbm>>)
      tpu.yield
    }) : () -> ()
    %add3A_48 = arith.constant 500 : i32
    %add3A_49 = arith.addi %mul3A_0, %add3A_48 : i32
    "tpu.region"() ({
      %run_scoped3A_54 = tpu.sem_alloc : memref<!tpu.dma_semaphore, #tpu.memory_space<semaphore_mem>>
      %dma_start3A = arith.constant 0 : i32
      %dma_start3A_55 = arith.constant 0 : i32
      %dma_start3A_56 = tpu.memref_slice %arg14[%dma_start3A, %dma_start3A_55] : memref<125x64xf32, #tpu.memory_space<vmem>> -> memref<125x64xf32, #tpu.memory_space<vmem>>
      %dma_start3A_57 = arith.constant 0 : i32
      %dma_start3A_58 = tpu.memref_slice %arg16[%add3A_49, %dma_start3A_57] : memref<10000x64xf32, #tpu.memory_space<vmem_shared>> -> memref<125x64xf32, #tpu.memory_space<vmem_shared>>
      %dma_start3A_59 = arith.constant 0 : i32
      %dma_start3A_60 = arith.constant 0 : i32
      %dma_start3A_61 = tpu.memref_slice %arg14[%dma_start3A_59, %dma_start3A_60] : memref<125x64xf32, #tpu.memory_space<vmem>> -> memref<125x64xf32, #tpu.memory_space<vmem>>
      %dma_start3A_62 = arith.constant 0 : i32
      %dma_start3A_63 = tpu.memref_slice %arg16[%add3A_49, %dma_start3A_62] : memref<10000x64xf32, #tpu.memory_space<vmem_shared>> -> memref<125x64xf32, #tpu.memory_space<vmem_shared>>
      tpu.enqueue_dma source(%dma_start3A_63 : memref<125x64xf32, #tpu.memory_space<vmem_shared>>) target(%dma_start3A_61 : memref<125x64xf32, #tpu.memory_space<vmem>>) target_semaphore(%run_scoped3A_54 : memref<!tpu.dma_semaphore, #tpu.memory_space<semaphore_mem>>)
      %dma_wait3A = arith.constant 0 : i32
      %dma_wait3A_64 = arith.constant 0 : i32
      %dma_wait3A_65 = tpu.memref_slice %arg14[%dma_wait3A, %dma_wait3A_64] : memref<125x64xf32, #tpu.memory_space<vmem>> -> memref<125x64xf32, #tpu.memory_space<vmem>>
      %dma_wait3A_66 = arith.constant 0 : i32
      %dma_wait3A_67 = tpu.memref_slice %arg16[%add3A_49, %dma_wait3A_66] : memref<10000x64xf32, #tpu.memory_space<vmem_shared>> -> memref<125x64xf32, #tpu.memory_space<vmem_shared>>
      %dma_wait3A_68 = arith.constant 0 : i32
      %dma_wait3A_69 = arith.constant 0 : i32
      %dma_wait3A_70 = tpu.memref_slice %arg14[%dma_wait3A_68, %dma_wait3A_69] : memref<125x64xf32, #tpu.memory_space<vmem>> -> memref<125x64xf32, #tpu.memory_space<vmem>>
      %dma_wait3A_71 = arith.constant 0 : i32
      %dma_wait3A_72 = tpu.memref_slice %arg16[%add3A_49, %dma_wait3A_71] : memref<10000x64xf32, #tpu.memory_space<vmem_shared>> -> memref<125x64xf32, #tpu.memory_space<vmem_shared>>
      tpu.wait_dma2 semaphore(%run_scoped3A_54 : memref<!tpu.dma_semaphore, #tpu.memory_space<semaphore_mem>>) src(%dma_wait3A_72 : memref<125x64xf32, #tpu.memory_space<vmem_shared>>) dst(%dma_wait3A_70 : memref<125x64xf32, #tpu.memory_space<vmem>>)
      tpu.yield
    }) : () -> ()
    %add3A_50 = arith.constant 500 : i32
    %add3A_51 = arith.addi %mul3A_0, %add3A_50 : i32
    %mul3A_52 = arith.constant 64 : i32
    %mul3A_53 = arith.muli %arg0, %mul3A_52 : i32
    "tpu.region"() ({
      %run_scoped3A_54 = tpu.sem_alloc : memref<!tpu.dma_semaphore, #tpu.memory_space<semaphore_mem>>
      %dma_start3A = arith.constant 0 : i32
      %dma_start3A_55 = arith.constant 0 : i32
      %dma_start3A_56 = tpu.memref_slice %arg14[%dma_start3A, %dma_start3A_55] : memref<125x64xf32, #tpu.memory_space<vmem>> -> memref<125x64xf32, #tpu.memory_space<vmem>>
      %dma_start3A_57 = tpu.memref_slice %arg7[%add3A_51, %mul3A_53] : memref<10000x128xf32, #tpu.memory_space<hbm>> -> memref<125x64xf32, #tpu.memory_space<hbm>>
      %dma_start3A_58 = tpu.memref_slice %arg7[%add3A_51, %mul3A_53] : memref<10000x128xf32, #tpu.memory_space<hbm>> -> memref<125x64xf32, #tpu.memory_space<hbm>>
      %dma_start3A_59 = arith.constant 0 : i32
      %dma_start3A_60 = arith.constant 0 : i32
      %dma_start3A_61 = tpu.memref_slice %arg14[%dma_start3A_59, %dma_start3A_60] : memref<125x64xf32, #tpu.memory_space<vmem>> -> memref<125x64xf32, #tpu.memory_space<vmem>>
      tpu.enqueue_dma source(%dma_start3A_61 : memref<125x64xf32, #tpu.memory_space<vmem>>) target(%dma_start3A_58 : memref<125x64xf32, #tpu.memory_space<hbm>>) target_semaphore(%run_scoped3A_54 : memref<!tpu.dma_semaphore, #tpu.memory_space<semaphore_mem>>)
      %dma_wait3A = arith.constant 0 : i32
      %dma_wait3A_62 = arith.constant 0 : i32
      %dma_wait3A_63 = tpu.memref_slice %arg14[%dma_wait3A, %dma_wait3A_62] : memref<125x64xf32, #tpu.memory_space<vmem>> -> memref<125x64xf32, #tpu.memory_space<vmem>>
      %dma_wait3A_64 = tpu.memref_slice %arg7[%add3A_51, %mul3A_53] : memref<10000x128xf32, #tpu.memory_space<hbm>> -> memref<125x64xf32, #tpu.memory_space<hbm>>
      %dma_wait3A_65 = tpu.memref_slice %arg7[%add3A_51, %mul3A_53] : memref<10000x128xf32, #tpu.memory_space<hbm>> -> memref<125x64xf32, #tpu.memory_space<hbm>>
      %dma_wait3A_66 = arith.constant 0 : i32
      %dma_wait3A_67 = arith.constant 0 : i32
      %dma_wait3A_68 = tpu.memref_slice %arg14[%dma_wait3A_66, %dma_wait3A_67] : memref<125x64xf32, #tpu.memory_space<vmem>> -> memref<125x64xf32, #tpu.memory_space<vmem>>
      tpu.wait_dma2 semaphore(%run_scoped3A_54 : memref<!tpu.dma_semaphore, #tpu.memory_space<semaphore_mem>>) src(%dma_wait3A_68 : memref<125x64xf32, #tpu.memory_space<vmem>>) dst(%dma_wait3A_65 : memref<125x64xf32, #tpu.memory_space<hbm>>)
      tpu.yield
    }) : () -> ()
    return
  }
}

module attributes {stable_mosaic.version = 14 : i64} {
  func.func @_tc_pq_body(%arg0: i32, %arg1: memref<1000x128xf32, #tpu.memory_space<vmem>>, %arg2: memref<256x128xf32, #tpu.memory_space<vmem>>, %arg3: memref<1x128xf32, #tpu.memory_space<vmem>>, %arg4: memref<1000x64xf32, #tpu.memory_space<vmem>>, %arg5: memref<1000x64xf32, #tpu.memory_space<vmem>>, %arg6: memref<1000x64xf32, #tpu.memory_space<vmem>>, %arg7: memref<1000x64xf32, #tpu.memory_space<vmem>>) attributes {dimension_semantics = [#tpu.dimension_semantics<arbitrary>], iteration_bounds = array<i64: 10>, scalar_prefetch = 0 : i64, scratch_operands = 0 : i64, tpu.core_type = #tpu.core_type<tc>, window_params = [{transform_indices = @transform_0, window_bounds = array<i64: 1000, 128>}, {pipeline_mode = #tpu.pipeline_mode<synchronous>, transform_indices = @transform_1, window_bounds = array<i64: 256, 128>}, {pipeline_mode = #tpu.pipeline_mode<synchronous>, transform_indices = @transform_2, window_bounds = array<i64: 1, 128>}, {transform_indices = @transform_3, window_bounds = array<i64: 1000, 64>}, {transform_indices = @transform_4, window_bounds = array<i64: 1000, 64>}, {transform_indices = @transform_5, window_bounds = array<i64: 1000, 64>}, {transform_indices = @transform_6, window_bounds = array<i64: 1000, 64>}]} {
    %get3A = arith.constant 0 : index
    %get3A_0 = arith.constant 0 : index
    %get3A_1 = vector.load %arg1[%get3A, %get3A_0] : memref<1000x128xf32, #tpu.memory_space<vmem>>, vector<1000x128xf32>
    %get3A_2 = arith.constant 0 : index
    %get3A_3 = arith.constant 0 : index
    %get3A_4 = vector.load %arg2[%get3A_2, %get3A_3] : memref<256x128xf32, #tpu.memory_space<vmem>>, vector<128x128xf32>
    %get3A_5 = arith.constant 128 : index
    %get3A_6 = arith.constant 0 : index
    %get3A_7 = vector.load %arg2[%get3A_5, %get3A_6] : memref<256x128xf32, #tpu.memory_space<vmem>>, vector<128x128xf32>
    %mul3A = arith.constant 5.000000e-01 : f32
    %mul3A_8 = vector.broadcast %mul3A : f32 to vector<128x128xf32>
    %mul3A_9 = arith.mulf %mul3A_8, %get3A_7 : vector<128x128xf32>
    %add3A = arith.addf %get3A_4, %mul3A_9 : vector<128x128xf32>
    %mul3A_10 = arith.constant 5.000000e-01 : f32
    %mul3A_11 = vector.broadcast %mul3A_10 : f32 to vector<128x128xf32>
    %mul3A_12 = arith.mulf %mul3A_11, %get3A_7 : vector<128x128xf32>
    %dot_general3A = arith.constant dense<0.000000e+00> : vector<1000x128xf32>
    %dot_general3A_13 = tpu.matmul %get3A_1, %add3A, %dot_general3A {dimension_numbers = #tpu.dot_dimension_numbers<[1], [0], [0], [1], [0, 0, 1, 1], [], []>, transpose_lhs_hint = false} : vector<1000x128xf32>, vector<128x128xf32>, vector<1000x128xf32> -> vector<1000x128xf32>
    %get3A_14 = arith.constant 0 : index
    %get3A_15 = arith.constant 0 : index
    %get3A_16 = vector.load %arg3[%get3A_14, %get3A_15] : memref<1x128xf32, #tpu.memory_space<vmem>>, vector<1x128xf32>
    %add3A_17 = vector.broadcast %get3A_16 : vector<1x128xf32> to vector<1000x128xf32>
    %add3A_18 = arith.addf %dot_general3A_13, %add3A_17 : vector<1000x128xf32>
    %dot_general3A_19 = arith.constant dense<0.000000e+00> : vector<1000x128xf32>
    %dot_general3A_20 = tpu.matmul %get3A_1, %mul3A_12, %dot_general3A_19 {dimension_numbers = #tpu.dot_dimension_numbers<[1], [0], [0], [1], [0, 0, 1, 1], [], []>, transpose_lhs_hint = false} : vector<1000x128xf32>, vector<128x128xf32>, vector<1000x128xf32> -> vector<1000x128xf32>
    %slice3A = vector.extract_strided_slice %add3A_18 {offsets = [0, 0], sizes = [1000, 64], strides = [1, 1]} : vector<1000x128xf32> to vector<1000x64xf32>
    %swap3A = arith.constant 0 : index
    %swap3A_21 = arith.constant 0 : index
    %swap3A_22 = vector.load %arg4[%swap3A, %swap3A_21] : memref<1000x64xf32, #tpu.memory_space<vmem>>, vector<1000x64xf32>
    tpu.vector_store %arg4[%swap3A, %swap3A_21], %slice3A {strides = array<i32>} : memref<1000x64xf32, #tpu.memory_space<vmem>>, vector<1000x64xf32>,
    %slice3A_23 = vector.extract_strided_slice %add3A_18 {offsets = [0, 64], sizes = [1000, 64], strides = [1, 1]} : vector<1000x128xf32> to vector<1000x64xf32>
    %swap3A_24 = arith.constant 0 : index
    %swap3A_25 = arith.constant 0 : index
    %swap3A_26 = vector.load %arg5[%swap3A_24, %swap3A_25] : memref<1000x64xf32, #tpu.memory_space<vmem>>, vector<1000x64xf32>
    tpu.vector_store %arg5[%swap3A_24, %swap3A_25], %slice3A_23 {strides = array<i32>} : memref<1000x64xf32, #tpu.memory_space<vmem>>, vector<1000x64xf32>,
    %slice3A_27 = vector.extract_strided_slice %dot_general3A_20 {offsets = [0, 0], sizes = [1000, 64], strides = [1, 1]} : vector<1000x128xf32> to vector<1000x64xf32>
    %swap3A_28 = arith.constant 0 : index
    %swap3A_29 = arith.constant 0 : index
    %swap3A_30 = vector.load %arg6[%swap3A_28, %swap3A_29] : memref<1000x64xf32, #tpu.memory_space<vmem>>, vector<1000x64xf32>
    tpu.vector_store %arg6[%swap3A_28, %swap3A_29], %slice3A_27 {strides = array<i32>} : memref<1000x64xf32, #tpu.memory_space<vmem>>, vector<1000x64xf32>,
    %slice3A_31 = vector.extract_strided_slice %dot_general3A_20 {offsets = [0, 64], sizes = [1000, 64], strides = [1, 1]} : vector<1000x128xf32> to vector<1000x64xf32>
    %swap3A_32 = arith.constant 0 : index
    %swap3A_33 = arith.constant 0 : index
    %swap3A_34 = vector.load %arg7[%swap3A_32, %swap3A_33] : memref<1000x64xf32, #tpu.memory_space<vmem>>, vector<1000x64xf32>
    tpu.vector_store %arg7[%swap3A_32, %swap3A_33], %slice3A_31 {strides = array<i32>} : memref<1000x64xf32, #tpu.memory_space<vmem>>, vector<1000x64xf32>,
    return
  }
  func.func @transform_0(%arg0: i32) -> (i32, i32) {
    %c0_i32 = arith.constant 0 : i32
    %c0_i32_0 = arith.constant 0 : i32
    return %arg0, %c0_i32 : i32, i32
  }
  func.func @transform_1(%arg0: i32) -> (i32, i32) {
    %c0_i32 = arith.constant 0 : i32
    %c0_i32_0 = arith.constant 0 : i32
    %c0_i32_1 = arith.constant 0 : i32
    return %c0_i32, %c0_i32_0 : i32, i32
  }
  func.func @transform_2(%arg0: i32) -> (i32, i32) {
    %c0_i32 = arith.constant 0 : i32
    %c0_i32_0 = arith.constant 0 : i32
    %c0_i32_1 = arith.constant 0 : i32
    return %c0_i32, %c0_i32_0 : i32, i32
  }
  func.func @transform_3(%arg0: i32) -> (i32, i32) {
    %c0_i32 = arith.constant 0 : i32
    %c0_i32_0 = arith.constant 0 : i32
    return %arg0, %c0_i32 : i32, i32
  }
  func.func @transform_4(%arg0: i32) -> (i32, i32) {
    %c0_i32 = arith.constant 0 : i32
    %c0_i32_0 = arith.constant 0 : i32
    return %arg0, %c0_i32 : i32, i32
  }
  func.func @transform_5(%arg0: i32) -> (i32, i32) {
    %c0_i32 = arith.constant 0 : i32
    %c0_i32_0 = arith.constant 0 : i32
    return %arg0, %c0_i32 : i32, i32
  }
  func.func @transform_6(%arg0: i32) -> (i32, i32) {
    %c0_i32 = arith.constant 0 : i32
    %c0_i32_0 = arith.constant 0 : i32
    return %arg0, %c0_i32 : i32, i32
  }
}

module attributes {stable_mosaic.version = 14 : i64} {
  func.func @_tc_cl_body(%arg0: i32, %arg1: memref<1000x128xf32, #tpu.memory_space<vmem>>, %arg2: memref<1000x1xi32, #tpu.memory_space<vmem>>, %arg3: memref<512x128xf32, #tpu.memory_space<vmem>>, %arg4: memref<512x128xf32, #tpu.memory_space<vmem>>) attributes {dimension_semantics = [#tpu.dimension_semantics<arbitrary>], iteration_bounds = array<i64: 10>, scalar_prefetch = 0 : i64, scratch_operands = 0 : i64, tpu.core_type = #tpu.core_type<tc>, window_params = [{transform_indices = @transform_0, window_bounds = array<i64: 1000, 128>}, {transform_indices = @transform_1, window_bounds = array<i64: 1000, 1>}, {pipeline_mode = #tpu.pipeline_mode<synchronous>, transform_indices = @transform_2, window_bounds = array<i64: 512, 128>}, {pipeline_mode = #tpu.pipeline_mode<synchronous>, transform_indices = @transform_3, window_bounds = array<i64: 512, 128>}]} {
    %get3A = arith.constant 0 : index
    %get3A_0 = arith.constant 0 : index
    %get3A_1 = vector.load %arg1[%get3A, %get3A_0] : memref<1000x128xf32, #tpu.memory_space<vmem>>, vector<1000x128xf32>
    %get3A_2 = arith.constant 0 : index
    %get3A_3 = arith.constant 0 : index
    %get3A_4 = vector.load %arg2[%get3A_2, %get3A_3] : memref<1000x1xi32, #tpu.memory_space<vmem>>, vector<1000x1xi32>
    %iota3A = tpu.iota {dimensions = array<i32: 1>} : vector<1000x512xi32>
    %eq3A = vector.broadcast %get3A_4 : vector<1000x1xi32> to vector<1000x512xi32>
    %eq3A_5 = arith.cmpi eq, %eq3A, %iota3A : vector<1000x512xi32>
    %convert_element_type3A = arith.extui %eq3A_5 : vector<1000x512xi1> to vector<1000x512xi32>
    %convert_element_type3A_6 = arith.sitofp %convert_element_type3A : vector<1000x512xi32> to vector<1000x512xf32>
    %dot_general3A = arith.constant dense<0.000000e+00> : vector<512x128xf32>
    %dot_general3A_7 = tpu.matmul %convert_element_type3A_6, %get3A_1, %dot_general3A {dimension_numbers = #tpu.dot_dimension_numbers<[0], [0], [1], [1], [0, 1, 1, 1], [], []>, transpose_lhs_hint = false} : vector<1000x512xf32>, vector<1000x128xf32>, vector<512x128xf32> -> vector<512x128xf32>
    %broadcast_in_dim3A = arith.constant 1.000000e+00 : f32
    %broadcast_in_dim3A_8 = vector.broadcast %broadcast_in_dim3A : f32 to vector<1000x128xf32>
    %dot_general3A_9 = arith.constant dense<0.000000e+00> : vector<512x128xf32>
    %dot_general3A_10 = tpu.matmul %convert_element_type3A_6, %broadcast_in_dim3A_8, %dot_general3A_9 {dimension_numbers = #tpu.dot_dimension_numbers<[0], [0], [1], [1], [0, 1, 1, 1], [], []>, transpose_lhs_hint = false} : vector<1000x512xf32>, vector<1000x128xf32>, vector<512x128xf32> -> vector<512x128xf32>
    %eq3A_11 = arith.constant 0 : i32
    %eq3A_12 = arith.cmpi eq, %arg0, %eq3A_11 : i32
    %convert_element_type3A_13 = arith.extui %eq3A_12 : i1 to i32
    %cond3A = arith.constant 0 : i32
    %cond3A_14 = arith.cmpi ne, %convert_element_type3A_13, %cond3A : i32
    scf.if %cond3A_14 {
      %broadcast_in_dim3A_27 = arith.constant 0.000000e+00 : f32
      %broadcast_in_dim3A_28 = vector.broadcast %broadcast_in_dim3A_27 : f32 to vector<512x128xf32>
      %swap3A_29 = arith.constant 0 : index
      %swap3A_30 = arith.constant 0 : index
      %swap3A_31 = vector.load %arg3[%swap3A_29, %swap3A_30] : memref<512x128xf32, #tpu.memory_space<vmem>>, vector<512x128xf32>
      tpu.vector_store %arg3[%swap3A_29, %swap3A_30], %broadcast_in_dim3A_28 {strides = array<i32>} : memref<512x128xf32, #tpu.memory_space<vmem>>, vector<512x128xf32>,
      %broadcast_in_dim3A_32 = arith.constant 0.000000e+00 : f32
      %broadcast_in_dim3A_33 = vector.broadcast %broadcast_in_dim3A_32 : f32 to vector<512x128xf32>
      %swap3A_34 = arith.constant 0 : index
      %swap3A_35 = arith.constant 0 : index
      %swap3A_36 = vector.load %arg4[%swap3A_34, %swap3A_35] : memref<512x128xf32, #tpu.memory_space<vmem>>, vector<512x128xf32>
      tpu.vector_store %arg4[%swap3A_34, %swap3A_35], %broadcast_in_dim3A_33 {strides = array<i32>} : memref<512x128xf32, #tpu.memory_space<vmem>>, vector<512x128xf32>,
    } else {
    }
    %get3A_15 = arith.constant 0 : index
    %get3A_16 = arith.constant 0 : index
    %get3A_17 = vector.load %arg3[%get3A_15, %get3A_16] : memref<512x128xf32, #tpu.memory_space<vmem>>, vector<512x128xf32>
    %add3A = arith.addf %get3A_17, %dot_general3A_7 : vector<512x128xf32>
    %swap3A = arith.constant 0 : index
    %swap3A_18 = arith.constant 0 : index
    %swap3A_19 = vector.load %arg3[%swap3A, %swap3A_18] : memref<512x128xf32, #tpu.memory_space<vmem>>, vector<512x128xf32>
    tpu.vector_store %arg3[%swap3A, %swap3A_18], %add3A {strides = array<i32>} : memref<512x128xf32, #tpu.memory_space<vmem>>, vector<512x128xf32>,
    %get3A_20 = arith.constant 0 : index
    %get3A_21 = arith.constant 0 : index
    %get3A_22 = vector.load %arg4[%get3A_20, %get3A_21] : memref<512x128xf32, #tpu.memory_space<vmem>>, vector<512x128xf32>
    %add3A_23 = arith.addf %get3A_22, %dot_general3A_10 : vector<512x128xf32>
    %swap3A_24 = arith.constant 0 : index
    %swap3A_25 = arith.constant 0 : index
    %swap3A_26 = vector.load %arg4[%swap3A_24, %swap3A_25] : memref<512x128xf32, #tpu.memory_space<vmem>>, vector<512x128xf32>
    tpu.vector_store %arg4[%swap3A_24, %swap3A_25], %add3A_23 {strides = array<i32>} : memref<512x128xf32, #tpu.memory_space<vmem>>, vector<512x128xf32>,
    return
  }
  func.func @transform_0(%arg0: i32) -> (i32, i32) {
    %c0_i32 = arith.constant 0 : i32
    %c0_i32_0 = arith.constant 0 : i32
    return %arg0, %c0_i32 : i32, i32
  }
  func.func @transform_1(%arg0: i32) -> (i32, i32) {
    %c0_i32 = arith.constant 0 : i32
    %c0_i32_0 = arith.constant 0 : i32
    return %arg0, %c0_i32 : i32, i32
  }
  func.func @transform_2(%arg0: i32) -> (i32, i32) {
    %c0_i32 = arith.constant 0 : i32
    %c0_i32_0 = arith.constant 0 : i32
    %c0_i32_1 = arith.constant 0 : i32
    return %c0_i32, %c0_i32_0 : i32, i32
  }
  func.func @transform_3(%arg0: i32) -> (i32, i32) {
    %c0_i32 = arith.constant 0 : i32
    %c0_i32_0 = arith.constant 0 : i32
    %c0_i32_1 = arith.constant 0 : i32
    return %c0_i32, %c0_i32_0 : i32, i32
  }
}

module attributes {stable_mosaic.version = 14 : i64} {
  func.func @_tc_up_body(%arg0: i32, %arg1: memref<1000x128xf32, #tpu.memory_space<vmem>>, %arg2: memref<1000x1xi32, #tpu.memory_space<vmem>>, %arg3: memref<512x128xf32, #tpu.memory_space<vmem>>, %arg4: memref<512x128xf32, #tpu.memory_space<vmem>>, %arg5: memref<128x128xf32, #tpu.memory_space<vmem>>, %arg6: memref<128x128xf32, #tpu.memory_space<vmem>>, %arg7: memref<256x128xf32, #tpu.memory_space<vmem>>, %arg8: memref<1000x128xf32, #tpu.memory_space<vmem>>) attributes {dimension_semantics = [#tpu.dimension_semantics<arbitrary>], iteration_bounds = array<i64: 10>, scalar_prefetch = 0 : i64, scratch_operands = 0 : i64, tpu.core_type = #tpu.core_type<tc>, window_params = [{transform_indices = @transform_0, window_bounds = array<i64: 1000, 128>}, {transform_indices = @transform_1, window_bounds = array<i64: 1000, 1>}, {pipeline_mode = #tpu.pipeline_mode<synchronous>, transform_indices = @transform_2, window_bounds = array<i64: 512, 128>}, {pipeline_mode = #tpu.pipeline_mode<synchronous>, transform_indices = @transform_3, window_bounds = array<i64: 512, 128>}, {pipeline_mode = #tpu.pipeline_mode<synchronous>, transform_indices = @transform_4, window_bounds = array<i64: 128, 128>}, {pipeline_mode = #tpu.pipeline_mode<synchronous>, transform_indices = @transform_5, window_bounds = array<i64: 128, 128>}, {pipeline_mode = #tpu.pipeline_mode<synchronous>, transform_indices = @transform_6, window_bounds = array<i64: 256, 128>}, {transform_indices = @transform_7, window_bounds = array<i64: 1000, 128>}]} {
    %get3A = arith.constant 0 : index
    %get3A_0 = arith.constant 0 : index
    %get3A_1 = vector.load %arg1[%get3A, %get3A_0] : memref<1000x128xf32, #tpu.memory_space<vmem>>, vector<1000x128xf32>
    %get3A_2 = arith.constant 0 : index
    %get3A_3 = arith.constant 0 : index
    %get3A_4 = vector.load %arg3[%get3A_2, %get3A_3] : memref<512x128xf32, #tpu.memory_space<vmem>>, vector<512x128xf32>
    %get3A_5 = arith.constant 0 : index
    %get3A_6 = arith.constant 0 : index
    %get3A_7 = vector.load %arg4[%get3A_5, %get3A_6] : memref<512x128xf32, #tpu.memory_space<vmem>>, vector<512x128xf32>
    %max3A = arith.constant 1.000000e+00 : f32
    %max3A_8 = vector.broadcast %max3A : f32 to vector<512x128xf32>
    %max3A_9 = arith.maximumf %get3A_7, %max3A_8 : vector<512x128xf32>
    %div3A = arith.divf %get3A_4, %max3A_9 : vector<512x128xf32>
    %get3A_10 = arith.constant 0 : index
    %get3A_11 = arith.constant 0 : index
    %get3A_12 = vector.load %arg5[%get3A_10, %get3A_11] : memref<128x128xf32, #tpu.memory_space<vmem>>, vector<128x128xf32>
    %dot_general3A = arith.constant dense<0.000000e+00> : vector<512x128xf32>
    %dot_general3A_13 = tpu.matmul %div3A, %get3A_12, %dot_general3A {dimension_numbers = #tpu.dot_dimension_numbers<[1], [0], [0], [1], [0, 0, 1, 1], [], []>, transpose_lhs_hint = false} : vector<512x128xf32>, vector<128x128xf32>, vector<512x128xf32> -> vector<512x128xf32>
    %max3A_14 = arith.constant 0.000000e+00 : f32
    %max3A_15 = vector.broadcast %max3A_14 : f32 to vector<512x128xf32>
    %max3A_16 = arith.maximumf %dot_general3A_13, %max3A_15 : vector<512x128xf32>
    %get3A_17 = arith.constant 0 : index
    %get3A_18 = arith.constant 0 : index
    %get3A_19 = vector.load %arg2[%get3A_17, %get3A_18] : memref<1000x1xi32, #tpu.memory_space<vmem>>, vector<1000x1xi32>
    %iota3A = tpu.iota {dimensions = array<i32: 1>} : vector<1000x512xi32>
    %eq3A = vector.broadcast %get3A_19 : vector<1000x1xi32> to vector<1000x512xi32>
    %eq3A_20 = arith.cmpi eq, %eq3A, %iota3A : vector<1000x512xi32>
    %convert_element_type3A = arith.extui %eq3A_20 : vector<1000x512xi1> to vector<1000x512xi32>
    %convert_element_type3A_21 = arith.sitofp %convert_element_type3A : vector<1000x512xi32> to vector<1000x512xf32>
    %dot_general3A_22 = arith.constant dense<0.000000e+00> : vector<1000x128xf32>
    %dot_general3A_23 = tpu.matmul %convert_element_type3A_21, %max3A_16, %dot_general3A_22 {dimension_numbers = #tpu.dot_dimension_numbers<[1], [0], [0], [1], [0, 0, 1, 1], [], []>, transpose_lhs_hint = false} : vector<1000x512xf32>, vector<512x128xf32>, vector<1000x128xf32> -> vector<1000x128xf32>
    %add3A = arith.addf %dot_general3A_23, %get3A_1 : vector<1000x128xf32>
    %get3A_24 = arith.constant 0 : index
    %get3A_25 = arith.constant 0 : index
    %get3A_26 = vector.load %arg6[%get3A_24, %get3A_25] : memref<128x128xf32, #tpu.memory_space<vmem>>, vector<128x128xf32>
    %dot_general3A_27 = arith.constant dense<0.000000e+00> : vector<1000x128xf32>
    %dot_general3A_28 = tpu.matmul %add3A, %get3A_26, %dot_general3A_27 {dimension_numbers = #tpu.dot_dimension_numbers<[1], [0], [0], [1], [0, 0, 1, 1], [], []>, transpose_lhs_hint = false} : vector<1000x128xf32>, vector<128x128xf32>, vector<1000x128xf32> -> vector<1000x128xf32>
    %max3A_29 = arith.constant 0.000000e+00 : f32
    %max3A_30 = vector.broadcast %max3A_29 : f32 to vector<1000x128xf32>
    %max3A_31 = arith.maximumf %dot_general3A_28, %max3A_30 : vector<1000x128xf32>
    %get3A_32 = arith.constant 128 : index
    %get3A_33 = arith.constant 0 : index
    %get3A_34 = vector.load %arg7[%get3A_32, %get3A_33] : memref<256x128xf32, #tpu.memory_space<vmem>>, vector<128x128xf32>
    %dot_general3A_35 = arith.constant dense<0.000000e+00> : vector<1000x128xf32>
    %dot_general3A_36 = tpu.matmul %max3A_31, %get3A_34, %dot_general3A_35 {dimension_numbers = #tpu.dot_dimension_numbers<[1], [0], [0], [1], [0, 0, 1, 1], [], []>, transpose_lhs_hint = false} : vector<1000x128xf32>, vector<128x128xf32>, vector<1000x128xf32> -> vector<1000x128xf32>
    %swap3A = arith.constant 0 : index
    %swap3A_37 = arith.constant 0 : index
    %swap3A_38 = vector.load %arg8[%swap3A, %swap3A_37] : memref<1000x128xf32, #tpu.memory_space<vmem>>, vector<1000x128xf32>
    tpu.vector_store %arg8[%swap3A, %swap3A_37], %dot_general3A_36 {strides = array<i32>} : memref<1000x128xf32, #tpu.memory_space<vmem>>, vector<1000x128xf32>,
    return
  }
  func.func @transform_0(%arg0: i32) -> (i32, i32) {
    %c0_i32 = arith.constant 0 : i32
    %c0_i32_0 = arith.constant 0 : i32
    return %arg0, %c0_i32 : i32, i32
  }
  func.func @transform_1(%arg0: i32) -> (i32, i32) {
    %c0_i32 = arith.constant 0 : i32
    %c0_i32_0 = arith.constant 0 : i32
    return %arg0, %c0_i32 : i32, i32
  }
  func.func @transform_2(%arg0: i32) -> (i32, i32) {
    %c0_i32 = arith.constant 0 : i32
    %c0_i32_0 = arith.constant 0 : i32
    %c0_i32_1 = arith.constant 0 : i32
    return %c0_i32, %c0_i32_0 : i32, i32
  }
  func.func @transform_3(%arg0: i32) -> (i32, i32) {
    %c0_i32 = arith.constant 0 : i32
    %c0_i32_0 = arith.constant 0 : i32
    %c0_i32_1 = arith.constant 0 : i32
    return %c0_i32, %c0_i32_0 : i32, i32
  }
  func.func @transform_4(%arg0: i32) -> (i32, i32) {
    %c0_i32 = arith.constant 0 : i32
    %c0_i32_0 = arith.constant 0 : i32
    %c0_i32_1 = arith.constant 0 : i32
    return %c0_i32, %c0_i32_0 : i32, i32
  }
  func.func @transform_5(%arg0: i32) -> (i32, i32) {
    %c0_i32 = arith.constant 0 : i32
    %c0_i32_0 = arith.constant 0 : i32
    %c0_i32_1 = arith.constant 0 : i32
    return %c0_i32, %c0_i32_0 : i32, i32
  }
  func.func @transform_6(%arg0: i32) -> (i32, i32) {
    %c0_i32 = arith.constant 0 : i32
    %c0_i32_0 = arith.constant 0 : i32
    %c0_i32_1 = arith.constant 0 : i32
    return %c0_i32, %c0_i32_0 : i32, i32
  }
  func.func @transform_7(%arg0: i32) -> (i32, i32) {
    %c0_i32 = arith.constant 0 : i32
    %c0_i32_0 = arith.constant 0 : i32
    return %arg0, %c0_i32 : i32, i32
  }
}

module attributes {stable_mosaic.version = 14 : i64} {
  func.func @_tc_fin_body(%arg0: i32, %arg1: memref<1000x128xf32, #tpu.memory_space<vmem>>, %arg2: memref<1000x128xf32, #tpu.memory_space<vmem>>, %arg3: memref<1000x128xf32, #tpu.memory_space<vmem>>, %arg4: memref<128x128xf32, #tpu.memory_space<vmem>>, %arg5: memref<256x128xf32, #tpu.memory_space<vmem>>, %arg6: memref<1000x128xf32, #tpu.memory_space<vmem>>) attributes {dimension_semantics = [#tpu.dimension_semantics<arbitrary>], iteration_bounds = array<i64: 10>, scalar_prefetch = 0 : i64, scratch_operands = 0 : i64, tpu.core_type = #tpu.core_type<tc>, window_params = [{transform_indices = @transform_0, window_bounds = array<i64: 1000, 128>}, {transform_indices = @transform_1, window_bounds = array<i64: 1000, 128>}, {transform_indices = @transform_2, window_bounds = array<i64: 1000, 128>}, {pipeline_mode = #tpu.pipeline_mode<synchronous>, transform_indices = @transform_3, window_bounds = array<i64: 128, 128>}, {pipeline_mode = #tpu.pipeline_mode<synchronous>, transform_indices = @transform_4, window_bounds = array<i64: 256, 128>}, {transform_indices = @transform_5, window_bounds = array<i64: 1000, 128>}]} {
    %get3A = arith.constant 0 : index
    %get3A_0 = arith.constant 0 : index
    %get3A_1 = vector.load %arg1[%get3A, %get3A_0] : memref<1000x128xf32, #tpu.memory_space<vmem>>, vector<1000x128xf32>
    %get3A_2 = arith.constant 0 : index
    %get3A_3 = arith.constant 0 : index
    %get3A_4 = vector.load %arg2[%get3A_2, %get3A_3] : memref<1000x128xf32, #tpu.memory_space<vmem>>, vector<1000x128xf32>
    %add3A = arith.addf %get3A_4, %get3A_1 : vector<1000x128xf32>
    %get3A_5 = arith.constant 0 : index
    %get3A_6 = arith.constant 0 : index
    %get3A_7 = vector.load %arg4[%get3A_5, %get3A_6] : memref<128x128xf32, #tpu.memory_space<vmem>>, vector<128x128xf32>
    %dot_general3A = arith.constant dense<0.000000e+00> : vector<1000x128xf32>
    %dot_general3A_8 = tpu.matmul %add3A, %get3A_7, %dot_general3A {dimension_numbers = #tpu.dot_dimension_numbers<[1], [0], [0], [1], [0, 0, 1, 1], [], []>, transpose_lhs_hint = false} : vector<1000x128xf32>, vector<128x128xf32>, vector<1000x128xf32> -> vector<1000x128xf32>
    %max3A = arith.constant 0.000000e+00 : f32
    %max3A_9 = vector.broadcast %max3A : f32 to vector<1000x128xf32>
    %max3A_10 = arith.maximumf %dot_general3A_8, %max3A_9 : vector<1000x128xf32>
    %get3A_11 = arith.constant 0 : index
    %get3A_12 = arith.constant 0 : index
    %get3A_13 = vector.load %arg5[%get3A_11, %get3A_12] : memref<256x128xf32, #tpu.memory_space<vmem>>, vector<128x128xf32>
    %dot_general3A_14 = arith.constant dense<0.000000e+00> : vector<1000x128xf32>
    %dot_general3A_15 = tpu.matmul %max3A_10, %get3A_13, %dot_general3A_14 {dimension_numbers = #tpu.dot_dimension_numbers<[1], [0], [0], [1], [0, 0, 1, 1], [], []>, transpose_lhs_hint = false} : vector<1000x128xf32>, vector<128x128xf32>, vector<1000x128xf32> -> vector<1000x128xf32>
    %get3A_16 = arith.constant 0 : index
    %get3A_17 = arith.constant 0 : index
    %get3A_18 = vector.load %arg3[%get3A_16, %get3A_17] : memref<1000x128xf32, #tpu.memory_space<vmem>>, vector<1000x128xf32>
    %add3A_19 = arith.addf %dot_general3A_15, %get3A_18 : vector<1000x128xf32>
    %swap3A = arith.constant 0 : index
    %swap3A_20 = arith.constant 0 : index
    %swap3A_21 = vector.load %arg6[%swap3A, %swap3A_20] : memref<1000x128xf32, #tpu.memory_space<vmem>>, vector<1000x128xf32>
    tpu.vector_store %arg6[%swap3A, %swap3A_20], %add3A_19 {strides = array<i32>} : memref<1000x128xf32, #tpu.memory_space<vmem>>, vector<1000x128xf32>,
    return
  }
  func.func @transform_0(%arg0: i32) -> (i32, i32) {
    %c0_i32 = arith.constant 0 : i32
    %c0_i32_0 = arith.constant 0 : i32
    return %arg0, %c0_i32 : i32, i32
  }
  func.func @transform_1(%arg0: i32) -> (i32, i32) {
    %c0_i32 = arith.constant 0 : i32
    %c0_i32_0 = arith.constant 0 : i32
    return %arg0, %c0_i32 : i32, i32
  }
  func.func @transform_2(%arg0: i32) -> (i32, i32) {
    %c0_i32 = arith.constant 0 : i32
    %c0_i32_0 = arith.constant 0 : i32
    return %arg0, %c0_i32 : i32, i32
  }
  func.func @transform_3(%arg0: i32) -> (i32, i32) {
    %c0_i32 = arith.constant 0 : i32
    %c0_i32_0 = arith.constant 0 : i32
    %c0_i32_1 = arith.constant 0 : i32
    return %c0_i32, %c0_i32_0 : i32, i32
  }
  func.func @transform_4(%arg0: i32) -> (i32, i32) {
    %c0_i32 = arith.constant 0 : i32
    %c0_i32_0 = arith.constant 0 : i32
    %c0_i32_1 = arith.constant 0 : i32
    return %c0_i32, %c0_i32_0 : i32, i32
  }
  func.func @transform_5(%arg0: i32) -> (i32, i32) {
    %c0_i32 = arith.constant 0 : i32
    %c0_i32_0 = arith.constant 0 : i32
    return %arg0, %c0_i32 : i32, i32
  }
}

</mosaic_0001>

<sc_bundles>
// kernel: kernel.7.cloned.1.call-start
scs
__scs_entry_jumppad:
0x0: {  	(pc) =	sbr.rel $0x88, $3  }
0x1: {  	(tag) =	ssettag $0x0;
	lr =	simm.s32 $0x1  }
0x2: {  	[smem:$0x3F98] =	sst lr;
	_ =	strace $0xD0000000  }
0x3: {  	_ = 	snop  }
0x4: {  	_ = 	snop  }
0x5: {  	_ = 	snop  }
0x6: {  	_ = 	snop  }
0x7: {  	_ = 	snop  }
__scs_overlays_trampoline_lowered:
0x8: {  	[smem:$0x3FA7] =	sst s0  }
0x9: {  	[smem:$0x3FA8] =	sst s1  }
0xa: {  	[smem:$0x3FA9] =	sst s2  }
0xb: {  	[smem:$0x3FAA] =	sst s3  }
0xc: {  	[smem:$0x3FAB] =	sst s4  }
0xd: {  	[smem:$0x3FAC] =	sst s5  }
0xe: {  	[smem:$0x3FAD] =	sst s6  }
0xf: {  	[smem:$0x3FAE] =	sst s7  }
0x10: {  	[smem:$0x3FAF] =	sst s8  }
0x11: {  	[smem:$0x3FB0] =	sst s9;
	s0 =	simm.s32 @!p0 $0x0  }
0x12: {  	s1 =	sld [smem:$0x3F96];
	s0 =	simm.s32 @p0 $0x1  }
0x13: {  	[smem:$0x3FB1] =	sst s0;
	s0 =	simm.s32 @!p1 $0x0  }
0x14: {  	s2 =	sld [smem:$0x3F95];
	s0 =	simm.s32 @p1 $0x1  }
0x15: {  	[smem:$0x3FB2] =	sst s0;
	s0 =	simm.s32 @!p2 $0x0  }
0x16: {  	s3 =	sld [smem:$0x3FDB];
	s0 =	simm.s32 @p2 $0x1  }
0x17: {  	s4 =	simm.s32 $0x1BF5;
	[smem:$0x3FB4] =	sst s0  }
0x18: {  	s0 =	sld [smem:$0x3F97];
	_ =	swait.ge [sflag:s4], $0x0  }
0x19: {  	s7 =	sld [smem:$0x3F98]  }
0x1a: {  	s8 =	sadd.s32 $0xFFFFE003, lr  }
0x1b: {  	s9 =	sadd.s32 $0xFFFFFEF7, lr;
	s5 =	simm.s32 $0xFFFFFFFF;
	p2 =	slt.u32 s8, $0xFFFFF086  }
0x1c: {  	p1 =	slt.u32 s9, $0xF7A;
	s5 =	simm.s32 @!p2 $0x0  }
0x1d: {  	s5 =	simm.s32 @p1 $0x1;
	p0 =	seq.s32 s7, s2  }
0x1e: {  	s7 =	smul.u32 @!p0 $0xF7A, s2;
	p2 =	seq.s32 @!p0 s5, $0x0  }
0x1f: {  	s9 =	smul.u32 $0xF7A, s1;
	s8 =	simm.s32 @!p0 $0x1BF5;
	p2 =	por !p2, p0  }
0x20: {  	[sflag:s8] =	ssyncset.s32 @!p0 $0xFFFFF086;
	s6 =	sadd.s32 @!p0 s3, s7;
	s7 =	simm.s32 @!p0 $0x108  }
0x21: {  	s3 =	sadd.s32 s3, s9;
	s6 =	sadd.s32 @!p0 $0x88, s6;
	s7 =	simm.s32 @p2 $0x1082  }
0x22: {  	[simem:s7], [sflag:s8] =	dma.local @!p0 [hbm:s6], $0xF7A  }
0x23: {  	s9 =	sor.u32 $0xD0000000, s2;
	s6 =	simm.s32 $0x108;
	_ =	swait.ge @!p0 [sflag:s8], $0x0  }
0x24: {  	s3 =	sadd.s32 $0x88, s3;
	s6 =	simm.s32 @!p1 $0x1082;
	[sflag:s4] =	ssyncset.s32 $0xFFFFF086  }
0x25: {  	[simem:s6], [sflag:s4] =	dma.local [hbm:s3], $0xF7A  }
0x26: {  	[smem:$0x3F98] =	sst s1;
	(tag) =	ssettag s2;
	_ =	strace s9  }
0x27: {  	s1 =	sld [smem:$0x3FA8]  }
0x28: {  	s2 =	sld [smem:$0x3FA9]  }
0x29: {  	s4 =	sld [smem:$0x3FAB]  }
0x2a: {  	p0 =	seq.s32 s5, $0x0;
	s5 =	sld [smem:$0x3FAC]  }
0x2b: {  	s6 =	sld [smem:$0x3FAD]  }
0x2c: {  	s7 =	sld [smem:$0x3FAE]  }
0x2d: {  	s3 =	simm.s32 $0x108;
	s8 =	sld [smem:$0x3FAF]  }
0x2e: {  	s3 =	simm.s32 @!p0 $0x1082;
	s9 =	sld [smem:$0x3FB0]  }
0x2f: {  	lr =	sadd.s32 s0, s3;
	s0 =	sld [smem:$0x3FA7]  }
0x30: {  	s3 =	sld [smem:$0x3FAA]  }
0x31: {  	[smem:$0x3FB3] =	sst s10  }
0x32: {  	s10 =	sld [smem:$0x3FB1];
	_ =	sdelay $0x3  }
0x33: {  	p0 =	seq.s32 s10, $0x1;
	s10 =	sld [smem:$0x3FB3];
	_ =	sdelay $0x3  }
0x34: {  	[smem:$0x3FB3] =	sst s10  }
0x35: {  	s10 =	sld [smem:$0x3FB2];
	_ =	sdelay $0x3  }
0x36: {  	p1 =	seq.s32 s10, $0x1;
	s10 =	sld [smem:$0x3FB3];
	_ =	sdelay $0x3  }
0x37: {  	[smem:$0x3FB3] =	sst s10  }
0x38: {  	s10 =	sld [smem:$0x3FB4]  }
0x39: {  	_ = 	snop;
	(pc) =	sbr.ind lr, $3  }
0x3a: {  	_ = 	snop  }
0x3b: {  	_ = 	snop  }
0x3c: {  	p2 =	seq.s32 s10, $0x1;
	s10 =	sld [smem:$0x3FB3]  }
0x3d: {  	_ =	shalt  }
0x3e: {  	_ =	shalt  }
0x3f: {  	_ =	shalt  }
0x40: {  	_ =	shalt  }
0x41: {  	_ =	shalt  }
0x42: {  	_ =	shalt  }
0x43: {  	_ =	shalt  }
0x44: {  	_ =	shalt  }
0x45: {  	_ =	shalt  }
0x46: {  	_ =	shalt  }
0x47: {  	_ =	shalt  }
0x48: {  	_ =	shalt  }
0x49: {  	_ =	shalt  }
0x4a: {  	_ =	shalt  }
0x4b: {  	_ =	shalt  }
0x4c: {  	_ =	shalt  }
0x4d: {  	_ =	shalt  }
0x4e: {  	_ =	shalt  }
0x4f: {  	_ =	shalt  }
0x50: {  	_ =	shalt  }
0x51: {  	_ =	shalt  }
0x52: {  	_ =	shalt  }
0x53: {  	_ =	shalt  }
0x54: {  	_ =	shalt  }
0x55: {  	_ =	shalt  }
0x56: {  	_ =	shalt  }
0x57: {  	_ =	shalt  }
0x58: {  	_ =	shalt  }
0x59: {  	_ =	shalt  }
0x5a: {  	_ =	shalt  }
0x5b: {  	_ =	shalt  }
0x5c: {  	_ =	shalt  }
0x5d: {  	_ =	shalt  }
0x5e: {  	_ =	shalt  }
0x5f: {  	_ =	shalt  }
0x60: {  	_ =	shalt  }
0x61: {  	_ =	shalt  }
0x62: {  	_ =	shalt  }
0x63: {  	_ =	shalt  }
0x64: {  	_ =	shalt  }
0x65: {  	_ =	shalt  }
0x66: {  	_ =	shalt  }
0x67: {  	_ =	shalt  }
0x68: {  	_ =	shalt  }
0x69: {  	_ =	shalt  }
0x6a: {  	_ =	shalt  }
0x6b: {  	_ =	shalt  }
0x6c: {  	_ =	shalt  }
0x6d: {  	_ =	shalt  }
0x6e: {  	_ =	shalt  }
0x6f: {  	_ =	shalt  }
0x70: {  	_ =	shalt  }
0x71: {  	_ =	shalt  }
0x72: {  	_ =	shalt  }
0x73: {  	_ =	shalt  }
0x74: {  	_ =	shalt  }
0x75: {  	_ =	shalt  }
0x76: {  	_ =	shalt  }
0x77: {  	_ =	shalt  }
0x78: {  	_ =	shalt  }
0x79: {  	_ =	shalt  }
0x7a: {  	_ =	shalt  }
0x7b: {  	_ =	shalt  }
0x7c: {  	_ =	shalt  }
0x7d: {  	_ =	shalt  }
0x7e: {  	_ =	shalt  }
0x7f: {  	_ =	shalt  }
0x80: {  	_ =	shalt  }
0x81: {  	_ =	shalt  }
0x82: {  	_ =	shalt  }
0x83: {  	_ =	shalt  }
0x84: {  	_ =	shalt  }
0x85: {  	_ =	shalt  }
0x86: {  	_ =	shalt  }
0x87: {  	_ =	shalt  }
.Lfunc_end0:
.L_simem_size_0:
called_computation_lowered:
.L_overlay_start_0:
0x88: {  	s2 =	sld [smem:$0x3FD9]  }
0x89: {  	s3 =	sld [smem:$0x3FFE];
	_ =	sdelay $0x1  }
0x8a: {  	s1 =	srdreg.scid  }
0x8b: {  	s0 =	sand.u32 $0x1, s1  }
0x8c: {  	s17 =	sshll.u32 s0, $0xA;
	s2 =	sadd.s32 s3, s2  }
0x8d: {  	s2 =	sadd.s32 s2, s17  }
0x8e: {  	[smem:$0x3FBF] =	sst s2  }
0x8f: {  	_ = 	snop  }
0x90: {  	s2 =	sld [smem:$0x3FD0];
	(tm) =	ssettm $0x1  }
0x91: {  	s18 =	sld [smem:$0x3FFB];
	_ =	sdelay $0x3  }
0x92: {  	_ =	strace s18  }
0x93: {  	s3 =	sld [smem:$0x3FFC];
	_ =	sdelay $0x3  }
0x94: {  	_ =	strace s3  }
0x95: {  	s3 =	sld [smem:$0x3FFD];
	_ =	sdelay $0x3  }
0x96: {  	_ =	strace s3  }
0x97: {  	_ =	strace $0x8FFFFFFF  }
0x98: {  	s19 =	sld [smem:$0x3FDB];
	_ =	sdelay $0x1  }
0x99: {  	s4 =	simm.s32 $_scs_section_size  }
0x9a: {  	s5 =	simm.s32 $_size__tile_overlayer_lowered;
	s6 =	simm.s32 $_tile_overlayer_lowered  }
0x9b: {  	s22 =	simm.s32 $0x1BFF;
	s21 =	sshll.u32 s6, $0x1;
	s3 =	sadd.s32 s4, s19  }
0x9c: {  	s7 =	simm.s32 $0x0;
	s20 =	sshll.u32 s5, $0x1;
	s5 =	sadd.s32 s21, s3  }
0x9d: {  	[timem:s7], [sflag:s22] =	dma.local [hbm:s5], s20  }
0x9e: {  	_ =	swait.ge [sflag:s22], s20  }
0x9f: {  	s4 =	ssub.s32 $0x0, s20;
	[sflag:s22] =	ssyncset.done $0x0  }
0xa0: {  	[sflag:s22] =	ssyncadd.s32 s4;
	_ =	sdelay $0x1  }
0xa1: {  	s23 =	simm.s32 $0x1B8B  }
0xa2: {  	_ =	swait.ge [sflag:s23], $0x1  }
0xa3: {  	[sflag:s23] =	ssyncset.done $0x0  }
0xa4: {  	s25 =	simm.s32 $0x1B8E;
	s24 =	sld [smem:$0x3FFE];
	[sflag:s23] =	ssyncadd.s32 $0xFFFFFFFF  }
0xa5: {  	s26 =	simm.s32 $execute0_lowered;
	[smem:$0x3FD2] =	sst s25  }
0xa6: {  	s5 =	sshll.u32 s26, $0x1;
	_ =	strace $0x80000046;
	[dreg:$0x1] =	wrdreg $0xFFFFFFFF  }
0xa7: {  	s28 =	simm.s32 $_size_execute0_lowered;
	s3 =	sadd.s32 s3, s5;
	[dreg:$0x0] =	wrdreg $0x0  }
0xa8: {  	s5 =	sshll.u32 s28, $0x1;
	[dreg:$0x2] =	wrdreg s3  }
0xa9: {  	[dreg:$0x3] =	wrdreg s5  }
0xaa: {  	[dreg:$0x4] =	wrdreg $0xC0  }
0xab: {  	_ =	task [dreg:s7], $0x5FFFF  }
0xac: {  	[dreg:$0x1] =	wrdreg $0xFFFFFFFF  }
0xad: {  	[dreg:$0x0] =	wrdreg $0x60  }
0xae: {  	[dreg:$0x2] =	wrdreg s24  }
0xaf: {  	[dreg:$0x3] =	wrdreg s2  }
0xb0: {  	[dreg:$0x4] =	wrdreg $0x15B800  }
0xb1: {  	[dreg:$0x5] =	wrdreg $0x9  }
0xb2: {  	_ =	task.clear_ibuf [dreg:s7], $0x6FFFF;
	_ =	strace $0x90000046  }
0xb3: {  	s29 =	simm.s32 $0x9;
	_ =	strace $0x80000048  }
0xb4: {  	_ =	swait.ge [sflag:s29], $0x1  }
0xb5: {  	[sflag:s29] =	ssyncadd.s32 $0xFFFFFFFF  }
0xb6: {  	_ =	strace $0x90000048  }
0xb7: {  	_ =	sfence  }
0xb8: {  	s30 =	sld [smem:$0x0];
	_ =	sdelay $0x2  }
0xb9: {  	s31 =	sshll.u32 s1, $0xD;
	s1 =	sshrl.u32 s1, $0x2  }
0xba: {  	s3 =	sand.u32 $0x4000, s31;
	s1 =	sadd.s32 s1, s30  }
0xbb: {  	s0 =	sor.u32 s3, s0;
	s1 =	sshll.u32 s1, $0x11  }
0xbc: {  	s0 =	sor.u32 s1, s0  }
0xbd: {  	s0 =	sadd.s32 $0x8F2B, s0  }
0xbe: {  	[sflag:s0] =	ssyncadd.remote.s32 $0x1  }
0xbf: {  	_ =	sfence.sel $0xFFFF  }
0xc0: {  	[dreg:$0x0] =	wrdreg $0xFFFFFFFF;
	(pc) =	sbr.abs _section_cstart, $3  }
0xc1: {  	[dreg:$0x1] =	wrdreg $0xFFFFFFFF  }
0xc2: {  	_ =	task.clear_ibuf [dreg:s7], $0x2FFFF;
	_ =	strace $0x9FFFFFFF  }
0xc3: {  	(tm) =	ssettm $0x7FFFFFFF  }
tec
execute0_lowered:
.L_overlay_start_1:
0x0: {  	(tag) =	ssettag $0x1  }
0x1: {  	s0 =	rddreg [dreg:$0x0]  }
0x2: {  	s2 =	rddreg [dreg:$0x1]  }
0x3: {  	s1 =	rddreg [dreg:$0x2];
	s3 =	simm.s32 $0x0  }
0x4: {  	s13 =	stileid.u32;
	s7 =	srdreg.scid;
	s28 =	simm.s32 $0xA000  }
0x5: {  	s29 =	simm.s32 $0xDE80;
	s30 =	simm.s32 $0x80;
	s31 =	simm.s32 $0xBF40  }
0x6: {  	[smem:$0x7FF] =	sst s3;
	s4 =	sadd.s32 $0x3D000, s0;
	s18 =	smul.u32 $0x5000, s13  }
0x7: {  	s5 =	sadd.s32 $0x29600, s0;
	s6 =	sadd.s32 $0x15C00, s0;
	s10 =	smul.u32 $0x271, s13  }
0x8: {  	s8 =	sand.u32 $0x1, s7;
	s12 =	smul.u32 $0x27100, s13;
	s7 =	sadd.s32 $0x2200, s0  }
0x9: {  	s14 =	smul.u32 $0x13880, s13;
	_ =	strace $0x80000047;
	s9 =	ssub.s32 $0x2, s8  }
0xa: {  	s13 =	sshll.u32 s8, $0x6;
	p0 =	seq.s32 s8, $0x1;
	s3 =	sshrl.u32 s18, $0x3  }
0xb: {  	s11 =	sshrl.u32 s9, $0x1;
	s20 =	sshrl.u32 s12, $0x2;
	s21 =	sadd.s32 $0x7D, s10  }
0xc: {  	s24 =	sadd.s32 $0xFA, s10;
	s15 =	sadd.s32 $0x177, s10;
	s10 =	sadd.s32 $0x1F4, s10  }
0xd: {  	s17 =	sor.u32 s13, s14;
	s3 =	sadd.s32 s3, s0;
	s0 =	ssub.s32 s9, s11  }
0xe: {  	s18 =	sadd.s32 s20, s1;
	s23 =	sshll.u32 s21, $0x6;
	s25 =	sshll.u32 s24, $0x6  }
0xf: {  	s26 =	sshll.u32 s15, $0x6;
	s16 =	sshll.u32 s10, $0x6;
	s9 =	sshll.u32 s21, $0x7  }
0x10: {  	s17 =	sshrl.u32 s17, $0x3;
	s24 =	sshll.u32 s24, $0x7;
	s19 =	sadd.s32 $0x50A00, s3  }
0x11: {  	s3 =	sadd.s32 $0x5AA00, s3;
	s20 =	sadd.s32 s25, s1;
	s22 =	sadd.s32 s26, s1  }
0x12: {  	s16 =	sadd.s32 s16, s1;
	s9 =	sor.u32 s13, s9;
	[dreg:$0x4] =	wrdreg s19  }
0x13: {  	s21 =	sadd.s32 s2, s17;
	s25 =	sshll.u32 s15, $0x7;
	[dreg:$0x5] =	wrdreg s3  }
0x14: {  	s0 =	smax.u32 s0, $0x1;
	s15 =	simm.s32 $0x6;
	[dreg:$0x7] =	wrdreg s16  }
0x15: {  	s17 =	simm.s32 $0x0;
	s19 =	sadd.s32 s23, s1;
	[dreg:$0x8] =	wrdreg s21  }
0x16: {  	s23 =	sshrl.u32 s9, $0x3;
	s9 =	sor.u32 s13, s25;
	s3 =	sshll.u32 s10, $0x7  }
0x17: {  	[dreg:$0xd] =	wrdreg s0;
	s21 =	simm.s32 $0x7;
	s0 =	simm.s32 $0xFDC0  }
0x18: {  	s25 =	simm.s32 $0x4;
	s16 =	simm.s32 $0x40;
	[dreg:$0x6] =	wrdreg s22  }
0x19: {  	s8 =	sadd.s32 s2, s23;
	s9 =	sshrl.u32 s9, $0x3;
	s3 =	sor.u32 s13, s3  }
0x1a: {  	s23 =	simm.s32 $0x11D00;
	[dreg:$0x9] =	wrdreg s8;
	s8 =	sor.u32 s13, s24  }
.Ltmp0:
0x1b: {  	s26 =	sadd.s32 s2, s9;
	s3 =	sshrl.u32 s3, $0x3;
	(pc) =	sbr.rel .LBB2_1-.Ltmp0, $4  }
0x1c: {  	s24 =	simm.s32 $0x7D;
	s9 =	simm.s32 $0x2;
	s8 =	sshrl.u32 s8, $0x3  }
0x1d: {  	[dreg:$0xb] =	wrdreg s26;
	s26 =	simm.s32 $0x13C40;
	s8 =	sadd.s32 s2, s8  }
0x1e: {  	s2 =	sadd.s32 s2, s3;
	s3 =	simm.s32 $0x3;
	[dreg:$0xa] =	wrdreg s8  }
0x1f: {  	v0 =	vimm.f32 $0.0e+00;
	[dreg:$0xc] =	wrdreg s2;
	s2 =	simm.s32 $0x1;
	s8 =	simm.s32 $0x5  }
.LBB2_16:
0x20: {  	_ =	swait.ge [sflag:s8], $0x1F40  }
0x21: {  	[sflag:s8] =	ssyncset.done $0x0  }
0x22: {  	[sflag:s8] =	ssyncadd.s32 $0xFFFFE0C0  }
0x23: {  	_ =	swait.ge [sflag:s15], $0x1F40  }
0x24: {  	[sflag:s15] =	ssyncset.done $0x0  }
0x25: {  	[sflag:s15] =	ssyncadd.s32 $0xFFFFE0C0  }
0x26: {  	_ =	swait.ge [sflag:s2], $0x1F40  }
0x27: {  	[sflag:s2] =	ssyncset.done $0x0  }
0x28: {  	[sflag:s2] =	ssyncadd.s32 $0xFFFFE0C0  }
0x29: {  	_ =	swait.ge [sflag:s3], $0x1F40  }
0x2a: {  	[sflag:s3] =	ssyncset.done $0x0  }
0x2b: {  	[sflag:s3] =	ssyncadd.s32 $0xFFFFE0C0  }
0x2c: {  	_ =	swait.ge [sflag:s9], $0x1F40  }
0x2d: {  	[sflag:s9] =	ssyncset.done $0x0  }
0x2e: {  	[sflag:s9] =	ssyncadd.s32 $0xFFFFE0C0  }
0x2f: {  	_ =	swait.ge [sflag:s25], $0x1F40  }
0x30: {  	[sflag:s25] =	ssyncset.done $0x0  }
0x31: {  	[sflag:s25] =	ssyncadd.s32 $0xFFFFE0C0  }
0x32: {  	[bflag:$0x0] =	sbarrier.arrive $0xFFFF  }
0x33: {  	[tilespmem:s23], [sflag:$0x7] =	stream.linear.gather [spmem:s12], $0x1F40, $0x38;
	[tilespmem:$0x1F7C0] =	vst v63  }
0x34: {  	_ =	swait.ge [sflag:s21], $0x1F40  }
0x35: {  	[sflag:s21] =	ssyncset.done $0x0  }
0x36: {  	s10 =	rddreg [dreg:$0x8];
	[sflag:s21] =	ssyncadd.s32 $0xFFFFE0C0  }
0x37: {  	[hbm4b:s10+s16] =	stream.strided.scatter [tilespmem:s23], [sflag:$0x7], $0x1F40, s30, s16, $0x38;
	[tilespmem:$0x1F7C0] =	vst v63  }
0x38: {  	_ =	swait.ge [sflag:s21], $0x1F40  }
0x39: {  	[sflag:s21] =	ssyncset.done $0x0  }
0x3a: {  	[sflag:s21] =	ssyncadd.s32 $0xFFFFE0C0  }
0x3b: {  	[tilespmem:s23], [sflag:$0x7] =	stream.linear.gather [spmem:s13], $0x1F40, $0x38;
	[tilespmem:$0x1F7C0] =	vst v63  }
0x3c: {  	_ =	swait.ge [sflag:s21], $0x1F40  }
0x3d: {  	[sflag:s21] =	ssyncset.done $0x0  }
0x3e: {  	s20 =	rddreg [dreg:$0x9];
	[sflag:s21] =	ssyncadd.s32 $0xFFFFE0C0  }
0x3f: {  	[hbm4b:s20+s16] =	stream.strided.scatter [tilespmem:s23], [sflag:$0x7], $0x1F40, s30, s16, $0x38;
	[tilespmem:$0x1F7C0] =	vst v63  }
0x40: {  	_ =	swait.ge [sflag:s21], $0x1F40  }
0x41: {  	[sflag:s21] =	ssyncset.done $0x0  }
0x42: {  	[sflag:s21] =	ssyncadd.s32 $0xFFFFE0C0  }
0x43: {  	[tilespmem:s23], [sflag:$0x7] =	stream.linear.gather [spmem:s14], $0x1F40, $0x38;
	[tilespmem:$0x1F7C0] =	vst v63  }
0x44: {  	_ =	swait.ge [sflag:s21], $0x1F40  }
0x45: {  	[sflag:s21] =	ssyncset.done $0x0  }
0x46: {  	s22 =	rddreg [dreg:$0xa];
	[sflag:s21] =	ssyncadd.s32 $0xFFFFE0C0  }
0x47: {  	[hbm4b:s22+s16] =	stream.strided.scatter [tilespmem:s23], [sflag:$0x7], $0x1F40, s30, s16, $0x38;
	[tilespmem:$0x1F7C0] =	vst v63  }
0x48: {  	_ =	swait.ge [sflag:s21], $0x1F40  }
0x49: {  	[sflag:s21] =	ssyncset.done $0x0  }
0x4a: {  	s22 =	rddreg [dreg:$0x6];
	[sflag:s21] =	ssyncadd.s32 $0xFFFFE0C0  }
0x4b: {  	[tilespmem:s23], [sflag:$0x7] =	stream.linear.gather [spmem:s22], $0x1F40, $0x38;
	[tilespmem:$0x1F7C0] =	vst v63  }
0x4c: {  	_ =	swait.ge [sflag:s21], $0x1F40  }
0x4d: {  	[sflag:s21] =	ssyncset.done $0x0  }
0x4e: {  	s11 =	rddreg [dreg:$0xb];
	[sflag:s21] =	ssyncadd.s32 $0xFFFFE0C0  }
0x4f: {  	[hbm4b:s11+s16] =	stream.strided.scatter [tilespmem:s23], [sflag:$0x7], $0x1F40, s30, s16, $0x38;
	[tilespmem:$0x1F7C0] =	vst v63  }
0x50: {  	_ =	swait.ge [sflag:s21], $0x1F40  }
0x51: {  	[sflag:s21] =	ssyncset.done $0x0  }
0x52: {  	s18 =	smov.u32 s12;
	s12 =	rddreg [dreg:$0x7];
	[sflag:s21] =	ssyncadd.s32 $0xFFFFE0C0  }
0x53: {  	[tilespmem:s23], [sflag:$0x7] =	stream.linear.gather [spmem:s12], $0x1F40, $0x38;
	[tilespmem:$0x1F7C0] =	vst v63  }
0x54: {  	_ =	swait.ge [sflag:s21], $0x1F40  }
0x55: {  	[sflag:s21] =	ssyncset.done $0x0  }
0x56: {  	s19 =	smov.u32 s13;
	s13 =	rddreg [dreg:$0xc];
	[sflag:s21] =	ssyncadd.s32 $0xFFFFE0C0  }
0x57: {  	[hbm4b:s13+s16] =	stream.strided.scatter [tilespmem:s23], [sflag:$0x7], $0x1F40, s30, s16, $0x38;
	[tilespmem:$0x1F7C0] =	vst v63  }
0x58: {  	_ =	swait.ge [sflag:s21], $0x1F40  }
0x59: {  	s17 =	sadd.s32 $0x1, s17;
	s20 =	smov.u32 s14;
	s14 =	rddreg [dreg:$0xd]  }
0x5a: {  	p1 =	sne.s32 s17, s14  }
.Ltmp1:
0x5b: {  	_ = 	snop;
	(pc) =	sbr.rel @!p1 .LBB2_17-.Ltmp1, $3  }
0x5c: {  	_ =	sdelay $0x1  }
0x5d: {  	[sflag:s21] =	ssyncset.done $0x0  }
0x5e: {  	[sflag:s21] =	ssyncadd.s32 $0xFFFFE0C0  }
.LBB2_1:
0x5f: {  	s10 =	simm.s32 $0x0;
	s11 =	rddreg [dreg:$0x4]  }
0x60: {  	[tilespmem:s10], [sflag:$0x7] =	stream.linear.gather [hbm4b:s11+s10], $0x5000, $0x38;
	[tilespmem:$0x1F7C0] =	vst v63  }
0x61: {  	_ =	swait.ge [sflag:s21], $0x5000  }
0x62: {  	[sflag:s21] =	ssyncset.done $0x0  }
0x63: {  	s12 =	simm.s32 $0x5000;
	s14 =	rddreg [dreg:$0x5];
	[sflag:s21] =	ssyncadd.s32 $0xFFFFB000  }
0x64: {  	[tilespmem:s12], [sflag:$0x7] =	stream.linear.gather [hbm4b:s14+s10], $0x5000, $0x38;
	[tilespmem:$0x1F7C0] =	vst v63  }
0x65: {  	_ =	swait.ge [sflag:s21], $0x5000  }
0x66: {  	[sflag:s21] =	ssyncset.done $0x0  }
0x67: {  	s11 =	simm.s32 $0x100;
	s10 =	simm.s32 $0x0;
	[sflag:s21] =	ssyncadd.s32 $0xFFFFB000  }
.LBB2_2:
0x68: {  	p1 =	sne.s32 s11, $0x7C00;
	[tilespmem:s10+$0x13C70] =	vst v0  }
0x69: {  	[tilespmem:s10+$0x11D00] =	vst v0  }
0x6a: {  	[tilespmem:s10+$0x13C40] =	vst v0  }
.Ltmp2:
0x6b: {  	[tilespmem:s10+$0x11D10] =	vst v0;
	(pc) =	sbr.rel @p1 .LBB2_2-.Ltmp2, $4  }
0x6c: {  	[tilespmem:s10+$0x13C50] =	vst v0  }
0x6d: {  	[tilespmem:s10+$0x11D20] =	vst v0  }
0x6e: {  	[tilespmem:s10+$0x13C60] =	vst v0  }
0x6f: {  	[tilespmem:s10+$0x11D30] =	vst v0;
	s10 =	sshra.s32 s11, $0x2;
	s11 =	sadd.s32 $0x100, s11  }
0x70: {  	[tilespmem:s10+$0x13C70] =	vst v0  }
0x71: {  	[tilespmem:s10+$0x11D00] =	vst v0  }
0x72: {  	[tilespmem:s10+$0x13C40] =	vst v0  }
0x73: {  	[tilespmem:s10+$0x11D10] =	vst v0  }
0x74: {  	[tilespmem:s10+$0x13C50] =	vst v0  }
0x75: {  	[tilespmem:s10+$0x11D20] =	vst v0  }
0x76: {  	[tilespmem:s10+$0x13C60] =	vst v0  }
0x77: {  	[tilespmem:s10+$0x11D30] =	vst v0  }
0x78: {  	[spmem:s18] =	stream.linear.scatter [tilespmem:s23], [sflag:$0x7], $0x1F40, $0x38;
	[tilespmem:$0x1F7C0] =	vst v63  }
0x79: {  	_ =	swait.ge [sflag:s21], $0x1F40  }
0x7a: {  	[sflag:s21] =	ssyncset.done $0x0  }
0x7b: {  	[sflag:s21] =	ssyncadd.s32 $0xFFFFE0C0  }
0x7c: {  	[spmem:s19] =	stream.linear.scatter [tilespmem:s23], [sflag:$0x7], $0x1F40, $0x38;
	[tilespmem:$0x1F7C0] =	vst v63  }
0x7d: {  	_ =	swait.ge [sflag:s21], $0x1F40  }
0x7e: {  	[sflag:s21] =	ssyncset.done $0x0  }
0x7f: {  	[sflag:s21] =	ssyncadd.s32 $0xFFFFE0C0  }
0x80: {  	[spmem:s20] =	stream.linear.scatter [tilespmem:s23], [sflag:$0x7], $0x1F40, $0x38;
	[tilespmem:$0x1F7C0] =	vst v63  }
0x81: {  	_ =	swait.ge [sflag:s21], $0x1F40  }
0x82: {  	[sflag:s21] =	ssyncset.done $0x0  }
0x83: {  	[sflag:s21] =	ssyncadd.s32 $0xFFFFE0C0  }
0x84: {  	[spmem:s22] =	stream.linear.scatter [tilespmem:s23], [sflag:$0x7], $0x1F40, $0x38;
	[tilespmem:$0x1F7C0] =	vst v63  }
0x85: {  	_ =	swait.ge [sflag:s21], $0x1F40  }
0x86: {  	[sflag:s21] =	ssyncset.done $0x0  }
0x87: {  	s22 =	rddreg [dreg:$0x7];
	[sflag:s21] =	ssyncadd.s32 $0xFFFFE0C0  }
0x88: {  	[spmem:s22] =	stream.linear.scatter [tilespmem:s23], [sflag:$0x7], $0x1F40, $0x38;
	[tilespmem:$0x1F7C0] =	vst v63  }
0x89: {  	_ =	swait.ge [sflag:s21], $0x1F40  }
0x8a: {  	[sflag:s21] =	ssyncset.done $0x0  }
.Ltmp3:
0x8b: {  	s12 =	smov.u32 s18;
	[sflag:s21] =	ssyncadd.s32 $0xFFFFE0C0;
	(pc) =	sbr.rel @!p0 .LBB2_4-.Ltmp3, $4  }
0x8c: {  	s13 =	smov.u32 s19;
	s10 =	simm.s32 $0x5000;
	[bflag:$0x0] =	sbarrier.arrive $0xFFFF  }
0x8d: {  	[spmem:s1] =	stream.indirect.scatter.add.f32 [tilespmem:s23], [sflag:$0x5], $0x40, s10, s24, $0xb8;
	[tilespmem:$0x1F7C0] =	vst v63  }
0x8e: {  	s14 =	smov.u32 s20;
	s11 =	simm.s32 $0x5080;
	s18 =	simm.s32 $0x0  }
0x8f: {  	[spmem:s1] =	stream.indirect.scatter.add.f32 [tilespmem:s26], [sflag:$0x6], $0x40, s11, s24, $0xb8;
	[tilespmem:$0x1F7C0] =	vst v63  }
0x90: {  	[tilespmem:s28], [sflag:$0x1] =	stream.indirect.gather [hbm4b:s5+s24], $0x40, s18, s24, $0xb8;
	[tilespmem:$0x1F7C0] =	vst v63  }
0x91: {  	_ = 	snop  }
0x92: {  	[tilespmem:s29], [sflag:$0x3] =	stream.indirect.gather [hbm4b:s7+s24], $0x40, s10, s24, $0xb8;
	[tilespmem:$0x1F7C0] =	vst v63  }
0x93: {  	_ = 	snop  }
0x94: {  	[tilespmem:s31], [sflag:$0x2] =	stream.indirect.gather [hbm4b:s5+s24], $0x40, s30, s24, $0xb8;
	[tilespmem:$0x1F7C0] =	vst v63  }
0x95: {  	_ = 	snop  }
0x96: {  	[tilespmem:s0], [sflag:$0x4] =	stream.indirect.gather [hbm4b:s7+s24], $0x40, s11, s24, $0xb8;
	[tilespmem:$0x1F7C0] =	vst v63  }
.LBB2_11:
0x97: {  	_ =	swait.ge [sflag:s2], $0x1F40  }
0x98: {  	[sflag:s2] =	ssyncset.done $0x0  }
0x99: {  	[sflag:s2] =	ssyncadd.s32 $0xFFFFE0C0  }
0x9a: {  	_ =	swait.ge [sflag:s3], $0x1F40  }
0x9b: {  	[sflag:s3] =	ssyncset.done $0x0  }
0x9c: {  	[sflag:s3] =	ssyncadd.s32 $0xFFFFE0C0  }
0x9d: {  	_ =	swait.ge [sflag:s8], $0x1F40  }
0x9e: {  	[sflag:s8] =	ssyncset.done $0x0  }
0x9f: {  	s19 =	simm.s32 $0x0;
	[sflag:s8] =	ssyncadd.s32 $0xFFFFE0C0  }
0xa0: {  	v1 =	vld [tilespmem:s19+$0xA130]  }
0xa1: {  	v2 =	vld [tilespmem:s19+$0xDFB0]  }
0xa2: {  	v3 =	vld [tilespmem:s19+$0xA000]  }
0xa3: {  	v4 =	vld [tilespmem:s19+$0xDE80]  }
0xa4: {  	v5 =	vld [tilespmem:s19+$0xA010]  }
0xa5: {  	v6 =	vld [tilespmem:s19+$0xDE90]  }
0xa6: {  	v7 =	vld [tilespmem:s19+$0xA020]  }
0xa7: {  	v1 =	vadd.f32 v2, v1;
	v2 =	vld [tilespmem:s19+$0xDEA0]  }
0xa8: {  	v8 =	vld [tilespmem:s19+$0xA030]  }
0xa9: {  	v3 =	vadd.f32 v4, v3;
	v4 =	vld [tilespmem:s19+$0xDEB0]  }
0xaa: {  	v5 =	vadd.f32 v6, v5;
	v6 =	vld [tilespmem:s19+$0xA050];
	v1 =	vmax.f32 v1, $0.0e+00  }
0xab: {  	[tilespmem:s19+$0x11E30] =	vst v1;
	v1 =	vmax.f32 v3, $0.0e+00;
	v3 =	vld [tilespmem:s19+$0xA040]  }
0xac: {  	v5 =	vmax.f32 v5, $0.0e+00;
	[tilespmem:s19+$0x11D00] =	vst v1;
	v1 =	vld [tilespmem:s19+$0xDEC0];
	v2 =	vadd.f32 v2, v7  }
0xad: {  	[tilespmem:s19+$0x11D10] =	vst v5;
	v5 =	vld [tilespmem:s19+$0xDED0]  }
0xae: {  	v7 =	vld [tilespmem:s19+$0xA060];
	v2 =	vmax.f32 v2, $0.0e+00  }
0xaf: {  	v4 =	vadd.f32 v4, v8;
	[tilespmem:s19+$0x11D20] =	vst v2;
	v2 =	vld [tilespmem:s19+$0xDEE0]  }
0xb0: {  	v8 =	vld [tilespmem:s19+$0xA070]  }
0xb1: {  	v4 =	vmax.f32 v4, $0.0e+00;
	v1 =	vadd.f32 v1, v3;
	v3 =	vld [tilespmem:s19+$0xDEF0]  }
0xb2: {  	[tilespmem:s19+$0x11D30] =	vst v4;
	v4 =	vld [tilespmem:s19+$0xA080];
	v5 =	vadd.f32 v5, v6  }
0xb3: {  	v6 =	vld [tilespmem:s19+$0xA090];
	v1 =	vmax.f32 v1, $0.0e+00  }
0xb4: {  	v5 =	vmax.f32 v5, $0.0e+00;
	[tilespmem:s19+$0x11D40] =	vst v1;
	v1 =	vld [tilespmem:s19+$0xDF00];
	v2 =	vadd.f32 v2, v7  }
0xb5: {  	[tilespmem:s19+$0x11D50] =	vst v5;
	v5 =	vld [tilespmem:s19+$0xDF10]  }
0xb6: {  	v7 =	vld [tilespmem:s19+$0xA0A0];
	v3 =	vadd.f32 v3, v8;
	v2 =	vmax.f32 v2, $0.0e+00  }
0xb7: {  	[tilespmem:s19+$0x11D60] =	vst v2;
	v2 =	vld [tilespmem:s19+$0xDF20]  }
0xb8: {  	v8 =	vld [tilespmem:s19+$0xA0B0];
	v3 =	vmax.f32 v3, $0.0e+00  }
0xb9: {  	v1 =	vadd.f32 v1, v4;
	[tilespmem:s19+$0x11D70] =	vst v3;
	v3 =	vld [tilespmem:s19+$0xDF30]  }
0xba: {  	v5 =	vadd.f32 v5, v6;
	v6 =	vld [tilespmem:s19+$0xA0D0]  }
0xbb: {  	v4 =	vld [tilespmem:s19+$0xA0C0];
	v1 =	vmax.f32 v1, $0.0e+00  }
0xbc: {  	v5 =	vmax.f32 v5, $0.0e+00;
	[tilespmem:s19+$0x11D80] =	vst v1;
	v1 =	vld [tilespmem:s19+$0xDF40];
	v2 =	vadd.f32 v2, v7  }
0xbd: {  	[tilespmem:s19+$0x11D90] =	vst v5;
	v5 =	vld [tilespmem:s19+$0xDF50]  }
0xbe: {  	v7 =	vld [tilespmem:s19+$0xA0E0];
	v3 =	vadd.f32 v3, v8;
	v2 =	vmax.f32 v2, $0.0e+00  }
0xbf: {  	[tilespmem:s19+$0x11DA0] =	vst v2;
	v2 =	vld [tilespmem:s19+$0xDF60]  }
0xc0: {  	v8 =	vld [tilespmem:s19+$0xA0F0];
	v3 =	vmax.f32 v3, $0.0e+00  }
0xc1: {  	v1 =	vadd.f32 v1, v4;
	[tilespmem:s19+$0x11DB0] =	vst v3;
	v3 =	vld [tilespmem:s19+$0xDF70]  }
0xc2: {  	v9 =	vld [tilespmem:s19+$0xA100];
	v4 =	vadd.f32 v5, v6  }
0xc3: {  	v6 =	vld [tilespmem:s19+$0xDF80];
	v1 =	vmax.f32 v1, $0.0e+00  }
0xc4: {  	v4 =	vmax.f32 v4, $0.0e+00;
	[tilespmem:s19+$0x11DC0] =	vst v1;
	v1 =	vld [tilespmem:s19+$0xA110];
	v2 =	vadd.f32 v2, v7  }
0xc5: {  	[tilespmem:s19+$0x11DD0] =	vst v4;
	v4 =	vld [tilespmem:s19+$0xDF90]  }
0xc6: {  	v7 =	vadd.f32 v3, v8;
	v5 =	vmax.f32 v2, $0.0e+00;
	v2 =	vld [tilespmem:s19+$0xA120]  }
0xc7: {  	s22 =	simm.s32 $0x140;
	[tilespmem:s19+$0x11DE0] =	vst v5;
	v5 =	vld [tilespmem:s19+$0xDFA0]  }
0xc8: {  	s10 =	simm.s32 $0xA00;
	v6 =	vadd.f32 v6, v9;
	v7 =	vmax.f32 v7, $0.0e+00;
	v3 =	vld [tilespmem:s22+$0xA130]  }
.LBB2_12:
0xc9: {  	p1 =	sne.s32 s10, $0x7800;
	v8 =	vld [tilespmem:s22+$0xDFB0];
	[tilespmem:s19+$0x11DF0] =	vst v7  }
0xca: {  	v7 =	vld [tilespmem:s22+$0xA000];
	v6 =	vmax.f32 v6, $0.0e+00;
	v1 =	vadd.f32 v4, v1  }
0xcb: {  	v4 =	vld [tilespmem:s22+$0xDE80];
	[tilespmem:s19+$0x11E00] =	vst v6  }
0xcc: {  	v6 =	vld [tilespmem:s22+$0xA010];
	v1 =	vmax.f32 v1, $0.0e+00;
	v2 =	vadd.f32 v5, v2  }
0xcd: {  	v5 =	vld [tilespmem:s22+$0xDE90];
	[tilespmem:s19+$0x11E10] =	vst v1  }
0xce: {  	v1 =	vld [tilespmem:s22+$0xA020];
	v3 =	vadd.f32 v8, v3;
	v2 =	vmax.f32 v2, $0.0e+00  }
0xcf: {  	v8 =	vld [tilespmem:s22+$0xDEA0];
	[tilespmem:s19+$0x11E20] =	vst v2;
	s19 =	smov.u32 s22  }
0xd0: {  	v2 =	vadd.f32 v4, v7;
	v4 =	vld [tilespmem:s19+$0xA030];
	v3 =	vmax.f32 v3, $0.0e+00  }
0xd1: {  	v7 =	vld [tilespmem:s19+$0xDEB0];
	[tilespmem:s19+$0x11E30] =	vst v3  }
0xd2: {  	v2 =	vmax.f32 v2, $0.0e+00;
	v3 =	vadd.f32 v5, v6;
	v5 =	vld [tilespmem:s19+$0xA040]  }
0xd3: {  	[tilespmem:s19+$0x11D00] =	vst v2;
	v2 =	vld [tilespmem:s19+$0xDEC0]  }
0xd4: {  	v3 =	vmax.f32 v3, $0.0e+00;
	v1 =	vadd.f32 v8, v1;
	v6 =	vld [tilespmem:s19+$0xA050]  }
0xd5: {  	[tilespmem:s19+$0x11D10] =	vst v3;
	v3 =	vld [tilespmem:s19+$0xDED0]  }
0xd6: {  	v1 =	vmax.f32 v1, $0.0e+00;
	v4 =	vadd.f32 v7, v4;
	v7 =	vld [tilespmem:s19+$0xA060]  }
0xd7: {  	[tilespmem:s19+$0x11D20] =	vst v1;
	v1 =	vld [tilespmem:s19+$0xDEE0]  }
0xd8: {  	v4 =	vmax.f32 v4, $0.0e+00;
	v2 =	vadd.f32 v2, v5;
	v5 =	vld [tilespmem:s19+$0xA070]  }
0xd9: {  	[tilespmem:s19+$0x11D30] =	vst v4;
	v4 =	vld [tilespmem:s19+$0xDEF0]  }
0xda: {  	v2 =	vmax.f32 v2, $0.0e+00;
	v3 =	vadd.f32 v3, v6;
	v6 =	vld [tilespmem:s19+$0xA080]  }
0xdb: {  	[tilespmem:s19+$0x11D40] =	vst v2;
	v2 =	vld [tilespmem:s19+$0xDF00]  }
0xdc: {  	v3 =	vmax.f32 v3, $0.0e+00;
	v1 =	vadd.f32 v1, v7;
	v7 =	vld [tilespmem:s19+$0xA090]  }
0xdd: {  	[tilespmem:s19+$0x11D50] =	vst v3;
	v3 =	vld [tilespmem:s19+$0xDF10]  }
0xde: {  	v1 =	vmax.f32 v1, $0.0e+00;
	v4 =	vadd.f32 v4, v5;
	v5 =	vld [tilespmem:s19+$0xA0A0]  }
0xdf: {  	[tilespmem:s19+$0x11D60] =	vst v1;
	v1 =	vld [tilespmem:s19+$0xDF20]  }
0xe0: {  	v4 =	vmax.f32 v4, $0.0e+00;
	v2 =	vadd.f32 v2, v6;
	v6 =	vld [tilespmem:s19+$0xA0B0]  }
0xe1: {  	[tilespmem:s19+$0x11D70] =	vst v4;
	v4 =	vld [tilespmem:s19+$0xDF30]  }
0xe2: {  	v2 =	vmax.f32 v2, $0.0e+00;
	v3 =	vadd.f32 v3, v7;
	v7 =	vld [tilespmem:s19+$0xA0C0]  }
0xe3: {  	[tilespmem:s19+$0x11D80] =	vst v2;
	v2 =	vld [tilespmem:s19+$0xDF40]  }
0xe4: {  	v3 =	vmax.f32 v3, $0.0e+00;
	v1 =	vadd.f32 v1, v5;
	v5 =	vld [tilespmem:s19+$0xA0D0]  }
0xe5: {  	[tilespmem:s19+$0x11D90] =	vst v3;
	v3 =	vld [tilespmem:s19+$0xDF50]  }
0xe6: {  	v1 =	vmax.f32 v1, $0.0e+00;
	v4 =	vadd.f32 v4, v6;
	v6 =	vld [tilespmem:s19+$0xA0E0]  }
0xe7: {  	[tilespmem:s19+$0x11DA0] =	vst v1;
	v1 =	vld [tilespmem:s19+$0xDF60]  }
0xe8: {  	v4 =	vmax.f32 v4, $0.0e+00;
	v2 =	vadd.f32 v2, v7;
	v7 =	vld [tilespmem:s19+$0xA0F0]  }
0xe9: {  	[tilespmem:s19+$0x11DB0] =	vst v4;
	v8 =	vld [tilespmem:s19+$0xDF70]  }
0xea: {  	v2 =	vmax.f32 v2, $0.0e+00;
	v3 =	vadd.f32 v3, v5;
	v9 =	vld [tilespmem:s19+$0xA100]  }
0xeb: {  	[tilespmem:s19+$0x11DC0] =	vst v2;
	v10 =	vld [tilespmem:s19+$0xDF80]  }
.Ltmp4:
0xec: {  	v2 =	vmax.f32 v3, $0.0e+00;
	v3 =	vadd.f32 v1, v6;
	v1 =	vld [tilespmem:s19+$0xA110];
	(pc) =	sbr.rel @p1 .LBB2_12-.Ltmp4, $4  }
0xed: {  	[tilespmem:s19+$0x11DD0] =	vst v2;
	v4 =	vld [tilespmem:s19+$0xDF90]  }
0xee: {  	v3 =	vmax.f32 v3, $0.0e+00;
	v6 =	vadd.f32 v8, v7;
	v2 =	vld [tilespmem:s19+$0xA120]  }
0xef: {  	s22 =	sshra.s32 s10, $0x2;
	[tilespmem:s19+$0x11DE0] =	vst v3;
	v5 =	vld [tilespmem:s19+$0xDFA0]  }
0xf0: {  	s10 =	sadd.s32 $0x500, s10;
	v3 =	vld [tilespmem:s22+$0xA130];
	v7 =	vmax.f32 v6, $0.0e+00;
	v6 =	vadd.f32 v10, v9  }
0xf1: {  	v8 =	vld [tilespmem:s22+$0xDFB0];
	[tilespmem:s19+$0x11DF0] =	vst v7  }
0xf2: {  	v7 =	vld [tilespmem:s22+$0xA000];
	v6 =	vmax.f32 v6, $0.0e+00;
	v1 =	vadd.f32 v4, v1  }
0xf3: {  	v9 =	vld [tilespmem:s22+$0xDE80];
	[tilespmem:s19+$0x11E00] =	vst v6  }
0xf4: {  	v4 =	vld [tilespmem:s22+$0xA010];
	v1 =	vmax.f32 v1, $0.0e+00;
	v2 =	vadd.f32 v5, v2  }
0xf5: {  	v6 =	vld [tilespmem:s22+$0xDE90];
	[tilespmem:s19+$0x11E10] =	vst v1  }
0xf6: {  	v1 =	vld [tilespmem:s22+$0xA020];
	v2 =	vmax.f32 v2, $0.0e+00  }
0xf7: {  	v5 =	vld [tilespmem:s22+$0xDEA0];
	v3 =	vadd.f32 v8, v3;
	[tilespmem:s19+$0x11E20] =	vst v2  }
0xf8: {  	v7 =	vadd.f32 v9, v7;
	v2 =	vld [tilespmem:s22+$0xA030]  }
0xf9: {  	v3 =	vmax.f32 v3, $0.0e+00;
	v8 =	vld [tilespmem:s22+$0xDEB0]  }
0xfa: {  	[tilespmem:s22+$0x11E30] =	vst v3;
	v3 =	vmax.f32 v7, $0.0e+00;
	v7 =	vld [tilespmem:s22+$0xA040]  }
0xfb: {  	v4 =	vadd.f32 v6, v4;
	v6 =	vld [tilespmem:s22+$0xA050]  }
0xfc: {  	[tilespmem:s22+$0x11D00] =	vst v3;
	v3 =	vld [tilespmem:s22+$0xDEC0];
	v1 =	vadd.f32 v5, v1  }
0xfd: {  	v4 =	vmax.f32 v4, $0.0e+00;
	v5 =	vld [tilespmem:s22+$0xA060]  }
0xfe: {  	[tilespmem:s22+$0x11D10] =	vst v4;
	v4 =	vld [tilespmem:s22+$0xDED0];
	v1 =	vmax.f32 v1, $0.0e+00  }
0xff: {  	v2 =	vadd.f32 v8, v2;
	[tilespmem:s22+$0x11D20] =	vst v1;
	v1 =	vld [tilespmem:s22+$0xDEE0]  }
0x100: {  	v8 =	vld [tilespmem:s22+$0xA070]  }
0x101: {  	v2 =	vmax.f32 v2, $0.0e+00;
	v3 =	vadd.f32 v3, v7;
	v7 =	vld [tilespmem:s22+$0xA080]  }
0x102: {  	[tilespmem:s22+$0x11D30] =	vst v2;
	v2 =	vld [tilespmem:s22+$0xDEF0]  }
0x103: {  	v3 =	vmax.f32 v3, $0.0e+00;
	v4 =	vadd.f32 v4, v6;
	v6 =	vld [tilespmem:s22+$0xA090]  }
0x104: {  	[tilespmem:s22+$0x11D40] =	vst v3;
	v3 =	vld [tilespmem:s22+$0xDF00];
	v1 =	vadd.f32 v1, v5  }
0x105: {  	v4 =	vmax.f32 v4, $0.0e+00;
	v5 =	vld [tilespmem:s22+$0xA0A0]  }
0x106: {  	[tilespmem:s22+$0x11D50] =	vst v4;
	v4 =	vld [tilespmem:s22+$0xDF10];
	v1 =	vmax.f32 v1, $0.0e+00  }
0x107: {  	v2 =	vadd.f32 v2, v8;
	[tilespmem:s22+$0x11D60] =	vst v1;
	v1 =	vld [tilespmem:s22+$0xDF20]  }
0x108: {  	v8 =	vld [tilespmem:s22+$0xA0B0]  }
0x109: {  	v2 =	vmax.f32 v2, $0.0e+00;
	v3 =	vadd.f32 v3, v7;
	v7 =	vld [tilespmem:s22+$0xA0C0]  }
0x10a: {  	[tilespmem:s22+$0x11D70] =	vst v2;
	v2 =	vld [tilespmem:s22+$0xDF30]  }
0x10b: {  	v3 =	vmax.f32 v3, $0.0e+00;
	v4 =	vadd.f32 v4, v6;
	v6 =	vld [tilespmem:s22+$0xA0D0]  }
0x10c: {  	[tilespmem:s22+$0x11D80] =	vst v3;
	v3 =	vld [tilespmem:s22+$0xDF40];
	v1 =	vadd.f32 v1, v5  }
0x10d: {  	v4 =	vmax.f32 v4, $0.0e+00;
	v5 =	vld [tilespmem:s22+$0xA0E0]  }
0x10e: {  	[tilespmem:s22+$0x11D90] =	vst v4;
	v4 =	vld [tilespmem:s22+$0xDF50];
	v1 =	vmax.f32 v1, $0.0e+00  }
0x10f: {  	v2 =	vadd.f32 v2, v8;
	[tilespmem:s22+$0x11DA0] =	vst v1;
	v1 =	vld [tilespmem:s22+$0xDF60]  }
0x110: {  	v8 =	vld [tilespmem:s22+$0xA0F0]  }
0x111: {  	v2 =	vmax.f32 v2, $0.0e+00;
	v3 =	vadd.f32 v3, v7;
	v7 =	vld [tilespmem:s22+$0xA100]  }
0x112: {  	[tilespmem:s22+$0x11DB0] =	vst v2;
	v2 =	vld [tilespmem:s22+$0xDF70]  }
0x113: {  	v3 =	vmax.f32 v3, $0.0e+00;
	v4 =	vadd.f32 v4, v6;
	v6 =	vld [tilespmem:s22+$0xA110]  }
0x114: {  	[tilespmem:s22+$0x11DC0] =	vst v3;
	v3 =	vld [tilespmem:s22+$0xDF80];
	v1 =	vadd.f32 v1, v5  }
0x115: {  	v4 =	vmax.f32 v4, $0.0e+00;
	v5 =	vld [tilespmem:s22+$0xA120]  }
0x116: {  	[tilespmem:s22+$0x11DD0] =	vst v4;
	v4 =	vld [tilespmem:s22+$0xDF90];
	v1 =	vmax.f32 v1, $0.0e+00  }
0x117: {  	[tilespmem:s22+$0x11DE0] =	vst v1;
	v1 =	vld [tilespmem:s22+$0xDFA0];
	_ =	sdelay $0x1  }
0x118: {  	v2 =	vadd.f32 v2, v8  }
0x119: {  	v3 =	vadd.f32 v3, v7  }
0x11a: {  	v2 =	vmax.f32 v2, $0.0e+00;
	v4 =	vadd.f32 v4, v6  }
0x11b: {  	[tilespmem:s22+$0x11DF0] =	vst v2;
	v2 =	vmax.f32 v3, $0.0e+00;
	v1 =	vadd.f32 v1, v5  }
0x11c: {  	s19 =	sshll.u32 s18, $0x8;
	[tilespmem:s22+$0x11E00] =	vst v2;
	v2 =	vmax.f32 v4, $0.0e+00  }
0x11d: {  	s20 =	sand.u32 $0x3FFFFF00, s19;
	[tilespmem:s22+$0x11E10] =	vst v2;
	v1 =	vmax.f32 v1, $0.0e+00  }
0x11e: {  	s10 =	sadd.s32 $0x5000, s20;
	[tilespmem:s22+$0x11E20] =	vst v1  }
0x11f: {  	[spmem:s1] =	stream.indirect.scatter.add.f32 [tilespmem:s23], [sflag:$0x5], $0x40, s10, s24, $0xb8;
	[tilespmem:$0x1F7C0] =	vst v63  }
0x120: {  	p1 =	seq.s32 s18, $0x4F;
	s10 =	sadd.s32 $0x100, s19  }
0x121: {  	s10 =	simm.s32 @p1 $0x0  }
0x122: {  	[tilespmem:s28], [sflag:$0x1] =	stream.indirect.gather [hbm4b:s5+s24], $0x40, s10, s24, $0xb8;
	[tilespmem:$0x1F7C0] =	vst v63  }
0x123: {  	s10 =	sadd.s32 $0x5000, s10  }
0x124: {  	[tilespmem:s29], [sflag:$0x3] =	stream.indirect.gather [hbm4b:s7+s24], $0x40, s10, s24, $0xb8;
	[tilespmem:$0x1F7C0] =	vst v63  }
0x125: {  	_ =	swait.ge [sflag:s9], $0x1F40  }
0x126: {  	[sflag:s9] =	ssyncset.done $0x0  }
0x127: {  	[sflag:s9] =	ssyncadd.s32 $0xFFFFE0C0  }
0x128: {  	_ =	swait.ge [sflag:s25], $0x1F40  }
0x129: {  	[sflag:s25] =	ssyncset.done $0x0  }
0x12a: {  	[sflag:s25] =	ssyncadd.s32 $0xFFFFE0C0  }
0x12b: {  	_ =	swait.ge [sflag:s15], $0x1F40  }
0x12c: {  	[sflag:s15] =	ssyncset.done $0x0  }
0x12d: {  	s22 =	simm.s32 $0x0;
	[sflag:s15] =	ssyncadd.s32 $0xFFFFE0C0  }
0x12e: {  	v1 =	vld [tilespmem:s22+$0xC070]  }
0x12f: {  	v2 =	vld [tilespmem:s22+$0xFEF0]  }
0x130: {  	v3 =	vld [tilespmem:s22+$0xBF40]  }
0x131: {  	v4 =	vld [tilespmem:s22+$0xFDC0]  }
0x132: {  	v5 =	vld [tilespmem:s22+$0xBF50]  }
0x133: {  	v6 =	vld [tilespmem:s22+$0xFDD0]  }
0x134: {  	v7 =	vld [tilespmem:s22+$0xBF60]  }
0x135: {  	v1 =	vadd.f32 v2, v1;
	v2 =	vld [tilespmem:s22+$0xFDE0]  }
0x136: {  	v8 =	vld [tilespmem:s22+$0xBF70]  }
0x137: {  	v3 =	vadd.f32 v4, v3;
	v4 =	vld [tilespmem:s22+$0xFDF0]  }
0x138: {  	v5 =	vadd.f32 v6, v5;
	v6 =	vld [tilespmem:s22+$0xBF90];
	v1 =	vmax.f32 v1, $0.0e+00  }
0x139: {  	[tilespmem:s22+$0x13D70] =	vst v1;
	v1 =	vmax.f32 v3, $0.0e+00;
	v3 =	vld [tilespmem:s22+$0xBF80]  }
0x13a: {  	v5 =	vmax.f32 v5, $0.0e+00;
	[tilespmem:s22+$0x13C40] =	vst v1;
	v1 =	vld [tilespmem:s22+$0xFE00];
	v2 =	vadd.f32 v2, v7  }
0x13b: {  	[tilespmem:s22+$0x13C50] =	vst v5;
	v5 =	vld [tilespmem:s22+$0xFE10]  }
0x13c: {  	v7 =	vld [tilespmem:s22+$0xBFA0];
	v2 =	vmax.f32 v2, $0.0e+00  }
0x13d: {  	v4 =	vadd.f32 v4, v8;
	[tilespmem:s22+$0x13C60] =	vst v2;
	v2 =	vld [tilespmem:s22+$0xFE20]  }
0x13e: {  	v8 =	vld [tilespmem:s22+$0xBFB0]  }
0x13f: {  	v4 =	vmax.f32 v4, $0.0e+00;
	v1 =	vadd.f32 v1, v3;
	v3 =	vld [tilespmem:s22+$0xFE30]  }
0x140: {  	[tilespmem:s22+$0x13C70] =	vst v4;
	v4 =	vld [tilespmem:s22+$0xBFC0];
	v5 =	vadd.f32 v5, v6  }
0x141: {  	v6 =	vld [tilespmem:s22+$0xBFD0];
	v1 =	vmax.f32 v1, $0.0e+00  }
0x142: {  	v5 =	vmax.f32 v5, $0.0e+00;
	[tilespmem:s22+$0x13C80] =	vst v1;
	v1 =	vld [tilespmem:s22+$0xFE40];
	v2 =	vadd.f32 v2, v7  }
0x143: {  	[tilespmem:s22+$0x13C90] =	vst v5;
	v5 =	vld [tilespmem:s22+$0xFE50]  }
0x144: {  	v7 =	vld [tilespmem:s22+$0xBFE0];
	v3 =	vadd.f32 v3, v8;
	v2 =	vmax.f32 v2, $0.0e+00  }
0x145: {  	[tilespmem:s22+$0x13CA0] =	vst v2;
	v2 =	vld [tilespmem:s22+$0xFE60]  }
0x146: {  	v8 =	vld [tilespmem:s22+$0xBFF0];
	v3 =	vmax.f32 v3, $0.0e+00  }
0x147: {  	v1 =	vadd.f32 v1, v4;
	[tilespmem:s22+$0x13CB0] =	vst v3;
	v3 =	vld [tilespmem:s22+$0xFE70]  }
0x148: {  	v5 =	vadd.f32 v5, v6;
	v6 =	vld [tilespmem:s22+$0xC010]  }
0x149: {  	v4 =	vld [tilespmem:s22+$0xC000];
	v1 =	vmax.f32 v1, $0.0e+00  }
0x14a: {  	v5 =	vmax.f32 v5, $0.0e+00;
	[tilespmem:s22+$0x13CC0] =	vst v1;
	v1 =	vld [tilespmem:s22+$0xFE80];
	v2 =	vadd.f32 v2, v7  }
0x14b: {  	[tilespmem:s22+$0x13CD0] =	vst v5;
	v5 =	vld [tilespmem:s22+$0xFE90]  }
0x14c: {  	v7 =	vld [tilespmem:s22+$0xC020];
	v3 =	vadd.f32 v3, v8;
	v2 =	vmax.f32 v2, $0.0e+00  }
0x14d: {  	[tilespmem:s22+$0x13CE0] =	vst v2;
	v2 =	vld [tilespmem:s22+$0xFEA0]  }
0x14e: {  	v8 =	vld [tilespmem:s22+$0xC030];
	v3 =	vmax.f32 v3, $0.0e+00  }
0x14f: {  	v1 =	vadd.f32 v1, v4;
	[tilespmem:s22+$0x13CF0] =	vst v3;
	v3 =	vld [tilespmem:s22+$0xFEB0]  }
0x150: {  	v63 =	vld [tilespmem:s22+$0xC040];
	v4 =	vadd.f32 v5, v6  }
0x151: {  	v6 =	vld [tilespmem:s22+$0xFEC0];
	v1 =	vmax.f32 v1, $0.0e+00  }
0x152: {  	v4 =	vmax.f32 v4, $0.0e+00;
	[tilespmem:s22+$0x13D00] =	vst v1;
	v1 =	vld [tilespmem:s22+$0xC050];
	v2 =	vadd.f32 v2, v7  }
0x153: {  	[tilespmem:s22+$0x13D10] =	vst v4;
	v4 =	vld [tilespmem:s22+$0xFED0]  }
0x154: {  	v7 =	vadd.f32 v3, v8;
	v5 =	vmax.f32 v2, $0.0e+00;
	v2 =	vld [tilespmem:s22+$0xC060]  }
0x155: {  	s10 =	simm.s32 $0x140;
	[tilespmem:s22+$0x13D20] =	vst v5;
	v5 =	vld [tilespmem:s22+$0xFEE0]  }
0x156: {  	s11 =	simm.s32 $0xA00;
	v6 =	vadd.f32 v6, v63;
	v7 =	vmax.f32 v7, $0.0e+00;
	v3 =	vld [tilespmem:s10+$0xC070]  }
.LBB2_14:
0x157: {  	p2 =	sne.s32 s11, $0x7800;
	v8 =	vld [tilespmem:s10+$0xFEF0];
	[tilespmem:s22+$0x13D30] =	vst v7  }
0x158: {  	v7 =	vld [tilespmem:s10+$0xBF40];
	v6 =	vmax.f32 v6, $0.0e+00;
	v1 =	vadd.f32 v4, v1  }
0x159: {  	v4 =	vld [tilespmem:s10+$0xFDC0];
	[tilespmem:s22+$0x13D40] =	vst v6  }
0x15a: {  	v6 =	vld [tilespmem:s10+$0xBF50];
	v1 =	vmax.f32 v1, $0.0e+00;
	v2 =	vadd.f32 v5, v2  }
0x15b: {  	v5 =	vld [tilespmem:s10+$0xFDD0];
	[tilespmem:s22+$0x13D50] =	vst v1  }
0x15c: {  	v1 =	vld [tilespmem:s10+$0xBF60];
	v3 =	vadd.f32 v8, v3;
	v2 =	vmax.f32 v2, $0.0e+00  }
0x15d: {  	v8 =	vld [tilespmem:s10+$0xFDE0];
	[tilespmem:s22+$0x13D60] =	vst v2;
	s22 =	smov.u32 s10  }
0x15e: {  	v2 =	vadd.f32 v4, v7;
	v4 =	vld [tilespmem:s22+$0xBF70];
	v3 =	vmax.f32 v3, $0.0e+00  }
0x15f: {  	v7 =	vld [tilespmem:s22+$0xFDF0];
	[tilespmem:s22+$0x13D70] =	vst v3  }
0x160: {  	v2 =	vmax.f32 v2, $0.0e+00;
	v3 =	vadd.f32 v5, v6;
	v5 =	vld [tilespmem:s22+$0xBF80]  }
0x161: {  	[tilespmem:s22+$0x13C40] =	vst v2;
	v2 =	vld [tilespmem:s22+$0xFE00]  }
0x162: {  	v3 =	vmax.f32 v3, $0.0e+00;
	v1 =	vadd.f32 v8, v1;
	v6 =	vld [tilespmem:s22+$0xBF90]  }
0x163: {  	[tilespmem:s22+$0x13C50] =	vst v3;
	v3 =	vld [tilespmem:s22+$0xFE10]  }
0x164: {  	v1 =	vmax.f32 v1, $0.0e+00;
	v4 =	vadd.f32 v7, v4;
	v7 =	vld [tilespmem:s22+$0xBFA0]  }
0x165: {  	[tilespmem:s22+$0x13C60] =	vst v1;
	v1 =	vld [tilespmem:s22+$0xFE20]  }
0x166: {  	v4 =	vmax.f32 v4, $0.0e+00;
	v2 =	vadd.f32 v2, v5;
	v5 =	vld [tilespmem:s22+$0xBFB0]  }
0x167: {  	[tilespmem:s22+$0x13C70] =	vst v4;
	v4 =	vld [tilespmem:s22+$0xFE30]  }
0x168: {  	v2 =	vmax.f32 v2, $0.0e+00;
	v3 =	vadd.f32 v3, v6;
	v6 =	vld [tilespmem:s22+$0xBFC0]  }
0x169: {  	[tilespmem:s22+$0x13C80] =	vst v2;
	v2 =	vld [tilespmem:s22+$0xFE40]  }
0x16a: {  	v3 =	vmax.f32 v3, $0.0e+00;
	v1 =	vadd.f32 v1, v7;
	v7 =	vld [tilespmem:s22+$0xBFD0]  }
0x16b: {  	[tilespmem:s22+$0x13C90] =	vst v3;
	v3 =	vld [tilespmem:s22+$0xFE50]  }
0x16c: {  	v1 =	vmax.f32 v1, $0.0e+00;
	v4 =	vadd.f32 v4, v5;
	v5 =	vld [tilespmem:s22+$0xBFE0]  }
0x16d: {  	[tilespmem:s22+$0x13CA0] =	vst v1;
	v1 =	vld [tilespmem:s22+$0xFE60]  }
0x16e: {  	v4 =	vmax.f32 v4, $0.0e+00;
	v2 =	vadd.f32 v2, v6;
	v6 =	vld [tilespmem:s22+$0xBFF0]  }
0x16f: {  	[tilespmem:s22+$0x13CB0] =	vst v4;
	v4 =	vld [tilespmem:s22+$0xFE70]  }
0x170: {  	v2 =	vmax.f32 v2, $0.0e+00;
	v3 =	vadd.f32 v3, v7;
	v7 =	vld [tilespmem:s22+$0xC000]  }
0x171: {  	[tilespmem:s22+$0x13CC0] =	vst v2;
	v2 =	vld [tilespmem:s22+$0xFE80]  }
0x172: {  	v3 =	vmax.f32 v3, $0.0e+00;
	v1 =	vadd.f32 v1, v5;
	v5 =	vld [tilespmem:s22+$0xC010]  }
0x173: {  	[tilespmem:s22+$0x13CD0] =	vst v3;
	v3 =	vld [tilespmem:s22+$0xFE90]  }
0x174: {  	v1 =	vmax.f32 v1, $0.0e+00;
	v4 =	vadd.f32 v4, v6;
	v6 =	vld [tilespmem:s22+$0xC020]  }
0x175: {  	[tilespmem:s22+$0x13CE0] =	vst v1;
	v1 =	vld [tilespmem:s22+$0xFEA0]  }
0x176: {  	v4 =	vmax.f32 v4, $0.0e+00;
	v2 =	vadd.f32 v2, v7;
	v7 =	vld [tilespmem:s22+$0xC030]  }
0x177: {  	[tilespmem:s22+$0x13CF0] =	vst v4;
	v8 =	vld [tilespmem:s22+$0xFEB0]  }
0x178: {  	v2 =	vmax.f32 v2, $0.0e+00;
	v3 =	vadd.f32 v3, v5;
	v9 =	vld [tilespmem:s22+$0xC040]  }
0x179: {  	[tilespmem:s22+$0x13D00] =	vst v2;
	v10 =	vld [tilespmem:s22+$0xFEC0]  }
.Ltmp5:
0x17a: {  	v2 =	vmax.f32 v3, $0.0e+00;
	v3 =	vadd.f32 v1, v6;
	v1 =	vld [tilespmem:s22+$0xC050];
	(pc) =	sbr.rel @p2 .LBB2_14-.Ltmp5, $4  }
0x17b: {  	[tilespmem:s22+$0x13D10] =	vst v2;
	v4 =	vld [tilespmem:s22+$0xFED0]  }
0x17c: {  	v3 =	vmax.f32 v3, $0.0e+00;
	v6 =	vadd.f32 v8, v7;
	v2 =	vld [tilespmem:s22+$0xC060]  }
0x17d: {  	s10 =	sshra.s32 s11, $0x2;
	[tilespmem:s22+$0x13D20] =	vst v3;
	v5 =	vld [tilespmem:s22+$0xFEE0]  }
0x17e: {  	s11 =	sadd.s32 $0x500, s11;
	v3 =	vld [tilespmem:s10+$0xC070];
	v7 =	vmax.f32 v6, $0.0e+00;
	v6 =	vadd.f32 v10, v9  }
0x17f: {  	v8 =	vld [tilespmem:s10+$0xFEF0];
	[tilespmem:s22+$0x13D30] =	vst v7  }
0x180: {  	v7 =	vld [tilespmem:s10+$0xBF40];
	v6 =	vmax.f32 v6, $0.0e+00;
	v1 =	vadd.f32 v4, v1  }
0x181: {  	v9 =	vld [tilespmem:s10+$0xFDC0];
	[tilespmem:s22+$0x13D40] =	vst v6  }
0x182: {  	v42 =	vld [tilespmem:s10+$0xBF50];
	v1 =	vmax.f32 v1, $0.0e+00;
	v2 =	vadd.f32 v5, v2  }
0x183: {  	v6 =	vld [tilespmem:s10+$0xFDD0];
	[tilespmem:s22+$0x13D50] =	vst v1  }
0x184: {  	v1 =	vld [tilespmem:s10+$0xBF60];
	v2 =	vmax.f32 v2, $0.0e+00  }
0x185: {  	v43 =	vld [tilespmem:s10+$0xFDE0];
	[tilespmem:s22+$0x13D60] =	vst v2  }
0x186: {  	v2 =	vld [tilespmem:s10+$0xBF70]  }
0x187: {  	v3 =	vadd.f32 v8, v3;
	v44 =	vld [tilespmem:s10+$0xFDF0]  }
0x188: {  	v7 =	vadd.f32 v9, v7;
	v45 =	vld [tilespmem:s10+$0xBF80]  }
0x189: {  	v3 =	vmax.f32 v3, $0.0e+00;
	v46 =	vld [tilespmem:s10+$0xBF90]  }
0x18a: {  	v47 =	vld [tilespmem:s10+$0xFE10];
	[tilespmem:s10+$0x13D70] =	vst v3;
	v3 =	vmax.f32 v7, $0.0e+00;
	v1 =	vadd.f32 v43, v1  }
0x18b: {  	[tilespmem:s10+$0x13C40] =	vst v3;
	v3 =	vld [tilespmem:s10+$0xFE00]  }
0x18c: {  	v48 =	vld [tilespmem:s10+$0xBFA0];
	v1 =	vmax.f32 v1, $0.0e+00  }
0x18d: {  	[tilespmem:s10+$0x13C60] =	vst v1;
	v1 =	vld [tilespmem:s10+$0xFE20]  }
0x18e: {  	v49 =	vld [tilespmem:s10+$0xBFB0]  }
0x18f: {  	v50 =	vld [tilespmem:s10+$0xBFC0];
	v2 =	vadd.f32 v44, v2  }
0x190: {  	v51 =	vld [tilespmem:s10+$0xBFD0];
	v3 =	vadd.f32 v3, v45  }
0x191: {  	v52 =	vld [tilespmem:s10+$0xFE50];
	v2 =	vmax.f32 v2, $0.0e+00  }
0x192: {  	[tilespmem:s10+$0x13C70] =	vst v2;
	v2 =	vld [tilespmem:s10+$0xFE30];
	v3 =	vmax.f32 v3, $0.0e+00;
	v1 =	vadd.f32 v1, v48  }
0x193: {  	[tilespmem:s10+$0x13C80] =	vst v3;
	v3 =	vld [tilespmem:s10+$0xFE40]  }
0x194: {  	v53 =	vld [tilespmem:s10+$0xBFE0];
	v1 =	vmax.f32 v1, $0.0e+00  }
0x195: {  	[tilespmem:s10+$0x13CA0] =	vst v1;
	v1 =	vld [tilespmem:s10+$0xFE60]  }
0x196: {  	v54 =	vld [tilespmem:s10+$0xBFF0]  }
0x197: {  	v55 =	vld [tilespmem:s10+$0xC000];
	v2 =	vadd.f32 v2, v49  }
0x198: {  	v56 =	vld [tilespmem:s10+$0xC010];
	v3 =	vadd.f32 v3, v50  }
0x199: {  	v57 =	vld [tilespmem:s10+$0xFE90];
	v2 =	vmax.f32 v2, $0.0e+00  }
0x19a: {  	[tilespmem:s10+$0x13CB0] =	vst v2;
	v2 =	vld [tilespmem:s10+$0xFE70];
	v3 =	vmax.f32 v3, $0.0e+00;
	v1 =	vadd.f32 v1, v53  }
0x19b: {  	v4 =	vadd.f32 v6, v42;
	[tilespmem:s10+$0x13CC0] =	vst v3;
	v3 =	vld [tilespmem:s10+$0xFE80]  }
0x19c: {  	v58 =	vld [tilespmem:s10+$0xC020];
	v1 =	vmax.f32 v1, $0.0e+00  }
0x19d: {  	v4 =	vmax.f32 v4, $0.0e+00;
	[tilespmem:s10+$0x13CE0] =	vst v1;
	v1 =	vld [tilespmem:s10+$0xFEA0]  }
0x19e: {  	v59 =	vld [tilespmem:s10+$0xC030];
	[tilespmem:s10+$0x13C50] =	vst v4;
	v4 =	vadd.f32 v47, v46  }
0x19f: {  	v60 =	vld [tilespmem:s10+$0xC040];
	v2 =	vadd.f32 v2, v54  }
0x1a0: {  	v61 =	vld [tilespmem:s10+$0xC050];
	v4 =	vmax.f32 v4, $0.0e+00;
	v3 =	vadd.f32 v3, v55  }
0x1a1: {  	v62 =	vld [tilespmem:s10+$0xFED0];
	[tilespmem:s10+$0x13C90] =	vst v4;
	v2 =	vmax.f32 v2, $0.0e+00  }
0x1a2: {  	[tilespmem:s10+$0x13CF0] =	vst v2;
	v2 =	vld [tilespmem:s10+$0xFEB0];
	v3 =	vmax.f32 v3, $0.0e+00;
	v1 =	vadd.f32 v1, v58  }
0x1a3: {  	v4 =	vadd.f32 v52, v51;
	[tilespmem:s10+$0x13D00] =	vst v3;
	v3 =	vld [tilespmem:s10+$0xFEC0]  }
0x1a4: {  	v63 =	vld [tilespmem:s10+$0xC060];
	v1 =	vmax.f32 v1, $0.0e+00  }
0x1a5: {  	v4 =	vmax.f32 v4, $0.0e+00;
	[tilespmem:s10+$0x13D20] =	vst v1;
	v1 =	vld [tilespmem:s10+$0xFEE0]  }
0x1a6: {  	[tilespmem:s10+$0x13CD0] =	vst v4;
	v4 =	vadd.f32 v57, v56  }
0x1a7: {  	v2 =	vadd.f32 v2, v59  }
0x1a8: {  	v4 =	vmax.f32 v4, $0.0e+00;
	v3 =	vadd.f32 v3, v60  }
0x1a9: {  	[tilespmem:s10+$0x13D10] =	vst v4;
	v4 =	vadd.f32 v62, v61;
	v2 =	vmax.f32 v2, $0.0e+00  }
0x1aa: {  	[tilespmem:s10+$0x13D30] =	vst v2;
	v2 =	vmax.f32 v3, $0.0e+00;
	v1 =	vadd.f32 v1, v63  }
0x1ab: {  	[tilespmem:s10+$0x13D40] =	vst v2;
	v2 =	vmax.f32 v4, $0.0e+00  }
0x1ac: {  	[tilespmem:s10+$0x13D50] =	vst v2;
	v1 =	vmax.f32 v1, $0.0e+00  }
0x1ad: {  	s18 =	sadd.s32 $0x1, s18;
	s22 =	sadd.s32 $0x5080, s20;
	[tilespmem:s10+$0x13D60] =	vst v1;
	s10 =	sadd.s32 $0x180, s19  }
0x1ae: {  	[spmem:s1] =	stream.indirect.scatter.add.f32 [tilespmem:s26], [sflag:$0x6], $0x40, s22, s24, $0xb8;
	[tilespmem:$0x1F7C0] =	vst v63  }
0x1af: {  	s10 =	simm.s32 @p1 $0x80;
	p1 =	sne.s32 s18, $0x50  }
.Ltmp6:
0x1b0: {  	_ = 	snop;
	(pc) =	sbr.rel @p1 .LBB2_11-.Ltmp6, $4  }
.Ltmp7:
0x1b1: {  	_ = 	snop;
	(pc) =	sbr.rel @!p1 .LBB2_16-.Ltmp7, $4  }
0x1b2: {  	[tilespmem:s31], [sflag:$0x2] =	stream.indirect.gather [hbm4b:s5+s24], $0x40, s10, s24, $0xb8;
	[tilespmem:$0x1F7C0] =	vst v63  }
0x1b3: {  	s10 =	sadd.s32 $0x5000, s10  }
0x1b4: {  	[tilespmem:s0], [sflag:$0x4] =	stream.indirect.gather [hbm4b:s7+s24], $0x40, s10, s24, $0xb8;
	[tilespmem:$0x1F7C0] =	vst v63  }
0x1b5: {  	_ = 	snop  }
.LBB2_4:
0x1b6: {  	[tilespmem:s28], [sflag:$0x1] =	stream.indirect.gather [hbm4b:s4+s24], $0x40, s18, s24, $0xb8;
	[tilespmem:$0x1F7C0] =	vst v63  }
0x1b7: {  	_ = 	snop  }
0x1b8: {  	[tilespmem:s29], [sflag:$0x3] =	stream.indirect.gather [hbm4b:s6+s24], $0x40, s10, s24, $0xb8;
	[tilespmem:$0x1F7C0] =	vst v63  }
0x1b9: {  	_ = 	snop  }
0x1ba: {  	[tilespmem:s31], [sflag:$0x2] =	stream.indirect.gather [hbm4b:s4+s24], $0x40, s30, s24, $0xb8;
	[tilespmem:$0x1F7C0] =	vst v63  }
0x1bb: {  	_ = 	snop  }
0x1bc: {  	[tilespmem:s0], [sflag:$0x4] =	stream.indirect.gather [hbm4b:s6+s24], $0x40, s11, s24, $0xb8;
	[tilespmem:$0x1F7C0] =	vst v63  }
.LBB2_5:
0x1bd: {  	_ =	swait.ge [sflag:s2], $0x1F40  }
0x1be: {  	[sflag:s2] =	ssyncset.done $0x0  }
0x1bf: {  	[sflag:s2] =	ssyncadd.s32 $0xFFFFE0C0  }
0x1c0: {  	_ =	swait.ge [sflag:s3], $0x1F40  }
0x1c1: {  	[sflag:s3] =	ssyncset.done $0x0  }
0x1c2: {  	[sflag:s3] =	ssyncadd.s32 $0xFFFFE0C0  }
0x1c3: {  	_ =	swait.ge [sflag:s8], $0x1F40  }
0x1c4: {  	[sflag:s8] =	ssyncset.done $0x0  }
0x1c5: {  	s19 =	simm.s32 $0x0;
	[sflag:s8] =	ssyncadd.s32 $0xFFFFE0C0  }
0x1c6: {  	v1 =	vld [tilespmem:s19+$0xA130]  }
0x1c7: {  	v2 =	vld [tilespmem:s19+$0xDFB0]  }
0x1c8: {  	v3 =	vld [tilespmem:s19+$0xA000]  }
0x1c9: {  	v4 =	vld [tilespmem:s19+$0xDE80]  }
0x1ca: {  	v5 =	vld [tilespmem:s19+$0xA010]  }
0x1cb: {  	v6 =	vld [tilespmem:s19+$0xDE90]  }
0x1cc: {  	v7 =	vld [tilespmem:s19+$0xA020]  }
0x1cd: {  	v1 =	vadd.f32 v2, v1;
	v2 =	vld [tilespmem:s19+$0xDEA0]  }
0x1ce: {  	v8 =	vld [tilespmem:s19+$0xA030]  }
0x1cf: {  	v3 =	vadd.f32 v4, v3;
	v4 =	vld [tilespmem:s19+$0xDEB0]  }
0x1d0: {  	v5 =	vadd.f32 v6, v5;
	v6 =	vld [tilespmem:s19+$0xA050];
	v1 =	vmax.f32 v1, $0.0e+00  }
0x1d1: {  	[tilespmem:s19+$0x11E30] =	vst v1;
	v1 =	vmax.f32 v3, $0.0e+00;
	v3 =	vld [tilespmem:s19+$0xA040]  }
0x1d2: {  	v5 =	vmax.f32 v5, $0.0e+00;
	[tilespmem:s19+$0x11D00] =	vst v1;
	v1 =	vld [tilespmem:s19+$0xDEC0];
	v2 =	vadd.f32 v2, v7  }
0x1d3: {  	[tilespmem:s19+$0x11D10] =	vst v5;
	v5 =	vld [tilespmem:s19+$0xDED0]  }
0x1d4: {  	v7 =	vld [tilespmem:s19+$0xA060];
	v2 =	vmax.f32 v2, $0.0e+00  }
0x1d5: {  	v4 =	vadd.f32 v4, v8;
	[tilespmem:s19+$0x11D20] =	vst v2;
	v2 =	vld [tilespmem:s19+$0xDEE0]  }
0x1d6: {  	v8 =	vld [tilespmem:s19+$0xA070]  }
0x1d7: {  	v4 =	vmax.f32 v4, $0.0e+00;
	v1 =	vadd.f32 v1, v3;
	v3 =	vld [tilespmem:s19+$0xDEF0]  }
0x1d8: {  	[tilespmem:s19+$0x11D30] =	vst v4;
	v4 =	vld [tilespmem:s19+$0xA080];
	v5 =	vadd.f32 v5, v6  }
0x1d9: {  	v6 =	vld [tilespmem:s19+$0xA090];
	v1 =	vmax.f32 v1, $0.0e+00  }
0x1da: {  	v5 =	vmax.f32 v5, $0.0e+00;
	[tilespmem:s19+$0x11D40] =	vst v1;
	v1 =	vld [tilespmem:s19+$0xDF00];
	v2 =	vadd.f32 v2, v7  }
0x1db: {  	[tilespmem:s19+$0x11D50] =	vst v5;
	v5 =	vld [tilespmem:s19+$0xDF10]  }
0x1dc: {  	v7 =	vld [tilespmem:s19+$0xA0A0];
	v3 =	vadd.f32 v3, v8;
	v2 =	vmax.f32 v2, $0.0e+00  }
0x1dd: {  	[tilespmem:s19+$0x11D60] =	vst v2;
	v2 =	vld [tilespmem:s19+$0xDF20]  }
0x1de: {  	v8 =	vld [tilespmem:s19+$0xA0B0];
	v3 =	vmax.f32 v3, $0.0e+00  }
0x1df: {  	v1 =	vadd.f32 v1, v4;
	[tilespmem:s19+$0x11D70] =	vst v3;
	v3 =	vld [tilespmem:s19+$0xDF30]  }
0x1e0: {  	v5 =	vadd.f32 v5, v6;
	v6 =	vld [tilespmem:s19+$0xA0D0]  }
0x1e1: {  	v4 =	vld [tilespmem:s19+$0xA0C0];
	v1 =	vmax.f32 v1, $0.0e+00  }
0x1e2: {  	v5 =	vmax.f32 v5, $0.0e+00;
	[tilespmem:s19+$0x11D80] =	vst v1;
	v1 =	vld [tilespmem:s19+$0xDF40];
	v2 =	vadd.f32 v2, v7  }
0x1e3: {  	[tilespmem:s19+$0x11D90] =	vst v5;
	v5 =	vld [tilespmem:s19+$0xDF50]  }
0x1e4: {  	v7 =	vld [tilespmem:s19+$0xA0E0];
	v3 =	vadd.f32 v3, v8;
	v2 =	vmax.f32 v2, $0.0e+00  }
0x1e5: {  	[tilespmem:s19+$0x11DA0] =	vst v2;
	v2 =	vld [tilespmem:s19+$0xDF60]  }
0x1e6: {  	v8 =	vld [tilespmem:s19+$0xA0F0];
	v3 =	vmax.f32 v3, $0.0e+00  }
0x1e7: {  	v1 =	vadd.f32 v1, v4;
	[tilespmem:s19+$0x11DB0] =	vst v3;
	v3 =	vld [tilespmem:s19+$0xDF70]  }
0x1e8: {  	v9 =	vld [tilespmem:s19+$0xA100];
	v4 =	vadd.f32 v5, v6  }
0x1e9: {  	v6 =	vld [tilespmem:s19+$0xDF80];
	v1 =	vmax.f32 v1, $0.0e+00  }
0x1ea: {  	v4 =	vmax.f32 v4, $0.0e+00;
	[tilespmem:s19+$0x11DC0] =	vst v1;
	v1 =	vld [tilespmem:s19+$0xA110];
	v2 =	vadd.f32 v2, v7  }
0x1eb: {  	[tilespmem:s19+$0x11DD0] =	vst v4;
	v4 =	vld [tilespmem:s19+$0xDF90]  }
0x1ec: {  	v7 =	vadd.f32 v3, v8;
	v5 =	vmax.f32 v2, $0.0e+00;
	v2 =	vld [tilespmem:s19+$0xA120]  }
0x1ed: {  	s22 =	simm.s32 $0x140;
	[tilespmem:s19+$0x11DE0] =	vst v5;
	v5 =	vld [tilespmem:s19+$0xDFA0]  }
0x1ee: {  	s10 =	simm.s32 $0xA00;
	v6 =	vadd.f32 v6, v9;
	v7 =	vmax.f32 v7, $0.0e+00;
	v3 =	vld [tilespmem:s22+$0xA130]  }
.LBB2_6:
0x1ef: {  	p1 =	sne.s32 s10, $0x7800;
	v8 =	vld [tilespmem:s22+$0xDFB0];
	[tilespmem:s19+$0x11DF0] =	vst v7  }
0x1f0: {  	v7 =	vld [tilespmem:s22+$0xA000];
	v6 =	vmax.f32 v6, $0.0e+00;
	v1 =	vadd.f32 v4, v1  }
0x1f1: {  	v4 =	vld [tilespmem:s22+$0xDE80];
	[tilespmem:s19+$0x11E00] =	vst v6  }
0x1f2: {  	v6 =	vld [tilespmem:s22+$0xA010];
	v1 =	vmax.f32 v1, $0.0e+00;
	v2 =	vadd.f32 v5, v2  }
0x1f3: {  	v5 =	vld [tilespmem:s22+$0xDE90];
	[tilespmem:s19+$0x11E10] =	vst v1  }
0x1f4: {  	v1 =	vld [tilespmem:s22+$0xA020];
	v3 =	vadd.f32 v8, v3;
	v2 =	vmax.f32 v2, $0.0e+00  }
0x1f5: {  	v8 =	vld [tilespmem:s22+$0xDEA0];
	[tilespmem:s19+$0x11E20] =	vst v2;
	s19 =	smov.u32 s22  }
0x1f6: {  	v2 =	vadd.f32 v4, v7;
	v4 =	vld [tilespmem:s19+$0xA030];
	v3 =	vmax.f32 v3, $0.0e+00  }
0x1f7: {  	v7 =	vld [tilespmem:s19+$0xDEB0];
	[tilespmem:s19+$0x11E30] =	vst v3  }
0x1f8: {  	v2 =	vmax.f32 v2, $0.0e+00;
	v3 =	vadd.f32 v5, v6;
	v5 =	vld [tilespmem:s19+$0xA040]  }
0x1f9: {  	[tilespmem:s19+$0x11D00] =	vst v2;
	v2 =	vld [tilespmem:s19+$0xDEC0]  }
0x1fa: {  	v3 =	vmax.f32 v3, $0.0e+00;
	v1 =	vadd.f32 v8, v1;
	v6 =	vld [tilespmem:s19+$0xA050]  }
0x1fb: {  	[tilespmem:s19+$0x11D10] =	vst v3;
	v3 =	vld [tilespmem:s19+$0xDED0]  }
0x1fc: {  	v1 =	vmax.f32 v1, $0.0e+00;
	v4 =	vadd.f32 v7, v4;
	v7 =	vld [tilespmem:s19+$0xA060]  }
0x1fd: {  	[tilespmem:s19+$0x11D20] =	vst v1;
	v1 =	vld [tilespmem:s19+$0xDEE0]  }
0x1fe: {  	v4 =	vmax.f32 v4, $0.0e+00;
	v2 =	vadd.f32 v2, v5;
	v5 =	vld [tilespmem:s19+$0xA070]  }
0x1ff: {  	[tilespmem:s19+$0x11D30] =	vst v4;
	v4 =	vld [tilespmem:s19+$0xDEF0]  }
0x200: {  	v2 =	vmax.f32 v2, $0.0e+00;
	v3 =	vadd.f32 v3, v6;
	v6 =	vld [tilespmem:s19+$0xA080]  }
0x201: {  	[tilespmem:s19+$0x11D40] =	vst v2;
	v2 =	vld [tilespmem:s19+$0xDF00]  }
0x202: {  	v3 =	vmax.f32 v3, $0.0e+00;
	v1 =	vadd.f32 v1, v7;
	v7 =	vld [tilespmem:s19+$0xA090]  }
0x203: {  	[tilespmem:s19+$0x11D50] =	vst v3;
	v3 =	vld [tilespmem:s19+$0xDF10]  }
0x204: {  	v1 =	vmax.f32 v1, $0.0e+00;
	v4 =	vadd.f32 v4, v5;
	v5 =	vld [tilespmem:s19+$0xA0A0]  }
0x205: {  	[tilespmem:s19+$0x11D60] =	vst v1;
	v1 =	vld [tilespmem:s19+$0xDF20]  }
0x206: {  	v4 =	vmax.f32 v4, $0.0e+00;
	v2 =	vadd.f32 v2, v6;
	v6 =	vld [tilespmem:s19+$0xA0B0]  }
0x207: {  	[tilespmem:s19+$0x11D70] =	vst v4;
	v4 =	vld [tilespmem:s19+$0xDF30]  }
0x208: {  	v2 =	vmax.f32 v2, $0.0e+00;
	v3 =	vadd.f32 v3, v7;
	v7 =	vld [tilespmem:s19+$0xA0C0]  }
0x209: {  	[tilespmem:s19+$0x11D80] =	vst v2;
	v2 =	vld [tilespmem:s19+$0xDF40]  }
0x20a: {  	v3 =	vmax.f32 v3, $0.0e+00;
	v1 =	vadd.f32 v1, v5;
	v5 =	vld [tilespmem:s19+$0xA0D0]  }
0x20b: {  	[tilespmem:s19+$0x11D90] =	vst v3;
	v3 =	vld [tilespmem:s19+$0xDF50]  }
0x20c: {  	v1 =	vmax.f32 v1, $0.0e+00;
	v4 =	vadd.f32 v4, v6;
	v6 =	vld [tilespmem:s19+$0xA0E0]  }
0x20d: {  	[tilespmem:s19+$0x11DA0] =	vst v1;
	v1 =	vld [tilespmem:s19+$0xDF60]  }
0x20e: {  	v4 =	vmax.f32 v4, $0.0e+00;
	v2 =	vadd.f32 v2, v7;
	v7 =	vld [tilespmem:s19+$0xA0F0]  }
0x20f: {  	[tilespmem:s19+$0x11DB0] =	vst v4;
	v8 =	vld [tilespmem:s19+$0xDF70]  }
0x210: {  	v2 =	vmax.f32 v2, $0.0e+00;
	v3 =	vadd.f32 v3, v5;
	v9 =	vld [tilespmem:s19+$0xA100]  }
0x211: {  	[tilespmem:s19+$0x11DC0] =	vst v2;
	v10 =	vld [tilespmem:s19+$0xDF80]  }
.Ltmp8:
0x212: {  	v2 =	vmax.f32 v3, $0.0e+00;
	v3 =	vadd.f32 v1, v6;
	v1 =	vld [tilespmem:s19+$0xA110];
	(pc) =	sbr.rel @p1 .LBB2_6-.Ltmp8, $4  }
0x213: {  	[tilespmem:s19+$0x11DD0] =	vst v2;
	v4 =	vld [tilespmem:s19+$0xDF90]  }
0x214: {  	v3 =	vmax.f32 v3, $0.0e+00;
	v6 =	vadd.f32 v8, v7;
	v2 =	vld [tilespmem:s19+$0xA120]  }
0x215: {  	s22 =	sshra.s32 s10, $0x2;
	[tilespmem:s19+$0x11DE0] =	vst v3;
	v5 =	vld [tilespmem:s19+$0xDFA0]  }
0x216: {  	s10 =	sadd.s32 $0x500, s10;
	v3 =	vld [tilespmem:s22+$0xA130];
	v7 =	vmax.f32 v6, $0.0e+00;
	v6 =	vadd.f32 v10, v9  }
0x217: {  	v8 =	vld [tilespmem:s22+$0xDFB0];
	[tilespmem:s19+$0x11DF0] =	vst v7  }
0x218: {  	v7 =	vld [tilespmem:s22+$0xA000];
	v6 =	vmax.f32 v6, $0.0e+00;
	v1 =	vadd.f32 v4, v1  }
0x219: {  	v9 =	vld [tilespmem:s22+$0xDE80];
	[tilespmem:s19+$0x11E00] =	vst v6  }
0x21a: {  	v4 =	vld [tilespmem:s22+$0xA010];
	v1 =	vmax.f32 v1, $0.0e+00;
	v2 =	vadd.f32 v5, v2  }
0x21b: {  	v6 =	vld [tilespmem:s22+$0xDE90];
	[tilespmem:s19+$0x11E10] =	vst v1  }
0x21c: {  	v1 =	vld [tilespmem:s22+$0xA020];
	v2 =	vmax.f32 v2, $0.0e+00  }
0x21d: {  	v5 =	vld [tilespmem:s22+$0xDEA0];
	v3 =	vadd.f32 v8, v3;
	[tilespmem:s19+$0x11E20] =	vst v2  }
0x21e: {  	v7 =	vadd.f32 v9, v7;
	v2 =	vld [tilespmem:s22+$0xA030]  }
0x21f: {  	v3 =	vmax.f32 v3, $0.0e+00;
	v8 =	vld [tilespmem:s22+$0xDEB0]  }
0x220: {  	[tilespmem:s22+$0x11E30] =	vst v3;
	v3 =	vmax.f32 v7, $0.0e+00;
	v7 =	vld [tilespmem:s22+$0xA040]  }
0x221: {  	v4 =	vadd.f32 v6, v4;
	v6 =	vld [tilespmem:s22+$0xA050]  }
0x222: {  	[tilespmem:s22+$0x11D00] =	vst v3;
	v3 =	vld [tilespmem:s22+$0xDEC0];
	v1 =	vadd.f32 v5, v1  }
0x223: {  	v4 =	vmax.f32 v4, $0.0e+00;
	v5 =	vld [tilespmem:s22+$0xA060]  }
0x224: {  	[tilespmem:s22+$0x11D10] =	vst v4;
	v4 =	vld [tilespmem:s22+$0xDED0];
	v1 =	vmax.f32 v1, $0.0e+00  }
0x225: {  	v2 =	vadd.f32 v8, v2;
	[tilespmem:s22+$0x11D20] =	vst v1;
	v1 =	vld [tilespmem:s22+$0xDEE0]  }
0x226: {  	v8 =	vld [tilespmem:s22+$0xA070]  }
0x227: {  	v2 =	vmax.f32 v2, $0.0e+00;
	v3 =	vadd.f32 v3, v7;
	v7 =	vld [tilespmem:s22+$0xA080]  }
0x228: {  	[tilespmem:s22+$0x11D30] =	vst v2;
	v2 =	vld [tilespmem:s22+$0xDEF0]  }
0x229: {  	v3 =	vmax.f32 v3, $0.0e+00;
	v4 =	vadd.f32 v4, v6;
	v6 =	vld [tilespmem:s22+$0xA090]  }
0x22a: {  	[tilespmem:s22+$0x11D40] =	vst v3;
	v3 =	vld [tilespmem:s22+$0xDF00];
	v1 =	vadd.f32 v1, v5  }
0x22b: {  	v4 =	vmax.f32 v4, $0.0e+00;
	v5 =	vld [tilespmem:s22+$0xA0A0]  }
0x22c: {  	[tilespmem:s22+$0x11D50] =	vst v4;
	v4 =	vld [tilespmem:s22+$0xDF10];
	v1 =	vmax.f32 v1, $0.0e+00  }
0x22d: {  	v2 =	vadd.f32 v2, v8;
	[tilespmem:s22+$0x11D60] =	vst v1;
	v1 =	vld [tilespmem:s22+$0xDF20]  }
0x22e: {  	v8 =	vld [tilespmem:s22+$0xA0B0]  }
0x22f: {  	v2 =	vmax.f32 v2, $0.0e+00;
	v3 =	vadd.f32 v3, v7;
	v7 =	vld [tilespmem:s22+$0xA0C0]  }
0x230: {  	[tilespmem:s22+$0x11D70] =	vst v2;
	v2 =	vld [tilespmem:s22+$0xDF30]  }
0x231: {  	v3 =	vmax.f32 v3, $0.0e+00;
	v4 =	vadd.f32 v4, v6;
	v6 =	vld [tilespmem:s22+$0xA0D0]  }
0x232: {  	[tilespmem:s22+$0x11D80] =	vst v3;
	v3 =	vld [tilespmem:s22+$0xDF40];
	v1 =	vadd.f32 v1, v5  }
0x233: {  	v4 =	vmax.f32 v4, $0.0e+00;
	v5 =	vld [tilespmem:s22+$0xA0E0]  }
0x234: {  	[tilespmem:s22+$0x11D90] =	vst v4;
	v4 =	vld [tilespmem:s22+$0xDF50];
	v1 =	vmax.f32 v1, $0.0e+00  }
0x235: {  	v2 =	vadd.f32 v2, v8;
	[tilespmem:s22+$0x11DA0] =	vst v1;
	v1 =	vld [tilespmem:s22+$0xDF60]  }
0x236: {  	v8 =	vld [tilespmem:s22+$0xA0F0]  }
0x237: {  	v2 =	vmax.f32 v2, $0.0e+00;
	v3 =	vadd.f32 v3, v7;
	v7 =	vld [tilespmem:s22+$0xA100]  }
0x238: {  	[tilespmem:s22+$0x11DB0] =	vst v2;
	v2 =	vld [tilespmem:s22+$0xDF70]  }
0x239: {  	v3 =	vmax.f32 v3, $0.0e+00;
	v4 =	vadd.f32 v4, v6;
	v6 =	vld [tilespmem:s22+$0xA110]  }
0x23a: {  	[tilespmem:s22+$0x11DC0] =	vst v3;
	v3 =	vld [tilespmem:s22+$0xDF80];
	v1 =	vadd.f32 v1, v5  }
0x23b: {  	v4 =	vmax.f32 v4, $0.0e+00;
	v5 =	vld [tilespmem:s22+$0xA120]  }
0x23c: {  	[tilespmem:s22+$0x11DD0] =	vst v4;
	v4 =	vld [tilespmem:s22+$0xDF90];
	v1 =	vmax.f32 v1, $0.0e+00  }
0x23d: {  	[tilespmem:s22+$0x11DE0] =	vst v1;
	v1 =	vld [tilespmem:s22+$0xDFA0];
	_ =	sdelay $0x1  }
0x23e: {  	v2 =	vadd.f32 v2, v8  }
0x23f: {  	v3 =	vadd.f32 v3, v7  }
0x240: {  	v2 =	vmax.f32 v2, $0.0e+00;
	v4 =	vadd.f32 v4, v6  }
0x241: {  	[tilespmem:s22+$0x11DF0] =	vst v2;
	v2 =	vmax.f32 v3, $0.0e+00;
	v1 =	vadd.f32 v1, v5  }
0x242: {  	s19 =	sshll.u32 s18, $0x8;
	[tilespmem:s22+$0x11E00] =	vst v2;
	v2 =	vmax.f32 v4, $0.0e+00  }
0x243: {  	s20 =	sand.u32 $0x3FFFFF00, s19;
	[tilespmem:s22+$0x11E10] =	vst v2;
	v1 =	vmax.f32 v1, $0.0e+00  }
0x244: {  	s10 =	sadd.s32 $0x5000, s20;
	[tilespmem:s22+$0x11E20] =	vst v1  }
0x245: {  	[spmem:s1] =	stream.indirect.scatter.add.f32 [tilespmem:s23], [sflag:$0x5], $0x40, s10, s24, $0xb8;
	[tilespmem:$0x1F7C0] =	vst v63  }
0x246: {  	p1 =	seq.s32 s18, $0x4F;
	s10 =	sadd.s32 $0x100, s19  }
0x247: {  	s10 =	simm.s32 @p1 $0x0  }
0x248: {  	[tilespmem:s28], [sflag:$0x1] =	stream.indirect.gather [hbm4b:s4+s24], $0x40, s10, s24, $0xb8;
	[tilespmem:$0x1F7C0] =	vst v63  }
0x249: {  	s10 =	sadd.s32 $0x5000, s10  }
0x24a: {  	[tilespmem:s29], [sflag:$0x3] =	stream.indirect.gather [hbm4b:s6+s24], $0x40, s10, s24, $0xb8;
	[tilespmem:$0x1F7C0] =	vst v63  }
0x24b: {  	_ =	swait.ge [sflag:s9], $0x1F40  }
0x24c: {  	[sflag:s9] =	ssyncset.done $0x0  }
0x24d: {  	[sflag:s9] =	ssyncadd.s32 $0xFFFFE0C0  }
0x24e: {  	_ =	swait.ge [sflag:s25], $0x1F40  }
0x24f: {  	[sflag:s25] =	ssyncset.done $0x0  }
0x250: {  	[sflag:s25] =	ssyncadd.s32 $0xFFFFE0C0  }
0x251: {  	_ =	swait.ge [sflag:s15], $0x1F40  }
0x252: {  	[sflag:s15] =	ssyncset.done $0x0  }
0x253: {  	s22 =	simm.s32 $0x0;
	[sflag:s15] =	ssyncadd.s32 $0xFFFFE0C0  }
0x254: {  	v1 =	vld [tilespmem:s22+$0xC070]  }
0x255: {  	v2 =	vld [tilespmem:s22+$0xFEF0]  }
0x256: {  	v3 =	vld [tilespmem:s22+$0xBF40]  }
0x257: {  	v4 =	vld [tilespmem:s22+$0xFDC0]  }
0x258: {  	v5 =	vld [tilespmem:s22+$0xBF50]  }
0x259: {  	v6 =	vld [tilespmem:s22+$0xFDD0]  }
0x25a: {  	v7 =	vld [tilespmem:s22+$0xBF60]  }
0x25b: {  	v1 =	vadd.f32 v2, v1;
	v2 =	vld [tilespmem:s22+$0xFDE0]  }
0x25c: {  	v8 =	vld [tilespmem:s22+$0xBF70]  }
0x25d: {  	v3 =	vadd.f32 v4, v3;
	v4 =	vld [tilespmem:s22+$0xFDF0]  }
0x25e: {  	v5 =	vadd.f32 v6, v5;
	v6 =	vld [tilespmem:s22+$0xBF90];
	v1 =	vmax.f32 v1, $0.0e+00  }
0x25f: {  	[tilespmem:s22+$0x13D70] =	vst v1;
	v1 =	vmax.f32 v3, $0.0e+00;
	v3 =	vld [tilespmem:s22+$0xBF80]  }
0x260: {  	v5 =	vmax.f32 v5, $0.0e+00;
	[tilespmem:s22+$0x13C40] =	vst v1;
	v1 =	vld [tilespmem:s22+$0xFE00];
	v2 =	vadd.f32 v2, v7  }
0x261: {  	[tilespmem:s22+$0x13C50] =	vst v5;
	v5 =	vld [tilespmem:s22+$0xFE10]  }
0x262: {  	v7 =	vld [tilespmem:s22+$0xBFA0];
	v2 =	vmax.f32 v2, $0.0e+00  }
0x263: {  	v4 =	vadd.f32 v4, v8;
	[tilespmem:s22+$0x13C60] =	vst v2;
	v2 =	vld [tilespmem:s22+$0xFE20]  }
0x264: {  	v8 =	vld [tilespmem:s22+$0xBFB0]  }
0x265: {  	v4 =	vmax.f32 v4, $0.0e+00;
	v1 =	vadd.f32 v1, v3;
	v3 =	vld [tilespmem:s22+$0xFE30]  }
0x266: {  	[tilespmem:s22+$0x13C70] =	vst v4;
	v4 =	vld [tilespmem:s22+$0xBFC0];
	v5 =	vadd.f32 v5, v6  }
0x267: {  	v6 =	vld [tilespmem:s22+$0xBFD0];
	v1 =	vmax.f32 v1, $0.0e+00  }
0x268: {  	v5 =	vmax.f32 v5, $0.0e+00;
	[tilespmem:s22+$0x13C80] =	vst v1;
	v1 =	vld [tilespmem:s22+$0xFE40];
	v2 =	vadd.f32 v2, v7  }
0x269: {  	[tilespmem:s22+$0x13C90] =	vst v5;
	v5 =	vld [tilespmem:s22+$0xFE50]  }
0x26a: {  	v7 =	vld [tilespmem:s22+$0xBFE0];
	v3 =	vadd.f32 v3, v8;
	v2 =	vmax.f32 v2, $0.0e+00  }
0x26b: {  	[tilespmem:s22+$0x13CA0] =	vst v2;
	v2 =	vld [tilespmem:s22+$0xFE60]  }
0x26c: {  	v8 =	vld [tilespmem:s22+$0xBFF0];
	v3 =	vmax.f32 v3, $0.0e+00  }
0x26d: {  	v1 =	vadd.f32 v1, v4;
	[tilespmem:s22+$0x13CB0] =	vst v3;
	v3 =	vld [tilespmem:s22+$0xFE70]  }
0x26e: {  	v5 =	vadd.f32 v5, v6;
	v6 =	vld [tilespmem:s22+$0xC010]  }
0x26f: {  	v4 =	vld [tilespmem:s22+$0xC000];
	v1 =	vmax.f32 v1, $0.0e+00  }
0x270: {  	v5 =	vmax.f32 v5, $0.0e+00;
	[tilespmem:s22+$0x13CC0] =	vst v1;
	v1 =	vld [tilespmem:s22+$0xFE80];
	v2 =	vadd.f32 v2, v7  }
0x271: {  	[tilespmem:s22+$0x13CD0] =	vst v5;
	v5 =	vld [tilespmem:s22+$0xFE90]  }
0x272: {  	v7 =	vld [tilespmem:s22+$0xC020];
	v3 =	vadd.f32 v3, v8;
	v2 =	vmax.f32 v2, $0.0e+00  }
0x273: {  	[tilespmem:s22+$0x13CE0] =	vst v2;
	v2 =	vld [tilespmem:s22+$0xFEA0]  }
0x274: {  	v8 =	vld [tilespmem:s22+$0xC030];
	v3 =	vmax.f32 v3, $0.0e+00  }
0x275: {  	v1 =	vadd.f32 v1, v4;
	[tilespmem:s22+$0x13CF0] =	vst v3;
	v3 =	vld [tilespmem:s22+$0xFEB0]  }
0x276: {  	v63 =	vld [tilespmem:s22+$0xC040];
	v4 =	vadd.f32 v5, v6  }
0x277: {  	v6 =	vld [tilespmem:s22+$0xFEC0];
	v1 =	vmax.f32 v1, $0.0e+00  }
0x278: {  	v4 =	vmax.f32 v4, $0.0e+00;
	[tilespmem:s22+$0x13D00] =	vst v1;
	v1 =	vld [tilespmem:s22+$0xC050];
	v2 =	vadd.f32 v2, v7  }
0x279: {  	[tilespmem:s22+$0x13D10] =	vst v4;
	v4 =	vld [tilespmem:s22+$0xFED0]  }
0x27a: {  	v7 =	vadd.f32 v3, v8;
	v5 =	vmax.f32 v2, $0.0e+00;
	v2 =	vld [tilespmem:s22+$0xC060]  }
0x27b: {  	s10 =	simm.s32 $0x140;
	[tilespmem:s22+$0x13D20] =	vst v5;
	v5 =	vld [tilespmem:s22+$0xFEE0]  }
0x27c: {  	s11 =	simm.s32 $0xA00;
	v6 =	vadd.f32 v6, v63;
	v7 =	vmax.f32 v7, $0.0e+00;
	v3 =	vld [tilespmem:s10+$0xC070]  }
.LBB2_8:
0x27d: {  	p2 =	sne.s32 s11, $0x7800;
	v8 =	vld [tilespmem:s10+$0xFEF0];
	[tilespmem:s22+$0x13D30] =	vst v7  }
0x27e: {  	v7 =	vld [tilespmem:s10+$0xBF40];
	v6 =	vmax.f32 v6, $0.0e+00;
	v1 =	vadd.f32 v4, v1  }
0x27f: {  	v4 =	vld [tilespmem:s10+$0xFDC0];
	[tilespmem:s22+$0x13D40] =	vst v6  }
0x280: {  	v6 =	vld [tilespmem:s10+$0xBF50];
	v1 =	vmax.f32 v1, $0.0e+00;
	v2 =	vadd.f32 v5, v2  }
0x281: {  	v5 =	vld [tilespmem:s10+$0xFDD0];
	[tilespmem:s22+$0x13D50] =	vst v1  }
0x282: {  	v1 =	vld [tilespmem:s10+$0xBF60];
	v3 =	vadd.f32 v8, v3;
	v2 =	vmax.f32 v2, $0.0e+00  }
0x283: {  	v8 =	vld [tilespmem:s10+$0xFDE0];
	[tilespmem:s22+$0x13D60] =	vst v2;
	s22 =	smov.u32 s10  }
0x284: {  	v2 =	vadd.f32 v4, v7;
	v4 =	vld [tilespmem:s22+$0xBF70];
	v3 =	vmax.f32 v3, $0.0e+00  }
0x285: {  	v7 =	vld [tilespmem:s22+$0xFDF0];
	[tilespmem:s22+$0x13D70] =	vst v3  }
0x286: {  	v2 =	vmax.f32 v2, $0.0e+00;
	v3 =	vadd.f32 v5, v6;
	v5 =	vld [tilespmem:s22+$0xBF80]  }
0x287: {  	[tilespmem:s22+$0x13C40] =	vst v2;
	v2 =	vld [tilespmem:s22+$0xFE00]  }
0x288: {  	v3 =	vmax.f32 v3, $0.0e+00;
	v1 =	vadd.f32 v8, v1;
	v6 =	vld [tilespmem:s22+$0xBF90]  }
0x289: {  	[tilespmem:s22+$0x13C50] =	vst v3;
	v3 =	vld [tilespmem:s22+$0xFE10]  }
0x28a: {  	v1 =	vmax.f32 v1, $0.0e+00;
	v4 =	vadd.f32 v7, v4;
	v7 =	vld [tilespmem:s22+$0xBFA0]  }
0x28b: {  	[tilespmem:s22+$0x13C60] =	vst v1;
	v1 =	vld [tilespmem:s22+$0xFE20]  }
0x28c: {  	v4 =	vmax.f32 v4, $0.0e+00;
	v2 =	vadd.f32 v2, v5;
	v5 =	vld [tilespmem:s22+$0xBFB0]  }
0x28d: {  	[tilespmem:s22+$0x13C70] =	vst v4;
	v4 =	vld [tilespmem:s22+$0xFE30]  }
0x28e: {  	v2 =	vmax.f32 v2, $0.0e+00;
	v3 =	vadd.f32 v3, v6;
	v6 =	vld [tilespmem:s22+$0xBFC0]  }
0x28f: {  	[tilespmem:s22+$0x13C80] =	vst v2;
	v2 =	vld [tilespmem:s22+$0xFE40]  }
0x290: {  	v3 =	vmax.f32 v3, $0.0e+00;
	v1 =	vadd.f32 v1, v7;
	v7 =	vld [tilespmem:s22+$0xBFD0]  }
0x291: {  	[tilespmem:s22+$0x13C90] =	vst v3;
	v3 =	vld [tilespmem:s22+$0xFE50]  }
0x292: {  	v1 =	vmax.f32 v1, $0.0e+00;
	v4 =	vadd.f32 v4, v5;
	v5 =	vld [tilespmem:s22+$0xBFE0]  }
0x293: {  	[tilespmem:s22+$0x13CA0] =	vst v1;
	v1 =	vld [tilespmem:s22+$0xFE60]  }
0x294: {  	v4 =	vmax.f32 v4, $0.0e+00;
	v2 =	vadd.f32 v2, v6;
	v6 =	vld [tilespmem:s22+$0xBFF0]  }
0x295: {  	[tilespmem:s22+$0x13CB0] =	vst v4;
	v4 =	vld [tilespmem:s22+$0xFE70]  }
0x296: {  	v2 =	vmax.f32 v2, $0.0e+00;
	v3 =	vadd.f32 v3, v7;
	v7 =	vld [tilespmem:s22+$0xC000]  }
0x297: {  	[tilespmem:s22+$0x13CC0] =	vst v2;
	v2 =	vld [tilespmem:s22+$0xFE80]  }
0x298: {  	v3 =	vmax.f32 v3, $0.0e+00;
	v1 =	vadd.f32 v1, v5;
	v5 =	vld [tilespmem:s22+$0xC010]  }
0x299: {  	[tilespmem:s22+$0x13CD0] =	vst v3;
	v3 =	vld [tilespmem:s22+$0xFE90]  }
0x29a: {  	v1 =	vmax.f32 v1, $0.0e+00;
	v4 =	vadd.f32 v4, v6;
	v6 =	vld [tilespmem:s22+$0xC020]  }
0x29b: {  	[tilespmem:s22+$0x13CE0] =	vst v1;
	v1 =	vld [tilespmem:s22+$0xFEA0]  }
0x29c: {  	v4 =	vmax.f32 v4, $0.0e+00;
	v2 =	vadd.f32 v2, v7;
	v7 =	vld [tilespmem:s22+$0xC030]  }
0x29d: {  	[tilespmem:s22+$0x13CF0] =	vst v4;
	v8 =	vld [tilespmem:s22+$0xFEB0]  }
0x29e: {  	v2 =	vmax.f32 v2, $0.0e+00;
	v3 =	vadd.f32 v3, v5;
	v9 =	vld [tilespmem:s22+$0xC040]  }
0x29f: {  	[tilespmem:s22+$0x13D00] =	vst v2;
	v10 =	vld [tilespmem:s22+$0xFEC0]  }
.Ltmp9:
0x2a0: {  	v2 =	vmax.f32 v3, $0.0e+00;
	v3 =	vadd.f32 v1, v6;
	v1 =	vld [tilespmem:s22+$0xC050];
	(pc) =	sbr.rel @p2 .LBB2_8-.Ltmp9, $4  }
0x2a1: {  	[tilespmem:s22+$0x13D10] =	vst v2;
	v4 =	vld [tilespmem:s22+$0xFED0]  }
0x2a2: {  	v3 =	vmax.f32 v3, $0.0e+00;
	v6 =	vadd.f32 v8, v7;
	v2 =	vld [tilespmem:s22+$0xC060]  }
0x2a3: {  	s10 =	sshra.s32 s11, $0x2;
	[tilespmem:s22+$0x13D20] =	vst v3;
	v5 =	vld [tilespmem:s22+$0xFEE0]  }
0x2a4: {  	s11 =	sadd.s32 $0x500, s11;
	v3 =	vld [tilespmem:s10+$0xC070];
	v7 =	vmax.f32 v6, $0.0e+00;
	v6 =	vadd.f32 v10, v9  }
0x2a5: {  	v8 =	vld [tilespmem:s10+$0xFEF0];
	[tilespmem:s22+$0x13D30] =	vst v7  }
0x2a6: {  	v7 =	vld [tilespmem:s10+$0xBF40];
	v6 =	vmax.f32 v6, $0.0e+00;
	v1 =	vadd.f32 v4, v1  }
0x2a7: {  	v9 =	vld [tilespmem:s10+$0xFDC0];
	[tilespmem:s22+$0x13D40] =	vst v6  }
0x2a8: {  	v42 =	vld [tilespmem:s10+$0xBF50];
	v1 =	vmax.f32 v1, $0.0e+00;
	v2 =	vadd.f32 v5, v2  }
0x2a9: {  	v6 =	vld [tilespmem:s10+$0xFDD0];
	[tilespmem:s22+$0x13D50] =	vst v1  }
0x2aa: {  	v1 =	vld [tilespmem:s10+$0xBF60];
	v2 =	vmax.f32 v2, $0.0e+00  }
0x2ab: {  	v43 =	vld [tilespmem:s10+$0xFDE0];
	[tilespmem:s22+$0x13D60] =	vst v2  }
0x2ac: {  	v2 =	vld [tilespmem:s10+$0xBF70]  }
0x2ad: {  	v3 =	vadd.f32 v8, v3;
	v44 =	vld [tilespmem:s10+$0xFDF0]  }
0x2ae: {  	v7 =	vadd.f32 v9, v7;
	v45 =	vld [tilespmem:s10+$0xBF80]  }
0x2af: {  	v3 =	vmax.f32 v3, $0.0e+00;
	v46 =	vld [tilespmem:s10+$0xBF90]  }
0x2b0: {  	v47 =	vld [tilespmem:s10+$0xFE10];
	[tilespmem:s10+$0x13D70] =	vst v3;
	v3 =	vmax.f32 v7, $0.0e+00;
	v1 =	vadd.f32 v43, v1  }
0x2b1: {  	[tilespmem:s10+$0x13C40] =	vst v3;
	v3 =	vld [tilespmem:s10+$0xFE00]  }
0x2b2: {  	v48 =	vld [tilespmem:s10+$0xBFA0];
	v1 =	vmax.f32 v1, $0.0e+00  }
0x2b3: {  	[tilespmem:s10+$0x13C60] =	vst v1;
	v1 =	vld [tilespmem:s10+$0xFE20]  }
0x2b4: {  	v49 =	vld [tilespmem:s10+$0xBFB0]  }
0x2b5: {  	v50 =	vld [tilespmem:s10+$0xBFC0];
	v2 =	vadd.f32 v44, v2  }
0x2b6: {  	v51 =	vld [tilespmem:s10+$0xBFD0];
	v3 =	vadd.f32 v3, v45  }
0x2b7: {  	v52 =	vld [tilespmem:s10+$0xFE50];
	v2 =	vmax.f32 v2, $0.0e+00  }
0x2b8: {  	[tilespmem:s10+$0x13C70] =	vst v2;
	v2 =	vld [tilespmem:s10+$0xFE30];
	v3 =	vmax.f32 v3, $0.0e+00;
	v1 =	vadd.f32 v1, v48  }
0x2b9: {  	[tilespmem:s10+$0x13C80] =	vst v3;
	v3 =	vld [tilespmem:s10+$0xFE40]  }
0x2ba: {  	v53 =	vld [tilespmem:s10+$0xBFE0];
	v1 =	vmax.f32 v1, $0.0e+00  }
0x2bb: {  	[tilespmem:s10+$0x13CA0] =	vst v1;
	v1 =	vld [tilespmem:s10+$0xFE60]  }
0x2bc: {  	v54 =	vld [tilespmem:s10+$0xBFF0]  }
0x2bd: {  	v55 =	vld [tilespmem:s10+$0xC000];
	v2 =	vadd.f32 v2, v49  }
0x2be: {  	v56 =	vld [tilespmem:s10+$0xC010];
	v3 =	vadd.f32 v3, v50  }
0x2bf: {  	v57 =	vld [tilespmem:s10+$0xFE90];
	v2 =	vmax.f32 v2, $0.0e+00  }
0x2c0: {  	[tilespmem:s10+$0x13CB0] =	vst v2;
	v2 =	vld [tilespmem:s10+$0xFE70];
	v3 =	vmax.f32 v3, $0.0e+00;
	v1 =	vadd.f32 v1, v53  }
0x2c1: {  	v4 =	vadd.f32 v6, v42;
	[tilespmem:s10+$0x13CC0] =	vst v3;
	v3 =	vld [tilespmem:s10+$0xFE80]  }
0x2c2: {  	v58 =	vld [tilespmem:s10+$0xC020];
	v1 =	vmax.f32 v1, $0.0e+00  }
0x2c3: {  	v4 =	vmax.f32 v4, $0.0e+00;
	[tilespmem:s10+$0x13CE0] =	vst v1;
	v1 =	vld [tilespmem:s10+$0xFEA0]  }
0x2c4: {  	v59 =	vld [tilespmem:s10+$0xC030];
	[tilespmem:s10+$0x13C50] =	vst v4;
	v4 =	vadd.f32 v47, v46  }
0x2c5: {  	v60 =	vld [tilespmem:s10+$0xC040];
	v2 =	vadd.f32 v2, v54  }
0x2c6: {  	v61 =	vld [tilespmem:s10+$0xC050];
	v4 =	vmax.f32 v4, $0.0e+00;
	v3 =	vadd.f32 v3, v55  }
0x2c7: {  	v62 =	vld [tilespmem:s10+$0xFED0];
	[tilespmem:s10+$0x13C90] =	vst v4;
	v2 =	vmax.f32 v2, $0.0e+00  }
0x2c8: {  	[tilespmem:s10+$0x13CF0] =	vst v2;
	v2 =	vld [tilespmem:s10+$0xFEB0];
	v3 =	vmax.f32 v3, $0.0e+00;
	v1 =	vadd.f32 v1, v58  }
0x2c9: {  	v4 =	vadd.f32 v52, v51;
	[tilespmem:s10+$0x13D00] =	vst v3;
	v3 =	vld [tilespmem:s10+$0xFEC0]  }
0x2ca: {  	v63 =	vld [tilespmem:s10+$0xC060];
	v1 =	vmax.f32 v1, $0.0e+00  }
0x2cb: {  	v4 =	vmax.f32 v4, $0.0e+00;
	[tilespmem:s10+$0x13D20] =	vst v1;
	v1 =	vld [tilespmem:s10+$0xFEE0]  }
0x2cc: {  	[tilespmem:s10+$0x13CD0] =	vst v4;
	v4 =	vadd.f32 v57, v56  }
0x2cd: {  	v2 =	vadd.f32 v2, v59  }
0x2ce: {  	v4 =	vmax.f32 v4, $0.0e+00;
	v3 =	vadd.f32 v3, v60  }
0x2cf: {  	[tilespmem:s10+$0x13D10] =	vst v4;
	v4 =	vadd.f32 v62, v61;
	v2 =	vmax.f32 v2, $0.0e+00  }
0x2d0: {  	[tilespmem:s10+$0x13D30] =	vst v2;
	v2 =	vmax.f32 v3, $0.0e+00;
	v1 =	vadd.f32 v1, v63  }
0x2d1: {  	[tilespmem:s10+$0x13D40] =	vst v2;
	v2 =	vmax.f32 v4, $0.0e+00  }
0x2d2: {  	[tilespmem:s10+$0x13D50] =	vst v2;
	v1 =	vmax.f32 v1, $0.0e+00  }
0x2d3: {  	s18 =	sadd.s32 $0x1, s18;
	s22 =	sadd.s32 $0x5080, s20;
	[tilespmem:s10+$0x13D60] =	vst v1;
	s10 =	sadd.s32 $0x180, s19  }
0x2d4: {  	[spmem:s1] =	stream.indirect.scatter.add.f32 [tilespmem:s26], [sflag:$0x6], $0x40, s22, s24, $0xb8;
	[tilespmem:$0x1F7C0] =	vst v63  }
0x2d5: {  	s10 =	simm.s32 @p1 $0x80;
	p1 =	seq.s32 s18, $0x50  }
.Ltmp10:
0x2d6: {  	_ = 	snop;
	(pc) =	sbr.rel @!p1 .LBB2_5-.Ltmp10, $4  }
.Ltmp11:
0x2d7: {  	_ = 	snop;
	(pc) =	sbr.rel @p1 .LBB2_16-.Ltmp11, $4  }
0x2d8: {  	[tilespmem:s31], [sflag:$0x2] =	stream.indirect.gather [hbm4b:s4+s24], $0x40, s10, s24, $0xb8;
	[tilespmem:$0x1F7C0] =	vst v63  }
0x2d9: {  	s10 =	sadd.s32 $0x5000, s10  }
0x2da: {  	[tilespmem:s0], [sflag:$0x4] =	stream.indirect.gather [hbm4b:s6+s24], $0x40, s10, s24, $0xb8;
	[tilespmem:$0x1F7C0] =	vst v63  }
0x2db: {  	_ = 	snop  }
.LBB2_17:
0x2dc: {  	_ =	sfence.sel $0x180000  }
0x2dd: {  	[bflag:$0x0] =	sbarrier.arrive $0xFFFF  }
0x2de: {  	_ =	strace $0x90000047  }
0x2df: {  	s0 =	stileid.u32;
	[bflag:$0x2] =	sbarrier.arrive $0xFFFF  }
0x2e0: {  	p0 =	sne.s32 s0, $0x0;
	s0 =	rddreg [dreg:$0x3]  }
0x2e1: {  	s0 =	sadd.s32 @!p0 $0x100000, s0  }
0x2e2: {  	[sflag:s0] =	ssyncadd.tile.s32 @!p0 $0x1;
	_ =	shalt  }
.Lfunc_end2:
_tile_overlayer_lowered:
.L_overlay_start_2:
0x2e3: {  	(tag) =	ssettag $0x2  }
0x2e4: {  	s0 =	rddreg [dreg:$0x0];
	s2 =	stileid.u32  }
0x2e5: {  	s1 =	rddreg [dreg:$0x1];
	p0 =	sne.s32 s2, $0x0  }
0x2e6: {  	s3 =	rddreg [dreg:$0x2];
	[bflag:$0x3] =	sbarrier.arrive $0xFFFF;
	s2 =	simm.s32 @!p0 $0x1C07  }
0x2e7: {  	[timem:s3], [sflag:s2] =	dma.local @!p0 [hbm:s0], s1  }
0x2e8: {  	s0 =	simm.s32 @!p0 $0x7  }
0x2e9: {  	_ =	swait.ge @!p0 [sflag:s0], s1  }
0x2ea: {  	s1 =	ssub.s32 @!p0 $0x0, s1;
	[sflag:s0] =	ssyncset.done @!p0 $0x0  }
0x2eb: {  	[sflag:s0] =	ssyncadd.s32 @!p0 s1  }
0x2ec: {  	[bflag:$0x3] =	sbarrier.arrive $0xFFFF  }
0x2ed: {  	_ =	shalt  }

</sc_bundles>
